<compile_context>
chip_gen: v7x
topology: tpu7x:2x2x1
jax: 0.10.2.dev20260603
libtpu: 0.0.44.dev20260713+nightly
codegen_flags: <defaults>
</compile_context>

<pallas_src>
import functools

import jax
import jax.numpy as jnp
from jax import lax
from jax.experimental import pallas as pl
from jax.experimental.pallas import tpu as pltpu
from jax.experimental.pallas import tpu_sc as plsc

B = 4
N = 256
H = 768
NH = 12
DH = H // NH
DEG = 64
NREL = 64
W = N + NREL
CH = 64
UNITS = B * NH * (N // CH)
SCALE = 1.0 / (DH ** 0.5)


def _tc_a_body(ns_ref, wq_ref, bq_ref, wk_ref, bk_ref, wv_ref, bv_ref,
               ek_ref, sqe_ref, v_ref):
    bf = jnp.bfloat16
    ns = ns_ref[0].astype(bf)
    q = jnp.dot(ns, wq_ref[...].astype(bf),
                preferred_element_type=jnp.float32) + bq_ref[0]
    k = jnp.dot(ns, wk_ref[...].astype(bf),
                preferred_element_type=jnp.float32) + bk_ref[0]
    v = jnp.dot(ns, wv_ref[...].astype(bf),
                preferred_element_type=jnp.float32) + bv_ref[0]
    v_ref[0] = v
    for hd in range(NH):
        sl = slice(hd * DH, (hd + 1) * DH)
        qh = q[:, sl]
        kh = k[:, sl]
        ekh = ek_ref[:, sl]
        s = lax.dot_general(qh, kh, (((1,), (1,)), ((), ())),
                            preferred_element_type=jnp.float32)
        qe = lax.dot_general(qh, ekh, (((1,), (1,)), ((), ())),
                             preferred_element_type=jnp.float32)
        sqe_ref[0, hd, :, 0:N] = s * SCALE
        sqe_ref[0, hd, :, N:W] = qe * SCALE


def _tc_stage_a(ns, wq, bq, wk, bk, wv, bv, ek):
    return pl.pallas_call(
        _tc_a_body,
        grid=(B,),
        in_specs=[
            pl.BlockSpec((1, N, H), lambda b: (b, 0, 0)),
            pl.BlockSpec((H, H), lambda b: (0, 0)),
            pl.BlockSpec((1, H), lambda b: (0, 0)),
            pl.BlockSpec((H, H), lambda b: (0, 0)),
            pl.BlockSpec((1, H), lambda b: (0, 0)),
            pl.BlockSpec((H, H), lambda b: (0, 0)),
            pl.BlockSpec((1, H), lambda b: (0, 0)),
            pl.BlockSpec((NREL, H), lambda b: (0, 0)),
        ],
        out_specs=[
            pl.BlockSpec((1, NH, N, W), lambda b: (b, 0, 0, 0)),
            pl.BlockSpec((1, N, H), lambda b: (b, 0, 0)),
        ],
        out_shape=[
            jax.ShapeDtypeStruct((B, NH, N, W), jnp.float32),
            jax.ShapeDtypeStruct((B, N, H), jnp.float32),
        ],
    )(ns, wq, bq, wk, bk, wv, bv, ek)


_NC = 2
_NS = 16
_NW = _NC * _NS
_UPW = UNITS // _NW


def _sc_body(sqe_hbm, tails_hbm, rels_hbm, p_hbm,
             sqe0, sqe1, p0, p1, tails_v, rels_v,
             sin0, sin1, sout0, sout1):
    wid = lax.axis_index("s") * _NC + lax.axis_index("c")
    zeros16 = jnp.zeros((16,), jnp.float32)
    ones16 = jnp.ones((16,), jnp.float32)
    nseg = N // CH
    b = (wid * _UPW) // (nseg * NH)
    n0 = (((wid * _UPW) // NH) % nseg) * CH
    hd0 = (wid * _UPW) % NH
    pltpu.sync_copy(tails_hbm.at[b, pl.ds(n0, CH), :], tails_v)
    pltpu.sync_copy(rels_hbm.at[b, pl.ds(n0, CH), :], rels_v)
    sqe_bufs = [sqe0, sqe1]
    p_bufs = [p0, p1]
    sins = [sin0, sin1]
    souts = [sout0, sout1]
    in_h = {0: pltpu.async_copy(sqe_hbm.at[b, hd0, pl.ds(n0, CH), :],
                                sqe0, sin0)}
    out_h = {}
    for u in range(_UPW):
        cur = u % 2
        hd = hd0 + u
        if u + 1 < _UPW:
            in_h[1 - cur] = pltpu.async_copy(
                sqe_hbm.at[b, hd + 1, pl.ds(n0, CH), :],
                sqe_bufs[1 - cur], sins[1 - cur])
        in_h[cur].wait()
        if u >= 2:
            out_h[cur].wait()
        sqe_v = sqe_bufs[cur]
        p_v = p_bufs[cur]
        first_use = u < 2

        @plsc.parallel_loop(0, CH, unroll=2)
        def node_body(n):
            n_vec = jnp.full((16,), n, jnp.int32)
            if first_use:
                for c in range(W // 16):
                    p_v[n, pl.ds(c * 16, 16)] = zeros16
            else:
                for c in range(NREL // 16):
                    p_v[n, pl.ds(N + c * 16, 16)] = zeros16
            ts, rs, ls = [], [], []
            for g in range(DEG // 16):
                t = tails_v[n, pl.ds(g * 16, 16)]
                r = rels_v[n, pl.ds(g * 16, 16)] + N
                s = plsc.load_gather(sqe_v, [n_vec, t])
                qe = plsc.load_gather(sqe_v, [n_vec, r])
                ts.append(t)
                rs.append(r)
                ls.append(s + qe)
            m = jnp.max(jnp.maximum(jnp.maximum(ls[0], ls[1]),
                                    jnp.maximum(ls[2], ls[3])))
            es = [jnp.exp(l - m) for l in ls]
            for g in range(DEG // 16):
                plsc.store_scatter(p_v, [n_vec, ts[g]], es[g])
                plsc.addupdate_scatter(p_v, [n_vec, rs[g]], es[g])

        out_h[cur] = pltpu.async_copy(p_v, p_hbm.at[b, hd, pl.ds(n0, CH), :],
                                      souts[cur])
    out_h[0].wait()
    out_h[1].wait()


def _sc_stage(sqe, tails, rels):
    mesh = plsc.VectorSubcoreMesh(core_axis_name="c", subcore_axis_name="s")
    f = functools.partial(
        pl.kernel,
        out_type=jax.ShapeDtypeStruct((B, NH, N, W), jnp.float32),
        mesh=mesh,
        scratch_types=[
            pltpu.VMEM((CH, W), jnp.float32),
            pltpu.VMEM((CH, W), jnp.float32),
            pltpu.VMEM((CH, W), jnp.float32),
            pltpu.VMEM((CH, W), jnp.float32),
            pltpu.VMEM((CH, DEG), jnp.int32),
            pltpu.VMEM((CH, DEG), jnp.int32),
            pltpu.SemaphoreType.DMA,
            pltpu.SemaphoreType.DMA,
            pltpu.SemaphoreType.DMA,
            pltpu.SemaphoreType.DMA,
        ],
        compiler_params=pltpu.CompilerParams(needs_layout_passes=False),
    )(_sc_body)
    return f(sqe, tails, rels)


def _tc_b_body(p_ref, v_ref, ev_ref, out_ref):
    for j in range(2):
        p = p_ref[0, j]
        sl = slice(j * DH, (j + 1) * DH)
        raw = jnp.dot(p[:, 0:N], v_ref[0][:, sl],
                      preferred_element_type=jnp.float32)
        raw = raw + jnp.dot(p[:, N:W], ev_ref[:, sl],
                            preferred_element_type=jnp.float32)
        den = jnp.sum(p[:, 0:N], axis=1, keepdims=True)
        out_ref[0, :, sl] = raw / den


def _tc_stage_b(p, v, ev):
    nhh = NH // 2
    return pl.pallas_call(
        _tc_b_body,
        grid=(B * nhh,),
        in_specs=[
            pl.BlockSpec((1, 2, N, W), lambda i: (i // nhh, i % nhh, 0, 0)),
            pl.BlockSpec((1, N, 2 * DH), lambda i: (i // nhh, 0, i % nhh)),
            pl.BlockSpec((NREL, 2 * DH), lambda i: (0, i % nhh)),
        ],
        out_specs=pl.BlockSpec((1, N, 2 * DH), lambda i: (i // nhh, 0, i % nhh)),
        out_shape=jax.ShapeDtypeStruct((B, N, H), jnp.float32),
    )(p, v, ev)


def kernel(node_states, edge_indices, Wq, bq, Wk, bk, Wv, bv, E_key, E_value):
    tails = edge_indices[2].reshape(B, N, DEG)
    rels = edge_indices[3].reshape(B, N, DEG)
    sqe, v = _tc_stage_a(node_states, Wq, bq.reshape(1, H), Wk,
                         bk.reshape(1, H), Wv, bv.reshape(1, H), E_key)
    p = _sc_stage(sqe, tails, rels)
    return _tc_stage_b(p, v, E_value)

# --- scband reference (transcript-rebuilt; emitter-appended) ---
"""Pipeline reference for scband-edge-as-attendee-self-attention-38362647888359 (READ-ONLY COPY).

The authoritative reference and input builder live on the scoring server;
editing this copy changes nothing except your own understanding.
"""

import jax, jax.numpy as jnp
import numpy as np

B = 4
N = 256
H = 768
NH = 12
DH = H // NH
DEG = 64
NREL = 64


def setup_inputs(seed: int = 0) -> dict:
    key = jax.random.key(seed)
    ks = jax.random.split(key, 8)
    node_states = jax.random.normal(ks[0], (B, N, H), dtype=jnp.float32)
    # Build edge_indices (4, E): rows = (batch_idx, head_node, tail_node, relation).
    # Tails are distinct per (batch, head_node) and sorted, so the COO tensor is
    # already coalesced (no duplicate (b,h,t) triples) and lexicographically ordered.
    rng = np.random.default_rng(0)
    scores = rng.random((B * N, N))
    tails = np.argsort(scores, axis=1)[:, :DEG]
    tails = np.sort(tails, axis=1)
    b_idx = np.repeat(np.arange(B), N * DEG)
    h_idx = np.tile(np.repeat(np.arange(N), DEG), B)
    t_idx = tails.reshape(-1)
    r_idx = rng.integers(0, NREL, size=B * N * DEG)
    edge_indices = jnp.asarray(np.stack([b_idx, h_idx, t_idx, r_idx]).astype(np.int32))
    scale = 0.02
    Wq = jax.random.normal(ks[1], (H, H), dtype=jnp.float32) * scale
    bq = jnp.zeros((H,), dtype=jnp.float32)
    Wk = jax.random.normal(ks[2], (H, H), dtype=jnp.float32) * scale
    bk = jnp.zeros((H,), dtype=jnp.float32)
    Wv = jax.random.normal(ks[3], (H, H), dtype=jnp.float32) * scale
    bv = jnp.zeros((H,), dtype=jnp.float32)
    E_key = jax.random.normal(ks[4], (NREL, H), dtype=jnp.float32) * scale
    E_key = E_key.at[0].set(0.0)  # TOKEN_TO_TOKEN_RELATION_ID = 0 zeroed at init
    E_value = jax.random.normal(ks[5], (NREL, H), dtype=jnp.float32) * scale
    E_value = E_value.at[0].set(0.0)
    return {
        'node_states': node_states,
        'edge_indices': edge_indices,
        'Wq': Wq, 'bq': bq,
        'Wk': Wk, 'bk': bk,
        'Wv': Wv, 'bv': bv,
        'E_key': E_key, 'E_value': E_value,
    }


def reference(node_states, edge_indices, Wq, bq, Wk, bk, Wv, bv, E_key, E_value):
    b_idx = edge_indices[0]
    h_idx = edge_indices[1]
    t_idx = edge_indices[2]
    r_idx = edge_indices[3]
    # emulate COO coalesce ordering (indices are unique by construction)
    lin = (b_idx * N + h_idx) * N + t_idx
    order = jnp.argsort(lin)
    b_idx = b_idx[order]; h_idx = h_idx[order]; t_idx = t_idx[order]; r_idx = r_idx[order]
    # projections (torch Linear)
    Q = node_states @ Wq + bq
    Kn = node_states @ Wk + bk
    Vn = node_states @ Wv + bv
    # per-edge gathers, split into heads
    q_e = Q[b_idx, h_idx].reshape(-1, NH, DH)
    k_n = Kn[b_idx, t_idx].reshape(-1, NH, DH)
    k_e = E_key[r_idx].reshape(-1, NH, DH)
    inv_sqrt = 1.0 / jnp.sqrt(jnp.asarray(DH, dtype=jnp.float32))
    node2node = jnp.sum(q_e * k_n, axis=-1) * inv_sqrt
    node2edge = jnp.sum(q_e * k_e, axis=-1) * inv_sqrt
    logits = node2node + node2edge  # (E, NH)
    # sparse softmax over tail dimension per (batch, head_node, attention_head)
    seg = b_idx * N + h_idx
    nseg = B * N
    m = jax.ops.segment_max(logits, seg, num_segments=nseg)
    ex = jnp.exp(logits - m[seg])
    den = jax.ops.segment_sum(ex, seg, num_segments=nseg)
    probs = ex / den[seg]  # (E, NH); dropout p=0.0 -> identity
    # values: V_node[tail] + edge value embedding
    v = (Vn[b_idx, t_idx] + E_value[r_idx]).reshape(-1, NH, DH)
    prod = probs[:, :, None] * v
    out = jax.ops.segment_sum(prod, seg, num_segments=nseg)  # (B*N, NH, DH)
    return out.reshape(B, N, NH * DH)

if __name__ == "__main__":
    import jax
    _d = setup_inputs()
    print(jax.jit(kernel)(*tuple(_d.values())))

</pallas_src>

<mosaic_0001>
#map = affine_map<(d0, d1) -> (0, 0, 0, 0)>
#map1 = affine_map<(d0, d1) -> (0, 0, 0)>
module attributes {stable_mosaic.version = 14 : i64} {
  func.func @_sc_body(%arg0: i32, %arg1: i32, %arg2: memref<4x12x256x320xf32, #tpu.memory_space<hbm>>, %arg3: memref<4x256x64xi32, #tpu.memory_space<hbm>>, %arg4: memref<4x256x64xi32, #tpu.memory_space<hbm>>, %arg5: memref<4x12x256x320xf32, #tpu.memory_space<hbm>>, %arg6: memref<64x320xf32, #tpu.memory_space<vmem>>, %arg7: memref<64x320xf32, #tpu.memory_space<vmem>>, %arg8: memref<64x320xf32, #tpu.memory_space<vmem>>, %arg9: memref<64x320xf32, #tpu.memory_space<vmem>>, %arg10: memref<64x64xi32, #tpu.memory_space<vmem>>, %arg11: memref<64x64xi32, #tpu.memory_space<vmem>>, %arg12: memref<!tpu.dma_semaphore, #tpu.memory_space<semaphore_mem>>, %arg13: memref<!tpu.dma_semaphore, #tpu.memory_space<semaphore_mem>>, %arg14: memref<!tpu.dma_semaphore, #tpu.memory_space<semaphore_mem>>, %arg15: memref<!tpu.dma_semaphore, #tpu.memory_space<semaphore_mem>>) attributes {dimension_semantics = [#tpu.dimension_semantics<core_parallel>, #tpu.dimension_semantics<subcore_parallel>], iteration_bounds = array<i64: 2, 16>, scalar_prefetch = 0 : i64, scratch_operands = 10 : i64, tpu.core_type = #tpu.core_type<sc_vector_subcore>, window_params = [{transform_indices = #map}, {transform_indices = #map1}, {transform_indices = #map1}, {transform_indices = #map}]} {
    %mul3A = arith.constant 2 : i32
    %mul3A_0 = arith.muli %arg1, %mul3A : i32
    %add3A = arith.addi %mul3A_0, %arg0 : i32
    %broadcast_in_dim3A = arith.constant 0.000000e+00 : f32
    %broadcast_in_dim3A_1 = vector.broadcast %broadcast_in_dim3A : f32 to vector<16xf32>
    %broadcast_in_dim3A_2 = arith.constant 1.000000e+00 : f32
    %broadcast_in_dim3A_3 = vector.broadcast %broadcast_in_dim3A_2 : f32 to vector<16xf32>
    %mul3A_4 = arith.constant 6 : i32
    %mul3A_5 = arith.muli %add3A, %mul3A_4 : i32
    %jit3A = arith.constant 48 : i32
    %div3A = arith.divsi %mul3A_5, %jit3A : i32
    %sign3A = arith.constant 0 : i32
    %sign3A_6 = arith.cmpi sgt, %mul3A_5, %sign3A : i32
    %sign3A_7 = arith.extui %sign3A_6 : i1 to i32
    %sign3A_8 = arith.constant 0 : i32
    %sign3A_9 = arith.cmpi slt, %mul3A_5, %sign3A_8 : i32
    %sign3A_10 = arith.extui %sign3A_9 : i1 to i32
    %sign3A_11 = arith.subi %sign3A_7, %sign3A_10 : i32
    %sign3A_12 = arith.constant 0 : i32
    %sign3A_13 = arith.cmpi sgt, %jit3A, %sign3A_12 : i32
    %sign3A_14 = arith.extui %sign3A_13 : i1 to i32
    %sign3A_15 = arith.constant 0 : i32
    %sign3A_16 = arith.cmpi slt, %jit3A, %sign3A_15 : i32
    %sign3A_17 = arith.extui %sign3A_16 : i1 to i32
    %sign3A_18 = arith.subi %sign3A_14, %sign3A_17 : i32
    %ne3A = arith.cmpi ne, %sign3A_11, %sign3A_18 : i32
    %rem3A = arith.remsi %mul3A_5, %jit3A : i32
    %ne3A_19 = arith.constant 0 : i32
    %ne3A_20 = arith.cmpi ne, %rem3A, %ne3A_19 : i32
    %and3A = arith.andi %ne3A, %ne3A_20 : i1
    %sub3A = arith.constant 1 : i32
    %sub3A_21 = arith.subi %div3A, %sub3A : i32
    %select_n3A = arith.select %and3A, %sub3A_21, %div3A : i32
    %mul3A_22 = arith.constant 6 : i32
    %mul3A_23 = arith.muli %add3A, %mul3A_22 : i32
    %jit3A_24 = arith.constant 12 : i32
    %div3A_25 = arith.divsi %mul3A_23, %jit3A_24 : i32
    %sign3A_26 = arith.constant 0 : i32
    %sign3A_27 = arith.cmpi sgt, %mul3A_23, %sign3A_26 : i32
    %sign3A_28 = arith.extui %sign3A_27 : i1 to i32
    %sign3A_29 = arith.constant 0 : i32
    %sign3A_30 = arith.cmpi slt, %mul3A_23, %sign3A_29 : i32
    %sign3A_31 = arith.extui %sign3A_30 : i1 to i32
    %sign3A_32 = arith.subi %sign3A_28, %sign3A_31 : i32
    %sign3A_33 = arith.constant 0 : i32
    %sign3A_34 = arith.cmpi sgt, %jit3A_24, %sign3A_33 : i32
    %sign3A_35 = arith.extui %sign3A_34 : i1 to i32
    %sign3A_36 = arith.constant 0 : i32
    %sign3A_37 = arith.cmpi slt, %jit3A_24, %sign3A_36 : i32
    %sign3A_38 = arith.extui %sign3A_37 : i1 to i32
    %sign3A_39 = arith.subi %sign3A_35, %sign3A_38 : i32
    %ne3A_40 = arith.cmpi ne, %sign3A_32, %sign3A_39 : i32
    %rem3A_41 = arith.remsi %mul3A_23, %jit3A_24 : i32
    %ne3A_42 = arith.constant 0 : i32
    %ne3A_43 = arith.cmpi ne, %rem3A_41, %ne3A_42 : i32
    %and3A_44 = arith.andi %ne3A_40, %ne3A_43 : i1
    %sub3A_45 = arith.constant 1 : i32
    %sub3A_46 = arith.subi %div3A_25, %sub3A_45 : i32
    %select_n3A_47 = arith.select %and3A_44, %sub3A_46, %div3A_25 : i32
    %jit3A_48 = arith.constant 4 : i32
    %eq3A = arith.constant 0 : i32
    %eq3A_49 = arith.cmpi eq, %jit3A_48, %eq3A : i32
    %jit3A_50 = arith.constant 1 : i32
    %select_n3A_51 = arith.select %eq3A_49, %jit3A_50, %jit3A_48 : i32
    %rem3A_52 = arith.remsi %select_n3A_47, %select_n3A_51 : i32
    %ne3A_53 = arith.constant 0 : i32
    %ne3A_54 = arith.cmpi ne, %rem3A_52, %ne3A_53 : i32
    %lt3A = arith.constant 0 : i32
    %lt3A_55 = arith.cmpi slt, %rem3A_52, %lt3A : i32
    %lt3A_56 = arith.constant 0 : i32
    %lt3A_57 = arith.cmpi slt, %select_n3A_51, %lt3A_56 : i32
    %ne3A_58 = arith.xori %lt3A_55, %lt3A_57 : i1
    %and3A_59 = arith.andi %ne3A_58, %ne3A_54 : i1
    %add3A_60 = arith.addi %rem3A_52, %select_n3A_51 : i32
    %select_n3A_61 = arith.select %and3A_59, %add3A_60, %rem3A_52 : i32
    %mul3A_62 = arith.constant 64 : i32
    %mul3A_63 = arith.muli %select_n3A_61, %mul3A_62 : i32
    %mul3A_64 = arith.constant 6 : i32
    %mul3A_65 = arith.muli %add3A, %mul3A_64 : i32
    %jit3A_66 = arith.constant 12 : i32
    %eq3A_67 = arith.constant 0 : i32
    %eq3A_68 = arith.cmpi eq, %jit3A_66, %eq3A_67 : i32
    %jit3A_69 = arith.constant 1 : i32
    %select_n3A_70 = arith.select %eq3A_68, %jit3A_69, %jit3A_66 : i32
    %rem3A_71 = arith.remsi %mul3A_65, %select_n3A_70 : i32
    %ne3A_72 = arith.constant 0 : i32
    %ne3A_73 = arith.cmpi ne, %rem3A_71, %ne3A_72 : i32
    %lt3A_74 = arith.constant 0 : i32
    %lt3A_75 = arith.cmpi slt, %rem3A_71, %lt3A_74 : i32
    %lt3A_76 = arith.constant 0 : i32
    %lt3A_77 = arith.cmpi slt, %select_n3A_70, %lt3A_76 : i32
    %ne3A_78 = arith.xori %lt3A_75, %lt3A_77 : i1
    %and3A_79 = arith.andi %ne3A_78, %ne3A_73 : i1
    %add3A_80 = arith.addi %rem3A_71, %select_n3A_70 : i32
    %select_n3A_81 = arith.select %and3A_79, %add3A_80, %rem3A_71 : i32
    "tpu.region"() ({
      %run_scoped3A = tpu.sem_alloc : memref<!tpu.dma_semaphore, #tpu.memory_space<semaphore_mem>>
      %dma_start3A_263 = arith.constant 0 : i32
      %dma_start3A_264 = tpu.memref_slice %arg3[%select_n3A, %mul3A_63, %dma_start3A_263] : memref<4x256x64xi32, #tpu.memory_space<hbm>> -> memref<1x64x64xi32, #tpu.memory_space<hbm>>
      %dma_start3A_265 = tpu.memref_squeeze %dma_start3A_264 : memref<1x64x64xi32, #tpu.memory_space<hbm>> -> memref<64x64xi32, #tpu.memory_space<hbm>>
      %dma_start3A_266 = arith.constant 0 : i32
      %dma_start3A_267 = tpu.memref_slice %arg3[%select_n3A, %mul3A_63, %dma_start3A_266] : memref<4x256x64xi32, #tpu.memory_space<hbm>> -> memref<1x64x64xi32, #tpu.memory_space<hbm>>
      %dma_start3A_268 = tpu.memref_squeeze %dma_start3A_267 : memref<1x64x64xi32, #tpu.memory_space<hbm>> -> memref<64x64xi32, #tpu.memory_space<hbm>>
      tpu.enqueue_dma source(%dma_start3A_268 : memref<64x64xi32, #tpu.memory_space<hbm>>) target(%arg10 : memref<64x64xi32, #tpu.memory_space<vmem>>) target_semaphore(%run_scoped3A : memref<!tpu.dma_semaphore, #tpu.memory_space<semaphore_mem>>)
      %dma_wait3A_269 = arith.constant 0 : i32
      %dma_wait3A_270 = tpu.memref_slice %arg3[%select_n3A, %mul3A_63, %dma_wait3A_269] : memref<4x256x64xi32, #tpu.memory_space<hbm>> -> memref<1x64x64xi32, #tpu.memory_space<hbm>>
      %dma_wait3A_271 = tpu.memref_squeeze %dma_wait3A_270 : memref<1x64x64xi32, #tpu.memory_space<hbm>> -> memref<64x64xi32, #tpu.memory_space<hbm>>
      %dma_wait3A_272 = arith.constant 0 : i32
      %dma_wait3A_273 = tpu.memref_slice %arg3[%select_n3A, %mul3A_63, %dma_wait3A_272] : memref<4x256x64xi32, #tpu.memory_space<hbm>> -> memref<1x64x64xi32, #tpu.memory_space<hbm>>
      %dma_wait3A_274 = tpu.memref_squeeze %dma_wait3A_273 : memref<1x64x64xi32, #tpu.memory_space<hbm>> -> memref<64x64xi32, #tpu.memory_space<hbm>>
      tpu.wait_dma2 semaphore(%run_scoped3A : memref<!tpu.dma_semaphore, #tpu.memory_space<semaphore_mem>>) src(%dma_wait3A_274 : memref<64x64xi32, #tpu.memory_space<hbm>>) dst(%arg10 : memref<64x64xi32, #tpu.memory_space<vmem>>)
      tpu.yield
    }) : () -> ()
    "tpu.region"() ({
      %run_scoped3A = tpu.sem_alloc : memref<!tpu.dma_semaphore, #tpu.memory_space<semaphore_mem>>
      %dma_start3A_263 = arith.constant 0 : i32
      %dma_start3A_264 = tpu.memref_slice %arg4[%select_n3A, %mul3A_63, %dma_start3A_263] : memref<4x256x64xi32, #tpu.memory_space<hbm>> -> memref<1x64x64xi32, #tpu.memory_space<hbm>>
      %dma_start3A_265 = tpu.memref_squeeze %dma_start3A_264 : memref<1x64x64xi32, #tpu.memory_space<hbm>> -> memref<64x64xi32, #tpu.memory_space<hbm>>
      %dma_start3A_266 = arith.constant 0 : i32
      %dma_start3A_267 = tpu.memref_slice %arg4[%select_n3A, %mul3A_63, %dma_start3A_266] : memref<4x256x64xi32, #tpu.memory_space<hbm>> -> memref<1x64x64xi32, #tpu.memory_space<hbm>>
      %dma_start3A_268 = tpu.memref_squeeze %dma_start3A_267 : memref<1x64x64xi32, #tpu.memory_space<hbm>> -> memref<64x64xi32, #tpu.memory_space<hbm>>
      tpu.enqueue_dma source(%dma_start3A_268 : memref<64x64xi32, #tpu.memory_space<hbm>>) target(%arg11 : memref<64x64xi32, #tpu.memory_space<vmem>>) target_semaphore(%run_scoped3A : memref<!tpu.dma_semaphore, #tpu.memory_space<semaphore_mem>>)
      %dma_wait3A_269 = arith.constant 0 : i32
      %dma_wait3A_270 = tpu.memref_slice %arg4[%select_n3A, %mul3A_63, %dma_wait3A_269] : memref<4x256x64xi32, #tpu.memory_space<hbm>> -> memref<1x64x64xi32, #tpu.memory_space<hbm>>
      %dma_wait3A_271 = tpu.memref_squeeze %dma_wait3A_270 : memref<1x64x64xi32, #tpu.memory_space<hbm>> -> memref<64x64xi32, #tpu.memory_space<hbm>>
      %dma_wait3A_272 = arith.constant 0 : i32
      %dma_wait3A_273 = tpu.memref_slice %arg4[%select_n3A, %mul3A_63, %dma_wait3A_272] : memref<4x256x64xi32, #tpu.memory_space<hbm>> -> memref<1x64x64xi32, #tpu.memory_space<hbm>>
      %dma_wait3A_274 = tpu.memref_squeeze %dma_wait3A_273 : memref<1x64x64xi32, #tpu.memory_space<hbm>> -> memref<64x64xi32, #tpu.memory_space<hbm>>
      tpu.wait_dma2 semaphore(%run_scoped3A : memref<!tpu.dma_semaphore, #tpu.memory_space<semaphore_mem>>) src(%dma_wait3A_274 : memref<64x64xi32, #tpu.memory_space<hbm>>) dst(%arg11 : memref<64x64xi32, #tpu.memory_space<vmem>>)
      tpu.yield
    }) : () -> ()
    %dma_start3A = arith.constant 0 : i32
    %dma_start3A_82 = tpu.memref_slice %arg2[%select_n3A, %select_n3A_81, %mul3A_63, %dma_start3A] : memref<4x12x256x320xf32, #tpu.memory_space<hbm>> -> memref<1x1x64x320xf32, #tpu.memory_space<hbm>>
    %dma_start3A_83 = tpu.memref_squeeze %dma_start3A_82 : memref<1x1x64x320xf32, #tpu.memory_space<hbm>> -> memref<64x320xf32, #tpu.memory_space<hbm>>
    %dma_start3A_84 = arith.constant 0 : i32
    %dma_start3A_85 = tpu.memref_slice %arg2[%select_n3A, %select_n3A_81, %mul3A_63, %dma_start3A_84] : memref<4x12x256x320xf32, #tpu.memory_space<hbm>> -> memref<1x1x64x320xf32, #tpu.memory_space<hbm>>
    %dma_start3A_86 = tpu.memref_squeeze %dma_start3A_85 : memref<1x1x64x320xf32, #tpu.memory_space<hbm>> -> memref<64x320xf32, #tpu.memory_space<hbm>>
    tpu.enqueue_dma source(%dma_start3A_86 : memref<64x320xf32, #tpu.memory_space<hbm>>) target(%arg6 : memref<64x320xf32, #tpu.memory_space<vmem>>) target_semaphore(%arg12 : memref<!tpu.dma_semaphore, #tpu.memory_space<semaphore_mem>>)
    %add3A_87 = arith.constant 0 : i32
    %add3A_88 = arith.addi %select_n3A_81, %add3A_87 : i32
    %add3A_89 = arith.constant 1 : i32
    %add3A_90 = arith.addi %add3A_88, %add3A_89 : i32
    %dma_start3A_91 = arith.constant 0 : i32
    %dma_start3A_92 = tpu.memref_slice %arg2[%select_n3A, %add3A_90, %mul3A_63, %dma_start3A_91] : memref<4x12x256x320xf32, #tpu.memory_space<hbm>> -> memref<1x1x64x320xf32, #tpu.memory_space<hbm>>
    %dma_start3A_93 = tpu.memref_squeeze %dma_start3A_92 : memref<1x1x64x320xf32, #tpu.memory_space<hbm>> -> memref<64x320xf32, #tpu.memory_space<hbm>>
    %dma_start3A_94 = arith.constant 0 : i32
    %dma_start3A_95 = tpu.memref_slice %arg2[%select_n3A, %add3A_90, %mul3A_63, %dma_start3A_94] : memref<4x12x256x320xf32, #tpu.memory_space<hbm>> -> memref<1x1x64x320xf32, #tpu.memory_space<hbm>>
    %dma_start3A_96 = tpu.memref_squeeze %dma_start3A_95 : memref<1x1x64x320xf32, #tpu.memory_space<hbm>> -> memref<64x320xf32, #tpu.memory_space<hbm>>
    tpu.enqueue_dma source(%dma_start3A_96 : memref<64x320xf32, #tpu.memory_space<hbm>>) target(%arg7 : memref<64x320xf32, #tpu.memory_space<vmem>>) target_semaphore(%arg13 : memref<!tpu.dma_semaphore, #tpu.memory_space<semaphore_mem>>)
    %dma_wait3A = arith.constant 0 : i32
    %dma_wait3A_97 = tpu.memref_slice %arg2[%select_n3A, %select_n3A_81, %mul3A_63, %dma_wait3A] : memref<4x12x256x320xf32, #tpu.memory_space<hbm>> -> memref<1x1x64x320xf32, #tpu.memory_space<hbm>>
    %dma_wait3A_98 = tpu.memref_squeeze %dma_wait3A_97 : memref<1x1x64x320xf32, #tpu.memory_space<hbm>> -> memref<64x320xf32, #tpu.memory_space<hbm>>
    %dma_wait3A_99 = arith.constant 0 : i32
    %dma_wait3A_100 = tpu.memref_slice %arg2[%select_n3A, %select_n3A_81, %mul3A_63, %dma_wait3A_99] : memref<4x12x256x320xf32, #tpu.memory_space<hbm>> -> memref<1x1x64x320xf32, #tpu.memory_space<hbm>>
    %dma_wait3A_101 = tpu.memref_squeeze %dma_wait3A_100 : memref<1x1x64x320xf32, #tpu.memory_space<hbm>> -> memref<64x320xf32, #tpu.memory_space<hbm>>
    tpu.wait_dma2 semaphore(%arg12 : memref<!tpu.dma_semaphore, #tpu.memory_space<semaphore_mem>>) src(%dma_wait3A_101 : memref<64x320xf32, #tpu.memory_space<hbm>>) dst(%arg6 : memref<64x320xf32, #tpu.memory_space<vmem>>)
    %parallel_loop3A = arith.constant 0 : i32
    %parallel_loop3A_102 = arith.constant 64 : i32
    %parallel_loop3A_103 = arith.constant 1 : i32
    scf.for %parallel_loop3A_263 = %parallel_loop3A to %parallel_loop3A_102 step %parallel_loop3A_103  : i32 {
      %parallel_loop3A_264 = vector.broadcast %parallel_loop3A_263 : i32 to vector<16xi32>
      %parallel_loop3A_265 = arith.index_cast %parallel_loop3A_263 : i32 to index
      %parallel_loop3A_266 = arith.constant 0 : index
      %parallel_loop3A_267 = tpu.vector_load %arg8[%parallel_loop3A_265, %parallel_loop3A_266] {strides = array<i32>} : memref<64x320xf32, #tpu.memory_space<vmem>>, vector<16xf32>,
      tpu.vector_store %arg8[%parallel_loop3A_265, %parallel_loop3A_266], %broadcast_in_dim3A_1 {strides = array<i32>} : memref<64x320xf32, #tpu.memory_space<vmem>>, vector<16xf32>,
      %parallel_loop3A_268 = arith.index_cast %parallel_loop3A_263 : i32 to index
      %parallel_loop3A_269 = arith.constant 16 : index
      %parallel_loop3A_270 = tpu.vector_load %arg8[%parallel_loop3A_268, %parallel_loop3A_269] {strides = array<i32>} : memref<64x320xf32, #tpu.memory_space<vmem>>, vector<16xf32>,
      tpu.vector_store %arg8[%parallel_loop3A_268, %parallel_loop3A_269], %broadcast_in_dim3A_1 {strides = array<i32>} : memref<64x320xf32, #tpu.memory_space<vmem>>, vector<16xf32>,
      %parallel_loop3A_271 = arith.index_cast %parallel_loop3A_263 : i32 to index
      %parallel_loop3A_272 = arith.constant 32 : index
      %parallel_loop3A_273 = tpu.vector_load %arg8[%parallel_loop3A_271, %parallel_loop3A_272] {strides = array<i32>} : memref<64x320xf32, #tpu.memory_space<vmem>>, vector<16xf32>,
      tpu.vector_store %arg8[%parallel_loop3A_271, %parallel_loop3A_272], %broadcast_in_dim3A_1 {strides = array<i32>} : memref<64x320xf32, #tpu.memory_space<vmem>>, vector<16xf32>,
      %parallel_loop3A_274 = arith.index_cast %parallel_loop3A_263 : i32 to index
      %parallel_loop3A_275 = arith.constant 48 : index
      %parallel_loop3A_276 = tpu.vector_load %arg8[%parallel_loop3A_274, %parallel_loop3A_275] {strides = array<i32>} : memref<64x320xf32, #tpu.memory_space<vmem>>, vector<16xf32>,
      tpu.vector_store %arg8[%parallel_loop3A_274, %parallel_loop3A_275], %broadcast_in_dim3A_1 {strides = array<i32>} : memref<64x320xf32, #tpu.memory_space<vmem>>, vector<16xf32>,
      %parallel_loop3A_277 = arith.index_cast %parallel_loop3A_263 : i32 to index
      %parallel_loop3A_278 = arith.constant 64 : index
      %parallel_loop3A_279 = tpu.vector_load %arg8[%parallel_loop3A_277, %parallel_loop3A_278] {strides = array<i32>} : memref<64x320xf32, #tpu.memory_space<vmem>>, vector<16xf32>,
      tpu.vector_store %arg8[%parallel_loop3A_277, %parallel_loop3A_278], %broadcast_in_dim3A_1 {strides = array<i32>} : memref<64x320xf32, #tpu.memory_space<vmem>>, vector<16xf32>,
      %parallel_loop3A_280 = arith.index_cast %parallel_loop3A_263 : i32 to index
      %parallel_loop3A_281 = arith.constant 80 : index
      %parallel_loop3A_282 = tpu.vector_load %arg8[%parallel_loop3A_280, %parallel_loop3A_281] {strides = array<i32>} : memref<64x320xf32, #tpu.memory_space<vmem>>, vector<16xf32>,
      tpu.vector_store %arg8[%parallel_loop3A_280, %parallel_loop3A_281], %broadcast_in_dim3A_1 {strides = array<i32>} : memref<64x320xf32, #tpu.memory_space<vmem>>, vector<16xf32>,
      %parallel_loop3A_283 = arith.index_cast %parallel_loop3A_263 : i32 to index
      %parallel_loop3A_284 = arith.constant 96 : index
      %parallel_loop3A_285 = tpu.vector_load %arg8[%parallel_loop3A_283, %parallel_loop3A_284] {strides = array<i32>} : memref<64x320xf32, #tpu.memory_space<vmem>>, vector<16xf32>,
      tpu.vector_store %arg8[%parallel_loop3A_283, %parallel_loop3A_284], %broadcast_in_dim3A_1 {strides = array<i32>} : memref<64x320xf32, #tpu.memory_space<vmem>>, vector<16xf32>,
      %parallel_loop3A_286 = arith.index_cast %parallel_loop3A_263 : i32 to index
      %parallel_loop3A_287 = arith.constant 112 : index
      %parallel_loop3A_288 = tpu.vector_load %arg8[%parallel_loop3A_286, %parallel_loop3A_287] {strides = array<i32>} : memref<64x320xf32, #tpu.memory_space<vmem>>, vector<16xf32>,
      tpu.vector_store %arg8[%parallel_loop3A_286, %parallel_loop3A_287], %broadcast_in_dim3A_1 {strides = array<i32>} : memref<64x320xf32, #tpu.memory_space<vmem>>, vector<16xf32>,
      %parallel_loop3A_289 = arith.index_cast %parallel_loop3A_263 : i32 to index
      %parallel_loop3A_290 = arith.constant 128 : index
      %parallel_loop3A_291 = tpu.vector_load %arg8[%parallel_loop3A_289, %parallel_loop3A_290] {strides = array<i32>} : memref<64x320xf32, #tpu.memory_space<vmem>>, vector<16xf32>,
      tpu.vector_store %arg8[%parallel_loop3A_289, %parallel_loop3A_290], %broadcast_in_dim3A_1 {strides = array<i32>} : memref<64x320xf32, #tpu.memory_space<vmem>>, vector<16xf32>,
      %parallel_loop3A_292 = arith.index_cast %parallel_loop3A_263 : i32 to index
      %parallel_loop3A_293 = arith.constant 144 : index
      %parallel_loop3A_294 = tpu.vector_load %arg8[%parallel_loop3A_292, %parallel_loop3A_293] {strides = array<i32>} : memref<64x320xf32, #tpu.memory_space<vmem>>, vector<16xf32>,
      tpu.vector_store %arg8[%parallel_loop3A_292, %parallel_loop3A_293], %broadcast_in_dim3A_1 {strides = array<i32>} : memref<64x320xf32, #tpu.memory_space<vmem>>, vector<16xf32>,
      %parallel_loop3A_295 = arith.index_cast %parallel_loop3A_263 : i32 to index
      %parallel_loop3A_296 = arith.constant 160 : index
      %parallel_loop3A_297 = tpu.vector_load %arg8[%parallel_loop3A_295, %parallel_loop3A_296] {strides = array<i32>} : memref<64x320xf32, #tpu.memory_space<vmem>>, vector<16xf32>,
      tpu.vector_store %arg8[%parallel_loop3A_295, %parallel_loop3A_296], %broadcast_in_dim3A_1 {strides = array<i32>} : memref<64x320xf32, #tpu.memory_space<vmem>>, vector<16xf32>,
      %parallel_loop3A_298 = arith.index_cast %parallel_loop3A_263 : i32 to index
      %parallel_loop3A_299 = arith.constant 176 : index
      %parallel_loop3A_300 = tpu.vector_load %arg8[%parallel_loop3A_298, %parallel_loop3A_299] {strides = array<i32>} : memref<64x320xf32, #tpu.memory_space<vmem>>, vector<16xf32>,
      tpu.vector_store %arg8[%parallel_loop3A_298, %parallel_loop3A_299], %broadcast_in_dim3A_1 {strides = array<i32>} : memref<64x320xf32, #tpu.memory_space<vmem>>, vector<16xf32>,
      %parallel_loop3A_301 = arith.index_cast %parallel_loop3A_263 : i32 to index
      %parallel_loop3A_302 = arith.constant 192 : index
      %parallel_loop3A_303 = tpu.vector_load %arg8[%parallel_loop3A_301, %parallel_loop3A_302] {strides = array<i32>} : memref<64x320xf32, #tpu.memory_space<vmem>>, vector<16xf32>,
      tpu.vector_store %arg8[%parallel_loop3A_301, %parallel_loop3A_302], %broadcast_in_dim3A_1 {strides = array<i32>} : memref<64x320xf32, #tpu.memory_space<vmem>>, vector<16xf32>,
      %parallel_loop3A_304 = arith.index_cast %parallel_loop3A_263 : i32 to index
      %parallel_loop3A_305 = arith.constant 208 : index
      %parallel_loop3A_306 = tpu.vector_load %arg8[%parallel_loop3A_304, %parallel_loop3A_305] {strides = array<i32>} : memref<64x320xf32, #tpu.memory_space<vmem>>, vector<16xf32>,
      tpu.vector_store %arg8[%parallel_loop3A_304, %parallel_loop3A_305], %broadcast_in_dim3A_1 {strides = array<i32>} : memref<64x320xf32, #tpu.memory_space<vmem>>, vector<16xf32>,
      %parallel_loop3A_307 = arith.index_cast %parallel_loop3A_263 : i32 to index
      %parallel_loop3A_308 = arith.constant 224 : index
      %parallel_loop3A_309 = tpu.vector_load %arg8[%parallel_loop3A_307, %parallel_loop3A_308] {strides = array<i32>} : memref<64x320xf32, #tpu.memory_space<vmem>>, vector<16xf32>,
      tpu.vector_store %arg8[%parallel_loop3A_307, %parallel_loop3A_308], %broadcast_in_dim3A_1 {strides = array<i32>} : memref<64x320xf32, #tpu.memory_space<vmem>>, vector<16xf32>,
      %parallel_loop3A_310 = arith.index_cast %parallel_loop3A_263 : i32 to index
      %parallel_loop3A_311 = arith.constant 240 : index
      %parallel_loop3A_312 = tpu.vector_load %arg8[%parallel_loop3A_310, %parallel_loop3A_311] {strides = array<i32>} : memref<64x320xf32, #tpu.memory_space<vmem>>, vector<16xf32>,
      tpu.vector_store %arg8[%parallel_loop3A_310, %parallel_loop3A_311], %broadcast_in_dim3A_1 {strides = array<i32>} : memref<64x320xf32, #tpu.memory_space<vmem>>, vector<16xf32>,
      %parallel_loop3A_313 = arith.index_cast %parallel_loop3A_263 : i32 to index
      %parallel_loop3A_314 = arith.constant 256 : index
      %parallel_loop3A_315 = tpu.vector_load %arg8[%parallel_loop3A_313, %parallel_loop3A_314] {strides = array<i32>} : memref<64x320xf32, #tpu.memory_space<vmem>>, vector<16xf32>,
      tpu.vector_store %arg8[%parallel_loop3A_313, %parallel_loop3A_314], %broadcast_in_dim3A_1 {strides = array<i32>} : memref<64x320xf32, #tpu.memory_space<vmem>>, vector<16xf32>,
      %parallel_loop3A_316 = arith.index_cast %parallel_loop3A_263 : i32 to index
      %parallel_loop3A_317 = arith.constant 272 : index
      %parallel_loop3A_318 = tpu.vector_load %arg8[%parallel_loop3A_316, %parallel_loop3A_317] {strides = array<i32>} : memref<64x320xf32, #tpu.memory_space<vmem>>, vector<16xf32>,
      tpu.vector_store %arg8[%parallel_loop3A_316, %parallel_loop3A_317], %broadcast_in_dim3A_1 {strides = array<i32>} : memref<64x320xf32, #tpu.memory_space<vmem>>, vector<16xf32>,
      %parallel_loop3A_319 = arith.index_cast %parallel_loop3A_263 : i32 to index
      %parallel_loop3A_320 = arith.constant 288 : index
      %parallel_loop3A_321 = tpu.vector_load %arg8[%parallel_loop3A_319, %parallel_loop3A_320] {strides = array<i32>} : memref<64x320xf32, #tpu.memory_space<vmem>>, vector<16xf32>,
      tpu.vector_store %arg8[%parallel_loop3A_319, %parallel_loop3A_320], %broadcast_in_dim3A_1 {strides = array<i32>} : memref<64x320xf32, #tpu.memory_space<vmem>>, vector<16xf32>,
      %parallel_loop3A_322 = arith.index_cast %parallel_loop3A_263 : i32 to index
      %parallel_loop3A_323 = arith.constant 304 : index
      %parallel_loop3A_324 = tpu.vector_load %arg8[%parallel_loop3A_322, %parallel_loop3A_323] {strides = array<i32>} : memref<64x320xf32, #tpu.memory_space<vmem>>, vector<16xf32>,
      tpu.vector_store %arg8[%parallel_loop3A_322, %parallel_loop3A_323], %broadcast_in_dim3A_1 {strides = array<i32>} : memref<64x320xf32, #tpu.memory_space<vmem>>, vector<16xf32>,
      %parallel_loop3A_325 = arith.index_cast %parallel_loop3A_263 : i32 to index
      %parallel_loop3A_326 = arith.constant 0 : index
      %parallel_loop3A_327 = tpu.vector_load %arg10[%parallel_loop3A_325, %parallel_loop3A_326] {strides = array<i32>} : memref<64x64xi32, #tpu.memory_space<vmem>>, vector<16xi32>,
      %parallel_loop3A_328 = arith.index_cast %parallel_loop3A_263 : i32 to index
      %parallel_loop3A_329 = arith.constant 0 : index
      %parallel_loop3A_330 = tpu.vector_load %arg11[%parallel_loop3A_328, %parallel_loop3A_329] {strides = array<i32>} : memref<64x64xi32, #tpu.memory_space<vmem>>, vector<16xi32>,
      %parallel_loop3A_331 = arith.constant 256 : i32
      %parallel_loop3A_332 = vector.broadcast %parallel_loop3A_331 : i32 to vector<16xi32>
      %parallel_loop3A_333 = arith.addi %parallel_loop3A_330, %parallel_loop3A_332 : vector<16xi32>
      %parallel_loop3A_334 = tpu.vector_load_idx %arg6[%parallel_loop3A_264, %parallel_loop3A_327] : memref<64x320xf32, #tpu.memory_space<vmem>>[vector<16xi32>, vector<16xi32>], vector<16xf32>,
      %parallel_loop3A_335 = tpu.vector_load_idx %arg6[%parallel_loop3A_264, %parallel_loop3A_333] : memref<64x320xf32, #tpu.memory_space<vmem>>[vector<16xi32>, vector<16xi32>], vector<16xf32>,
      %parallel_loop3A_336 = arith.addf %parallel_loop3A_334, %parallel_loop3A_335 : vector<16xf32>
      %parallel_loop3A_337 = arith.index_cast %parallel_loop3A_263 : i32 to index
      %parallel_loop3A_338 = arith.constant 16 : index
      %parallel_loop3A_339 = tpu.vector_load %arg10[%parallel_loop3A_337, %parallel_loop3A_338] {strides = array<i32>} : memref<64x64xi32, #tpu.memory_space<vmem>>, vector<16xi32>,
      %parallel_loop3A_340 = arith.index_cast %parallel_loop3A_263 : i32 to index
      %parallel_loop3A_341 = arith.constant 16 : index
      %parallel_loop3A_342 = tpu.vector_load %arg11[%parallel_loop3A_340, %parallel_loop3A_341] {strides = array<i32>} : memref<64x64xi32, #tpu.memory_space<vmem>>, vector<16xi32>,
      %parallel_loop3A_343 = arith.constant 256 : i32
      %parallel_loop3A_344 = vector.broadcast %parallel_loop3A_343 : i32 to vector<16xi32>
      %parallel_loop3A_345 = arith.addi %parallel_loop3A_342, %parallel_loop3A_344 : vector<16xi32>
      %parallel_loop3A_346 = tpu.vector_load_idx %arg6[%parallel_loop3A_264, %parallel_loop3A_339] : memref<64x320xf32, #tpu.memory_space<vmem>>[vector<16xi32>, vector<16xi32>], vector<16xf32>,
      %parallel_loop3A_347 = tpu.vector_load_idx %arg6[%parallel_loop3A_264, %parallel_loop3A_345] : memref<64x320xf32, #tpu.memory_space<vmem>>[vector<16xi32>, vector<16xi32>], vector<16xf32>,
      %parallel_loop3A_348 = arith.addf %parallel_loop3A_346, %parallel_loop3A_347 : vector<16xf32>
      %parallel_loop3A_349 = arith.index_cast %parallel_loop3A_263 : i32 to index
      %parallel_loop3A_350 = arith.constant 32 : index
      %parallel_loop3A_351 = tpu.vector_load %arg10[%parallel_loop3A_349, %parallel_loop3A_350] {strides = array<i32>} : memref<64x64xi32, #tpu.memory_space<vmem>>, vector<16xi32>,
      %parallel_loop3A_352 = arith.index_cast %parallel_loop3A_263 : i32 to index
      %parallel_loop3A_353 = arith.constant 32 : index
      %parallel_loop3A_354 = tpu.vector_load %arg11[%parallel_loop3A_352, %parallel_loop3A_353] {strides = array<i32>} : memref<64x64xi32, #tpu.memory_space<vmem>>, vector<16xi32>,
      %parallel_loop3A_355 = arith.constant 256 : i32
      %parallel_loop3A_356 = vector.broadcast %parallel_loop3A_355 : i32 to vector<16xi32>
      %parallel_loop3A_357 = arith.addi %parallel_loop3A_354, %parallel_loop3A_356 : vector<16xi32>
      %parallel_loop3A_358 = tpu.vector_load_idx %arg6[%parallel_loop3A_264, %parallel_loop3A_351] : memref<64x320xf32, #tpu.memory_space<vmem>>[vector<16xi32>, vector<16xi32>], vector<16xf32>,
      %parallel_loop3A_359 = tpu.vector_load_idx %arg6[%parallel_loop3A_264, %parallel_loop3A_357] : memref<64x320xf32, #tpu.memory_space<vmem>>[vector<16xi32>, vector<16xi32>], vector<16xf32>,
      %parallel_loop3A_360 = arith.addf %parallel_loop3A_358, %parallel_loop3A_359 : vector<16xf32>
      %parallel_loop3A_361 = arith.index_cast %parallel_loop3A_263 : i32 to index
      %parallel_loop3A_362 = arith.constant 48 : index
      %parallel_loop3A_363 = tpu.vector_load %arg10[%parallel_loop3A_361, %parallel_loop3A_362] {strides = array<i32>} : memref<64x64xi32, #tpu.memory_space<vmem>>, vector<16xi32>,
      %parallel_loop3A_364 = arith.index_cast %parallel_loop3A_263 : i32 to index
      %parallel_loop3A_365 = arith.constant 48 : index
      %parallel_loop3A_366 = tpu.vector_load %arg11[%parallel_loop3A_364, %parallel_loop3A_365] {strides = array<i32>} : memref<64x64xi32, #tpu.memory_space<vmem>>, vector<16xi32>,
      %parallel_loop3A_367 = arith.constant 256 : i32
      %parallel_loop3A_368 = vector.broadcast %parallel_loop3A_367 : i32 to vector<16xi32>
      %parallel_loop3A_369 = arith.addi %parallel_loop3A_366, %parallel_loop3A_368 : vector<16xi32>
      %parallel_loop3A_370 = tpu.vector_load_idx %arg6[%parallel_loop3A_264, %parallel_loop3A_363] : memref<64x320xf32, #tpu.memory_space<vmem>>[vector<16xi32>, vector<16xi32>], vector<16xf32>,
      %parallel_loop3A_371 = tpu.vector_load_idx %arg6[%parallel_loop3A_264, %parallel_loop3A_369] : memref<64x320xf32, #tpu.memory_space<vmem>>[vector<16xi32>, vector<16xi32>], vector<16xf32>,
      %parallel_loop3A_372 = arith.addf %parallel_loop3A_370, %parallel_loop3A_371 : vector<16xf32>
      %parallel_loop3A_373 = arith.maximumf %parallel_loop3A_336, %parallel_loop3A_348 : vector<16xf32>
      %parallel_loop3A_374 = arith.maximumf %parallel_loop3A_360, %parallel_loop3A_372 : vector<16xf32>
      %parallel_loop3A_375 = arith.maximumf %parallel_loop3A_373, %parallel_loop3A_374 : vector<16xf32>
      %parallel_loop3A_376 = arith.constant true
      %parallel_loop3A_377 = vector.broadcast %parallel_loop3A_376 : i1 to vector<16xi1>
      %parallel_loop3A_378 = tpu.scan <max>, %parallel_loop3A_375 masked %parallel_loop3A_377 : vector<16xf32>, vector<16xi1> -> vector<16xf32>
      %parallel_loop3A_379 = vector.extract %parallel_loop3A_378[15] : f32 from vector<16xf32>
      %parallel_loop3A_380 = vector.broadcast %parallel_loop3A_379 : f32 to vector<16xf32>
      %parallel_loop3A_381 = arith.subf %parallel_loop3A_336, %parallel_loop3A_380 : vector<16xf32>
      %parallel_loop3A_382 = math.exp %parallel_loop3A_381 : vector<16xf32>
      %parallel_loop3A_383 = vector.broadcast %parallel_loop3A_379 : f32 to vector<16xf32>
      %parallel_loop3A_384 = arith.subf %parallel_loop3A_348, %parallel_loop3A_383 : vector<16xf32>
      %parallel_loop3A_385 = math.exp %parallel_loop3A_384 : vector<16xf32>
      %parallel_loop3A_386 = vector.broadcast %parallel_loop3A_379 : f32 to vector<16xf32>
      %parallel_loop3A_387 = arith.subf %parallel_loop3A_360, %parallel_loop3A_386 : vector<16xf32>
      %parallel_loop3A_388 = math.exp %parallel_loop3A_387 : vector<16xf32>
      %parallel_loop3A_389 = vector.broadcast %parallel_loop3A_379 : f32 to vector<16xf32>
      %parallel_loop3A_390 = arith.subf %parallel_loop3A_372, %parallel_loop3A_389 : vector<16xf32>
      %parallel_loop3A_391 = math.exp %parallel_loop3A_390 : vector<16xf32>
      tpu.vector_store_idx %arg8[%parallel_loop3A_264, %parallel_loop3A_327], %parallel_loop3A_382 : memref<64x320xf32, #tpu.memory_space<vmem>>[vector<16xi32>, vector<16xi32>], vector<16xf32>,
      tpu.vector_store_idx %arg8[%parallel_loop3A_264, %parallel_loop3A_333], %parallel_loop3A_382 {add = true} : memref<64x320xf32, #tpu.memory_space<vmem>>[vector<16xi32>, vector<16xi32>], vector<16xf32>,
      tpu.vector_store_idx %arg8[%parallel_loop3A_264, %parallel_loop3A_339], %parallel_loop3A_385 : memref<64x320xf32, #tpu.memory_space<vmem>>[vector<16xi32>, vector<16xi32>], vector<16xf32>,
      tpu.vector_store_idx %arg8[%parallel_loop3A_264, %parallel_loop3A_345], %parallel_loop3A_385 {add = true} : memref<64x320xf32, #tpu.memory_space<vmem>>[vector<16xi32>, vector<16xi32>], vector<16xf32>,
      tpu.vector_store_idx %arg8[%parallel_loop3A_264, %parallel_loop3A_351], %parallel_loop3A_388 : memref<64x320xf32, #tpu.memory_space<vmem>>[vector<16xi32>, vector<16xi32>], vector<16xf32>,
      tpu.vector_store_idx %arg8[%parallel_loop3A_264, %parallel_loop3A_357], %parallel_loop3A_388 {add = true} : memref<64x320xf32, #tpu.memory_space<vmem>>[vector<16xi32>, vector<16xi32>], vector<16xf32>,
      tpu.vector_store_idx %arg8[%parallel_loop3A_264, %parallel_loop3A_363], %parallel_loop3A_391 : memref<64x320xf32, #tpu.memory_space<vmem>>[vector<16xi32>, vector<16xi32>], vector<16xf32>,
      tpu.vector_store_idx %arg8[%parallel_loop3A_264, %parallel_loop3A_369], %parallel_loop3A_391 {add = true} : memref<64x320xf32, #tpu.memory_space<vmem>>[vector<16xi32>, vector<16xi32>], vector<16xf32>,
    } {sc.loop_unroll_factor = 2 : i64, sc.parallel_access}
    %dma_start3A_104 = arith.constant 0 : i32
    %dma_start3A_105 = tpu.memref_slice %arg5[%select_n3A, %add3A_88, %mul3A_63, %dma_start3A_104] : memref<4x12x256x320xf32, #tpu.memory_space<hbm>> -> memref<1x1x64x320xf32, #tpu.memory_space<hbm>>
    %dma_start3A_106 = tpu.memref_squeeze %dma_start3A_105 : memref<1x1x64x320xf32, #tpu.memory_space<hbm>> -> memref<64x320xf32, #tpu.memory_space<hbm>>
    %dma_start3A_107 = arith.constant 0 : i32
    %dma_start3A_108 = tpu.memref_slice %arg5[%select_n3A, %add3A_88, %mul3A_63, %dma_start3A_107] : memref<4x12x256x320xf32, #tpu.memory_space<hbm>> -> memref<1x1x64x320xf32, #tpu.memory_space<hbm>>
    %dma_start3A_109 = tpu.memref_squeeze %dma_start3A_108 : memref<1x1x64x320xf32, #tpu.memory_space<hbm>> -> memref<64x320xf32, #tpu.memory_space<hbm>>
    tpu.enqueue_dma source(%arg8 : memref<64x320xf32, #tpu.memory_space<vmem>>) target(%dma_start3A_109 : memref<64x320xf32, #tpu.memory_space<hbm>>) target_semaphore(%arg14 : memref<!tpu.dma_semaphore, #tpu.memory_space<semaphore_mem>>)
    %add3A_110 = arith.constant 1 : i32
    %add3A_111 = arith.addi %select_n3A_81, %add3A_110 : i32
    %add3A_112 = arith.constant 1 : i32
    %add3A_113 = arith.addi %add3A_111, %add3A_112 : i32
    %dma_start3A_114 = arith.constant 0 : i32
    %dma_start3A_115 = tpu.memref_slice %arg2[%select_n3A, %add3A_113, %mul3A_63, %dma_start3A_114] : memref<4x12x256x320xf32, #tpu.memory_space<hbm>> -> memref<1x1x64x320xf32, #tpu.memory_space<hbm>>
    %dma_start3A_116 = tpu.memref_squeeze %dma_start3A_115 : memref<1x1x64x320xf32, #tpu.memory_space<hbm>> -> memref<64x320xf32, #tpu.memory_space<hbm>>
    %dma_start3A_117 = arith.constant 0 : i32
    %dma_start3A_118 = tpu.memref_slice %arg2[%select_n3A, %add3A_113, %mul3A_63, %dma_start3A_117] : memref<4x12x256x320xf32, #tpu.memory_space<hbm>> -> memref<1x1x64x320xf32, #tpu.memory_space<hbm>>
    %dma_start3A_119 = tpu.memref_squeeze %dma_start3A_118 : memref<1x1x64x320xf32, #tpu.memory_space<hbm>> -> memref<64x320xf32, #tpu.memory_space<hbm>>
    tpu.enqueue_dma source(%dma_start3A_119 : memref<64x320xf32, #tpu.memory_space<hbm>>) target(%arg6 : memref<64x320xf32, #tpu.memory_space<vmem>>) target_semaphore(%arg12 : memref<!tpu.dma_semaphore, #tpu.memory_space<semaphore_mem>>)
    %dma_wait3A_120 = arith.constant 0 : i32
    %dma_wait3A_121 = tpu.memref_slice %arg2[%select_n3A, %add3A_90, %mul3A_63, %dma_wait3A_120] : memref<4x12x256x320xf32, #tpu.memory_space<hbm>> -> memref<1x1x64x320xf32, #tpu.memory_space<hbm>>
    %dma_wait3A_122 = tpu.memref_squeeze %dma_wait3A_121 : memref<1x1x64x320xf32, #tpu.memory_space<hbm>> -> memref<64x320xf32, #tpu.memory_space<hbm>>
    %dma_wait3A_123 = arith.constant 0 : i32
    %dma_wait3A_124 = tpu.memref_slice %arg2[%select_n3A, %add3A_90, %mul3A_63, %dma_wait3A_123] : memref<4x12x256x320xf32, #tpu.memory_space<hbm>> -> memref<1x1x64x320xf32, #tpu.memory_space<hbm>>
    %dma_wait3A_125 = tpu.memref_squeeze %dma_wait3A_124 : memref<1x1x64x320xf32, #tpu.memory_space<hbm>> -> memref<64x320xf32, #tpu.memory_space<hbm>>
    tpu.wait_dma2 semaphore(%arg13 : memref<!tpu.dma_semaphore, #tpu.memory_space<semaphore_mem>>) src(%dma_wait3A_125 : memref<64x320xf32, #tpu.memory_space<hbm>>) dst(%arg7 : memref<64x320xf32, #tpu.memory_space<vmem>>)
    %parallel_loop3A_126 = arith.constant 0 : i32
    %parallel_loop3A_127 = arith.constant 64 : i32
    %parallel_loop3A_128 = arith.constant 1 : i32
    scf.for %parallel_loop3A_263 = %parallel_loop3A_126 to %parallel_loop3A_127 step %parallel_loop3A_128  : i32 {
      %parallel_loop3A_264 = vector.broadcast %parallel_loop3A_263 : i32 to vector<16xi32>
      %parallel_loop3A_265 = arith.index_cast %parallel_loop3A_263 : i32 to index
      %parallel_loop3A_266 = arith.constant 0 : index
      %parallel_loop3A_267 = tpu.vector_load %arg9[%parallel_loop3A_265, %parallel_loop3A_266] {strides = array<i32>} : memref<64x320xf32, #tpu.memory_space<vmem>>, vector<16xf32>,
      tpu.vector_store %arg9[%parallel_loop3A_265, %parallel_loop3A_266], %broadcast_in_dim3A_1 {strides = array<i32>} : memref<64x320xf32, #tpu.memory_space<vmem>>, vector<16xf32>,
      %parallel_loop3A_268 = arith.index_cast %parallel_loop3A_263 : i32 to index
      %parallel_loop3A_269 = arith.constant 16 : index
      %parallel_loop3A_270 = tpu.vector_load %arg9[%parallel_loop3A_268, %parallel_loop3A_269] {strides = array<i32>} : memref<64x320xf32, #tpu.memory_space<vmem>>, vector<16xf32>,
      tpu.vector_store %arg9[%parallel_loop3A_268, %parallel_loop3A_269], %broadcast_in_dim3A_1 {strides = array<i32>} : memref<64x320xf32, #tpu.memory_space<vmem>>, vector<16xf32>,
      %parallel_loop3A_271 = arith.index_cast %parallel_loop3A_263 : i32 to index
      %parallel_loop3A_272 = arith.constant 32 : index
      %parallel_loop3A_273 = tpu.vector_load %arg9[%parallel_loop3A_271, %parallel_loop3A_272] {strides = array<i32>} : memref<64x320xf32, #tpu.memory_space<vmem>>, vector<16xf32>,
      tpu.vector_store %arg9[%parallel_loop3A_271, %parallel_loop3A_272], %broadcast_in_dim3A_1 {strides = array<i32>} : memref<64x320xf32, #tpu.memory_space<vmem>>, vector<16xf32>,
      %parallel_loop3A_274 = arith.index_cast %parallel_loop3A_263 : i32 to index
      %parallel_loop3A_275 = arith.constant 48 : index
      %parallel_loop3A_276 = tpu.vector_load %arg9[%parallel_loop3A_274, %parallel_loop3A_275] {strides = array<i32>} : memref<64x320xf32, #tpu.memory_space<vmem>>, vector<16xf32>,
      tpu.vector_store %arg9[%parallel_loop3A_274, %parallel_loop3A_275], %broadcast_in_dim3A_1 {strides = array<i32>} : memref<64x320xf32, #tpu.memory_space<vmem>>, vector<16xf32>,
      %parallel_loop3A_277 = arith.index_cast %parallel_loop3A_263 : i32 to index
      %parallel_loop3A_278 = arith.constant 64 : index
      %parallel_loop3A_279 = tpu.vector_load %arg9[%parallel_loop3A_277, %parallel_loop3A_278] {strides = array<i32>} : memref<64x320xf32, #tpu.memory_space<vmem>>, vector<16xf32>,
      tpu.vector_store %arg9[%parallel_loop3A_277, %parallel_loop3A_278], %broadcast_in_dim3A_1 {strides = array<i32>} : memref<64x320xf32, #tpu.memory_space<vmem>>, vector<16xf32>,
      %parallel_loop3A_280 = arith.index_cast %parallel_loop3A_263 : i32 to index
      %parallel_loop3A_281 = arith.constant 80 : index
      %parallel_loop3A_282 = tpu.vector_load %arg9[%parallel_loop3A_280, %parallel_loop3A_281] {strides = array<i32>} : memref<64x320xf32, #tpu.memory_space<vmem>>, vector<16xf32>,
      tpu.vector_store %arg9[%parallel_loop3A_280, %parallel_loop3A_281], %broadcast_in_dim3A_1 {strides = array<i32>} : memref<64x320xf32, #tpu.memory_space<vmem>>, vector<16xf32>,
      %parallel_loop3A_283 = arith.index_cast %parallel_loop3A_263 : i32 to index
      %parallel_loop3A_284 = arith.constant 96 : index
      %parallel_loop3A_285 = tpu.vector_load %arg9[%parallel_loop3A_283, %parallel_loop3A_284] {strides = array<i32>} : memref<64x320xf32, #tpu.memory_space<vmem>>, vector<16xf32>,
      tpu.vector_store %arg9[%parallel_loop3A_283, %parallel_loop3A_284], %broadcast_in_dim3A_1 {strides = array<i32>} : memref<64x320xf32, #tpu.memory_space<vmem>>, vector<16xf32>,
      %parallel_loop3A_286 = arith.index_cast %parallel_loop3A_263 : i32 to index
      %parallel_loop3A_287 = arith.constant 112 : index
      %parallel_loop3A_288 = tpu.vector_load %arg9[%parallel_loop3A_286, %parallel_loop3A_287] {strides = array<i32>} : memref<64x320xf32, #tpu.memory_space<vmem>>, vector<16xf32>,
      tpu.vector_store %arg9[%parallel_loop3A_286, %parallel_loop3A_287], %broadcast_in_dim3A_1 {strides = array<i32>} : memref<64x320xf32, #tpu.memory_space<vmem>>, vector<16xf32>,
      %parallel_loop3A_289 = arith.index_cast %parallel_loop3A_263 : i32 to index
      %parallel_loop3A_290 = arith.constant 128 : index
      %parallel_loop3A_291 = tpu.vector_load %arg9[%parallel_loop3A_289, %parallel_loop3A_290] {strides = array<i32>} : memref<64x320xf32, #tpu.memory_space<vmem>>, vector<16xf32>,
      tpu.vector_store %arg9[%parallel_loop3A_289, %parallel_loop3A_290], %broadcast_in_dim3A_1 {strides = array<i32>} : memref<64x320xf32, #tpu.memory_space<vmem>>, vector<16xf32>,
      %parallel_loop3A_292 = arith.index_cast %parallel_loop3A_263 : i32 to index
      %parallel_loop3A_293 = arith.constant 144 : index
      %parallel_loop3A_294 = tpu.vector_load %arg9[%parallel_loop3A_292, %parallel_loop3A_293] {strides = array<i32>} : memref<64x320xf32, #tpu.memory_space<vmem>>, vector<16xf32>,
      tpu.vector_store %arg9[%parallel_loop3A_292, %parallel_loop3A_293], %broadcast_in_dim3A_1 {strides = array<i32>} : memref<64x320xf32, #tpu.memory_space<vmem>>, vector<16xf32>,
      %parallel_loop3A_295 = arith.index_cast %parallel_loop3A_263 : i32 to index
      %parallel_loop3A_296 = arith.constant 160 : index
      %parallel_loop3A_297 = tpu.vector_load %arg9[%parallel_loop3A_295, %parallel_loop3A_296] {strides = array<i32>} : memref<64x320xf32, #tpu.memory_space<vmem>>, vector<16xf32>,
      tpu.vector_store %arg9[%parallel_loop3A_295, %parallel_loop3A_296], %broadcast_in_dim3A_1 {strides = array<i32>} : memref<64x320xf32, #tpu.memory_space<vmem>>, vector<16xf32>,
      %parallel_loop3A_298 = arith.index_cast %parallel_loop3A_263 : i32 to index
      %parallel_loop3A_299 = arith.constant 176 : index
      %parallel_loop3A_300 = tpu.vector_load %arg9[%parallel_loop3A_298, %parallel_loop3A_299] {strides = array<i32>} : memref<64x320xf32, #tpu.memory_space<vmem>>, vector<16xf32>,
      tpu.vector_store %arg9[%parallel_loop3A_298, %parallel_loop3A_299], %broadcast_in_dim3A_1 {strides = array<i32>} : memref<64x320xf32, #tpu.memory_space<vmem>>, vector<16xf32>,
      %parallel_loop3A_301 = arith.index_cast %parallel_loop3A_263 : i32 to index
      %parallel_loop3A_302 = arith.constant 192 : index
      %parallel_loop3A_303 = tpu.vector_load %arg9[%parallel_loop3A_301, %parallel_loop3A_302] {strides = array<i32>} : memref<64x320xf32, #tpu.memory_space<vmem>>, vector<16xf32>,
      tpu.vector_store %arg9[%parallel_loop3A_301, %parallel_loop3A_302], %broadcast_in_dim3A_1 {strides = array<i32>} : memref<64x320xf32, #tpu.memory_space<vmem>>, vector<16xf32>,
      %parallel_loop3A_304 = arith.index_cast %parallel_loop3A_263 : i32 to index
      %parallel_loop3A_305 = arith.constant 208 : index
      %parallel_loop3A_306 = tpu.vector_load %arg9[%parallel_loop3A_304, %parallel_loop3A_305] {strides = array<i32>} : memref<64x320xf32, #tpu.memory_space<vmem>>, vector<16xf32>,
      tpu.vector_store %arg9[%parallel_loop3A_304, %parallel_loop3A_305], %broadcast_in_dim3A_1 {strides = array<i32>} : memref<64x320xf32, #tpu.memory_space<vmem>>, vector<16xf32>,
      %parallel_loop3A_307 = arith.index_cast %parallel_loop3A_263 : i32 to index
      %parallel_loop3A_308 = arith.constant 224 : index
      %parallel_loop3A_309 = tpu.vector_load %arg9[%parallel_loop3A_307, %parallel_loop3A_308] {strides = array<i32>} : memref<64x320xf32, #tpu.memory_space<vmem>>, vector<16xf32>,
      tpu.vector_store %arg9[%parallel_loop3A_307, %parallel_loop3A_308], %broadcast_in_dim3A_1 {strides = array<i32>} : memref<64x320xf32, #tpu.memory_space<vmem>>, vector<16xf32>,
      %parallel_loop3A_310 = arith.index_cast %parallel_loop3A_263 : i32 to index
      %parallel_loop3A_311 = arith.constant 240 : index
      %parallel_loop3A_312 = tpu.vector_load %arg9[%parallel_loop3A_310, %parallel_loop3A_311] {strides = array<i32>} : memref<64x320xf32, #tpu.memory_space<vmem>>, vector<16xf32>,
      tpu.vector_store %arg9[%parallel_loop3A_310, %parallel_loop3A_311], %broadcast_in_dim3A_1 {strides = array<i32>} : memref<64x320xf32, #tpu.memory_space<vmem>>, vector<16xf32>,
      %parallel_loop3A_313 = arith.index_cast %parallel_loop3A_263 : i32 to index
      %parallel_loop3A_314 = arith.constant 256 : index
      %parallel_loop3A_315 = tpu.vector_load %arg9[%parallel_loop3A_313, %parallel_loop3A_314] {strides = array<i32>} : memref<64x320xf32, #tpu.memory_space<vmem>>, vector<16xf32>,
      tpu.vector_store %arg9[%parallel_loop3A_313, %parallel_loop3A_314], %broadcast_in_dim3A_1 {strides = array<i32>} : memref<64x320xf32, #tpu.memory_space<vmem>>, vector<16xf32>,
      %parallel_loop3A_316 = arith.index_cast %parallel_loop3A_263 : i32 to index
      %parallel_loop3A_317 = arith.constant 272 : index
      %parallel_loop3A_318 = tpu.vector_load %arg9[%parallel_loop3A_316, %parallel_loop3A_317] {strides = array<i32>} : memref<64x320xf32, #tpu.memory_space<vmem>>, vector<16xf32>,
      tpu.vector_store %arg9[%parallel_loop3A_316, %parallel_loop3A_317], %broadcast_in_dim3A_1 {strides = array<i32>} : memref<64x320xf32, #tpu.memory_space<vmem>>, vector<16xf32>,
      %parallel_loop3A_319 = arith.index_cast %parallel_loop3A_263 : i32 to index
      %parallel_loop3A_320 = arith.constant 288 : index
      %parallel_loop3A_321 = tpu.vector_load %arg9[%parallel_loop3A_319, %parallel_loop3A_320] {strides = array<i32>} : memref<64x320xf32, #tpu.memory_space<vmem>>, vector<16xf32>,
      tpu.vector_store %arg9[%parallel_loop3A_319, %parallel_loop3A_320], %broadcast_in_dim3A_1 {strides = array<i32>} : memref<64x320xf32, #tpu.memory_space<vmem>>, vector<16xf32>,
      %parallel_loop3A_322 = arith.index_cast %parallel_loop3A_263 : i32 to index
      %parallel_loop3A_323 = arith.constant 304 : index
      %parallel_loop3A_324 = tpu.vector_load %arg9[%parallel_loop3A_322, %parallel_loop3A_323] {strides = array<i32>} : memref<64x320xf32, #tpu.memory_space<vmem>>, vector<16xf32>,
      tpu.vector_store %arg9[%parallel_loop3A_322, %parallel_loop3A_323], %broadcast_in_dim3A_1 {strides = array<i32>} : memref<64x320xf32, #tpu.memory_space<vmem>>, vector<16xf32>,
      %parallel_loop3A_325 = arith.index_cast %parallel_loop3A_263 : i32 to index
      %parallel_loop3A_326 = arith.constant 0 : index
      %parallel_loop3A_327 = tpu.vector_load %arg10[%parallel_loop3A_325, %parallel_loop3A_326] {strides = array<i32>} : memref<64x64xi32, #tpu.memory_space<vmem>>, vector<16xi32>,
      %parallel_loop3A_328 = arith.index_cast %parallel_loop3A_263 : i32 to index
      %parallel_loop3A_329 = arith.constant 0 : index
      %parallel_loop3A_330 = tpu.vector_load %arg11[%parallel_loop3A_328, %parallel_loop3A_329] {strides = array<i32>} : memref<64x64xi32, #tpu.memory_space<vmem>>, vector<16xi32>,
      %parallel_loop3A_331 = arith.constant 256 : i32
      %parallel_loop3A_332 = vector.broadcast %parallel_loop3A_331 : i32 to vector<16xi32>
      %parallel_loop3A_333 = arith.addi %parallel_loop3A_330, %parallel_loop3A_332 : vector<16xi32>
      %parallel_loop3A_334 = tpu.vector_load_idx %arg7[%parallel_loop3A_264, %parallel_loop3A_327] : memref<64x320xf32, #tpu.memory_space<vmem>>[vector<16xi32>, vector<16xi32>], vector<16xf32>,
      %parallel_loop3A_335 = tpu.vector_load_idx %arg7[%parallel_loop3A_264, %parallel_loop3A_333] : memref<64x320xf32, #tpu.memory_space<vmem>>[vector<16xi32>, vector<16xi32>], vector<16xf32>,
      %parallel_loop3A_336 = arith.addf %parallel_loop3A_334, %parallel_loop3A_335 : vector<16xf32>
      %parallel_loop3A_337 = arith.index_cast %parallel_loop3A_263 : i32 to index
      %parallel_loop3A_338 = arith.constant 16 : index
      %parallel_loop3A_339 = tpu.vector_load %arg10[%parallel_loop3A_337, %parallel_loop3A_338] {strides = array<i32>} : memref<64x64xi32, #tpu.memory_space<vmem>>, vector<16xi32>,
      %parallel_loop3A_340 = arith.index_cast %parallel_loop3A_263 : i32 to index
      %parallel_loop3A_341 = arith.constant 16 : index
      %parallel_loop3A_342 = tpu.vector_load %arg11[%parallel_loop3A_340, %parallel_loop3A_341] {strides = array<i32>} : memref<64x64xi32, #tpu.memory_space<vmem>>, vector<16xi32>,
      %parallel_loop3A_343 = arith.constant 256 : i32
      %parallel_loop3A_344 = vector.broadcast %parallel_loop3A_343 : i32 to vector<16xi32>
      %parallel_loop3A_345 = arith.addi %parallel_loop3A_342, %parallel_loop3A_344 : vector<16xi32>
      %parallel_loop3A_346 = tpu.vector_load_idx %arg7[%parallel_loop3A_264, %parallel_loop3A_339] : memref<64x320xf32, #tpu.memory_space<vmem>>[vector<16xi32>, vector<16xi32>], vector<16xf32>,
      %parallel_loop3A_347 = tpu.vector_load_idx %arg7[%parallel_loop3A_264, %parallel_loop3A_345] : memref<64x320xf32, #tpu.memory_space<vmem>>[vector<16xi32>, vector<16xi32>], vector<16xf32>,
      %parallel_loop3A_348 = arith.addf %parallel_loop3A_346, %parallel_loop3A_347 : vector<16xf32>
      %parallel_loop3A_349 = arith.index_cast %parallel_loop3A_263 : i32 to index
      %parallel_loop3A_350 = arith.constant 32 : index
      %parallel_loop3A_351 = tpu.vector_load %arg10[%parallel_loop3A_349, %parallel_loop3A_350] {strides = array<i32>} : memref<64x64xi32, #tpu.memory_space<vmem>>, vector<16xi32>,
      %parallel_loop3A_352 = arith.index_cast %parallel_loop3A_263 : i32 to index
      %parallel_loop3A_353 = arith.constant 32 : index
      %parallel_loop3A_354 = tpu.vector_load %arg11[%parallel_loop3A_352, %parallel_loop3A_353] {strides = array<i32>} : memref<64x64xi32, #tpu.memory_space<vmem>>, vector<16xi32>,
      %parallel_loop3A_355 = arith.constant 256 : i32
      %parallel_loop3A_356 = vector.broadcast %parallel_loop3A_355 : i32 to vector<16xi32>
      %parallel_loop3A_357 = arith.addi %parallel_loop3A_354, %parallel_loop3A_356 : vector<16xi32>
      %parallel_loop3A_358 = tpu.vector_load_idx %arg7[%parallel_loop3A_264, %parallel_loop3A_351] : memref<64x320xf32, #tpu.memory_space<vmem>>[vector<16xi32>, vector<16xi32>], vector<16xf32>,
      %parallel_loop3A_359 = tpu.vector_load_idx %arg7[%parallel_loop3A_264, %parallel_loop3A_357] : memref<64x320xf32, #tpu.memory_space<vmem>>[vector<16xi32>, vector<16xi32>], vector<16xf32>,
      %parallel_loop3A_360 = arith.addf %parallel_loop3A_358, %parallel_loop3A_359 : vector<16xf32>
      %parallel_loop3A_361 = arith.index_cast %parallel_loop3A_263 : i32 to index
      %parallel_loop3A_362 = arith.constant 48 : index
      %parallel_loop3A_363 = tpu.vector_load %arg10[%parallel_loop3A_361, %parallel_loop3A_362] {strides = array<i32>} : memref<64x64xi32, #tpu.memory_space<vmem>>, vector<16xi32>,
      %parallel_loop3A_364 = arith.index_cast %parallel_loop3A_263 : i32 to index
      %parallel_loop3A_365 = arith.constant 48 : index
      %parallel_loop3A_366 = tpu.vector_load %arg11[%parallel_loop3A_364, %parallel_loop3A_365] {strides = array<i32>} : memref<64x64xi32, #tpu.memory_space<vmem>>, vector<16xi32>,
      %parallel_loop3A_367 = arith.constant 256 : i32
      %parallel_loop3A_368 = vector.broadcast %parallel_loop3A_367 : i32 to vector<16xi32>
      %parallel_loop3A_369 = arith.addi %parallel_loop3A_366, %parallel_loop3A_368 : vector<16xi32>
      %parallel_loop3A_370 = tpu.vector_load_idx %arg7[%parallel_loop3A_264, %parallel_loop3A_363] : memref<64x320xf32, #tpu.memory_space<vmem>>[vector<16xi32>, vector<16xi32>], vector<16xf32>,
      %parallel_loop3A_371 = tpu.vector_load_idx %arg7[%parallel_loop3A_264, %parallel_loop3A_369] : memref<64x320xf32, #tpu.memory_space<vmem>>[vector<16xi32>, vector<16xi32>], vector<16xf32>,
      %parallel_loop3A_372 = arith.addf %parallel_loop3A_370, %parallel_loop3A_371 : vector<16xf32>
      %parallel_loop3A_373 = arith.maximumf %parallel_loop3A_336, %parallel_loop3A_348 : vector<16xf32>
      %parallel_loop3A_374 = arith.maximumf %parallel_loop3A_360, %parallel_loop3A_372 : vector<16xf32>
      %parallel_loop3A_375 = arith.maximumf %parallel_loop3A_373, %parallel_loop3A_374 : vector<16xf32>
      %parallel_loop3A_376 = arith.constant true
      %parallel_loop3A_377 = vector.broadcast %parallel_loop3A_376 : i1 to vector<16xi1>
      %parallel_loop3A_378 = tpu.scan <max>, %parallel_loop3A_375 masked %parallel_loop3A_377 : vector<16xf32>, vector<16xi1> -> vector<16xf32>
      %parallel_loop3A_379 = vector.extract %parallel_loop3A_378[15] : f32 from vector<16xf32>
      %parallel_loop3A_380 = vector.broadcast %parallel_loop3A_379 : f32 to vector<16xf32>
      %parallel_loop3A_381 = arith.subf %parallel_loop3A_336, %parallel_loop3A_380 : vector<16xf32>
      %parallel_loop3A_382 = math.exp %parallel_loop3A_381 : vector<16xf32>
      %parallel_loop3A_383 = vector.broadcast %parallel_loop3A_379 : f32 to vector<16xf32>
      %parallel_loop3A_384 = arith.subf %parallel_loop3A_348, %parallel_loop3A_383 : vector<16xf32>
      %parallel_loop3A_385 = math.exp %parallel_loop3A_384 : vector<16xf32>
      %parallel_loop3A_386 = vector.broadcast %parallel_loop3A_379 : f32 to vector<16xf32>
      %parallel_loop3A_387 = arith.subf %parallel_loop3A_360, %parallel_loop3A_386 : vector<16xf32>
      %parallel_loop3A_388 = math.exp %parallel_loop3A_387 : vector<16xf32>
      %parallel_loop3A_389 = vector.broadcast %parallel_loop3A_379 : f32 to vector<16xf32>
      %parallel_loop3A_390 = arith.subf %parallel_loop3A_372, %parallel_loop3A_389 : vector<16xf32>
      %parallel_loop3A_391 = math.exp %parallel_loop3A_390 : vector<16xf32>
      tpu.vector_store_idx %arg9[%parallel_loop3A_264, %parallel_loop3A_327], %parallel_loop3A_382 : memref<64x320xf32, #tpu.memory_space<vmem>>[vector<16xi32>, vector<16xi32>], vector<16xf32>,
      tpu.vector_store_idx %arg9[%parallel_loop3A_264, %parallel_loop3A_333], %parallel_loop3A_382 {add = true} : memref<64x320xf32, #tpu.memory_space<vmem>>[vector<16xi32>, vector<16xi32>], vector<16xf32>,
      tpu.vector_store_idx %arg9[%parallel_loop3A_264, %parallel_loop3A_339], %parallel_loop3A_385 : memref<64x320xf32, #tpu.memory_space<vmem>>[vector<16xi32>, vector<16xi32>], vector<16xf32>,
      tpu.vector_store_idx %arg9[%parallel_loop3A_264, %parallel_loop3A_345], %parallel_loop3A_385 {add = true} : memref<64x320xf32, #tpu.memory_space<vmem>>[vector<16xi32>, vector<16xi32>], vector<16xf32>,
      tpu.vector_store_idx %arg9[%parallel_loop3A_264, %parallel_loop3A_351], %parallel_loop3A_388 : memref<64x320xf32, #tpu.memory_space<vmem>>[vector<16xi32>, vector<16xi32>], vector<16xf32>,
      tpu.vector_store_idx %arg9[%parallel_loop3A_264, %parallel_loop3A_357], %parallel_loop3A_388 {add = true} : memref<64x320xf32, #tpu.memory_space<vmem>>[vector<16xi32>, vector<16xi32>], vector<16xf32>,
      tpu.vector_store_idx %arg9[%parallel_loop3A_264, %parallel_loop3A_363], %parallel_loop3A_391 : memref<64x320xf32, #tpu.memory_space<vmem>>[vector<16xi32>, vector<16xi32>], vector<16xf32>,
      tpu.vector_store_idx %arg9[%parallel_loop3A_264, %parallel_loop3A_369], %parallel_loop3A_391 {add = true} : memref<64x320xf32, #tpu.memory_space<vmem>>[vector<16xi32>, vector<16xi32>], vector<16xf32>,
    } {sc.loop_unroll_factor = 2 : i64, sc.parallel_access}
    %dma_start3A_129 = arith.constant 0 : i32
    %dma_start3A_130 = tpu.memref_slice %arg5[%select_n3A, %add3A_111, %mul3A_63, %dma_start3A_129] : memref<4x12x256x320xf32, #tpu.memory_space<hbm>> -> memref<1x1x64x320xf32, #tpu.memory_space<hbm>>
    %dma_start3A_131 = tpu.memref_squeeze %dma_start3A_130 : memref<1x1x64x320xf32, #tpu.memory_space<hbm>> -> memref<64x320xf32, #tpu.memory_space<hbm>>
    %dma_start3A_132 = arith.constant 0 : i32
    %dma_start3A_133 = tpu.memref_slice %arg5[%select_n3A, %add3A_111, %mul3A_63, %dma_start3A_132] : memref<4x12x256x320xf32, #tpu.memory_space<hbm>> -> memref<1x1x64x320xf32, #tpu.memory_space<hbm>>
    %dma_start3A_134 = tpu.memref_squeeze %dma_start3A_133 : memref<1x1x64x320xf32, #tpu.memory_space<hbm>> -> memref<64x320xf32, #tpu.memory_space<hbm>>
    tpu.enqueue_dma source(%arg9 : memref<64x320xf32, #tpu.memory_space<vmem>>) target(%dma_start3A_134 : memref<64x320xf32, #tpu.memory_space<hbm>>) target_semaphore(%arg15 : memref<!tpu.dma_semaphore, #tpu.memory_space<semaphore_mem>>)
    %add3A_135 = arith.constant 2 : i32
    %add3A_136 = arith.addi %select_n3A_81, %add3A_135 : i32
    %add3A_137 = arith.constant 1 : i32
    %add3A_138 = arith.addi %add3A_136, %add3A_137 : i32
    %dma_start3A_139 = arith.constant 0 : i32
    %dma_start3A_140 = tpu.memref_slice %arg2[%select_n3A, %add3A_138, %mul3A_63, %dma_start3A_139] : memref<4x12x256x320xf32, #tpu.memory_space<hbm>> -> memref<1x1x64x320xf32, #tpu.memory_space<hbm>>
    %dma_start3A_141 = tpu.memref_squeeze %dma_start3A_140 : memref<1x1x64x320xf32, #tpu.memory_space<hbm>> -> memref<64x320xf32, #tpu.memory_space<hbm>>
    %dma_start3A_142 = arith.constant 0 : i32
    %dma_start3A_143 = tpu.memref_slice %arg2[%select_n3A, %add3A_138, %mul3A_63, %dma_start3A_142] : memref<4x12x256x320xf32, #tpu.memory_space<hbm>> -> memref<1x1x64x320xf32, #tpu.memory_space<hbm>>
    %dma_start3A_144 = tpu.memref_squeeze %dma_start3A_143 : memref<1x1x64x320xf32, #tpu.memory_space<hbm>> -> memref<64x320xf32, #tpu.memory_space<hbm>>
    tpu.enqueue_dma source(%dma_start3A_144 : memref<64x320xf32, #tpu.memory_space<hbm>>) target(%arg7 : memref<64x320xf32, #tpu.memory_space<vmem>>) target_semaphore(%arg13 : memref<!tpu.dma_semaphore, #tpu.memory_space<semaphore_mem>>)
    %dma_wait3A_145 = arith.constant 0 : i32
    %dma_wait3A_146 = tpu.memref_slice %arg2[%select_n3A, %add3A_113, %mul3A_63, %dma_wait3A_145] : memref<4x12x256x320xf32, #tpu.memory_space<hbm>> -> memref<1x1x64x320xf32, #tpu.memory_space<hbm>>
    %dma_wait3A_147 = tpu.memref_squeeze %dma_wait3A_146 : memref<1x1x64x320xf32, #tpu.memory_space<hbm>> -> memref<64x320xf32, #tpu.memory_space<hbm>>
    %dma_wait3A_148 = arith.constant 0 : i32
    %dma_wait3A_149 = tpu.memref_slice %arg2[%select_n3A, %add3A_113, %mul3A_63, %dma_wait3A_148] : memref<4x12x256x320xf32, #tpu.memory_space<hbm>> -> memref<1x1x64x320xf32, #tpu.memory_space<hbm>>
    %dma_wait3A_150 = tpu.memref_squeeze %dma_wait3A_149 : memref<1x1x64x320xf32, #tpu.memory_space<hbm>> -> memref<64x320xf32, #tpu.memory_space<hbm>>
    tpu.wait_dma2 semaphore(%arg12 : memref<!tpu.dma_semaphore, #tpu.memory_space<semaphore_mem>>) src(%dma_wait3A_150 : memref<64x320xf32, #tpu.memory_space<hbm>>) dst(%arg6 : memref<64x320xf32, #tpu.memory_space<vmem>>)
    %dma_wait3A_151 = arith.constant 0 : i32
    %dma_wait3A_152 = tpu.memref_slice %arg5[%select_n3A, %add3A_88, %mul3A_63, %dma_wait3A_151] : memref<4x12x256x320xf32, #tpu.memory_space<hbm>> -> memref<1x1x64x320xf32, #tpu.memory_space<hbm>>
    %dma_wait3A_153 = tpu.memref_squeeze %dma_wait3A_152 : memref<1x1x64x320xf32, #tpu.memory_space<hbm>> -> memref<64x320xf32, #tpu.memory_space<hbm>>
    %dma_wait3A_154 = arith.constant 0 : i32
    %dma_wait3A_155 = tpu.memref_slice %arg5[%select_n3A, %add3A_88, %mul3A_63, %dma_wait3A_154] : memref<4x12x256x320xf32, #tpu.memory_space<hbm>> -> memref<1x1x64x320xf32, #tpu.memory_space<hbm>>
    %dma_wait3A_156 = tpu.memref_squeeze %dma_wait3A_155 : memref<1x1x64x320xf32, #tpu.memory_space<hbm>> -> memref<64x320xf32, #tpu.memory_space<hbm>>
    tpu.wait_dma2 semaphore(%arg14 : memref<!tpu.dma_semaphore, #tpu.memory_space<semaphore_mem>>) src(%arg8 : memref<64x320xf32, #tpu.memory_space<vmem>>) dst(%dma_wait3A_156 : memref<64x320xf32, #tpu.memory_space<hbm>>)
    %parallel_loop3A_157 = arith.constant 0 : i32
    %parallel_loop3A_158 = arith.constant 64 : i32
    %parallel_loop3A_159 = arith.constant 1 : i32
    scf.for %parallel_loop3A_263 = %parallel_loop3A_157 to %parallel_loop3A_158 step %parallel_loop3A_159  : i32 {
      %parallel_loop3A_264 = vector.broadcast %parallel_loop3A_263 : i32 to vector<16xi32>
      %parallel_loop3A_265 = arith.index_cast %parallel_loop3A_263 : i32 to index
      %parallel_loop3A_266 = arith.constant 256 : index
      %parallel_loop3A_267 = tpu.vector_load %arg8[%parallel_loop3A_265, %parallel_loop3A_266] {strides = array<i32>} : memref<64x320xf32, #tpu.memory_space<vmem>>, vector<16xf32>,
      tpu.vector_store %arg8[%parallel_loop3A_265, %parallel_loop3A_266], %broadcast_in_dim3A_1 {strides = array<i32>} : memref<64x320xf32, #tpu.memory_space<vmem>>, vector<16xf32>,
      %parallel_loop3A_268 = arith.index_cast %parallel_loop3A_263 : i32 to index
      %parallel_loop3A_269 = arith.constant 272 : index
      %parallel_loop3A_270 = tpu.vector_load %arg8[%parallel_loop3A_268, %parallel_loop3A_269] {strides = array<i32>} : memref<64x320xf32, #tpu.memory_space<vmem>>, vector<16xf32>,
      tpu.vector_store %arg8[%parallel_loop3A_268, %parallel_loop3A_269], %broadcast_in_dim3A_1 {strides = array<i32>} : memref<64x320xf32, #tpu.memory_space<vmem>>, vector<16xf32>,
      %parallel_loop3A_271 = arith.index_cast %parallel_loop3A_263 : i32 to index
      %parallel_loop3A_272 = arith.constant 288 : index
      %parallel_loop3A_273 = tpu.vector_load %arg8[%parallel_loop3A_271, %parallel_loop3A_272] {strides = array<i32>} : memref<64x320xf32, #tpu.memory_space<vmem>>, vector<16xf32>,
      tpu.vector_store %arg8[%parallel_loop3A_271, %parallel_loop3A_272], %broadcast_in_dim3A_1 {strides = array<i32>} : memref<64x320xf32, #tpu.memory_space<vmem>>, vector<16xf32>,
      %parallel_loop3A_274 = arith.index_cast %parallel_loop3A_263 : i32 to index
      %parallel_loop3A_275 = arith.constant 304 : index
      %parallel_loop3A_276 = tpu.vector_load %arg8[%parallel_loop3A_274, %parallel_loop3A_275] {strides = array<i32>} : memref<64x320xf32, #tpu.memory_space<vmem>>, vector<16xf32>,
      tpu.vector_store %arg8[%parallel_loop3A_274, %parallel_loop3A_275], %broadcast_in_dim3A_1 {strides = array<i32>} : memref<64x320xf32, #tpu.memory_space<vmem>>, vector<16xf32>,
      %parallel_loop3A_277 = arith.index_cast %parallel_loop3A_263 : i32 to index
      %parallel_loop3A_278 = arith.constant 0 : index
      %parallel_loop3A_279 = tpu.vector_load %arg10[%parallel_loop3A_277, %parallel_loop3A_278] {strides = array<i32>} : memref<64x64xi32, #tpu.memory_space<vmem>>, vector<16xi32>,
      %parallel_loop3A_280 = arith.index_cast %parallel_loop3A_263 : i32 to index
      %parallel_loop3A_281 = arith.constant 0 : index
      %parallel_loop3A_282 = tpu.vector_load %arg11[%parallel_loop3A_280, %parallel_loop3A_281] {strides = array<i32>} : memref<64x64xi32, #tpu.memory_space<vmem>>, vector<16xi32>,
      %parallel_loop3A_283 = arith.constant 256 : i32
      %parallel_loop3A_284 = vector.broadcast %parallel_loop3A_283 : i32 to vector<16xi32>
      %parallel_loop3A_285 = arith.addi %parallel_loop3A_282, %parallel_loop3A_284 : vector<16xi32>
      %parallel_loop3A_286 = tpu.vector_load_idx %arg6[%parallel_loop3A_264, %parallel_loop3A_279] : memref<64x320xf32, #tpu.memory_space<vmem>>[vector<16xi32>, vector<16xi32>], vector<16xf32>,
      %parallel_loop3A_287 = tpu.vector_load_idx %arg6[%parallel_loop3A_264, %parallel_loop3A_285] : memref<64x320xf32, #tpu.memory_space<vmem>>[vector<16xi32>, vector<16xi32>], vector<16xf32>,
      %parallel_loop3A_288 = arith.addf %parallel_loop3A_286, %parallel_loop3A_287 : vector<16xf32>
      %parallel_loop3A_289 = arith.index_cast %parallel_loop3A_263 : i32 to index
      %parallel_loop3A_290 = arith.constant 16 : index
      %parallel_loop3A_291 = tpu.vector_load %arg10[%parallel_loop3A_289, %parallel_loop3A_290] {strides = array<i32>} : memref<64x64xi32, #tpu.memory_space<vmem>>, vector<16xi32>,
      %parallel_loop3A_292 = arith.index_cast %parallel_loop3A_263 : i32 to index
      %parallel_loop3A_293 = arith.constant 16 : index
      %parallel_loop3A_294 = tpu.vector_load %arg11[%parallel_loop3A_292, %parallel_loop3A_293] {strides = array<i32>} : memref<64x64xi32, #tpu.memory_space<vmem>>, vector<16xi32>,
      %parallel_loop3A_295 = arith.constant 256 : i32
      %parallel_loop3A_296 = vector.broadcast %parallel_loop3A_295 : i32 to vector<16xi32>
      %parallel_loop3A_297 = arith.addi %parallel_loop3A_294, %parallel_loop3A_296 : vector<16xi32>
      %parallel_loop3A_298 = tpu.vector_load_idx %arg6[%parallel_loop3A_264, %parallel_loop3A_291] : memref<64x320xf32, #tpu.memory_space<vmem>>[vector<16xi32>, vector<16xi32>], vector<16xf32>,
      %parallel_loop3A_299 = tpu.vector_load_idx %arg6[%parallel_loop3A_264, %parallel_loop3A_297] : memref<64x320xf32, #tpu.memory_space<vmem>>[vector<16xi32>, vector<16xi32>], vector<16xf32>,
      %parallel_loop3A_300 = arith.addf %parallel_loop3A_298, %parallel_loop3A_299 : vector<16xf32>
      %parallel_loop3A_301 = arith.index_cast %parallel_loop3A_263 : i32 to index
      %parallel_loop3A_302 = arith.constant 32 : index
      %parallel_loop3A_303 = tpu.vector_load %arg10[%parallel_loop3A_301, %parallel_loop3A_302] {strides = array<i32>} : memref<64x64xi32, #tpu.memory_space<vmem>>, vector<16xi32>,
      %parallel_loop3A_304 = arith.index_cast %parallel_loop3A_263 : i32 to index
      %parallel_loop3A_305 = arith.constant 32 : index
      %parallel_loop3A_306 = tpu.vector_load %arg11[%parallel_loop3A_304, %parallel_loop3A_305] {strides = array<i32>} : memref<64x64xi32, #tpu.memory_space<vmem>>, vector<16xi32>,
      %parallel_loop3A_307 = arith.constant 256 : i32
      %parallel_loop3A_308 = vector.broadcast %parallel_loop3A_307 : i32 to vector<16xi32>
      %parallel_loop3A_309 = arith.addi %parallel_loop3A_306, %parallel_loop3A_308 : vector<16xi32>
      %parallel_loop3A_310 = tpu.vector_load_idx %arg6[%parallel_loop3A_264, %parallel_loop3A_303] : memref<64x320xf32, #tpu.memory_space<vmem>>[vector<16xi32>, vector<16xi32>], vector<16xf32>,
      %parallel_loop3A_311 = tpu.vector_load_idx %arg6[%parallel_loop3A_264, %parallel_loop3A_309] : memref<64x320xf32, #tpu.memory_space<vmem>>[vector<16xi32>, vector<16xi32>], vector<16xf32>,
      %parallel_loop3A_312 = arith.addf %parallel_loop3A_310, %parallel_loop3A_311 : vector<16xf32>
      %parallel_loop3A_313 = arith.index_cast %parallel_loop3A_263 : i32 to index
      %parallel_loop3A_314 = arith.constant 48 : index
      %parallel_loop3A_315 = tpu.vector_load %arg10[%parallel_loop3A_313, %parallel_loop3A_314] {strides = array<i32>} : memref<64x64xi32, #tpu.memory_space<vmem>>, vector<16xi32>,
      %parallel_loop3A_316 = arith.index_cast %parallel_loop3A_263 : i32 to index
      %parallel_loop3A_317 = arith.constant 48 : index
      %parallel_loop3A_318 = tpu.vector_load %arg11[%parallel_loop3A_316, %parallel_loop3A_317] {strides = array<i32>} : memref<64x64xi32, #tpu.memory_space<vmem>>, vector<16xi32>,
      %parallel_loop3A_319 = arith.constant 256 : i32
      %parallel_loop3A_320 = vector.broadcast %parallel_loop3A_319 : i32 to vector<16xi32>
      %parallel_loop3A_321 = arith.addi %parallel_loop3A_318, %parallel_loop3A_320 : vector<16xi32>
      %parallel_loop3A_322 = tpu.vector_load_idx %arg6[%parallel_loop3A_264, %parallel_loop3A_315] : memref<64x320xf32, #tpu.memory_space<vmem>>[vector<16xi32>, vector<16xi32>], vector<16xf32>,
      %parallel_loop3A_323 = tpu.vector_load_idx %arg6[%parallel_loop3A_264, %parallel_loop3A_321] : memref<64x320xf32, #tpu.memory_space<vmem>>[vector<16xi32>, vector<16xi32>], vector<16xf32>,
      %parallel_loop3A_324 = arith.addf %parallel_loop3A_322, %parallel_loop3A_323 : vector<16xf32>
      %parallel_loop3A_325 = arith.maximumf %parallel_loop3A_288, %parallel_loop3A_300 : vector<16xf32>
      %parallel_loop3A_326 = arith.maximumf %parallel_loop3A_312, %parallel_loop3A_324 : vector<16xf32>
      %parallel_loop3A_327 = arith.maximumf %parallel_loop3A_325, %parallel_loop3A_326 : vector<16xf32>
      %parallel_loop3A_328 = arith.constant true
      %parallel_loop3A_329 = vector.broadcast %parallel_loop3A_328 : i1 to vector<16xi1>
      %parallel_loop3A_330 = tpu.scan <max>, %parallel_loop3A_327 masked %parallel_loop3A_329 : vector<16xf32>, vector<16xi1> -> vector<16xf32>
      %parallel_loop3A_331 = vector.extract %parallel_loop3A_330[15] : f32 from vector<16xf32>
      %parallel_loop3A_332 = vector.broadcast %parallel_loop3A_331 : f32 to vector<16xf32>
      %parallel_loop3A_333 = arith.subf %parallel_loop3A_288, %parallel_loop3A_332 : vector<16xf32>
      %parallel_loop3A_334 = math.exp %parallel_loop3A_333 : vector<16xf32>
      %parallel_loop3A_335 = vector.broadcast %parallel_loop3A_331 : f32 to vector<16xf32>
      %parallel_loop3A_336 = arith.subf %parallel_loop3A_300, %parallel_loop3A_335 : vector<16xf32>
      %parallel_loop3A_337 = math.exp %parallel_loop3A_336 : vector<16xf32>
      %parallel_loop3A_338 = vector.broadcast %parallel_loop3A_331 : f32 to vector<16xf32>
      %parallel_loop3A_339 = arith.subf %parallel_loop3A_312, %parallel_loop3A_338 : vector<16xf32>
      %parallel_loop3A_340 = math.exp %parallel_loop3A_339 : vector<16xf32>
      %parallel_loop3A_341 = vector.broadcast %parallel_loop3A_331 : f32 to vector<16xf32>
      %parallel_loop3A_342 = arith.subf %parallel_loop3A_324, %parallel_loop3A_341 : vector<16xf32>
      %parallel_loop3A_343 = math.exp %parallel_loop3A_342 : vector<16xf32>
      tpu.vector_store_idx %arg8[%parallel_loop3A_264, %parallel_loop3A_279], %parallel_loop3A_334 : memref<64x320xf32, #tpu.memory_space<vmem>>[vector<16xi32>, vector<16xi32>], vector<16xf32>,
      tpu.vector_store_idx %arg8[%parallel_loop3A_264, %parallel_loop3A_285], %parallel_loop3A_334 {add = true} : memref<64x320xf32, #tpu.memory_space<vmem>>[vector<16xi32>, vector<16xi32>], vector<16xf32>,
      tpu.vector_store_idx %arg8[%parallel_loop3A_264, %parallel_loop3A_291], %parallel_loop3A_337 : memref<64x320xf32, #tpu.memory_space<vmem>>[vector<16xi32>, vector<16xi32>], vector<16xf32>,
      tpu.vector_store_idx %arg8[%parallel_loop3A_264, %parallel_loop3A_297], %parallel_loop3A_337 {add = true} : memref<64x320xf32, #tpu.memory_space<vmem>>[vector<16xi32>, vector<16xi32>], vector<16xf32>,
      tpu.vector_store_idx %arg8[%parallel_loop3A_264, %parallel_loop3A_303], %parallel_loop3A_340 : memref<64x320xf32, #tpu.memory_space<vmem>>[vector<16xi32>, vector<16xi32>], vector<16xf32>,
      tpu.vector_store_idx %arg8[%parallel_loop3A_264, %parallel_loop3A_309], %parallel_loop3A_340 {add = true} : memref<64x320xf32, #tpu.memory_space<vmem>>[vector<16xi32>, vector<16xi32>], vector<16xf32>,
      tpu.vector_store_idx %arg8[%parallel_loop3A_264, %parallel_loop3A_315], %parallel_loop3A_343 : memref<64x320xf32, #tpu.memory_space<vmem>>[vector<16xi32>, vector<16xi32>], vector<16xf32>,
      tpu.vector_store_idx %arg8[%parallel_loop3A_264, %parallel_loop3A_321], %parallel_loop3A_343 {add = true} : memref<64x320xf32, #tpu.memory_space<vmem>>[vector<16xi32>, vector<16xi32>], vector<16xf32>,
    } {sc.loop_unroll_factor = 2 : i64, sc.parallel_access}
    %dma_start3A_160 = arith.constant 0 : i32
    %dma_start3A_161 = tpu.memref_slice %arg5[%select_n3A, %add3A_136, %mul3A_63, %dma_start3A_160] : memref<4x12x256x320xf32, #tpu.memory_space<hbm>> -> memref<1x1x64x320xf32, #tpu.memory_space<hbm>>
    %dma_start3A_162 = tpu.memref_squeeze %dma_start3A_161 : memref<1x1x64x320xf32, #tpu.memory_space<hbm>> -> memref<64x320xf32, #tpu.memory_space<hbm>>
    %dma_start3A_163 = arith.constant 0 : i32
    %dma_start3A_164 = tpu.memref_slice %arg5[%select_n3A, %add3A_136, %mul3A_63, %dma_start3A_163] : memref<4x12x256x320xf32, #tpu.memory_space<hbm>> -> memref<1x1x64x320xf32, #tpu.memory_space<hbm>>
    %dma_start3A_165 = tpu.memref_squeeze %dma_start3A_164 : memref<1x1x64x320xf32, #tpu.memory_space<hbm>> -> memref<64x320xf32, #tpu.memory_space<hbm>>
    tpu.enqueue_dma source(%arg8 : memref<64x320xf32, #tpu.memory_space<vmem>>) target(%dma_start3A_165 : memref<64x320xf32, #tpu.memory_space<hbm>>) target_semaphore(%arg14 : memref<!tpu.dma_semaphore, #tpu.memory_space<semaphore_mem>>)
    %add3A_166 = arith.constant 3 : i32
    %add3A_167 = arith.addi %select_n3A_81, %add3A_166 : i32
    %add3A_168 = arith.constant 1 : i32
    %add3A_169 = arith.addi %add3A_167, %add3A_168 : i32
    %dma_start3A_170 = arith.constant 0 : i32
    %dma_start3A_171 = tpu.memref_slice %arg2[%select_n3A, %add3A_169, %mul3A_63, %dma_start3A_170] : memref<4x12x256x320xf32, #tpu.memory_space<hbm>> -> memref<1x1x64x320xf32, #tpu.memory_space<hbm>>
    %dma_start3A_172 = tpu.memref_squeeze %dma_start3A_171 : memref<1x1x64x320xf32, #tpu.memory_space<hbm>> -> memref<64x320xf32, #tpu.memory_space<hbm>>
    %dma_start3A_173 = arith.constant 0 : i32
    %dma_start3A_174 = tpu.memref_slice %arg2[%select_n3A, %add3A_169, %mul3A_63, %dma_start3A_173] : memref<4x12x256x320xf32, #tpu.memory_space<hbm>> -> memref<1x1x64x320xf32, #tpu.memory_space<hbm>>
    %dma_start3A_175 = tpu.memref_squeeze %dma_start3A_174 : memref<1x1x64x320xf32, #tpu.memory_space<hbm>> -> memref<64x320xf32, #tpu.memory_space<hbm>>
    tpu.enqueue_dma source(%dma_start3A_175 : memref<64x320xf32, #tpu.memory_space<hbm>>) target(%arg6 : memref<64x320xf32, #tpu.memory_space<vmem>>) target_semaphore(%arg12 : memref<!tpu.dma_semaphore, #tpu.memory_space<semaphore_mem>>)
    %dma_wait3A_176 = arith.constant 0 : i32
    %dma_wait3A_177 = tpu.memref_slice %arg2[%select_n3A, %add3A_138, %mul3A_63, %dma_wait3A_176] : memref<4x12x256x320xf32, #tpu.memory_space<hbm>> -> memref<1x1x64x320xf32, #tpu.memory_space<hbm>>
    %dma_wait3A_178 = tpu.memref_squeeze %dma_wait3A_177 : memref<1x1x64x320xf32, #tpu.memory_space<hbm>> -> memref<64x320xf32, #tpu.memory_space<hbm>>
    %dma_wait3A_179 = arith.constant 0 : i32
    %dma_wait3A_180 = tpu.memref_slice %arg2[%select_n3A, %add3A_138, %mul3A_63, %dma_wait3A_179] : memref<4x12x256x320xf32, #tpu.memory_space<hbm>> -> memref<1x1x64x320xf32, #tpu.memory_space<hbm>>
    %dma_wait3A_181 = tpu.memref_squeeze %dma_wait3A_180 : memref<1x1x64x320xf32, #tpu.memory_space<hbm>> -> memref<64x320xf32, #tpu.memory_space<hbm>>
    tpu.wait_dma2 semaphore(%arg13 : memref<!tpu.dma_semaphore, #tpu.memory_space<semaphore_mem>>) src(%dma_wait3A_181 : memref<64x320xf32, #tpu.memory_space<hbm>>) dst(%arg7 : memref<64x320xf32, #tpu.memory_space<vmem>>)
    %dma_wait3A_182 = arith.constant 0 : i32
    %dma_wait3A_183 = tpu.memref_slice %arg5[%select_n3A, %add3A_111, %mul3A_63, %dma_wait3A_182] : memref<4x12x256x320xf32, #tpu.memory_space<hbm>> -> memref<1x1x64x320xf32, #tpu.memory_space<hbm>>
    %dma_wait3A_184 = tpu.memref_squeeze %dma_wait3A_183 : memref<1x1x64x320xf32, #tpu.memory_space<hbm>> -> memref<64x320xf32, #tpu.memory_space<hbm>>
    %dma_wait3A_185 = arith.constant 0 : i32
    %dma_wait3A_186 = tpu.memref_slice %arg5[%select_n3A, %add3A_111, %mul3A_63, %dma_wait3A_185] : memref<4x12x256x320xf32, #tpu.memory_space<hbm>> -> memref<1x1x64x320xf32, #tpu.memory_space<hbm>>
    %dma_wait3A_187 = tpu.memref_squeeze %dma_wait3A_186 : memref<1x1x64x320xf32, #tpu.memory_space<hbm>> -> memref<64x320xf32, #tpu.memory_space<hbm>>
    tpu.wait_dma2 semaphore(%arg15 : memref<!tpu.dma_semaphore, #tpu.memory_space<semaphore_mem>>) src(%arg9 : memref<64x320xf32, #tpu.memory_space<vmem>>) dst(%dma_wait3A_187 : memref<64x320xf32, #tpu.memory_space<hbm>>)
    %parallel_loop3A_188 = arith.constant 0 : i32
    %parallel_loop3A_189 = arith.constant 64 : i32
    %parallel_loop3A_190 = arith.constant 1 : i32
    scf.for %parallel_loop3A_263 = %parallel_loop3A_188 to %parallel_loop3A_189 step %parallel_loop3A_190  : i32 {
      %parallel_loop3A_264 = vector.broadcast %parallel_loop3A_263 : i32 to vector<16xi32>
      %parallel_loop3A_265 = arith.index_cast %parallel_loop3A_263 : i32 to index
      %parallel_loop3A_266 = arith.constant 256 : index
      %parallel_loop3A_267 = tpu.vector_load %arg9[%parallel_loop3A_265, %parallel_loop3A_266] {strides = array<i32>} : memref<64x320xf32, #tpu.memory_space<vmem>>, vector<16xf32>,
      tpu.vector_store %arg9[%parallel_loop3A_265, %parallel_loop3A_266], %broadcast_in_dim3A_1 {strides = array<i32>} : memref<64x320xf32, #tpu.memory_space<vmem>>, vector<16xf32>,
      %parallel_loop3A_268 = arith.index_cast %parallel_loop3A_263 : i32 to index
      %parallel_loop3A_269 = arith.constant 272 : index
      %parallel_loop3A_270 = tpu.vector_load %arg9[%parallel_loop3A_268, %parallel_loop3A_269] {strides = array<i32>} : memref<64x320xf32, #tpu.memory_space<vmem>>, vector<16xf32>,
      tpu.vector_store %arg9[%parallel_loop3A_268, %parallel_loop3A_269], %broadcast_in_dim3A_1 {strides = array<i32>} : memref<64x320xf32, #tpu.memory_space<vmem>>, vector<16xf32>,
      %parallel_loop3A_271 = arith.index_cast %parallel_loop3A_263 : i32 to index
      %parallel_loop3A_272 = arith.constant 288 : index
      %parallel_loop3A_273 = tpu.vector_load %arg9[%parallel_loop3A_271, %parallel_loop3A_272] {strides = array<i32>} : memref<64x320xf32, #tpu.memory_space<vmem>>, vector<16xf32>,
      tpu.vector_store %arg9[%parallel_loop3A_271, %parallel_loop3A_272], %broadcast_in_dim3A_1 {strides = array<i32>} : memref<64x320xf32, #tpu.memory_space<vmem>>, vector<16xf32>,
      %parallel_loop3A_274 = arith.index_cast %parallel_loop3A_263 : i32 to index
      %parallel_loop3A_275 = arith.constant 304 : index
      %parallel_loop3A_276 = tpu.vector_load %arg9[%parallel_loop3A_274, %parallel_loop3A_275] {strides = array<i32>} : memref<64x320xf32, #tpu.memory_space<vmem>>, vector<16xf32>,
      tpu.vector_store %arg9[%parallel_loop3A_274, %parallel_loop3A_275], %broadcast_in_dim3A_1 {strides = array<i32>} : memref<64x320xf32, #tpu.memory_space<vmem>>, vector<16xf32>,
      %parallel_loop3A_277 = arith.index_cast %parallel_loop3A_263 : i32 to index
      %parallel_loop3A_278 = arith.constant 0 : index
      %parallel_loop3A_279 = tpu.vector_load %arg10[%parallel_loop3A_277, %parallel_loop3A_278] {strides = array<i32>} : memref<64x64xi32, #tpu.memory_space<vmem>>, vector<16xi32>,
      %parallel_loop3A_280 = arith.index_cast %parallel_loop3A_263 : i32 to index
      %parallel_loop3A_281 = arith.constant 0 : index
      %parallel_loop3A_282 = tpu.vector_load %arg11[%parallel_loop3A_280, %parallel_loop3A_281] {strides = array<i32>} : memref<64x64xi32, #tpu.memory_space<vmem>>, vector<16xi32>,
      %parallel_loop3A_283 = arith.constant 256 : i32
      %parallel_loop3A_284 = vector.broadcast %parallel_loop3A_283 : i32 to vector<16xi32>
      %parallel_loop3A_285 = arith.addi %parallel_loop3A_282, %parallel_loop3A_284 : vector<16xi32>
      %parallel_loop3A_286 = tpu.vector_load_idx %arg7[%parallel_loop3A_264, %parallel_loop3A_279] : memref<64x320xf32, #tpu.memory_space<vmem>>[vector<16xi32>, vector<16xi32>], vector<16xf32>,
      %parallel_loop3A_287 = tpu.vector_load_idx %arg7[%parallel_loop3A_264, %parallel_loop3A_285] : memref<64x320xf32, #tpu.memory_space<vmem>>[vector<16xi32>, vector<16xi32>], vector<16xf32>,
      %parallel_loop3A_288 = arith.addf %parallel_loop3A_286, %parallel_loop3A_287 : vector<16xf32>
      %parallel_loop3A_289 = arith.index_cast %parallel_loop3A_263 : i32 to index
      %parallel_loop3A_290 = arith.constant 16 : index
      %parallel_loop3A_291 = tpu.vector_load %arg10[%parallel_loop3A_289, %parallel_loop3A_290] {strides = array<i32>} : memref<64x64xi32, #tpu.memory_space<vmem>>, vector<16xi32>,
      %parallel_loop3A_292 = arith.index_cast %parallel_loop3A_263 : i32 to index
      %parallel_loop3A_293 = arith.constant 16 : index
      %parallel_loop3A_294 = tpu.vector_load %arg11[%parallel_loop3A_292, %parallel_loop3A_293] {strides = array<i32>} : memref<64x64xi32, #tpu.memory_space<vmem>>, vector<16xi32>,
      %parallel_loop3A_295 = arith.constant 256 : i32
      %parallel_loop3A_296 = vector.broadcast %parallel_loop3A_295 : i32 to vector<16xi32>
      %parallel_loop3A_297 = arith.addi %parallel_loop3A_294, %parallel_loop3A_296 : vector<16xi32>
      %parallel_loop3A_298 = tpu.vector_load_idx %arg7[%parallel_loop3A_264, %parallel_loop3A_291] : memref<64x320xf32, #tpu.memory_space<vmem>>[vector<16xi32>, vector<16xi32>], vector<16xf32>,
      %parallel_loop3A_299 = tpu.vector_load_idx %arg7[%parallel_loop3A_264, %parallel_loop3A_297] : memref<64x320xf32, #tpu.memory_space<vmem>>[vector<16xi32>, vector<16xi32>], vector<16xf32>,
      %parallel_loop3A_300 = arith.addf %parallel_loop3A_298, %parallel_loop3A_299 : vector<16xf32>
      %parallel_loop3A_301 = arith.index_cast %parallel_loop3A_263 : i32 to index
      %parallel_loop3A_302 = arith.constant 32 : index
      %parallel_loop3A_303 = tpu.vector_load %arg10[%parallel_loop3A_301, %parallel_loop3A_302] {strides = array<i32>} : memref<64x64xi32, #tpu.memory_space<vmem>>, vector<16xi32>,
      %parallel_loop3A_304 = arith.index_cast %parallel_loop3A_263 : i32 to index
      %parallel_loop3A_305 = arith.constant 32 : index
      %parallel_loop3A_306 = tpu.vector_load %arg11[%parallel_loop3A_304, %parallel_loop3A_305] {strides = array<i32>} : memref<64x64xi32, #tpu.memory_space<vmem>>, vector<16xi32>,
      %parallel_loop3A_307 = arith.constant 256 : i32
      %parallel_loop3A_308 = vector.broadcast %parallel_loop3A_307 : i32 to vector<16xi32>
      %parallel_loop3A_309 = arith.addi %parallel_loop3A_306, %parallel_loop3A_308 : vector<16xi32>
      %parallel_loop3A_310 = tpu.vector_load_idx %arg7[%parallel_loop3A_264, %parallel_loop3A_303] : memref<64x320xf32, #tpu.memory_space<vmem>>[vector<16xi32>, vector<16xi32>], vector<16xf32>,
      %parallel_loop3A_311 = tpu.vector_load_idx %arg7[%parallel_loop3A_264, %parallel_loop3A_309] : memref<64x320xf32, #tpu.memory_space<vmem>>[vector<16xi32>, vector<16xi32>], vector<16xf32>,
      %parallel_loop3A_312 = arith.addf %parallel_loop3A_310, %parallel_loop3A_311 : vector<16xf32>
      %parallel_loop3A_313 = arith.index_cast %parallel_loop3A_263 : i32 to index
      %parallel_loop3A_314 = arith.constant 48 : index
      %parallel_loop3A_315 = tpu.vector_load %arg10[%parallel_loop3A_313, %parallel_loop3A_314] {strides = array<i32>} : memref<64x64xi32, #tpu.memory_space<vmem>>, vector<16xi32>,
      %parallel_loop3A_316 = arith.index_cast %parallel_loop3A_263 : i32 to index
      %parallel_loop3A_317 = arith.constant 48 : index
      %parallel_loop3A_318 = tpu.vector_load %arg11[%parallel_loop3A_316, %parallel_loop3A_317] {strides = array<i32>} : memref<64x64xi32, #tpu.memory_space<vmem>>, vector<16xi32>,
      %parallel_loop3A_319 = arith.constant 256 : i32
      %parallel_loop3A_320 = vector.broadcast %parallel_loop3A_319 : i32 to vector<16xi32>
      %parallel_loop3A_321 = arith.addi %parallel_loop3A_318, %parallel_loop3A_320 : vector<16xi32>
      %parallel_loop3A_322 = tpu.vector_load_idx %arg7[%parallel_loop3A_264, %parallel_loop3A_315] : memref<64x320xf32, #tpu.memory_space<vmem>>[vector<16xi32>, vector<16xi32>], vector<16xf32>,
      %parallel_loop3A_323 = tpu.vector_load_idx %arg7[%parallel_loop3A_264, %parallel_loop3A_321] : memref<64x320xf32, #tpu.memory_space<vmem>>[vector<16xi32>, vector<16xi32>], vector<16xf32>,
      %parallel_loop3A_324 = arith.addf %parallel_loop3A_322, %parallel_loop3A_323 : vector<16xf32>
      %parallel_loop3A_325 = arith.maximumf %parallel_loop3A_288, %parallel_loop3A_300 : vector<16xf32>
      %parallel_loop3A_326 = arith.maximumf %parallel_loop3A_312, %parallel_loop3A_324 : vector<16xf32>
      %parallel_loop3A_327 = arith.maximumf %parallel_loop3A_325, %parallel_loop3A_326 : vector<16xf32>
      %parallel_loop3A_328 = arith.constant true
      %parallel_loop3A_329 = vector.broadcast %parallel_loop3A_328 : i1 to vector<16xi1>
      %parallel_loop3A_330 = tpu.scan <max>, %parallel_loop3A_327 masked %parallel_loop3A_329 : vector<16xf32>, vector<16xi1> -> vector<16xf32>
      %parallel_loop3A_331 = vector.extract %parallel_loop3A_330[15] : f32 from vector<16xf32>
      %parallel_loop3A_332 = vector.broadcast %parallel_loop3A_331 : f32 to vector<16xf32>
      %parallel_loop3A_333 = arith.subf %parallel_loop3A_288, %parallel_loop3A_332 : vector<16xf32>
      %parallel_loop3A_334 = math.exp %parallel_loop3A_333 : vector<16xf32>
      %parallel_loop3A_335 = vector.broadcast %parallel_loop3A_331 : f32 to vector<16xf32>
      %parallel_loop3A_336 = arith.subf %parallel_loop3A_300, %parallel_loop3A_335 : vector<16xf32>
      %parallel_loop3A_337 = math.exp %parallel_loop3A_336 : vector<16xf32>
      %parallel_loop3A_338 = vector.broadcast %parallel_loop3A_331 : f32 to vector<16xf32>
      %parallel_loop3A_339 = arith.subf %parallel_loop3A_312, %parallel_loop3A_338 : vector<16xf32>
      %parallel_loop3A_340 = math.exp %parallel_loop3A_339 : vector<16xf32>
      %parallel_loop3A_341 = vector.broadcast %parallel_loop3A_331 : f32 to vector<16xf32>
      %parallel_loop3A_342 = arith.subf %parallel_loop3A_324, %parallel_loop3A_341 : vector<16xf32>
      %parallel_loop3A_343 = math.exp %parallel_loop3A_342 : vector<16xf32>
      tpu.vector_store_idx %arg9[%parallel_loop3A_264, %parallel_loop3A_279], %parallel_loop3A_334 : memref<64x320xf32, #tpu.memory_space<vmem>>[vector<16xi32>, vector<16xi32>], vector<16xf32>,
      tpu.vector_store_idx %arg9[%parallel_loop3A_264, %parallel_loop3A_285], %parallel_loop3A_334 {add = true} : memref<64x320xf32, #tpu.memory_space<vmem>>[vector<16xi32>, vector<16xi32>], vector<16xf32>,
      tpu.vector_store_idx %arg9[%parallel_loop3A_264, %parallel_loop3A_291], %parallel_loop3A_337 : memref<64x320xf32, #tpu.memory_space<vmem>>[vector<16xi32>, vector<16xi32>], vector<16xf32>,
      tpu.vector_store_idx %arg9[%parallel_loop3A_264, %parallel_loop3A_297], %parallel_loop3A_337 {add = true} : memref<64x320xf32, #tpu.memory_space<vmem>>[vector<16xi32>, vector<16xi32>], vector<16xf32>,
      tpu.vector_store_idx %arg9[%parallel_loop3A_264, %parallel_loop3A_303], %parallel_loop3A_340 : memref<64x320xf32, #tpu.memory_space<vmem>>[vector<16xi32>, vector<16xi32>], vector<16xf32>,
      tpu.vector_store_idx %arg9[%parallel_loop3A_264, %parallel_loop3A_309], %parallel_loop3A_340 {add = true} : memref<64x320xf32, #tpu.memory_space<vmem>>[vector<16xi32>, vector<16xi32>], vector<16xf32>,
      tpu.vector_store_idx %arg9[%parallel_loop3A_264, %parallel_loop3A_315], %parallel_loop3A_343 : memref<64x320xf32, #tpu.memory_space<vmem>>[vector<16xi32>, vector<16xi32>], vector<16xf32>,
      tpu.vector_store_idx %arg9[%parallel_loop3A_264, %parallel_loop3A_321], %parallel_loop3A_343 {add = true} : memref<64x320xf32, #tpu.memory_space<vmem>>[vector<16xi32>, vector<16xi32>], vector<16xf32>,
    } {sc.loop_unroll_factor = 2 : i64, sc.parallel_access}
    %dma_start3A_191 = arith.constant 0 : i32
    %dma_start3A_192 = tpu.memref_slice %arg5[%select_n3A, %add3A_167, %mul3A_63, %dma_start3A_191] : memref<4x12x256x320xf32, #tpu.memory_space<hbm>> -> memref<1x1x64x320xf32, #tpu.memory_space<hbm>>
    %dma_start3A_193 = tpu.memref_squeeze %dma_start3A_192 : memref<1x1x64x320xf32, #tpu.memory_space<hbm>> -> memref<64x320xf32, #tpu.memory_space<hbm>>
    %dma_start3A_194 = arith.constant 0 : i32
    %dma_start3A_195 = tpu.memref_slice %arg5[%select_n3A, %add3A_167, %mul3A_63, %dma_start3A_194] : memref<4x12x256x320xf32, #tpu.memory_space<hbm>> -> memref<1x1x64x320xf32, #tpu.memory_space<hbm>>
    %dma_start3A_196 = tpu.memref_squeeze %dma_start3A_195 : memref<1x1x64x320xf32, #tpu.memory_space<hbm>> -> memref<64x320xf32, #tpu.memory_space<hbm>>
    tpu.enqueue_dma source(%arg9 : memref<64x320xf32, #tpu.memory_space<vmem>>) target(%dma_start3A_196 : memref<64x320xf32, #tpu.memory_space<hbm>>) target_semaphore(%arg15 : memref<!tpu.dma_semaphore, #tpu.memory_space<semaphore_mem>>)
    %add3A_197 = arith.constant 4 : i32
    %add3A_198 = arith.addi %select_n3A_81, %add3A_197 : i32
    %add3A_199 = arith.constant 1 : i32
    %add3A_200 = arith.addi %add3A_198, %add3A_199 : i32
    %dma_start3A_201 = arith.constant 0 : i32
    %dma_start3A_202 = tpu.memref_slice %arg2[%select_n3A, %add3A_200, %mul3A_63, %dma_start3A_201] : memref<4x12x256x320xf32, #tpu.memory_space<hbm>> -> memref<1x1x64x320xf32, #tpu.memory_space<hbm>>
    %dma_start3A_203 = tpu.memref_squeeze %dma_start3A_202 : memref<1x1x64x320xf32, #tpu.memory_space<hbm>> -> memref<64x320xf32, #tpu.memory_space<hbm>>
    %dma_start3A_204 = arith.constant 0 : i32
    %dma_start3A_205 = tpu.memref_slice %arg2[%select_n3A, %add3A_200, %mul3A_63, %dma_start3A_204] : memref<4x12x256x320xf32, #tpu.memory_space<hbm>> -> memref<1x1x64x320xf32, #tpu.memory_space<hbm>>
    %dma_start3A_206 = tpu.memref_squeeze %dma_start3A_205 : memref<1x1x64x320xf32, #tpu.memory_space<hbm>> -> memref<64x320xf32, #tpu.memory_space<hbm>>
    tpu.enqueue_dma source(%dma_start3A_206 : memref<64x320xf32, #tpu.memory_space<hbm>>) target(%arg7 : memref<64x320xf32, #tpu.memory_space<vmem>>) target_semaphore(%arg13 : memref<!tpu.dma_semaphore, #tpu.memory_space<semaphore_mem>>)
    %dma_wait3A_207 = arith.constant 0 : i32
    %dma_wait3A_208 = tpu.memref_slice %arg2[%select_n3A, %add3A_169, %mul3A_63, %dma_wait3A_207] : memref<4x12x256x320xf32, #tpu.memory_space<hbm>> -> memref<1x1x64x320xf32, #tpu.memory_space<hbm>>
    %dma_wait3A_209 = tpu.memref_squeeze %dma_wait3A_208 : memref<1x1x64x320xf32, #tpu.memory_space<hbm>> -> memref<64x320xf32, #tpu.memory_space<hbm>>
    %dma_wait3A_210 = arith.constant 0 : i32
    %dma_wait3A_211 = tpu.memref_slice %arg2[%select_n3A, %add3A_169, %mul3A_63, %dma_wait3A_210] : memref<4x12x256x320xf32, #tpu.memory_space<hbm>> -> memref<1x1x64x320xf32, #tpu.memory_space<hbm>>
    %dma_wait3A_212 = tpu.memref_squeeze %dma_wait3A_211 : memref<1x1x64x320xf32, #tpu.memory_space<hbm>> -> memref<64x320xf32, #tpu.memory_space<hbm>>
    tpu.wait_dma2 semaphore(%arg12 : memref<!tpu.dma_semaphore, #tpu.memory_space<semaphore_mem>>) src(%dma_wait3A_212 : memref<64x320xf32, #tpu.memory_space<hbm>>) dst(%arg6 : memref<64x320xf32, #tpu.memory_space<vmem>>)
    %dma_wait3A_213 = arith.constant 0 : i32
    %dma_wait3A_214 = tpu.memref_slice %arg5[%select_n3A, %add3A_136, %mul3A_63, %dma_wait3A_213] : memref<4x12x256x320xf32, #tpu.memory_space<hbm>> -> memref<1x1x64x320xf32, #tpu.memory_space<hbm>>
    %dma_wait3A_215 = tpu.memref_squeeze %dma_wait3A_214 : memref<1x1x64x320xf32, #tpu.memory_space<hbm>> -> memref<64x320xf32, #tpu.memory_space<hbm>>
    %dma_wait3A_216 = arith.constant 0 : i32
    %dma_wait3A_217 = tpu.memref_slice %arg5[%select_n3A, %add3A_136, %mul3A_63, %dma_wait3A_216] : memref<4x12x256x320xf32, #tpu.memory_space<hbm>> -> memref<1x1x64x320xf32, #tpu.memory_space<hbm>>
    %dma_wait3A_218 = tpu.memref_squeeze %dma_wait3A_217 : memref<1x1x64x320xf32, #tpu.memory_space<hbm>> -> memref<64x320xf32, #tpu.memory_space<hbm>>
    tpu.wait_dma2 semaphore(%arg14 : memref<!tpu.dma_semaphore, #tpu.memory_space<semaphore_mem>>) src(%arg8 : memref<64x320xf32, #tpu.memory_space<vmem>>) dst(%dma_wait3A_218 : memref<64x320xf32, #tpu.memory_space<hbm>>)
    %parallel_loop3A_219 = arith.constant 0 : i32
    %parallel_loop3A_220 = arith.constant 64 : i32
    %parallel_loop3A_221 = arith.constant 1 : i32
    scf.for %parallel_loop3A_263 = %parallel_loop3A_219 to %parallel_loop3A_220 step %parallel_loop3A_221  : i32 {
      %parallel_loop3A_264 = vector.broadcast %parallel_loop3A_263 : i32 to vector<16xi32>
      %parallel_loop3A_265 = arith.index_cast %parallel_loop3A_263 : i32 to index
      %parallel_loop3A_266 = arith.constant 256 : index
      %parallel_loop3A_267 = tpu.vector_load %arg8[%parallel_loop3A_265, %parallel_loop3A_266] {strides = array<i32>} : memref<64x320xf32, #tpu.memory_space<vmem>>, vector<16xf32>,
      tpu.vector_store %arg8[%parallel_loop3A_265, %parallel_loop3A_266], %broadcast_in_dim3A_1 {strides = array<i32>} : memref<64x320xf32, #tpu.memory_space<vmem>>, vector<16xf32>,
      %parallel_loop3A_268 = arith.index_cast %parallel_loop3A_263 : i32 to index
      %parallel_loop3A_269 = arith.constant 272 : index
      %parallel_loop3A_270 = tpu.vector_load %arg8[%parallel_loop3A_268, %parallel_loop3A_269] {strides = array<i32>} : memref<64x320xf32, #tpu.memory_space<vmem>>, vector<16xf32>,
      tpu.vector_store %arg8[%parallel_loop3A_268, %parallel_loop3A_269], %broadcast_in_dim3A_1 {strides = array<i32>} : memref<64x320xf32, #tpu.memory_space<vmem>>, vector<16xf32>,
      %parallel_loop3A_271 = arith.index_cast %parallel_loop3A_263 : i32 to index
      %parallel_loop3A_272 = arith.constant 288 : index
      %parallel_loop3A_273 = tpu.vector_load %arg8[%parallel_loop3A_271, %parallel_loop3A_272] {strides = array<i32>} : memref<64x320xf32, #tpu.memory_space<vmem>>, vector<16xf32>,
      tpu.vector_store %arg8[%parallel_loop3A_271, %parallel_loop3A_272], %broadcast_in_dim3A_1 {strides = array<i32>} : memref<64x320xf32, #tpu.memory_space<vmem>>, vector<16xf32>,
      %parallel_loop3A_274 = arith.index_cast %parallel_loop3A_263 : i32 to index
      %parallel_loop3A_275 = arith.constant 304 : index
      %parallel_loop3A_276 = tpu.vector_load %arg8[%parallel_loop3A_274, %parallel_loop3A_275] {strides = array<i32>} : memref<64x320xf32, #tpu.memory_space<vmem>>, vector<16xf32>,
      tpu.vector_store %arg8[%parallel_loop3A_274, %parallel_loop3A_275], %broadcast_in_dim3A_1 {strides = array<i32>} : memref<64x320xf32, #tpu.memory_space<vmem>>, vector<16xf32>,
      %parallel_loop3A_277 = arith.index_cast %parallel_loop3A_263 : i32 to index
      %parallel_loop3A_278 = arith.constant 0 : index
      %parallel_loop3A_279 = tpu.vector_load %arg10[%parallel_loop3A_277, %parallel_loop3A_278] {strides = array<i32>} : memref<64x64xi32, #tpu.memory_space<vmem>>, vector<16xi32>,
      %parallel_loop3A_280 = arith.index_cast %parallel_loop3A_263 : i32 to index
      %parallel_loop3A_281 = arith.constant 0 : index
      %parallel_loop3A_282 = tpu.vector_load %arg11[%parallel_loop3A_280, %parallel_loop3A_281] {strides = array<i32>} : memref<64x64xi32, #tpu.memory_space<vmem>>, vector<16xi32>,
      %parallel_loop3A_283 = arith.constant 256 : i32
      %parallel_loop3A_284 = vector.broadcast %parallel_loop3A_283 : i32 to vector<16xi32>
      %parallel_loop3A_285 = arith.addi %parallel_loop3A_282, %parallel_loop3A_284 : vector<16xi32>
      %parallel_loop3A_286 = tpu.vector_load_idx %arg6[%parallel_loop3A_264, %parallel_loop3A_279] : memref<64x320xf32, #tpu.memory_space<vmem>>[vector<16xi32>, vector<16xi32>], vector<16xf32>,
      %parallel_loop3A_287 = tpu.vector_load_idx %arg6[%parallel_loop3A_264, %parallel_loop3A_285] : memref<64x320xf32, #tpu.memory_space<vmem>>[vector<16xi32>, vector<16xi32>], vector<16xf32>,
      %parallel_loop3A_288 = arith.addf %parallel_loop3A_286, %parallel_loop3A_287 : vector<16xf32>
      %parallel_loop3A_289 = arith.index_cast %parallel_loop3A_263 : i32 to index
      %parallel_loop3A_290 = arith.constant 16 : index
      %parallel_loop3A_291 = tpu.vector_load %arg10[%parallel_loop3A_289, %parallel_loop3A_290] {strides = array<i32>} : memref<64x64xi32, #tpu.memory_space<vmem>>, vector<16xi32>,
      %parallel_loop3A_292 = arith.index_cast %parallel_loop3A_263 : i32 to index
      %parallel_loop3A_293 = arith.constant 16 : index
      %parallel_loop3A_294 = tpu.vector_load %arg11[%parallel_loop3A_292, %parallel_loop3A_293] {strides = array<i32>} : memref<64x64xi32, #tpu.memory_space<vmem>>, vector<16xi32>,
      %parallel_loop3A_295 = arith.constant 256 : i32
      %parallel_loop3A_296 = vector.broadcast %parallel_loop3A_295 : i32 to vector<16xi32>
      %parallel_loop3A_297 = arith.addi %parallel_loop3A_294, %parallel_loop3A_296 : vector<16xi32>
      %parallel_loop3A_298 = tpu.vector_load_idx %arg6[%parallel_loop3A_264, %parallel_loop3A_291] : memref<64x320xf32, #tpu.memory_space<vmem>>[vector<16xi32>, vector<16xi32>], vector<16xf32>,
      %parallel_loop3A_299 = tpu.vector_load_idx %arg6[%parallel_loop3A_264, %parallel_loop3A_297] : memref<64x320xf32, #tpu.memory_space<vmem>>[vector<16xi32>, vector<16xi32>], vector<16xf32>,
      %parallel_loop3A_300 = arith.addf %parallel_loop3A_298, %parallel_loop3A_299 : vector<16xf32>
      %parallel_loop3A_301 = arith.index_cast %parallel_loop3A_263 : i32 to index
      %parallel_loop3A_302 = arith.constant 32 : index
      %parallel_loop3A_303 = tpu.vector_load %arg10[%parallel_loop3A_301, %parallel_loop3A_302] {strides = array<i32>} : memref<64x64xi32, #tpu.memory_space<vmem>>, vector<16xi32>,
      %parallel_loop3A_304 = arith.index_cast %parallel_loop3A_263 : i32 to index
      %parallel_loop3A_305 = arith.constant 32 : index
      %parallel_loop3A_306 = tpu.vector_load %arg11[%parallel_loop3A_304, %parallel_loop3A_305] {strides = array<i32>} : memref<64x64xi32, #tpu.memory_space<vmem>>, vector<16xi32>,
      %parallel_loop3A_307 = arith.constant 256 : i32
      %parallel_loop3A_308 = vector.broadcast %parallel_loop3A_307 : i32 to vector<16xi32>
      %parallel_loop3A_309 = arith.addi %parallel_loop3A_306, %parallel_loop3A_308 : vector<16xi32>
      %parallel_loop3A_310 = tpu.vector_load_idx %arg6[%parallel_loop3A_264, %parallel_loop3A_303] : memref<64x320xf32, #tpu.memory_space<vmem>>[vector<16xi32>, vector<16xi32>], vector<16xf32>,
      %parallel_loop3A_311 = tpu.vector_load_idx %arg6[%parallel_loop3A_264, %parallel_loop3A_309] : memref<64x320xf32, #tpu.memory_space<vmem>>[vector<16xi32>, vector<16xi32>], vector<16xf32>,
      %parallel_loop3A_312 = arith.addf %parallel_loop3A_310, %parallel_loop3A_311 : vector<16xf32>
      %parallel_loop3A_313 = arith.index_cast %parallel_loop3A_263 : i32 to index
      %parallel_loop3A_314 = arith.constant 48 : index
      %parallel_loop3A_315 = tpu.vector_load %arg10[%parallel_loop3A_313, %parallel_loop3A_314] {strides = array<i32>} : memref<64x64xi32, #tpu.memory_space<vmem>>, vector<16xi32>,
      %parallel_loop3A_316 = arith.index_cast %parallel_loop3A_263 : i32 to index
      %parallel_loop3A_317 = arith.constant 48 : index
      %parallel_loop3A_318 = tpu.vector_load %arg11[%parallel_loop3A_316, %parallel_loop3A_317] {strides = array<i32>} : memref<64x64xi32, #tpu.memory_space<vmem>>, vector<16xi32>,
      %parallel_loop3A_319 = arith.constant 256 : i32
      %parallel_loop3A_320 = vector.broadcast %parallel_loop3A_319 : i32 to vector<16xi32>
      %parallel_loop3A_321 = arith.addi %parallel_loop3A_318, %parallel_loop3A_320 : vector<16xi32>
      %parallel_loop3A_322 = tpu.vector_load_idx %arg6[%parallel_loop3A_264, %parallel_loop3A_315] : memref<64x320xf32, #tpu.memory_space<vmem>>[vector<16xi32>, vector<16xi32>], vector<16xf32>,
      %parallel_loop3A_323 = tpu.vector_load_idx %arg6[%parallel_loop3A_264, %parallel_loop3A_321] : memref<64x320xf32, #tpu.memory_space<vmem>>[vector<16xi32>, vector<16xi32>], vector<16xf32>,
      %parallel_loop3A_324 = arith.addf %parallel_loop3A_322, %parallel_loop3A_323 : vector<16xf32>
      %parallel_loop3A_325 = arith.maximumf %parallel_loop3A_288, %parallel_loop3A_300 : vector<16xf32>
      %parallel_loop3A_326 = arith.maximumf %parallel_loop3A_312, %parallel_loop3A_324 : vector<16xf32>
      %parallel_loop3A_327 = arith.maximumf %parallel_loop3A_325, %parallel_loop3A_326 : vector<16xf32>
      %parallel_loop3A_328 = arith.constant true
      %parallel_loop3A_329 = vector.broadcast %parallel_loop3A_328 : i1 to vector<16xi1>
      %parallel_loop3A_330 = tpu.scan <max>, %parallel_loop3A_327 masked %parallel_loop3A_329 : vector<16xf32>, vector<16xi1> -> vector<16xf32>
      %parallel_loop3A_331 = vector.extract %parallel_loop3A_330[15] : f32 from vector<16xf32>
      %parallel_loop3A_332 = vector.broadcast %parallel_loop3A_331 : f32 to vector<16xf32>
      %parallel_loop3A_333 = arith.subf %parallel_loop3A_288, %parallel_loop3A_332 : vector<16xf32>
      %parallel_loop3A_334 = math.exp %parallel_loop3A_333 : vector<16xf32>
      %parallel_loop3A_335 = vector.broadcast %parallel_loop3A_331 : f32 to vector<16xf32>
      %parallel_loop3A_336 = arith.subf %parallel_loop3A_300, %parallel_loop3A_335 : vector<16xf32>
      %parallel_loop3A_337 = math.exp %parallel_loop3A_336 : vector<16xf32>
      %parallel_loop3A_338 = vector.broadcast %parallel_loop3A_331 : f32 to vector<16xf32>
      %parallel_loop3A_339 = arith.subf %parallel_loop3A_312, %parallel_loop3A_338 : vector<16xf32>
      %parallel_loop3A_340 = math.exp %parallel_loop3A_339 : vector<16xf32>
      %parallel_loop3A_341 = vector.broadcast %parallel_loop3A_331 : f32 to vector<16xf32>
      %parallel_loop3A_342 = arith.subf %parallel_loop3A_324, %parallel_loop3A_341 : vector<16xf32>
      %parallel_loop3A_343 = math.exp %parallel_loop3A_342 : vector<16xf32>
      tpu.vector_store_idx %arg8[%parallel_loop3A_264, %parallel_loop3A_279], %parallel_loop3A_334 : memref<64x320xf32, #tpu.memory_space<vmem>>[vector<16xi32>, vector<16xi32>], vector<16xf32>,
      tpu.vector_store_idx %arg8[%parallel_loop3A_264, %parallel_loop3A_285], %parallel_loop3A_334 {add = true} : memref<64x320xf32, #tpu.memory_space<vmem>>[vector<16xi32>, vector<16xi32>], vector<16xf32>,
      tpu.vector_store_idx %arg8[%parallel_loop3A_264, %parallel_loop3A_291], %parallel_loop3A_337 : memref<64x320xf32, #tpu.memory_space<vmem>>[vector<16xi32>, vector<16xi32>], vector<16xf32>,
      tpu.vector_store_idx %arg8[%parallel_loop3A_264, %parallel_loop3A_297], %parallel_loop3A_337 {add = true} : memref<64x320xf32, #tpu.memory_space<vmem>>[vector<16xi32>, vector<16xi32>], vector<16xf32>,
      tpu.vector_store_idx %arg8[%parallel_loop3A_264, %parallel_loop3A_303], %parallel_loop3A_340 : memref<64x320xf32, #tpu.memory_space<vmem>>[vector<16xi32>, vector<16xi32>], vector<16xf32>,
      tpu.vector_store_idx %arg8[%parallel_loop3A_264, %parallel_loop3A_309], %parallel_loop3A_340 {add = true} : memref<64x320xf32, #tpu.memory_space<vmem>>[vector<16xi32>, vector<16xi32>], vector<16xf32>,
      tpu.vector_store_idx %arg8[%parallel_loop3A_264, %parallel_loop3A_315], %parallel_loop3A_343 : memref<64x320xf32, #tpu.memory_space<vmem>>[vector<16xi32>, vector<16xi32>], vector<16xf32>,
      tpu.vector_store_idx %arg8[%parallel_loop3A_264, %parallel_loop3A_321], %parallel_loop3A_343 {add = true} : memref<64x320xf32, #tpu.memory_space<vmem>>[vector<16xi32>, vector<16xi32>], vector<16xf32>,
    } {sc.loop_unroll_factor = 2 : i64, sc.parallel_access}
    %dma_start3A_222 = arith.constant 0 : i32
    %dma_start3A_223 = tpu.memref_slice %arg5[%select_n3A, %add3A_198, %mul3A_63, %dma_start3A_222] : memref<4x12x256x320xf32, #tpu.memory_space<hbm>> -> memref<1x1x64x320xf32, #tpu.memory_space<hbm>>
    %dma_start3A_224 = tpu.memref_squeeze %dma_start3A_223 : memref<1x1x64x320xf32, #tpu.memory_space<hbm>> -> memref<64x320xf32, #tpu.memory_space<hbm>>
    %dma_start3A_225 = arith.constant 0 : i32
    %dma_start3A_226 = tpu.memref_slice %arg5[%select_n3A, %add3A_198, %mul3A_63, %dma_start3A_225] : memref<4x12x256x320xf32, #tpu.memory_space<hbm>> -> memref<1x1x64x320xf32, #tpu.memory_space<hbm>>
    %dma_start3A_227 = tpu.memref_squeeze %dma_start3A_226 : memref<1x1x64x320xf32, #tpu.memory_space<hbm>> -> memref<64x320xf32, #tpu.memory_space<hbm>>
    tpu.enqueue_dma source(%arg8 : memref<64x320xf32, #tpu.memory_space<vmem>>) target(%dma_start3A_227 : memref<64x320xf32, #tpu.memory_space<hbm>>) target_semaphore(%arg14 : memref<!tpu.dma_semaphore, #tpu.memory_space<semaphore_mem>>)
    %add3A_228 = arith.constant 5 : i32
    %add3A_229 = arith.addi %select_n3A_81, %add3A_228 : i32
    %dma_wait3A_230 = arith.constant 0 : i32
    %dma_wait3A_231 = tpu.memref_slice %arg2[%select_n3A, %add3A_200, %mul3A_63, %dma_wait3A_230] : memref<4x12x256x320xf32, #tpu.memory_space<hbm>> -> memref<1x1x64x320xf32, #tpu.memory_space<hbm>>
    %dma_wait3A_232 = tpu.memref_squeeze %dma_wait3A_231 : memref<1x1x64x320xf32, #tpu.memory_space<hbm>> -> memref<64x320xf32, #tpu.memory_space<hbm>>
    %dma_wait3A_233 = arith.constant 0 : i32
    %dma_wait3A_234 = tpu.memref_slice %arg2[%select_n3A, %add3A_200, %mul3A_63, %dma_wait3A_233] : memref<4x12x256x320xf32, #tpu.memory_space<hbm>> -> memref<1x1x64x320xf32, #tpu.memory_space<hbm>>
    %dma_wait3A_235 = tpu.memref_squeeze %dma_wait3A_234 : memref<1x1x64x320xf32, #tpu.memory_space<hbm>> -> memref<64x320xf32, #tpu.memory_space<hbm>>
    tpu.wait_dma2 semaphore(%arg13 : memref<!tpu.dma_semaphore, #tpu.memory_space<semaphore_mem>>) src(%dma_wait3A_235 : memref<64x320xf32, #tpu.memory_space<hbm>>) dst(%arg7 : memref<64x320xf32, #tpu.memory_space<vmem>>)
    %dma_wait3A_236 = arith.constant 0 : i32
    %dma_wait3A_237 = tpu.memref_slice %arg5[%select_n3A, %add3A_167, %mul3A_63, %dma_wait3A_236] : memref<4x12x256x320xf32, #tpu.memory_space<hbm>> -> memref<1x1x64x320xf32, #tpu.memory_space<hbm>>
    %dma_wait3A_238 = tpu.memref_squeeze %dma_wait3A_237 : memref<1x1x64x320xf32, #tpu.memory_space<hbm>> -> memref<64x320xf32, #tpu.memory_space<hbm>>
    %dma_wait3A_239 = arith.constant 0 : i32
    %dma_wait3A_240 = tpu.memref_slice %arg5[%select_n3A, %add3A_167, %mul3A_63, %dma_wait3A_239] : memref<4x12x256x320xf32, #tpu.memory_space<hbm>> -> memref<1x1x64x320xf32, #tpu.memory_space<hbm>>
    %dma_wait3A_241 = tpu.memref_squeeze %dma_wait3A_240 : memref<1x1x64x320xf32, #tpu.memory_space<hbm>> -> memref<64x320xf32, #tpu.memory_space<hbm>>
    tpu.wait_dma2 semaphore(%arg15 : memref<!tpu.dma_semaphore, #tpu.memory_space<semaphore_mem>>) src(%arg9 : memref<64x320xf32, #tpu.memory_space<vmem>>) dst(%dma_wait3A_241 : memref<64x320xf32, #tpu.memory_space<hbm>>)
    %parallel_loop3A_242 = arith.constant 0 : i32
    %parallel_loop3A_243 = arith.constant 64 : i32
    %parallel_loop3A_244 = arith.constant 1 : i32
    scf.for %parallel_loop3A_263 = %parallel_loop3A_242 to %parallel_loop3A_243 step %parallel_loop3A_244  : i32 {
      %parallel_loop3A_264 = vector.broadcast %parallel_loop3A_263 : i32 to vector<16xi32>
      %parallel_loop3A_265 = arith.index_cast %parallel_loop3A_263 : i32 to index
      %parallel_loop3A_266 = arith.constant 256 : index
      %parallel_loop3A_267 = tpu.vector_load %arg9[%parallel_loop3A_265, %parallel_loop3A_266] {strides = array<i32>} : memref<64x320xf32, #tpu.memory_space<vmem>>, vector<16xf32>,
      tpu.vector_store %arg9[%parallel_loop3A_265, %parallel_loop3A_266], %broadcast_in_dim3A_1 {strides = array<i32>} : memref<64x320xf32, #tpu.memory_space<vmem>>, vector<16xf32>,
      %parallel_loop3A_268 = arith.index_cast %parallel_loop3A_263 : i32 to index
      %parallel_loop3A_269 = arith.constant 272 : index
      %parallel_loop3A_270 = tpu.vector_load %arg9[%parallel_loop3A_268, %parallel_loop3A_269] {strides = array<i32>} : memref<64x320xf32, #tpu.memory_space<vmem>>, vector<16xf32>,
      tpu.vector_store %arg9[%parallel_loop3A_268, %parallel_loop3A_269], %broadcast_in_dim3A_1 {strides = array<i32>} : memref<64x320xf32, #tpu.memory_space<vmem>>, vector<16xf32>,
      %parallel_loop3A_271 = arith.index_cast %parallel_loop3A_263 : i32 to index
      %parallel_loop3A_272 = arith.constant 288 : index
      %parallel_loop3A_273 = tpu.vector_load %arg9[%parallel_loop3A_271, %parallel_loop3A_272] {strides = array<i32>} : memref<64x320xf32, #tpu.memory_space<vmem>>, vector<16xf32>,
      tpu.vector_store %arg9[%parallel_loop3A_271, %parallel_loop3A_272], %broadcast_in_dim3A_1 {strides = array<i32>} : memref<64x320xf32, #tpu.memory_space<vmem>>, vector<16xf32>,
      %parallel_loop3A_274 = arith.index_cast %parallel_loop3A_263 : i32 to index
      %parallel_loop3A_275 = arith.constant 304 : index
      %parallel_loop3A_276 = tpu.vector_load %arg9[%parallel_loop3A_274, %parallel_loop3A_275] {strides = array<i32>} : memref<64x320xf32, #tpu.memory_space<vmem>>, vector<16xf32>,
      tpu.vector_store %arg9[%parallel_loop3A_274, %parallel_loop3A_275], %broadcast_in_dim3A_1 {strides = array<i32>} : memref<64x320xf32, #tpu.memory_space<vmem>>, vector<16xf32>,
      %parallel_loop3A_277 = arith.index_cast %parallel_loop3A_263 : i32 to index
      %parallel_loop3A_278 = arith.constant 0 : index
      %parallel_loop3A_279 = tpu.vector_load %arg10[%parallel_loop3A_277, %parallel_loop3A_278] {strides = array<i32>} : memref<64x64xi32, #tpu.memory_space<vmem>>, vector<16xi32>,
      %parallel_loop3A_280 = arith.index_cast %parallel_loop3A_263 : i32 to index
      %parallel_loop3A_281 = arith.constant 0 : index
      %parallel_loop3A_282 = tpu.vector_load %arg11[%parallel_loop3A_280, %parallel_loop3A_281] {strides = array<i32>} : memref<64x64xi32, #tpu.memory_space<vmem>>, vector<16xi32>,
      %parallel_loop3A_283 = arith.constant 256 : i32
      %parallel_loop3A_284 = vector.broadcast %parallel_loop3A_283 : i32 to vector<16xi32>
      %parallel_loop3A_285 = arith.addi %parallel_loop3A_282, %parallel_loop3A_284 : vector<16xi32>
      %parallel_loop3A_286 = tpu.vector_load_idx %arg7[%parallel_loop3A_264, %parallel_loop3A_279] : memref<64x320xf32, #tpu.memory_space<vmem>>[vector<16xi32>, vector<16xi32>], vector<16xf32>,
      %parallel_loop3A_287 = tpu.vector_load_idx %arg7[%parallel_loop3A_264, %parallel_loop3A_285] : memref<64x320xf32, #tpu.memory_space<vmem>>[vector<16xi32>, vector<16xi32>], vector<16xf32>,
      %parallel_loop3A_288 = arith.addf %parallel_loop3A_286, %parallel_loop3A_287 : vector<16xf32>
      %parallel_loop3A_289 = arith.index_cast %parallel_loop3A_263 : i32 to index
      %parallel_loop3A_290 = arith.constant 16 : index
      %parallel_loop3A_291 = tpu.vector_load %arg10[%parallel_loop3A_289, %parallel_loop3A_290] {strides = array<i32>} : memref<64x64xi32, #tpu.memory_space<vmem>>, vector<16xi32>,
      %parallel_loop3A_292 = arith.index_cast %parallel_loop3A_263 : i32 to index
      %parallel_loop3A_293 = arith.constant 16 : index
      %parallel_loop3A_294 = tpu.vector_load %arg11[%parallel_loop3A_292, %parallel_loop3A_293] {strides = array<i32>} : memref<64x64xi32, #tpu.memory_space<vmem>>, vector<16xi32>,
      %parallel_loop3A_295 = arith.constant 256 : i32
      %parallel_loop3A_296 = vector.broadcast %parallel_loop3A_295 : i32 to vector<16xi32>
      %parallel_loop3A_297 = arith.addi %parallel_loop3A_294, %parallel_loop3A_296 : vector<16xi32>
      %parallel_loop3A_298 = tpu.vector_load_idx %arg7[%parallel_loop3A_264, %parallel_loop3A_291] : memref<64x320xf32, #tpu.memory_space<vmem>>[vector<16xi32>, vector<16xi32>], vector<16xf32>,
      %parallel_loop3A_299 = tpu.vector_load_idx %arg7[%parallel_loop3A_264, %parallel_loop3A_297] : memref<64x320xf32, #tpu.memory_space<vmem>>[vector<16xi32>, vector<16xi32>], vector<16xf32>,
      %parallel_loop3A_300 = arith.addf %parallel_loop3A_298, %parallel_loop3A_299 : vector<16xf32>
      %parallel_loop3A_301 = arith.index_cast %parallel_loop3A_263 : i32 to index
      %parallel_loop3A_302 = arith.constant 32 : index
      %parallel_loop3A_303 = tpu.vector_load %arg10[%parallel_loop3A_301, %parallel_loop3A_302] {strides = array<i32>} : memref<64x64xi32, #tpu.memory_space<vmem>>, vector<16xi32>,
      %parallel_loop3A_304 = arith.index_cast %parallel_loop3A_263 : i32 to index
      %parallel_loop3A_305 = arith.constant 32 : index
      %parallel_loop3A_306 = tpu.vector_load %arg11[%parallel_loop3A_304, %parallel_loop3A_305] {strides = array<i32>} : memref<64x64xi32, #tpu.memory_space<vmem>>, vector<16xi32>,
      %parallel_loop3A_307 = arith.constant 256 : i32
      %parallel_loop3A_308 = vector.broadcast %parallel_loop3A_307 : i32 to vector<16xi32>
      %parallel_loop3A_309 = arith.addi %parallel_loop3A_306, %parallel_loop3A_308 : vector<16xi32>
      %parallel_loop3A_310 = tpu.vector_load_idx %arg7[%parallel_loop3A_264, %parallel_loop3A_303] : memref<64x320xf32, #tpu.memory_space<vmem>>[vector<16xi32>, vector<16xi32>], vector<16xf32>,
      %parallel_loop3A_311 = tpu.vector_load_idx %arg7[%parallel_loop3A_264, %parallel_loop3A_309] : memref<64x320xf32, #tpu.memory_space<vmem>>[vector<16xi32>, vector<16xi32>], vector<16xf32>,
      %parallel_loop3A_312 = arith.addf %parallel_loop3A_310, %parallel_loop3A_311 : vector<16xf32>
      %parallel_loop3A_313 = arith.index_cast %parallel_loop3A_263 : i32 to index
      %parallel_loop3A_314 = arith.constant 48 : index
      %parallel_loop3A_315 = tpu.vector_load %arg10[%parallel_loop3A_313, %parallel_loop3A_314] {strides = array<i32>} : memref<64x64xi32, #tpu.memory_space<vmem>>, vector<16xi32>,
      %parallel_loop3A_316 = arith.index_cast %parallel_loop3A_263 : i32 to index
      %parallel_loop3A_317 = arith.constant 48 : index
      %parallel_loop3A_318 = tpu.vector_load %arg11[%parallel_loop3A_316, %parallel_loop3A_317] {strides = array<i32>} : memref<64x64xi32, #tpu.memory_space<vmem>>, vector<16xi32>,
      %parallel_loop3A_319 = arith.constant 256 : i32
      %parallel_loop3A_320 = vector.broadcast %parallel_loop3A_319 : i32 to vector<16xi32>
      %parallel_loop3A_321 = arith.addi %parallel_loop3A_318, %parallel_loop3A_320 : vector<16xi32>
      %parallel_loop3A_322 = tpu.vector_load_idx %arg7[%parallel_loop3A_264, %parallel_loop3A_315] : memref<64x320xf32, #tpu.memory_space<vmem>>[vector<16xi32>, vector<16xi32>], vector<16xf32>,
      %parallel_loop3A_323 = tpu.vector_load_idx %arg7[%parallel_loop3A_264, %parallel_loop3A_321] : memref<64x320xf32, #tpu.memory_space<vmem>>[vector<16xi32>, vector<16xi32>], vector<16xf32>,
      %parallel_loop3A_324 = arith.addf %parallel_loop3A_322, %parallel_loop3A_323 : vector<16xf32>
      %parallel_loop3A_325 = arith.maximumf %parallel_loop3A_288, %parallel_loop3A_300 : vector<16xf32>
      %parallel_loop3A_326 = arith.maximumf %parallel_loop3A_312, %parallel_loop3A_324 : vector<16xf32>
      %parallel_loop3A_327 = arith.maximumf %parallel_loop3A_325, %parallel_loop3A_326 : vector<16xf32>
      %parallel_loop3A_328 = arith.constant true
      %parallel_loop3A_329 = vector.broadcast %parallel_loop3A_328 : i1 to vector<16xi1>
      %parallel_loop3A_330 = tpu.scan <max>, %parallel_loop3A_327 masked %parallel_loop3A_329 : vector<16xf32>, vector<16xi1> -> vector<16xf32>
      %parallel_loop3A_331 = vector.extract %parallel_loop3A_330[15] : f32 from vector<16xf32>
      %parallel_loop3A_332 = vector.broadcast %parallel_loop3A_331 : f32 to vector<16xf32>
      %parallel_loop3A_333 = arith.subf %parallel_loop3A_288, %parallel_loop3A_332 : vector<16xf32>
      %parallel_loop3A_334 = math.exp %parallel_loop3A_333 : vector<16xf32>
      %parallel_loop3A_335 = vector.broadcast %parallel_loop3A_331 : f32 to vector<16xf32>
      %parallel_loop3A_336 = arith.subf %parallel_loop3A_300, %parallel_loop3A_335 : vector<16xf32>
      %parallel_loop3A_337 = math.exp %parallel_loop3A_336 : vector<16xf32>
      %parallel_loop3A_338 = vector.broadcast %parallel_loop3A_331 : f32 to vector<16xf32>
      %parallel_loop3A_339 = arith.subf %parallel_loop3A_312, %parallel_loop3A_338 : vector<16xf32>
      %parallel_loop3A_340 = math.exp %parallel_loop3A_339 : vector<16xf32>
      %parallel_loop3A_341 = vector.broadcast %parallel_loop3A_331 : f32 to vector<16xf32>
      %parallel_loop3A_342 = arith.subf %parallel_loop3A_324, %parallel_loop3A_341 : vector<16xf32>
      %parallel_loop3A_343 = math.exp %parallel_loop3A_342 : vector<16xf32>
      tpu.vector_store_idx %arg9[%parallel_loop3A_264, %parallel_loop3A_279], %parallel_loop3A_334 : memref<64x320xf32, #tpu.memory_space<vmem>>[vector<16xi32>, vector<16xi32>], vector<16xf32>,
      tpu.vector_store_idx %arg9[%parallel_loop3A_264, %parallel_loop3A_285], %parallel_loop3A_334 {add = true} : memref<64x320xf32, #tpu.memory_space<vmem>>[vector<16xi32>, vector<16xi32>], vector<16xf32>,
      tpu.vector_store_idx %arg9[%parallel_loop3A_264, %parallel_loop3A_291], %parallel_loop3A_337 : memref<64x320xf32, #tpu.memory_space<vmem>>[vector<16xi32>, vector<16xi32>], vector<16xf32>,
      tpu.vector_store_idx %arg9[%parallel_loop3A_264, %parallel_loop3A_297], %parallel_loop3A_337 {add = true} : memref<64x320xf32, #tpu.memory_space<vmem>>[vector<16xi32>, vector<16xi32>], vector<16xf32>,
      tpu.vector_store_idx %arg9[%parallel_loop3A_264, %parallel_loop3A_303], %parallel_loop3A_340 : memref<64x320xf32, #tpu.memory_space<vmem>>[vector<16xi32>, vector<16xi32>], vector<16xf32>,
      tpu.vector_store_idx %arg9[%parallel_loop3A_264, %parallel_loop3A_309], %parallel_loop3A_340 {add = true} : memref<64x320xf32, #tpu.memory_space<vmem>>[vector<16xi32>, vector<16xi32>], vector<16xf32>,
      tpu.vector_store_idx %arg9[%parallel_loop3A_264, %parallel_loop3A_315], %parallel_loop3A_343 : memref<64x320xf32, #tpu.memory_space<vmem>>[vector<16xi32>, vector<16xi32>], vector<16xf32>,
      tpu.vector_store_idx %arg9[%parallel_loop3A_264, %parallel_loop3A_321], %parallel_loop3A_343 {add = true} : memref<64x320xf32, #tpu.memory_space<vmem>>[vector<16xi32>, vector<16xi32>], vector<16xf32>,
    } {sc.loop_unroll_factor = 2 : i64, sc.parallel_access}
    %dma_start3A_245 = arith.constant 0 : i32
    %dma_start3A_246 = tpu.memref_slice %arg5[%select_n3A, %add3A_229, %mul3A_63, %dma_start3A_245] : memref<4x12x256x320xf32, #tpu.memory_space<hbm>> -> memref<1x1x64x320xf32, #tpu.memory_space<hbm>>
    %dma_start3A_247 = tpu.memref_squeeze %dma_start3A_246 : memref<1x1x64x320xf32, #tpu.memory_space<hbm>> -> memref<64x320xf32, #tpu.memory_space<hbm>>
    %dma_start3A_248 = arith.constant 0 : i32
    %dma_start3A_249 = tpu.memref_slice %arg5[%select_n3A, %add3A_229, %mul3A_63, %dma_start3A_248] : memref<4x12x256x320xf32, #tpu.memory_space<hbm>> -> memref<1x1x64x320xf32, #tpu.memory_space<hbm>>
    %dma_start3A_250 = tpu.memref_squeeze %dma_start3A_249 : memref<1x1x64x320xf32, #tpu.memory_space<hbm>> -> memref<64x320xf32, #tpu.memory_space<hbm>>
    tpu.enqueue_dma source(%arg9 : memref<64x320xf32, #tpu.memory_space<vmem>>) target(%dma_start3A_250 : memref<64x320xf32, #tpu.memory_space<hbm>>) target_semaphore(%arg15 : memref<!tpu.dma_semaphore, #tpu.memory_space<semaphore_mem>>)
    %dma_wait3A_251 = arith.constant 0 : i32
    %dma_wait3A_252 = tpu.memref_slice %arg5[%select_n3A, %add3A_198, %mul3A_63, %dma_wait3A_251] : memref<4x12x256x320xf32, #tpu.memory_space<hbm>> -> memref<1x1x64x320xf32, #tpu.memory_space<hbm>>
    %dma_wait3A_253 = tpu.memref_squeeze %dma_wait3A_252 : memref<1x1x64x320xf32, #tpu.memory_space<hbm>> -> memref<64x320xf32, #tpu.memory_space<hbm>>
    %dma_wait3A_254 = arith.constant 0 : i32
    %dma_wait3A_255 = tpu.memref_slice %arg5[%select_n3A, %add3A_198, %mul3A_63, %dma_wait3A_254] : memref<4x12x256x320xf32, #tpu.memory_space<hbm>> -> memref<1x1x64x320xf32, #tpu.memory_space<hbm>>
    %dma_wait3A_256 = tpu.memref_squeeze %dma_wait3A_255 : memref<1x1x64x320xf32, #tpu.memory_space<hbm>> -> memref<64x320xf32, #tpu.memory_space<hbm>>
    tpu.wait_dma2 semaphore(%arg14 : memref<!tpu.dma_semaphore, #tpu.memory_space<semaphore_mem>>) src(%arg8 : memref<64x320xf32, #tpu.memory_space<vmem>>) dst(%dma_wait3A_256 : memref<64x320xf32, #tpu.memory_space<hbm>>)
    %dma_wait3A_257 = arith.constant 0 : i32
    %dma_wait3A_258 = tpu.memref_slice %arg5[%select_n3A, %add3A_229, %mul3A_63, %dma_wait3A_257] : memref<4x12x256x320xf32, #tpu.memory_space<hbm>> -> memref<1x1x64x320xf32, #tpu.memory_space<hbm>>
    %dma_wait3A_259 = tpu.memref_squeeze %dma_wait3A_258 : memref<1x1x64x320xf32, #tpu.memory_space<hbm>> -> memref<64x320xf32, #tpu.memory_space<hbm>>
    %dma_wait3A_260 = arith.constant 0 : i32
    %dma_wait3A_261 = tpu.memref_slice %arg5[%select_n3A, %add3A_229, %mul3A_63, %dma_wait3A_260] : memref<4x12x256x320xf32, #tpu.memory_space<hbm>> -> memref<1x1x64x320xf32, #tpu.memory_space<hbm>>
    %dma_wait3A_262 = tpu.memref_squeeze %dma_wait3A_261 : memref<1x1x64x320xf32, #tpu.memory_space<hbm>> -> memref<64x320xf32, #tpu.memory_space<hbm>>
    tpu.wait_dma2 semaphore(%arg15 : memref<!tpu.dma_semaphore, #tpu.memory_space<semaphore_mem>>) src(%arg9 : memref<64x320xf32, #tpu.memory_space<vmem>>) dst(%dma_wait3A_262 : memref<64x320xf32, #tpu.memory_space<hbm>>)
    return
  }
}

module attributes {stable_mosaic.version = 14 : i64} {
  func.func @_tc_b_body(%arg0: i32, %arg1: memref<1x2x256x320xf32, #tpu.memory_space<vmem>>, %arg2: memref<1x256x128xf32, #tpu.memory_space<vmem>>, %arg3: memref<64x128xf32, #tpu.memory_space<vmem>>, %arg4: memref<1x256x128xf32, #tpu.memory_space<vmem>>) attributes {dimension_semantics = [#tpu.dimension_semantics<arbitrary>], iteration_bounds = array<i64: 24>, scalar_prefetch = 0 : i64, scratch_operands = 0 : i64, tpu.core_type = #tpu.core_type<tc>, window_params = [{transform_indices = @transform_0, window_bounds = array<i64: 1, 2, 256, 320>}, {transform_indices = @transform_1, window_bounds = array<i64: 1, 256, 128>}, {transform_indices = @transform_2, window_bounds = array<i64: 64, 128>}, {transform_indices = @transform_3, window_bounds = array<i64: 1, 256, 128>}]} {
    %get3A = arith.constant 0 : index
    %get3A_0 = arith.constant 0 : index
    %get3A_1 = arith.constant 0 : index
    %get3A_2 = arith.constant 0 : index
    %get3A_3 = vector.load %arg1[%get3A, %get3A_0, %get3A_1, %get3A_2] : memref<1x2x256x320xf32, #tpu.memory_space<vmem>>, vector<1x1x256x320xf32>
    %get3A_4 = vector.shape_cast %get3A_3 : vector<1x1x256x320xf32> to vector<256x320xf32>
    %slice3A = vector.extract_strided_slice %get3A_4 {offsets = [0, 0], sizes = [256, 256], strides = [1, 1]} : vector<256x320xf32> to vector<256x256xf32>
    %get3A_5 = arith.constant 0 : index
    %get3A_6 = arith.constant 0 : index
    %get3A_7 = arith.constant 0 : index
    %get3A_8 = vector.load %arg2[%get3A_5, %get3A_6, %get3A_7] : memref<1x256x128xf32, #tpu.memory_space<vmem>>, vector<1x256x128xf32>
    %get3A_9 = vector.shape_cast %get3A_8 : vector<1x256x128xf32> to vector<256x128xf32>
    %slice3A_10 = vector.extract_strided_slice %get3A_9 {offsets = [0, 0], sizes = [256, 64], strides = [1, 1]} : vector<256x128xf32> to vector<256x64xf32>
    %dot_general3A = arith.constant dense<0.000000e+00> : vector<256x64xf32>
    %dot_general3A_11 = tpu.matmul %slice3A, %slice3A_10, %dot_general3A {dimension_numbers = #tpu.dot_dimension_numbers<[1], [0], [0], [1], [0, 0, 1, 1], [], []>, transpose_lhs_hint = false} : vector<256x256xf32>, vector<256x64xf32>, vector<256x64xf32> -> vector<256x64xf32>
    %slice3A_12 = vector.extract_strided_slice %get3A_4 {offsets = [0, 256], sizes = [256, 64], strides = [1, 1]} : vector<256x320xf32> to vector<256x64xf32>
    %get3A_13 = arith.constant 0 : index
    %get3A_14 = arith.constant 0 : index
    %get3A_15 = vector.load %arg3[%get3A_13, %get3A_14] : memref<64x128xf32, #tpu.memory_space<vmem>>, vector<64x64xf32>
    %dot_general3A_16 = arith.constant dense<0.000000e+00> : vector<256x64xf32>
    %dot_general3A_17 = tpu.matmul %slice3A_12, %get3A_15, %dot_general3A_16 {dimension_numbers = #tpu.dot_dimension_numbers<[1], [0], [0], [1], [0, 0, 1, 1], [], []>, transpose_lhs_hint = false} : vector<256x64xf32>, vector<64x64xf32>, vector<256x64xf32> -> vector<256x64xf32>
    %add3A = arith.addf %dot_general3A_11, %dot_general3A_17 : vector<256x64xf32>
    %slice3A_18 = vector.extract_strided_slice %get3A_4 {offsets = [0, 0], sizes = [256, 256], strides = [1, 1]} : vector<256x320xf32> to vector<256x256xf32>
    %reduce_sum3A = arith.constant dense<0.000000e+00> : vector<256xf32>
    %reduce_sum3A_19 = vector.multi_reduction <add>, %slice3A_18, %reduce_sum3A [1] : vector<256x256xf32> to vector<256xf32>
    %broadcast_in_dim3A = vector.shape_cast %reduce_sum3A_19 : vector<256xf32> to vector<256x1xf32>
    %div3A = vector.broadcast %broadcast_in_dim3A : vector<256x1xf32> to vector<256x64xf32>
    %div3A_20 = arith.divf %add3A, %div3A : vector<256x64xf32>
    %swap3A = arith.constant 0 : index
    %swap3A_21 = arith.constant 0 : index
    %swap3A_22 = arith.constant 0 : index
    %swap3A_23 = vector.load %arg4[%swap3A, %swap3A_21, %swap3A_22] : memref<1x256x128xf32, #tpu.memory_space<vmem>>, vector<1x256x64xf32>
    %swap3A_24 = vector.shape_cast %swap3A_23 : vector<1x256x64xf32> to vector<256x64xf32>
    %swap3A_25 = vector.shape_cast %div3A_20 : vector<256x64xf32> to vector<1x256x64xf32>
    tpu.vector_store %arg4[%swap3A, %swap3A_21, %swap3A_22], %swap3A_25 {strides = array<i32>} : memref<1x256x128xf32, #tpu.memory_space<vmem>>, vector<1x256x64xf32>,
    %get3A_26 = arith.constant 0 : index
    %get3A_27 = arith.constant 1 : index
    %get3A_28 = arith.constant 0 : index
    %get3A_29 = arith.constant 0 : index
    %get3A_30 = vector.load %arg1[%get3A_26, %get3A_27, %get3A_28, %get3A_29] : memref<1x2x256x320xf32, #tpu.memory_space<vmem>>, vector<1x1x256x320xf32>
    %get3A_31 = vector.shape_cast %get3A_30 : vector<1x1x256x320xf32> to vector<256x320xf32>
    %slice3A_32 = vector.extract_strided_slice %get3A_31 {offsets = [0, 0], sizes = [256, 256], strides = [1, 1]} : vector<256x320xf32> to vector<256x256xf32>
    %get3A_33 = arith.constant 0 : index
    %get3A_34 = arith.constant 0 : index
    %get3A_35 = arith.constant 0 : index
    %get3A_36 = vector.load %arg2[%get3A_33, %get3A_34, %get3A_35] : memref<1x256x128xf32, #tpu.memory_space<vmem>>, vector<1x256x128xf32>
    %get3A_37 = vector.shape_cast %get3A_36 : vector<1x256x128xf32> to vector<256x128xf32>
    %slice3A_38 = vector.extract_strided_slice %get3A_37 {offsets = [0, 64], sizes = [256, 64], strides = [1, 1]} : vector<256x128xf32> to vector<256x64xf32>
    %dot_general3A_39 = arith.constant dense<0.000000e+00> : vector<256x64xf32>
    %dot_general3A_40 = tpu.matmul %slice3A_32, %slice3A_38, %dot_general3A_39 {dimension_numbers = #tpu.dot_dimension_numbers<[1], [0], [0], [1], [0, 0, 1, 1], [], []>, transpose_lhs_hint = false} : vector<256x256xf32>, vector<256x64xf32>, vector<256x64xf32> -> vector<256x64xf32>
    %slice3A_41 = vector.extract_strided_slice %get3A_31 {offsets = [0, 256], sizes = [256, 64], strides = [1, 1]} : vector<256x320xf32> to vector<256x64xf32>
    %get3A_42 = arith.constant 0 : index
    %get3A_43 = arith.constant 64 : index
    %get3A_44 = vector.load %arg3[%get3A_42, %get3A_43] : memref<64x128xf32, #tpu.memory_space<vmem>>, vector<64x64xf32>
    %dot_general3A_45 = arith.constant dense<0.000000e+00> : vector<256x64xf32>
    %dot_general3A_46 = tpu.matmul %slice3A_41, %get3A_44, %dot_general3A_45 {dimension_numbers = #tpu.dot_dimension_numbers<[1], [0], [0], [1], [0, 0, 1, 1], [], []>, transpose_lhs_hint = false} : vector<256x64xf32>, vector<64x64xf32>, vector<256x64xf32> -> vector<256x64xf32>
    %add3A_47 = arith.addf %dot_general3A_40, %dot_general3A_46 : vector<256x64xf32>
    %slice3A_48 = vector.extract_strided_slice %get3A_31 {offsets = [0, 0], sizes = [256, 256], strides = [1, 1]} : vector<256x320xf32> to vector<256x256xf32>
    %reduce_sum3A_49 = arith.constant dense<0.000000e+00> : vector<256xf32>
    %reduce_sum3A_50 = vector.multi_reduction <add>, %slice3A_48, %reduce_sum3A_49 [1] : vector<256x256xf32> to vector<256xf32>
    %broadcast_in_dim3A_51 = vector.shape_cast %reduce_sum3A_50 : vector<256xf32> to vector<256x1xf32>
    %div3A_52 = vector.broadcast %broadcast_in_dim3A_51 : vector<256x1xf32> to vector<256x64xf32>
    %div3A_53 = arith.divf %add3A_47, %div3A_52 : vector<256x64xf32>
    %swap3A_54 = arith.constant 0 : index
    %swap3A_55 = arith.constant 0 : index
    %swap3A_56 = arith.constant 64 : index
    %swap3A_57 = vector.load %arg4[%swap3A_54, %swap3A_55, %swap3A_56] : memref<1x256x128xf32, #tpu.memory_space<vmem>>, vector<1x256x64xf32>
    %swap3A_58 = vector.shape_cast %swap3A_57 : vector<1x256x64xf32> to vector<256x64xf32>
    %swap3A_59 = vector.shape_cast %div3A_53 : vector<256x64xf32> to vector<1x256x64xf32>
    tpu.vector_store %arg4[%swap3A_54, %swap3A_55, %swap3A_56], %swap3A_59 {strides = array<i32>} : memref<1x256x128xf32, #tpu.memory_space<vmem>>, vector<1x256x64xf32>,
    return
  }
  func.func @transform_0(%arg0: i32) -> (i32, i32, i32, i32) {
    %jit3A = arith.constant 6 : i32
    %div3A = arith.divsi %arg0, %jit3A : i32
    %sign3A = arith.constant 0 : i32
    %sign3A_0 = arith.cmpi sgt, %arg0, %sign3A : i32
    %sign3A_1 = arith.extui %sign3A_0 : i1 to i32
    %sign3A_2 = arith.constant 0 : i32
    %sign3A_3 = arith.cmpi slt, %arg0, %sign3A_2 : i32
    %sign3A_4 = arith.extui %sign3A_3 : i1 to i32
    %sign3A_5 = arith.subi %sign3A_1, %sign3A_4 : i32
    %sign3A_6 = arith.constant 0 : i32
    %sign3A_7 = arith.cmpi sgt, %jit3A, %sign3A_6 : i32
    %sign3A_8 = arith.extui %sign3A_7 : i1 to i32
    %sign3A_9 = arith.constant 0 : i32
    %sign3A_10 = arith.cmpi slt, %jit3A, %sign3A_9 : i32
    %sign3A_11 = arith.extui %sign3A_10 : i1 to i32
    %sign3A_12 = arith.subi %sign3A_8, %sign3A_11 : i32
    %ne3A = arith.cmpi ne, %sign3A_5, %sign3A_12 : i32
    %rem3A = arith.remsi %arg0, %jit3A : i32
    %ne3A_13 = arith.constant 0 : i32
    %ne3A_14 = arith.cmpi ne, %rem3A, %ne3A_13 : i32
    %and3A = arith.andi %ne3A, %ne3A_14 : i1
    %sub3A = arith.constant 1 : i32
    %sub3A_15 = arith.subi %div3A, %sub3A : i32
    %select_n3A = arith.select %and3A, %sub3A_15, %div3A : i32
    %jit3A_16 = arith.constant 6 : i32
    %eq3A = arith.constant 0 : i32
    %eq3A_17 = arith.cmpi eq, %jit3A_16, %eq3A : i32
    %jit3A_18 = arith.constant 1 : i32
    %select_n3A_19 = arith.select %eq3A_17, %jit3A_18, %jit3A_16 : i32
    %rem3A_20 = arith.remsi %arg0, %select_n3A_19 : i32
    %ne3A_21 = arith.constant 0 : i32
    %ne3A_22 = arith.cmpi ne, %rem3A_20, %ne3A_21 : i32
    %lt3A = arith.constant 0 : i32
    %lt3A_23 = arith.cmpi slt, %rem3A_20, %lt3A : i32
    %lt3A_24 = arith.constant 0 : i32
    %lt3A_25 = arith.cmpi slt, %select_n3A_19, %lt3A_24 : i32
    %ne3A_26 = arith.xori %lt3A_23, %lt3A_25 : i1
    %and3A_27 = arith.andi %ne3A_26, %ne3A_22 : i1
    %add3A = arith.addi %rem3A_20, %select_n3A_19 : i32
    %select_n3A_28 = arith.select %and3A_27, %add3A, %rem3A_20 : i32
    %c0_i32 = arith.constant 0 : i32
    %c0_i32_29 = arith.constant 0 : i32
    %c0_i32_30 = arith.constant 0 : i32
    return %select_n3A, %select_n3A_28, %c0_i32, %c0_i32_29 : i32, i32, i32, i32
  }
  func.func @transform_1(%arg0: i32) -> (i32, i32, i32) {
    %jit3A = arith.constant 6 : i32
    %div3A = arith.divsi %arg0, %jit3A : i32
    %sign3A = arith.constant 0 : i32
    %sign3A_0 = arith.cmpi sgt, %arg0, %sign3A : i32
    %sign3A_1 = arith.extui %sign3A_0 : i1 to i32
    %sign3A_2 = arith.constant 0 : i32
    %sign3A_3 = arith.cmpi slt, %arg0, %sign3A_2 : i32
    %sign3A_4 = arith.extui %sign3A_3 : i1 to i32
    %sign3A_5 = arith.subi %sign3A_1, %sign3A_4 : i32
    %sign3A_6 = arith.constant 0 : i32
    %sign3A_7 = arith.cmpi sgt, %jit3A, %sign3A_6 : i32
    %sign3A_8 = arith.extui %sign3A_7 : i1 to i32
    %sign3A_9 = arith.constant 0 : i32
    %sign3A_10 = arith.cmpi slt, %jit3A, %sign3A_9 : i32
    %sign3A_11 = arith.extui %sign3A_10 : i1 to i32
    %sign3A_12 = arith.subi %sign3A_8, %sign3A_11 : i32
    %ne3A = arith.cmpi ne, %sign3A_5, %sign3A_12 : i32
    %rem3A = arith.remsi %arg0, %jit3A : i32
    %ne3A_13 = arith.constant 0 : i32
    %ne3A_14 = arith.cmpi ne, %rem3A, %ne3A_13 : i32
    %and3A = arith.andi %ne3A, %ne3A_14 : i1
    %sub3A = arith.constant 1 : i32
    %sub3A_15 = arith.subi %div3A, %sub3A : i32
    %select_n3A = arith.select %and3A, %sub3A_15, %div3A : i32
    %jit3A_16 = arith.constant 6 : i32
    %eq3A = arith.constant 0 : i32
    %eq3A_17 = arith.cmpi eq, %jit3A_16, %eq3A : i32
    %jit3A_18 = arith.constant 1 : i32
    %select_n3A_19 = arith.select %eq3A_17, %jit3A_18, %jit3A_16 : i32
    %rem3A_20 = arith.remsi %arg0, %select_n3A_19 : i32
    %ne3A_21 = arith.constant 0 : i32
    %ne3A_22 = arith.cmpi ne, %rem3A_20, %ne3A_21 : i32
    %lt3A = arith.constant 0 : i32
    %lt3A_23 = arith.cmpi slt, %rem3A_20, %lt3A : i32
    %lt3A_24 = arith.constant 0 : i32
    %lt3A_25 = arith.cmpi slt, %select_n3A_19, %lt3A_24 : i32
    %ne3A_26 = arith.xori %lt3A_23, %lt3A_25 : i1
    %and3A_27 = arith.andi %ne3A_26, %ne3A_22 : i1
    %add3A = arith.addi %rem3A_20, %select_n3A_19 : i32
    %select_n3A_28 = arith.select %and3A_27, %add3A, %rem3A_20 : i32
    %c0_i32 = arith.constant 0 : i32
    %c0_i32_29 = arith.constant 0 : i32
    return %select_n3A, %c0_i32, %select_n3A_28 : i32, i32, i32
  }
  func.func @transform_2(%arg0: i32) -> (i32, i32) {
    %jit3A = arith.constant 6 : i32
    %eq3A = arith.constant 0 : i32
    %eq3A_0 = arith.cmpi eq, %jit3A, %eq3A : i32
    %jit3A_1 = arith.constant 1 : i32
    %select_n3A = arith.select %eq3A_0, %jit3A_1, %jit3A : i32
    %rem3A = arith.remsi %arg0, %select_n3A : i32
    %ne3A = arith.constant 0 : i32
    %ne3A_2 = arith.cmpi ne, %rem3A, %ne3A : i32
    %lt3A = arith.constant 0 : i32
    %lt3A_3 = arith.cmpi slt, %rem3A, %lt3A : i32
    %lt3A_4 = arith.constant 0 : i32
    %lt3A_5 = arith.cmpi slt, %select_n3A, %lt3A_4 : i32
    %ne3A_6 = arith.xori %lt3A_3, %lt3A_5 : i1
    %and3A = arith.andi %ne3A_6, %ne3A_2 : i1
    %add3A = arith.addi %rem3A, %select_n3A : i32
    %select_n3A_7 = arith.select %and3A, %add3A, %rem3A : i32
    %c0_i32 = arith.constant 0 : i32
    %c0_i32_8 = arith.constant 0 : i32
    return %c0_i32, %select_n3A_7 : i32, i32
  }
  func.func @transform_3(%arg0: i32) -> (i32, i32, i32) {
    %jit3A = arith.constant 6 : i32
    %div3A = arith.divsi %arg0, %jit3A : i32
    %sign3A = arith.constant 0 : i32
    %sign3A_0 = arith.cmpi sgt, %arg0, %sign3A : i32
    %sign3A_1 = arith.extui %sign3A_0 : i1 to i32
    %sign3A_2 = arith.constant 0 : i32
    %sign3A_3 = arith.cmpi slt, %arg0, %sign3A_2 : i32
    %sign3A_4 = arith.extui %sign3A_3 : i1 to i32
    %sign3A_5 = arith.subi %sign3A_1, %sign3A_4 : i32
    %sign3A_6 = arith.constant 0 : i32
    %sign3A_7 = arith.cmpi sgt, %jit3A, %sign3A_6 : i32
    %sign3A_8 = arith.extui %sign3A_7 : i1 to i32
    %sign3A_9 = arith.constant 0 : i32
    %sign3A_10 = arith.cmpi slt, %jit3A, %sign3A_9 : i32
    %sign3A_11 = arith.extui %sign3A_10 : i1 to i32
    %sign3A_12 = arith.subi %sign3A_8, %sign3A_11 : i32
    %ne3A = arith.cmpi ne, %sign3A_5, %sign3A_12 : i32
    %rem3A = arith.remsi %arg0, %jit3A : i32
    %ne3A_13 = arith.constant 0 : i32
    %ne3A_14 = arith.cmpi ne, %rem3A, %ne3A_13 : i32
    %and3A = arith.andi %ne3A, %ne3A_14 : i1
    %sub3A = arith.constant 1 : i32
    %sub3A_15 = arith.subi %div3A, %sub3A : i32
    %select_n3A = arith.select %and3A, %sub3A_15, %div3A : i32
    %jit3A_16 = arith.constant 6 : i32
    %eq3A = arith.constant 0 : i32
    %eq3A_17 = arith.cmpi eq, %jit3A_16, %eq3A : i32
    %jit3A_18 = arith.constant 1 : i32
    %select_n3A_19 = arith.select %eq3A_17, %jit3A_18, %jit3A_16 : i32
    %rem3A_20 = arith.remsi %arg0, %select_n3A_19 : i32
    %ne3A_21 = arith.constant 0 : i32
    %ne3A_22 = arith.cmpi ne, %rem3A_20, %ne3A_21 : i32
    %lt3A = arith.constant 0 : i32
    %lt3A_23 = arith.cmpi slt, %rem3A_20, %lt3A : i32
    %lt3A_24 = arith.constant 0 : i32
    %lt3A_25 = arith.cmpi slt, %select_n3A_19, %lt3A_24 : i32
    %ne3A_26 = arith.xori %lt3A_23, %lt3A_25 : i1
    %and3A_27 = arith.andi %ne3A_26, %ne3A_22 : i1
    %add3A = arith.addi %rem3A_20, %select_n3A_19 : i32
    %select_n3A_28 = arith.select %and3A_27, %add3A, %rem3A_20 : i32
    %c0_i32 = arith.constant 0 : i32
    %c0_i32_29 = arith.constant 0 : i32
    return %select_n3A, %c0_i32, %select_n3A_28 : i32, i32, i32
  }
}

module attributes {stable_mosaic.version = 14 : i64} {
  func.func @_tc_a_body(%arg0: i32, %arg1: memref<1x256x768xf32, #tpu.memory_space<vmem>>, %arg2: memref<768x768xf32, #tpu.memory_space<vmem>>, %arg3: memref<1x768xf32, #tpu.memory_space<vmem>>, %arg4: memref<768x768xf32, #tpu.memory_space<vmem>>, %arg5: memref<1x768xf32, #tpu.memory_space<vmem>>, %arg6: memref<768x768xf32, #tpu.memory_space<vmem>>, %arg7: memref<1x768xf32, #tpu.memory_space<vmem>>, %arg8: memref<64x768xf32, #tpu.memory_space<vmem>>, %arg9: memref<1x12x256x320xf32, #tpu.memory_space<vmem>>, %arg10: memref<1x256x768xf32, #tpu.memory_space<vmem>>) attributes {dimension_semantics = [#tpu.dimension_semantics<arbitrary>], iteration_bounds = array<i64: 4>, scalar_prefetch = 0 : i64, scratch_operands = 0 : i64, tpu.core_type = #tpu.core_type<tc>, window_params = [{transform_indices = @transform_0, window_bounds = array<i64: 1, 256, 768>}, {pipeline_mode = #tpu.pipeline_mode<synchronous>, transform_indices = @transform_1, window_bounds = array<i64: 768, 768>}, {pipeline_mode = #tpu.pipeline_mode<synchronous>, transform_indices = @transform_2, window_bounds = array<i64: 1, 768>}, {pipeline_mode = #tpu.pipeline_mode<synchronous>, transform_indices = @transform_3, window_bounds = array<i64: 768, 768>}, {pipeline_mode = #tpu.pipeline_mode<synchronous>, transform_indices = @transform_4, window_bounds = array<i64: 1, 768>}, {pipeline_mode = #tpu.pipeline_mode<synchronous>, transform_indices = @transform_5, window_bounds = array<i64: 768, 768>}, {pipeline_mode = #tpu.pipeline_mode<synchronous>, transform_indices = @transform_6, window_bounds = array<i64: 1, 768>}, {pipeline_mode = #tpu.pipeline_mode<synchronous>, transform_indices = @transform_7, window_bounds = array<i64: 64, 768>}, {transform_indices = @transform_8, window_bounds = array<i64: 1, 12, 256, 320>}, {transform_indices = @transform_9, window_bounds = array<i64: 1, 256, 768>}]} {
    %get3A = arith.constant 0 : index
    %get3A_0 = arith.constant 0 : index
    %get3A_1 = arith.constant 0 : index
    %get3A_2 = vector.load %arg1[%get3A, %get3A_0, %get3A_1] : memref<1x256x768xf32, #tpu.memory_space<vmem>>, vector<1x256x768xf32>
    %get3A_3 = vector.shape_cast %get3A_2 : vector<1x256x768xf32> to vector<256x768xf32>
    %convert_element_type3A = arith.truncf %get3A_3 : vector<256x768xf32> to vector<256x768xbf16>
    %get3A_4 = arith.constant 0 : index
    %get3A_5 = arith.constant 0 : index
    %get3A_6 = vector.load %arg2[%get3A_4, %get3A_5] : memref<768x768xf32, #tpu.memory_space<vmem>>, vector<768x768xf32>
    %convert_element_type3A_7 = arith.truncf %get3A_6 : vector<768x768xf32> to vector<768x768xbf16>
    %dot_general3A = arith.constant dense<0.000000e+00> : vector<256x768xf32>
    %dot_general3A_8 = tpu.matmul %convert_element_type3A, %convert_element_type3A_7, %dot_general3A {dimension_numbers = #tpu.dot_dimension_numbers<[1], [0], [0], [1], [0, 0, 1, 1], [], []>, transpose_lhs_hint = false} : vector<256x768xbf16>, vector<768x768xbf16>, vector<256x768xf32> -> vector<256x768xf32>
    %get3A_9 = arith.constant 0 : index
    %get3A_10 = arith.constant 0 : index
    %get3A_11 = vector.load %arg3[%get3A_9, %get3A_10] : memref<1x768xf32, #tpu.memory_space<vmem>>, vector<1x768xf32>
    %get3A_12 = vector.shape_cast %get3A_11 : vector<1x768xf32> to vector<768xf32>
    %broadcast_in_dim3A = vector.shape_cast %get3A_12 : vector<768xf32> to vector<1x768xf32>
    %add3A = vector.broadcast %broadcast_in_dim3A : vector<1x768xf32> to vector<256x768xf32>
    %add3A_13 = arith.addf %dot_general3A_8, %add3A : vector<256x768xf32>
    %get3A_14 = arith.constant 0 : index
    %get3A_15 = arith.constant 0 : index
    %get3A_16 = vector.load %arg4[%get3A_14, %get3A_15] : memref<768x768xf32, #tpu.memory_space<vmem>>, vector<768x768xf32>
    %convert_element_type3A_17 = arith.truncf %get3A_16 : vector<768x768xf32> to vector<768x768xbf16>
    %dot_general3A_18 = arith.constant dense<0.000000e+00> : vector<256x768xf32>
    %dot_general3A_19 = tpu.matmul %convert_element_type3A, %convert_element_type3A_17, %dot_general3A_18 {dimension_numbers = #tpu.dot_dimension_numbers<[1], [0], [0], [1], [0, 0, 1, 1], [], []>, transpose_lhs_hint = false} : vector<256x768xbf16>, vector<768x768xbf16>, vector<256x768xf32> -> vector<256x768xf32>
    %get3A_20 = arith.constant 0 : index
    %get3A_21 = arith.constant 0 : index
    %get3A_22 = vector.load %arg5[%get3A_20, %get3A_21] : memref<1x768xf32, #tpu.memory_space<vmem>>, vector<1x768xf32>
    %get3A_23 = vector.shape_cast %get3A_22 : vector<1x768xf32> to vector<768xf32>
    %broadcast_in_dim3A_24 = vector.shape_cast %get3A_23 : vector<768xf32> to vector<1x768xf32>
    %add3A_25 = vector.broadcast %broadcast_in_dim3A_24 : vector<1x768xf32> to vector<256x768xf32>
    %add3A_26 = arith.addf %dot_general3A_19, %add3A_25 : vector<256x768xf32>
    %get3A_27 = arith.constant 0 : index
    %get3A_28 = arith.constant 0 : index
    %get3A_29 = vector.load %arg6[%get3A_27, %get3A_28] : memref<768x768xf32, #tpu.memory_space<vmem>>, vector<768x768xf32>
    %convert_element_type3A_30 = arith.truncf %get3A_29 : vector<768x768xf32> to vector<768x768xbf16>
    %dot_general3A_31 = arith.constant dense<0.000000e+00> : vector<256x768xf32>
    %dot_general3A_32 = tpu.matmul %convert_element_type3A, %convert_element_type3A_30, %dot_general3A_31 {dimension_numbers = #tpu.dot_dimension_numbers<[1], [0], [0], [1], [0, 0, 1, 1], [], []>, transpose_lhs_hint = false} : vector<256x768xbf16>, vector<768x768xbf16>, vector<256x768xf32> -> vector<256x768xf32>
    %get3A_33 = arith.constant 0 : index
    %get3A_34 = arith.constant 0 : index
    %get3A_35 = vector.load %arg7[%get3A_33, %get3A_34] : memref<1x768xf32, #tpu.memory_space<vmem>>, vector<1x768xf32>
    %get3A_36 = vector.shape_cast %get3A_35 : vector<1x768xf32> to vector<768xf32>
    %broadcast_in_dim3A_37 = vector.shape_cast %get3A_36 : vector<768xf32> to vector<1x768xf32>
    %add3A_38 = vector.broadcast %broadcast_in_dim3A_37 : vector<1x768xf32> to vector<256x768xf32>
    %add3A_39 = arith.addf %dot_general3A_32, %add3A_38 : vector<256x768xf32>
    %swap3A = arith.constant 0 : index
    %swap3A_40 = arith.constant 0 : index
    %swap3A_41 = arith.constant 0 : index
    %swap3A_42 = vector.load %arg10[%swap3A, %swap3A_40, %swap3A_41] : memref<1x256x768xf32, #tpu.memory_space<vmem>>, vector<1x256x768xf32>
    %swap3A_43 = vector.shape_cast %swap3A_42 : vector<1x256x768xf32> to vector<256x768xf32>
    %swap3A_44 = vector.shape_cast %add3A_39 : vector<256x768xf32> to vector<1x256x768xf32>
    tpu.vector_store %arg10[%swap3A, %swap3A_40, %swap3A_41], %swap3A_44 {strides = array<i32>} : memref<1x256x768xf32, #tpu.memory_space<vmem>>, vector<1x256x768xf32>,
    %slice3A = vector.extract_strided_slice %add3A_13 {offsets = [0, 0], sizes = [256, 64], strides = [1, 1]} : vector<256x768xf32> to vector<256x64xf32>
    %slice3A_45 = vector.extract_strided_slice %add3A_26 {offsets = [0, 0], sizes = [256, 64], strides = [1, 1]} : vector<256x768xf32> to vector<256x64xf32>
    %get3A_46 = arith.constant 0 : index
    %get3A_47 = arith.constant 0 : index
    %get3A_48 = vector.load %arg8[%get3A_46, %get3A_47] : memref<64x768xf32, #tpu.memory_space<vmem>>, vector<64x64xf32>
    %dot_general3A_49 = arith.constant dense<0.000000e+00> : vector<256x256xf32>
    %dot_general3A_50 = tpu.matmul %slice3A, %slice3A_45, %dot_general3A_49 {dimension_numbers = #tpu.dot_dimension_numbers<[1], [1], [0], [0], [0, 0, 1, 0], [], []>, transpose_lhs_hint = false} : vector<256x64xf32>, vector<256x64xf32>, vector<256x256xf32> -> vector<256x256xf32>
    %dot_general3A_51 = arith.constant dense<0.000000e+00> : vector<256x64xf32>
    %dot_general3A_52 = tpu.matmul %slice3A, %get3A_48, %dot_general3A_51 {dimension_numbers = #tpu.dot_dimension_numbers<[1], [1], [0], [0], [0, 0, 1, 0], [], []>, transpose_lhs_hint = false} : vector<256x64xf32>, vector<64x64xf32>, vector<256x64xf32> -> vector<256x64xf32>
    %mul3A = arith.constant 1.250000e-01 : f32
    %mul3A_53 = vector.broadcast %mul3A : f32 to vector<256x256xf32>
    %mul3A_54 = arith.mulf %dot_general3A_50, %mul3A_53 : vector<256x256xf32>
    %swap3A_55 = arith.constant 0 : index
    %swap3A_56 = arith.constant 0 : index
    %swap3A_57 = arith.constant 0 : index
    %swap3A_58 = arith.constant 0 : index
    %swap3A_59 = vector.load %arg9[%swap3A_55, %swap3A_56, %swap3A_57, %swap3A_58] : memref<1x12x256x320xf32, #tpu.memory_space<vmem>>, vector<1x1x256x256xf32>
    %swap3A_60 = vector.shape_cast %swap3A_59 : vector<1x1x256x256xf32> to vector<256x256xf32>
    %swap3A_61 = vector.shape_cast %mul3A_54 : vector<256x256xf32> to vector<1x1x256x256xf32>
    tpu.vector_store %arg9[%swap3A_55, %swap3A_56, %swap3A_57, %swap3A_58], %swap3A_61 {strides = array<i32>} : memref<1x12x256x320xf32, #tpu.memory_space<vmem>>, vector<1x1x256x256xf32>,
    %mul3A_62 = arith.constant 1.250000e-01 : f32
    %mul3A_63 = vector.broadcast %mul3A_62 : f32 to vector<256x64xf32>
    %mul3A_64 = arith.mulf %dot_general3A_52, %mul3A_63 : vector<256x64xf32>
    %swap3A_65 = arith.constant 0 : index
    %swap3A_66 = arith.constant 0 : index
    %swap3A_67 = arith.constant 0 : index
    %swap3A_68 = arith.constant 256 : index
    %swap3A_69 = vector.load %arg9[%swap3A_65, %swap3A_66, %swap3A_67, %swap3A_68] : memref<1x12x256x320xf32, #tpu.memory_space<vmem>>, vector<1x1x256x64xf32>
    %swap3A_70 = vector.shape_cast %swap3A_69 : vector<1x1x256x64xf32> to vector<256x64xf32>
    %swap3A_71 = vector.shape_cast %mul3A_64 : vector<256x64xf32> to vector<1x1x256x64xf32>
    tpu.vector_store %arg9[%swap3A_65, %swap3A_66, %swap3A_67, %swap3A_68], %swap3A_71 {strides = array<i32>} : memref<1x12x256x320xf32, #tpu.memory_space<vmem>>, vector<1x1x256x64xf32>,
    %slice3A_72 = vector.extract_strided_slice %add3A_13 {offsets = [0, 64], sizes = [256, 64], strides = [1, 1]} : vector<256x768xf32> to vector<256x64xf32>
    %slice3A_73 = vector.extract_strided_slice %add3A_26 {offsets = [0, 64], sizes = [256, 64], strides = [1, 1]} : vector<256x768xf32> to vector<256x64xf32>
    %get3A_74 = arith.constant 0 : index
    %get3A_75 = arith.constant 64 : index
    %get3A_76 = vector.load %arg8[%get3A_74, %get3A_75] : memref<64x768xf32, #tpu.memory_space<vmem>>, vector<64x64xf32>
    %dot_general3A_77 = arith.constant dense<0.000000e+00> : vector<256x256xf32>
    %dot_general3A_78 = tpu.matmul %slice3A_72, %slice3A_73, %dot_general3A_77 {dimension_numbers = #tpu.dot_dimension_numbers<[1], [1], [0], [0], [0, 0, 1, 0], [], []>, transpose_lhs_hint = false} : vector<256x64xf32>, vector<256x64xf32>, vector<256x256xf32> -> vector<256x256xf32>
    %dot_general3A_79 = arith.constant dense<0.000000e+00> : vector<256x64xf32>
    %dot_general3A_80 = tpu.matmul %slice3A_72, %get3A_76, %dot_general3A_79 {dimension_numbers = #tpu.dot_dimension_numbers<[1], [1], [0], [0], [0, 0, 1, 0], [], []>, transpose_lhs_hint = false} : vector<256x64xf32>, vector<64x64xf32>, vector<256x64xf32> -> vector<256x64xf32>
    %mul3A_81 = arith.constant 1.250000e-01 : f32
    %mul3A_82 = vector.broadcast %mul3A_81 : f32 to vector<256x256xf32>
    %mul3A_83 = arith.mulf %dot_general3A_78, %mul3A_82 : vector<256x256xf32>
    %swap3A_84 = arith.constant 0 : index
    %swap3A_85 = arith.constant 1 : index
    %swap3A_86 = arith.constant 0 : index
    %swap3A_87 = arith.constant 0 : index
    %swap3A_88 = vector.load %arg9[%swap3A_84, %swap3A_85, %swap3A_86, %swap3A_87] : memref<1x12x256x320xf32, #tpu.memory_space<vmem>>, vector<1x1x256x256xf32>
    %swap3A_89 = vector.shape_cast %swap3A_88 : vector<1x1x256x256xf32> to vector<256x256xf32>
    %swap3A_90 = vector.shape_cast %mul3A_83 : vector<256x256xf32> to vector<1x1x256x256xf32>
    tpu.vector_store %arg9[%swap3A_84, %swap3A_85, %swap3A_86, %swap3A_87], %swap3A_90 {strides = array<i32>} : memref<1x12x256x320xf32, #tpu.memory_space<vmem>>, vector<1x1x256x256xf32>,
    %mul3A_91 = arith.constant 1.250000e-01 : f32
    %mul3A_92 = vector.broadcast %mul3A_91 : f32 to vector<256x64xf32>
    %mul3A_93 = arith.mulf %dot_general3A_80, %mul3A_92 : vector<256x64xf32>
    %swap3A_94 = arith.constant 0 : index
    %swap3A_95 = arith.constant 1 : index
    %swap3A_96 = arith.constant 0 : index
    %swap3A_97 = arith.constant 256 : index
    %swap3A_98 = vector.load %arg9[%swap3A_94, %swap3A_95, %swap3A_96, %swap3A_97] : memref<1x12x256x320xf32, #tpu.memory_space<vmem>>, vector<1x1x256x64xf32>
    %swap3A_99 = vector.shape_cast %swap3A_98 : vector<1x1x256x64xf32> to vector<256x64xf32>
    %swap3A_100 = vector.shape_cast %mul3A_93 : vector<256x64xf32> to vector<1x1x256x64xf32>
    tpu.vector_store %arg9[%swap3A_94, %swap3A_95, %swap3A_96, %swap3A_97], %swap3A_100 {strides = array<i32>} : memref<1x12x256x320xf32, #tpu.memory_space<vmem>>, vector<1x1x256x64xf32>,
    %slice3A_101 = vector.extract_strided_slice %add3A_13 {offsets = [0, 128], sizes = [256, 64], strides = [1, 1]} : vector<256x768xf32> to vector<256x64xf32>
    %slice3A_102 = vector.extract_strided_slice %add3A_26 {offsets = [0, 128], sizes = [256, 64], strides = [1, 1]} : vector<256x768xf32> to vector<256x64xf32>
    %get3A_103 = arith.constant 0 : index
    %get3A_104 = arith.constant 128 : index
    %get3A_105 = vector.load %arg8[%get3A_103, %get3A_104] : memref<64x768xf32, #tpu.memory_space<vmem>>, vector<64x64xf32>
    %dot_general3A_106 = arith.constant dense<0.000000e+00> : vector<256x256xf32>
    %dot_general3A_107 = tpu.matmul %slice3A_101, %slice3A_102, %dot_general3A_106 {dimension_numbers = #tpu.dot_dimension_numbers<[1], [1], [0], [0], [0, 0, 1, 0], [], []>, transpose_lhs_hint = false} : vector<256x64xf32>, vector<256x64xf32>, vector<256x256xf32> -> vector<256x256xf32>
    %dot_general3A_108 = arith.constant dense<0.000000e+00> : vector<256x64xf32>
    %dot_general3A_109 = tpu.matmul %slice3A_101, %get3A_105, %dot_general3A_108 {dimension_numbers = #tpu.dot_dimension_numbers<[1], [1], [0], [0], [0, 0, 1, 0], [], []>, transpose_lhs_hint = false} : vector<256x64xf32>, vector<64x64xf32>, vector<256x64xf32> -> vector<256x64xf32>
    %mul3A_110 = arith.constant 1.250000e-01 : f32
    %mul3A_111 = vector.broadcast %mul3A_110 : f32 to vector<256x256xf32>
    %mul3A_112 = arith.mulf %dot_general3A_107, %mul3A_111 : vector<256x256xf32>
    %swap3A_113 = arith.constant 0 : index
    %swap3A_114 = arith.constant 2 : index
    %swap3A_115 = arith.constant 0 : index
    %swap3A_116 = arith.constant 0 : index
    %swap3A_117 = vector.load %arg9[%swap3A_113, %swap3A_114, %swap3A_115, %swap3A_116] : memref<1x12x256x320xf32, #tpu.memory_space<vmem>>, vector<1x1x256x256xf32>
    %swap3A_118 = vector.shape_cast %swap3A_117 : vector<1x1x256x256xf32> to vector<256x256xf32>
    %swap3A_119 = vector.shape_cast %mul3A_112 : vector<256x256xf32> to vector<1x1x256x256xf32>
    tpu.vector_store %arg9[%swap3A_113, %swap3A_114, %swap3A_115, %swap3A_116], %swap3A_119 {strides = array<i32>} : memref<1x12x256x320xf32, #tpu.memory_space<vmem>>, vector<1x1x256x256xf32>,
    %mul3A_120 = arith.constant 1.250000e-01 : f32
    %mul3A_121 = vector.broadcast %mul3A_120 : f32 to vector<256x64xf32>
    %mul3A_122 = arith.mulf %dot_general3A_109, %mul3A_121 : vector<256x64xf32>
    %swap3A_123 = arith.constant 0 : index
    %swap3A_124 = arith.constant 2 : index
    %swap3A_125 = arith.constant 0 : index
    %swap3A_126 = arith.constant 256 : index
    %swap3A_127 = vector.load %arg9[%swap3A_123, %swap3A_124, %swap3A_125, %swap3A_126] : memref<1x12x256x320xf32, #tpu.memory_space<vmem>>, vector<1x1x256x64xf32>
    %swap3A_128 = vector.shape_cast %swap3A_127 : vector<1x1x256x64xf32> to vector<256x64xf32>
    %swap3A_129 = vector.shape_cast %mul3A_122 : vector<256x64xf32> to vector<1x1x256x64xf32>
    tpu.vector_store %arg9[%swap3A_123, %swap3A_124, %swap3A_125, %swap3A_126], %swap3A_129 {strides = array<i32>} : memref<1x12x256x320xf32, #tpu.memory_space<vmem>>, vector<1x1x256x64xf32>,
    %slice3A_130 = vector.extract_strided_slice %add3A_13 {offsets = [0, 192], sizes = [256, 64], strides = [1, 1]} : vector<256x768xf32> to vector<256x64xf32>
    %slice3A_131 = vector.extract_strided_slice %add3A_26 {offsets = [0, 192], sizes = [256, 64], strides = [1, 1]} : vector<256x768xf32> to vector<256x64xf32>
    %get3A_132 = arith.constant 0 : index
    %get3A_133 = arith.constant 192 : index
    %get3A_134 = vector.load %arg8[%get3A_132, %get3A_133] : memref<64x768xf32, #tpu.memory_space<vmem>>, vector<64x64xf32>
    %dot_general3A_135 = arith.constant dense<0.000000e+00> : vector<256x256xf32>
    %dot_general3A_136 = tpu.matmul %slice3A_130, %slice3A_131, %dot_general3A_135 {dimension_numbers = #tpu.dot_dimension_numbers<[1], [1], [0], [0], [0, 0, 1, 0], [], []>, transpose_lhs_hint = false} : vector<256x64xf32>, vector<256x64xf32>, vector<256x256xf32> -> vector<256x256xf32>
    %dot_general3A_137 = arith.constant dense<0.000000e+00> : vector<256x64xf32>
    %dot_general3A_138 = tpu.matmul %slice3A_130, %get3A_134, %dot_general3A_137 {dimension_numbers = #tpu.dot_dimension_numbers<[1], [1], [0], [0], [0, 0, 1, 0], [], []>, transpose_lhs_hint = false} : vector<256x64xf32>, vector<64x64xf32>, vector<256x64xf32> -> vector<256x64xf32>
    %mul3A_139 = arith.constant 1.250000e-01 : f32
    %mul3A_140 = vector.broadcast %mul3A_139 : f32 to vector<256x256xf32>
    %mul3A_141 = arith.mulf %dot_general3A_136, %mul3A_140 : vector<256x256xf32>
    %swap3A_142 = arith.constant 0 : index
    %swap3A_143 = arith.constant 3 : index
    %swap3A_144 = arith.constant 0 : index
    %swap3A_145 = arith.constant 0 : index
    %swap3A_146 = vector.load %arg9[%swap3A_142, %swap3A_143, %swap3A_144, %swap3A_145] : memref<1x12x256x320xf32, #tpu.memory_space<vmem>>, vector<1x1x256x256xf32>
    %swap3A_147 = vector.shape_cast %swap3A_146 : vector<1x1x256x256xf32> to vector<256x256xf32>
    %swap3A_148 = vector.shape_cast %mul3A_141 : vector<256x256xf32> to vector<1x1x256x256xf32>
    tpu.vector_store %arg9[%swap3A_142, %swap3A_143, %swap3A_144, %swap3A_145], %swap3A_148 {strides = array<i32>} : memref<1x12x256x320xf32, #tpu.memory_space<vmem>>, vector<1x1x256x256xf32>,
    %mul3A_149 = arith.constant 1.250000e-01 : f32
    %mul3A_150 = vector.broadcast %mul3A_149 : f32 to vector<256x64xf32>
    %mul3A_151 = arith.mulf %dot_general3A_138, %mul3A_150 : vector<256x64xf32>
    %swap3A_152 = arith.constant 0 : index
    %swap3A_153 = arith.constant 3 : index
    %swap3A_154 = arith.constant 0 : index
    %swap3A_155 = arith.constant 256 : index
    %swap3A_156 = vector.load %arg9[%swap3A_152, %swap3A_153, %swap3A_154, %swap3A_155] : memref<1x12x256x320xf32, #tpu.memory_space<vmem>>, vector<1x1x256x64xf32>
    %swap3A_157 = vector.shape_cast %swap3A_156 : vector<1x1x256x64xf32> to vector<256x64xf32>
    %swap3A_158 = vector.shape_cast %mul3A_151 : vector<256x64xf32> to vector<1x1x256x64xf32>
    tpu.vector_store %arg9[%swap3A_152, %swap3A_153, %swap3A_154, %swap3A_155], %swap3A_158 {strides = array<i32>} : memref<1x12x256x320xf32, #tpu.memory_space<vmem>>, vector<1x1x256x64xf32>,
    %slice3A_159 = vector.extract_strided_slice %add3A_13 {offsets = [0, 256], sizes = [256, 64], strides = [1, 1]} : vector<256x768xf32> to vector<256x64xf32>
    %slice3A_160 = vector.extract_strided_slice %add3A_26 {offsets = [0, 256], sizes = [256, 64], strides = [1, 1]} : vector<256x768xf32> to vector<256x64xf32>
    %get3A_161 = arith.constant 0 : index
    %get3A_162 = arith.constant 256 : index
    %get3A_163 = vector.load %arg8[%get3A_161, %get3A_162] : memref<64x768xf32, #tpu.memory_space<vmem>>, vector<64x64xf32>
    %dot_general3A_164 = arith.constant dense<0.000000e+00> : vector<256x256xf32>
    %dot_general3A_165 = tpu.matmul %slice3A_159, %slice3A_160, %dot_general3A_164 {dimension_numbers = #tpu.dot_dimension_numbers<[1], [1], [0], [0], [0, 0, 1, 0], [], []>, transpose_lhs_hint = false} : vector<256x64xf32>, vector<256x64xf32>, vector<256x256xf32> -> vector<256x256xf32>
    %dot_general3A_166 = arith.constant dense<0.000000e+00> : vector<256x64xf32>
    %dot_general3A_167 = tpu.matmul %slice3A_159, %get3A_163, %dot_general3A_166 {dimension_numbers = #tpu.dot_dimension_numbers<[1], [1], [0], [0], [0, 0, 1, 0], [], []>, transpose_lhs_hint = false} : vector<256x64xf32>, vector<64x64xf32>, vector<256x64xf32> -> vector<256x64xf32>
    %mul3A_168 = arith.constant 1.250000e-01 : f32
    %mul3A_169 = vector.broadcast %mul3A_168 : f32 to vector<256x256xf32>
    %mul3A_170 = arith.mulf %dot_general3A_165, %mul3A_169 : vector<256x256xf32>
    %swap3A_171 = arith.constant 0 : index
    %swap3A_172 = arith.constant 4 : index
    %swap3A_173 = arith.constant 0 : index
    %swap3A_174 = arith.constant 0 : index
    %swap3A_175 = vector.load %arg9[%swap3A_171, %swap3A_172, %swap3A_173, %swap3A_174] : memref<1x12x256x320xf32, #tpu.memory_space<vmem>>, vector<1x1x256x256xf32>
    %swap3A_176 = vector.shape_cast %swap3A_175 : vector<1x1x256x256xf32> to vector<256x256xf32>
    %swap3A_177 = vector.shape_cast %mul3A_170 : vector<256x256xf32> to vector<1x1x256x256xf32>
    tpu.vector_store %arg9[%swap3A_171, %swap3A_172, %swap3A_173, %swap3A_174], %swap3A_177 {strides = array<i32>} : memref<1x12x256x320xf32, #tpu.memory_space<vmem>>, vector<1x1x256x256xf32>,
    %mul3A_178 = arith.constant 1.250000e-01 : f32
    %mul3A_179 = vector.broadcast %mul3A_178 : f32 to vector<256x64xf32>
    %mul3A_180 = arith.mulf %dot_general3A_167, %mul3A_179 : vector<256x64xf32>
    %swap3A_181 = arith.constant 0 : index
    %swap3A_182 = arith.constant 4 : index
    %swap3A_183 = arith.constant 0 : index
    %swap3A_184 = arith.constant 256 : index
    %swap3A_185 = vector.load %arg9[%swap3A_181, %swap3A_182, %swap3A_183, %swap3A_184] : memref<1x12x256x320xf32, #tpu.memory_space<vmem>>, vector<1x1x256x64xf32>
    %swap3A_186 = vector.shape_cast %swap3A_185 : vector<1x1x256x64xf32> to vector<256x64xf32>
    %swap3A_187 = vector.shape_cast %mul3A_180 : vector<256x64xf32> to vector<1x1x256x64xf32>
    tpu.vector_store %arg9[%swap3A_181, %swap3A_182, %swap3A_183, %swap3A_184], %swap3A_187 {strides = array<i32>} : memref<1x12x256x320xf32, #tpu.memory_space<vmem>>, vector<1x1x256x64xf32>,
    %slice3A_188 = vector.extract_strided_slice %add3A_13 {offsets = [0, 320], sizes = [256, 64], strides = [1, 1]} : vector<256x768xf32> to vector<256x64xf32>
    %slice3A_189 = vector.extract_strided_slice %add3A_26 {offsets = [0, 320], sizes = [256, 64], strides = [1, 1]} : vector<256x768xf32> to vector<256x64xf32>
    %get3A_190 = arith.constant 0 : index
    %get3A_191 = arith.constant 320 : index
    %get3A_192 = vector.load %arg8[%get3A_190, %get3A_191] : memref<64x768xf32, #tpu.memory_space<vmem>>, vector<64x64xf32>
    %dot_general3A_193 = arith.constant dense<0.000000e+00> : vector<256x256xf32>
    %dot_general3A_194 = tpu.matmul %slice3A_188, %slice3A_189, %dot_general3A_193 {dimension_numbers = #tpu.dot_dimension_numbers<[1], [1], [0], [0], [0, 0, 1, 0], [], []>, transpose_lhs_hint = false} : vector<256x64xf32>, vector<256x64xf32>, vector<256x256xf32> -> vector<256x256xf32>
    %dot_general3A_195 = arith.constant dense<0.000000e+00> : vector<256x64xf32>
    %dot_general3A_196 = tpu.matmul %slice3A_188, %get3A_192, %dot_general3A_195 {dimension_numbers = #tpu.dot_dimension_numbers<[1], [1], [0], [0], [0, 0, 1, 0], [], []>, transpose_lhs_hint = false} : vector<256x64xf32>, vector<64x64xf32>, vector<256x64xf32> -> vector<256x64xf32>
    %mul3A_197 = arith.constant 1.250000e-01 : f32
    %mul3A_198 = vector.broadcast %mul3A_197 : f32 to vector<256x256xf32>
    %mul3A_199 = arith.mulf %dot_general3A_194, %mul3A_198 : vector<256x256xf32>
    %swap3A_200 = arith.constant 0 : index
    %swap3A_201 = arith.constant 5 : index
    %swap3A_202 = arith.constant 0 : index
    %swap3A_203 = arith.constant 0 : index
    %swap3A_204 = vector.load %arg9[%swap3A_200, %swap3A_201, %swap3A_202, %swap3A_203] : memref<1x12x256x320xf32, #tpu.memory_space<vmem>>, vector<1x1x256x256xf32>
    %swap3A_205 = vector.shape_cast %swap3A_204 : vector<1x1x256x256xf32> to vector<256x256xf32>
    %swap3A_206 = vector.shape_cast %mul3A_199 : vector<256x256xf32> to vector<1x1x256x256xf32>
    tpu.vector_store %arg9[%swap3A_200, %swap3A_201, %swap3A_202, %swap3A_203], %swap3A_206 {strides = array<i32>} : memref<1x12x256x320xf32, #tpu.memory_space<vmem>>, vector<1x1x256x256xf32>,
    %mul3A_207 = arith.constant 1.250000e-01 : f32
    %mul3A_208 = vector.broadcast %mul3A_207 : f32 to vector<256x64xf32>
    %mul3A_209 = arith.mulf %dot_general3A_196, %mul3A_208 : vector<256x64xf32>
    %swap3A_210 = arith.constant 0 : index
    %swap3A_211 = arith.constant 5 : index
    %swap3A_212 = arith.constant 0 : index
    %swap3A_213 = arith.constant 256 : index
    %swap3A_214 = vector.load %arg9[%swap3A_210, %swap3A_211, %swap3A_212, %swap3A_213] : memref<1x12x256x320xf32, #tpu.memory_space<vmem>>, vector<1x1x256x64xf32>
    %swap3A_215 = vector.shape_cast %swap3A_214 : vector<1x1x256x64xf32> to vector<256x64xf32>
    %swap3A_216 = vector.shape_cast %mul3A_209 : vector<256x64xf32> to vector<1x1x256x64xf32>
    tpu.vector_store %arg9[%swap3A_210, %swap3A_211, %swap3A_212, %swap3A_213], %swap3A_216 {strides = array<i32>} : memref<1x12x256x320xf32, #tpu.memory_space<vmem>>, vector<1x1x256x64xf32>,
    %slice3A_217 = vector.extract_strided_slice %add3A_13 {offsets = [0, 384], sizes = [256, 64], strides = [1, 1]} : vector<256x768xf32> to vector<256x64xf32>
    %slice3A_218 = vector.extract_strided_slice %add3A_26 {offsets = [0, 384], sizes = [256, 64], strides = [1, 1]} : vector<256x768xf32> to vector<256x64xf32>
    %get3A_219 = arith.constant 0 : index
    %get3A_220 = arith.constant 384 : index
    %get3A_221 = vector.load %arg8[%get3A_219, %get3A_220] : memref<64x768xf32, #tpu.memory_space<vmem>>, vector<64x64xf32>
    %dot_general3A_222 = arith.constant dense<0.000000e+00> : vector<256x256xf32>
    %dot_general3A_223 = tpu.matmul %slice3A_217, %slice3A_218, %dot_general3A_222 {dimension_numbers = #tpu.dot_dimension_numbers<[1], [1], [0], [0], [0, 0, 1, 0], [], []>, transpose_lhs_hint = false} : vector<256x64xf32>, vector<256x64xf32>, vector<256x256xf32> -> vector<256x256xf32>
    %dot_general3A_224 = arith.constant dense<0.000000e+00> : vector<256x64xf32>
    %dot_general3A_225 = tpu.matmul %slice3A_217, %get3A_221, %dot_general3A_224 {dimension_numbers = #tpu.dot_dimension_numbers<[1], [1], [0], [0], [0, 0, 1, 0], [], []>, transpose_lhs_hint = false} : vector<256x64xf32>, vector<64x64xf32>, vector<256x64xf32> -> vector<256x64xf32>
    %mul3A_226 = arith.constant 1.250000e-01 : f32
    %mul3A_227 = vector.broadcast %mul3A_226 : f32 to vector<256x256xf32>
    %mul3A_228 = arith.mulf %dot_general3A_223, %mul3A_227 : vector<256x256xf32>
    %swap3A_229 = arith.constant 0 : index
    %swap3A_230 = arith.constant 6 : index
    %swap3A_231 = arith.constant 0 : index
    %swap3A_232 = arith.constant 0 : index
    %swap3A_233 = vector.load %arg9[%swap3A_229, %swap3A_230, %swap3A_231, %swap3A_232] : memref<1x12x256x320xf32, #tpu.memory_space<vmem>>, vector<1x1x256x256xf32>
    %swap3A_234 = vector.shape_cast %swap3A_233 : vector<1x1x256x256xf32> to vector<256x256xf32>
    %swap3A_235 = vector.shape_cast %mul3A_228 : vector<256x256xf32> to vector<1x1x256x256xf32>
    tpu.vector_store %arg9[%swap3A_229, %swap3A_230, %swap3A_231, %swap3A_232], %swap3A_235 {strides = array<i32>} : memref<1x12x256x320xf32, #tpu.memory_space<vmem>>, vector<1x1x256x256xf32>,
    %mul3A_236 = arith.constant 1.250000e-01 : f32
    %mul3A_237 = vector.broadcast %mul3A_236 : f32 to vector<256x64xf32>
    %mul3A_238 = arith.mulf %dot_general3A_225, %mul3A_237 : vector<256x64xf32>
    %swap3A_239 = arith.constant 0 : index
    %swap3A_240 = arith.constant 6 : index
    %swap3A_241 = arith.constant 0 : index
    %swap3A_242 = arith.constant 256 : index
    %swap3A_243 = vector.load %arg9[%swap3A_239, %swap3A_240, %swap3A_241, %swap3A_242] : memref<1x12x256x320xf32, #tpu.memory_space<vmem>>, vector<1x1x256x64xf32>
    %swap3A_244 = vector.shape_cast %swap3A_243 : vector<1x1x256x64xf32> to vector<256x64xf32>
    %swap3A_245 = vector.shape_cast %mul3A_238 : vector<256x64xf32> to vector<1x1x256x64xf32>
    tpu.vector_store %arg9[%swap3A_239, %swap3A_240, %swap3A_241, %swap3A_242], %swap3A_245 {strides = array<i32>} : memref<1x12x256x320xf32, #tpu.memory_space<vmem>>, vector<1x1x256x64xf32>,
    %slice3A_246 = vector.extract_strided_slice %add3A_13 {offsets = [0, 448], sizes = [256, 64], strides = [1, 1]} : vector<256x768xf32> to vector<256x64xf32>
    %slice3A_247 = vector.extract_strided_slice %add3A_26 {offsets = [0, 448], sizes = [256, 64], strides = [1, 1]} : vector<256x768xf32> to vector<256x64xf32>
    %get3A_248 = arith.constant 0 : index
    %get3A_249 = arith.constant 448 : index
    %get3A_250 = vector.load %arg8[%get3A_248, %get3A_249] : memref<64x768xf32, #tpu.memory_space<vmem>>, vector<64x64xf32>
    %dot_general3A_251 = arith.constant dense<0.000000e+00> : vector<256x256xf32>
    %dot_general3A_252 = tpu.matmul %slice3A_246, %slice3A_247, %dot_general3A_251 {dimension_numbers = #tpu.dot_dimension_numbers<[1], [1], [0], [0], [0, 0, 1, 0], [], []>, transpose_lhs_hint = false} : vector<256x64xf32>, vector<256x64xf32>, vector<256x256xf32> -> vector<256x256xf32>
    %dot_general3A_253 = arith.constant dense<0.000000e+00> : vector<256x64xf32>
    %dot_general3A_254 = tpu.matmul %slice3A_246, %get3A_250, %dot_general3A_253 {dimension_numbers = #tpu.dot_dimension_numbers<[1], [1], [0], [0], [0, 0, 1, 0], [], []>, transpose_lhs_hint = false} : vector<256x64xf32>, vector<64x64xf32>, vector<256x64xf32> -> vector<256x64xf32>
    %mul3A_255 = arith.constant 1.250000e-01 : f32
    %mul3A_256 = vector.broadcast %mul3A_255 : f32 to vector<256x256xf32>
    %mul3A_257 = arith.mulf %dot_general3A_252, %mul3A_256 : vector<256x256xf32>
    %swap3A_258 = arith.constant 0 : index
    %swap3A_259 = arith.constant 7 : index
    %swap3A_260 = arith.constant 0 : index
    %swap3A_261 = arith.constant 0 : index
    %swap3A_262 = vector.load %arg9[%swap3A_258, %swap3A_259, %swap3A_260, %swap3A_261] : memref<1x12x256x320xf32, #tpu.memory_space<vmem>>, vector<1x1x256x256xf32>
    %swap3A_263 = vector.shape_cast %swap3A_262 : vector<1x1x256x256xf32> to vector<256x256xf32>
    %swap3A_264 = vector.shape_cast %mul3A_257 : vector<256x256xf32> to vector<1x1x256x256xf32>
    tpu.vector_store %arg9[%swap3A_258, %swap3A_259, %swap3A_260, %swap3A_261], %swap3A_264 {strides = array<i32>} : memref<1x12x256x320xf32, #tpu.memory_space<vmem>>, vector<1x1x256x256xf32>,
    %mul3A_265 = arith.constant 1.250000e-01 : f32
    %mul3A_266 = vector.broadcast %mul3A_265 : f32 to vector<256x64xf32>
    %mul3A_267 = arith.mulf %dot_general3A_254, %mul3A_266 : vector<256x64xf32>
    %swap3A_268 = arith.constant 0 : index
    %swap3A_269 = arith.constant 7 : index
    %swap3A_270 = arith.constant 0 : index
    %swap3A_271 = arith.constant 256 : index
    %swap3A_272 = vector.load %arg9[%swap3A_268, %swap3A_269, %swap3A_270, %swap3A_271] : memref<1x12x256x320xf32, #tpu.memory_space<vmem>>, vector<1x1x256x64xf32>
    %swap3A_273 = vector.shape_cast %swap3A_272 : vector<1x1x256x64xf32> to vector<256x64xf32>
    %swap3A_274 = vector.shape_cast %mul3A_267 : vector<256x64xf32> to vector<1x1x256x64xf32>
    tpu.vector_store %arg9[%swap3A_268, %swap3A_269, %swap3A_270, %swap3A_271], %swap3A_274 {strides = array<i32>} : memref<1x12x256x320xf32, #tpu.memory_space<vmem>>, vector<1x1x256x64xf32>,
    %slice3A_275 = vector.extract_strided_slice %add3A_13 {offsets = [0, 512], sizes = [256, 64], strides = [1, 1]} : vector<256x768xf32> to vector<256x64xf32>
    %slice3A_276 = vector.extract_strided_slice %add3A_26 {offsets = [0, 512], sizes = [256, 64], strides = [1, 1]} : vector<256x768xf32> to vector<256x64xf32>
    %get3A_277 = arith.constant 0 : index
    %get3A_278 = arith.constant 512 : index
    %get3A_279 = vector.load %arg8[%get3A_277, %get3A_278] : memref<64x768xf32, #tpu.memory_space<vmem>>, vector<64x64xf32>
    %dot_general3A_280 = arith.constant dense<0.000000e+00> : vector<256x256xf32>
    %dot_general3A_281 = tpu.matmul %slice3A_275, %slice3A_276, %dot_general3A_280 {dimension_numbers = #tpu.dot_dimension_numbers<[1], [1], [0], [0], [0, 0, 1, 0], [], []>, transpose_lhs_hint = false} : vector<256x64xf32>, vector<256x64xf32>, vector<256x256xf32> -> vector<256x256xf32>
    %dot_general3A_282 = arith.constant dense<0.000000e+00> : vector<256x64xf32>
    %dot_general3A_283 = tpu.matmul %slice3A_275, %get3A_279, %dot_general3A_282 {dimension_numbers = #tpu.dot_dimension_numbers<[1], [1], [0], [0], [0, 0, 1, 0], [], []>, transpose_lhs_hint = false} : vector<256x64xf32>, vector<64x64xf32>, vector<256x64xf32> -> vector<256x64xf32>
    %mul3A_284 = arith.constant 1.250000e-01 : f32
    %mul3A_285 = vector.broadcast %mul3A_284 : f32 to vector<256x256xf32>
    %mul3A_286 = arith.mulf %dot_general3A_281, %mul3A_285 : vector<256x256xf32>
    %swap3A_287 = arith.constant 0 : index
    %swap3A_288 = arith.constant 8 : index
    %swap3A_289 = arith.constant 0 : index
    %swap3A_290 = arith.constant 0 : index
    %swap3A_291 = vector.load %arg9[%swap3A_287, %swap3A_288, %swap3A_289, %swap3A_290] : memref<1x12x256x320xf32, #tpu.memory_space<vmem>>, vector<1x1x256x256xf32>
    %swap3A_292 = vector.shape_cast %swap3A_291 : vector<1x1x256x256xf32> to vector<256x256xf32>
    %swap3A_293 = vector.shape_cast %mul3A_286 : vector<256x256xf32> to vector<1x1x256x256xf32>
    tpu.vector_store %arg9[%swap3A_287, %swap3A_288, %swap3A_289, %swap3A_290], %swap3A_293 {strides = array<i32>} : memref<1x12x256x320xf32, #tpu.memory_space<vmem>>, vector<1x1x256x256xf32>,
    %mul3A_294 = arith.constant 1.250000e-01 : f32
    %mul3A_295 = vector.broadcast %mul3A_294 : f32 to vector<256x64xf32>
    %mul3A_296 = arith.mulf %dot_general3A_283, %mul3A_295 : vector<256x64xf32>
    %swap3A_297 = arith.constant 0 : index
    %swap3A_298 = arith.constant 8 : index
    %swap3A_299 = arith.constant 0 : index
    %swap3A_300 = arith.constant 256 : index
    %swap3A_301 = vector.load %arg9[%swap3A_297, %swap3A_298, %swap3A_299, %swap3A_300] : memref<1x12x256x320xf32, #tpu.memory_space<vmem>>, vector<1x1x256x64xf32>
    %swap3A_302 = vector.shape_cast %swap3A_301 : vector<1x1x256x64xf32> to vector<256x64xf32>
    %swap3A_303 = vector.shape_cast %mul3A_296 : vector<256x64xf32> to vector<1x1x256x64xf32>
    tpu.vector_store %arg9[%swap3A_297, %swap3A_298, %swap3A_299, %swap3A_300], %swap3A_303 {strides = array<i32>} : memref<1x12x256x320xf32, #tpu.memory_space<vmem>>, vector<1x1x256x64xf32>,
    %slice3A_304 = vector.extract_strided_slice %add3A_13 {offsets = [0, 576], sizes = [256, 64], strides = [1, 1]} : vector<256x768xf32> to vector<256x64xf32>
    %slice3A_305 = vector.extract_strided_slice %add3A_26 {offsets = [0, 576], sizes = [256, 64], strides = [1, 1]} : vector<256x768xf32> to vector<256x64xf32>
    %get3A_306 = arith.constant 0 : index
    %get3A_307 = arith.constant 576 : index
    %get3A_308 = vector.load %arg8[%get3A_306, %get3A_307] : memref<64x768xf32, #tpu.memory_space<vmem>>, vector<64x64xf32>
    %dot_general3A_309 = arith.constant dense<0.000000e+00> : vector<256x256xf32>
    %dot_general3A_310 = tpu.matmul %slice3A_304, %slice3A_305, %dot_general3A_309 {dimension_numbers = #tpu.dot_dimension_numbers<[1], [1], [0], [0], [0, 0, 1, 0], [], []>, transpose_lhs_hint = false} : vector<256x64xf32>, vector<256x64xf32>, vector<256x256xf32> -> vector<256x256xf32>
    %dot_general3A_311 = arith.constant dense<0.000000e+00> : vector<256x64xf32>
    %dot_general3A_312 = tpu.matmul %slice3A_304, %get3A_308, %dot_general3A_311 {dimension_numbers = #tpu.dot_dimension_numbers<[1], [1], [0], [0], [0, 0, 1, 0], [], []>, transpose_lhs_hint = false} : vector<256x64xf32>, vector<64x64xf32>, vector<256x64xf32> -> vector<256x64xf32>
    %mul3A_313 = arith.constant 1.250000e-01 : f32
    %mul3A_314 = vector.broadcast %mul3A_313 : f32 to vector<256x256xf32>
    %mul3A_315 = arith.mulf %dot_general3A_310, %mul3A_314 : vector<256x256xf32>
    %swap3A_316 = arith.constant 0 : index
    %swap3A_317 = arith.constant 9 : index
    %swap3A_318 = arith.constant 0 : index
    %swap3A_319 = arith.constant 0 : index
    %swap3A_320 = vector.load %arg9[%swap3A_316, %swap3A_317, %swap3A_318, %swap3A_319] : memref<1x12x256x320xf32, #tpu.memory_space<vmem>>, vector<1x1x256x256xf32>
    %swap3A_321 = vector.shape_cast %swap3A_320 : vector<1x1x256x256xf32> to vector<256x256xf32>
    %swap3A_322 = vector.shape_cast %mul3A_315 : vector<256x256xf32> to vector<1x1x256x256xf32>
    tpu.vector_store %arg9[%swap3A_316, %swap3A_317, %swap3A_318, %swap3A_319], %swap3A_322 {strides = array<i32>} : memref<1x12x256x320xf32, #tpu.memory_space<vmem>>, vector<1x1x256x256xf32>,
    %mul3A_323 = arith.constant 1.250000e-01 : f32
    %mul3A_324 = vector.broadcast %mul3A_323 : f32 to vector<256x64xf32>
    %mul3A_325 = arith.mulf %dot_general3A_312, %mul3A_324 : vector<256x64xf32>
    %swap3A_326 = arith.constant 0 : index
    %swap3A_327 = arith.constant 9 : index
    %swap3A_328 = arith.constant 0 : index
    %swap3A_329 = arith.constant 256 : index
    %swap3A_330 = vector.load %arg9[%swap3A_326, %swap3A_327, %swap3A_328, %swap3A_329] : memref<1x12x256x320xf32, #tpu.memory_space<vmem>>, vector<1x1x256x64xf32>
    %swap3A_331 = vector.shape_cast %swap3A_330 : vector<1x1x256x64xf32> to vector<256x64xf32>
    %swap3A_332 = vector.shape_cast %mul3A_325 : vector<256x64xf32> to vector<1x1x256x64xf32>
    tpu.vector_store %arg9[%swap3A_326, %swap3A_327, %swap3A_328, %swap3A_329], %swap3A_332 {strides = array<i32>} : memref<1x12x256x320xf32, #tpu.memory_space<vmem>>, vector<1x1x256x64xf32>,
    %slice3A_333 = vector.extract_strided_slice %add3A_13 {offsets = [0, 640], sizes = [256, 64], strides = [1, 1]} : vector<256x768xf32> to vector<256x64xf32>
    %slice3A_334 = vector.extract_strided_slice %add3A_26 {offsets = [0, 640], sizes = [256, 64], strides = [1, 1]} : vector<256x768xf32> to vector<256x64xf32>
    %get3A_335 = arith.constant 0 : index
    %get3A_336 = arith.constant 640 : index
    %get3A_337 = vector.load %arg8[%get3A_335, %get3A_336] : memref<64x768xf32, #tpu.memory_space<vmem>>, vector<64x64xf32>
    %dot_general3A_338 = arith.constant dense<0.000000e+00> : vector<256x256xf32>
    %dot_general3A_339 = tpu.matmul %slice3A_333, %slice3A_334, %dot_general3A_338 {dimension_numbers = #tpu.dot_dimension_numbers<[1], [1], [0], [0], [0, 0, 1, 0], [], []>, transpose_lhs_hint = false} : vector<256x64xf32>, vector<256x64xf32>, vector<256x256xf32> -> vector<256x256xf32>
    %dot_general3A_340 = arith.constant dense<0.000000e+00> : vector<256x64xf32>
    %dot_general3A_341 = tpu.matmul %slice3A_333, %get3A_337, %dot_general3A_340 {dimension_numbers = #tpu.dot_dimension_numbers<[1], [1], [0], [0], [0, 0, 1, 0], [], []>, transpose_lhs_hint = false} : vector<256x64xf32>, vector<64x64xf32>, vector<256x64xf32> -> vector<256x64xf32>
    %mul3A_342 = arith.constant 1.250000e-01 : f32
    %mul3A_343 = vector.broadcast %mul3A_342 : f32 to vector<256x256xf32>
    %mul3A_344 = arith.mulf %dot_general3A_339, %mul3A_343 : vector<256x256xf32>
    %swap3A_345 = arith.constant 0 : index
    %swap3A_346 = arith.constant 10 : index
    %swap3A_347 = arith.constant 0 : index
    %swap3A_348 = arith.constant 0 : index
    %swap3A_349 = vector.load %arg9[%swap3A_345, %swap3A_346, %swap3A_347, %swap3A_348] : memref<1x12x256x320xf32, #tpu.memory_space<vmem>>, vector<1x1x256x256xf32>
    %swap3A_350 = vector.shape_cast %swap3A_349 : vector<1x1x256x256xf32> to vector<256x256xf32>
    %swap3A_351 = vector.shape_cast %mul3A_344 : vector<256x256xf32> to vector<1x1x256x256xf32>
    tpu.vector_store %arg9[%swap3A_345, %swap3A_346, %swap3A_347, %swap3A_348], %swap3A_351 {strides = array<i32>} : memref<1x12x256x320xf32, #tpu.memory_space<vmem>>, vector<1x1x256x256xf32>,
    %mul3A_352 = arith.constant 1.250000e-01 : f32
    %mul3A_353 = vector.broadcast %mul3A_352 : f32 to vector<256x64xf32>
    %mul3A_354 = arith.mulf %dot_general3A_341, %mul3A_353 : vector<256x64xf32>
    %swap3A_355 = arith.constant 0 : index
    %swap3A_356 = arith.constant 10 : index
    %swap3A_357 = arith.constant 0 : index
    %swap3A_358 = arith.constant 256 : index
    %swap3A_359 = vector.load %arg9[%swap3A_355, %swap3A_356, %swap3A_357, %swap3A_358] : memref<1x12x256x320xf32, #tpu.memory_space<vmem>>, vector<1x1x256x64xf32>
    %swap3A_360 = vector.shape_cast %swap3A_359 : vector<1x1x256x64xf32> to vector<256x64xf32>
    %swap3A_361 = vector.shape_cast %mul3A_354 : vector<256x64xf32> to vector<1x1x256x64xf32>
    tpu.vector_store %arg9[%swap3A_355, %swap3A_356, %swap3A_357, %swap3A_358], %swap3A_361 {strides = array<i32>} : memref<1x12x256x320xf32, #tpu.memory_space<vmem>>, vector<1x1x256x64xf32>,
    %slice3A_362 = vector.extract_strided_slice %add3A_13 {offsets = [0, 704], sizes = [256, 64], strides = [1, 1]} : vector<256x768xf32> to vector<256x64xf32>
    %slice3A_363 = vector.extract_strided_slice %add3A_26 {offsets = [0, 704], sizes = [256, 64], strides = [1, 1]} : vector<256x768xf32> to vector<256x64xf32>
    %get3A_364 = arith.constant 0 : index
    %get3A_365 = arith.constant 704 : index
    %get3A_366 = vector.load %arg8[%get3A_364, %get3A_365] : memref<64x768xf32, #tpu.memory_space<vmem>>, vector<64x64xf32>
    %dot_general3A_367 = arith.constant dense<0.000000e+00> : vector<256x256xf32>
    %dot_general3A_368 = tpu.matmul %slice3A_362, %slice3A_363, %dot_general3A_367 {dimension_numbers = #tpu.dot_dimension_numbers<[1], [1], [0], [0], [0, 0, 1, 0], [], []>, transpose_lhs_hint = false} : vector<256x64xf32>, vector<256x64xf32>, vector<256x256xf32> -> vector<256x256xf32>
    %dot_general3A_369 = arith.constant dense<0.000000e+00> : vector<256x64xf32>
    %dot_general3A_370 = tpu.matmul %slice3A_362, %get3A_366, %dot_general3A_369 {dimension_numbers = #tpu.dot_dimension_numbers<[1], [1], [0], [0], [0, 0, 1, 0], [], []>, transpose_lhs_hint = false} : vector<256x64xf32>, vector<64x64xf32>, vector<256x64xf32> -> vector<256x64xf32>
    %mul3A_371 = arith.constant 1.250000e-01 : f32
    %mul3A_372 = vector.broadcast %mul3A_371 : f32 to vector<256x256xf32>
    %mul3A_373 = arith.mulf %dot_general3A_368, %mul3A_372 : vector<256x256xf32>
    %swap3A_374 = arith.constant 0 : index
    %swap3A_375 = arith.constant 11 : index
    %swap3A_376 = arith.constant 0 : index
    %swap3A_377 = arith.constant 0 : index
    %swap3A_378 = vector.load %arg9[%swap3A_374, %swap3A_375, %swap3A_376, %swap3A_377] : memref<1x12x256x320xf32, #tpu.memory_space<vmem>>, vector<1x1x256x256xf32>
    %swap3A_379 = vector.shape_cast %swap3A_378 : vector<1x1x256x256xf32> to vector<256x256xf32>
    %swap3A_380 = vector.shape_cast %mul3A_373 : vector<256x256xf32> to vector<1x1x256x256xf32>
    tpu.vector_store %arg9[%swap3A_374, %swap3A_375, %swap3A_376, %swap3A_377], %swap3A_380 {strides = array<i32>} : memref<1x12x256x320xf32, #tpu.memory_space<vmem>>, vector<1x1x256x256xf32>,
    %mul3A_381 = arith.constant 1.250000e-01 : f32
    %mul3A_382 = vector.broadcast %mul3A_381 : f32 to vector<256x64xf32>
    %mul3A_383 = arith.mulf %dot_general3A_370, %mul3A_382 : vector<256x64xf32>
    %swap3A_384 = arith.constant 0 : index
    %swap3A_385 = arith.constant 11 : index
    %swap3A_386 = arith.constant 0 : index
    %swap3A_387 = arith.constant 256 : index
    %swap3A_388 = vector.load %arg9[%swap3A_384, %swap3A_385, %swap3A_386, %swap3A_387] : memref<1x12x256x320xf32, #tpu.memory_space<vmem>>, vector<1x1x256x64xf32>
    %swap3A_389 = vector.shape_cast %swap3A_388 : vector<1x1x256x64xf32> to vector<256x64xf32>
    %swap3A_390 = vector.shape_cast %mul3A_383 : vector<256x64xf32> to vector<1x1x256x64xf32>
    tpu.vector_store %arg9[%swap3A_384, %swap3A_385, %swap3A_386, %swap3A_387], %swap3A_390 {strides = array<i32>} : memref<1x12x256x320xf32, #tpu.memory_space<vmem>>, vector<1x1x256x64xf32>,
    return
  }
  func.func @transform_0(%arg0: i32) -> (i32, i32, i32) {
    %c0_i32 = arith.constant 0 : i32
    %c0_i32_0 = arith.constant 0 : i32
    %c0_i32_1 = arith.constant 0 : i32
    return %arg0, %c0_i32, %c0_i32_0 : i32, i32, i32
  }
  func.func @transform_1(%arg0: i32) -> (i32, i32) {
    %c0_i32 = arith.constant 0 : i32
    %c0_i32_0 = arith.constant 0 : i32
    %c0_i32_1 = arith.constant 0 : i32
    return %c0_i32, %c0_i32_0 : i32, i32
  }
  func.func @transform_2(%arg0: i32) -> (i32, i32) {
    %c0_i32 = arith.constant 0 : i32
    %c0_i32_0 = arith.constant 0 : i32
    %c0_i32_1 = arith.constant 0 : i32
    return %c0_i32, %c0_i32_0 : i32, i32
  }
  func.func @transform_3(%arg0: i32) -> (i32, i32) {
    %c0_i32 = arith.constant 0 : i32
    %c0_i32_0 = arith.constant 0 : i32
    %c0_i32_1 = arith.constant 0 : i32
    return %c0_i32, %c0_i32_0 : i32, i32
  }
  func.func @transform_4(%arg0: i32) -> (i32, i32) {
    %c0_i32 = arith.constant 0 : i32
    %c0_i32_0 = arith.constant 0 : i32
    %c0_i32_1 = arith.constant 0 : i32
    return %c0_i32, %c0_i32_0 : i32, i32
  }
  func.func @transform_5(%arg0: i32) -> (i32, i32) {
    %c0_i32 = arith.constant 0 : i32
    %c0_i32_0 = arith.constant 0 : i32
    %c0_i32_1 = arith.constant 0 : i32
    return %c0_i32, %c0_i32_0 : i32, i32
  }
  func.func @transform_6(%arg0: i32) -> (i32, i32) {
    %c0_i32 = arith.constant 0 : i32
    %c0_i32_0 = arith.constant 0 : i32
    %c0_i32_1 = arith.constant 0 : i32
    return %c0_i32, %c0_i32_0 : i32, i32
  }
  func.func @transform_7(%arg0: i32) -> (i32, i32) {
    %c0_i32 = arith.constant 0 : i32
    %c0_i32_0 = arith.constant 0 : i32
    %c0_i32_1 = arith.constant 0 : i32
    return %c0_i32, %c0_i32_0 : i32, i32
  }
  func.func @transform_8(%arg0: i32) -> (i32, i32, i32, i32) {
    %c0_i32 = arith.constant 0 : i32
    %c0_i32_0 = arith.constant 0 : i32
    %c0_i32_1 = arith.constant 0 : i32
    %c0_i32_2 = arith.constant 0 : i32
    return %arg0, %c0_i32, %c0_i32_0, %c0_i32_1 : i32, i32, i32, i32
  }
  func.func @transform_9(%arg0: i32) -> (i32, i32, i32) {
    %c0_i32 = arith.constant 0 : i32
    %c0_i32_0 = arith.constant 0 : i32
    %c0_i32_1 = arith.constant 0 : i32
    return %arg0, %c0_i32, %c0_i32_0 : i32, i32, i32
  }
}

</mosaic_0001>

<sc_bundles>
// kernel: kernel.5.cloned.1.call-start
scs
__scs_entry_jumppad:
0x0: {  	(pc) =	sbr.rel $0x88, $3  }
0x1: {  	(tag) =	ssettag $0x0;
	lr =	simm.s32 $0x1  }
0x2: {  	[smem:$0x3F97] =	sst lr;
	_ =	strace $0xD0000000  }
0x3: {  	_ = 	snop  }
0x4: {  	_ = 	snop  }
0x5: {  	_ = 	snop  }
0x6: {  	_ = 	snop  }
0x7: {  	_ = 	snop  }
__scs_overlays_trampoline_lowered:
0x8: {  	[smem:$0x3FA6] =	sst s0  }
0x9: {  	[smem:$0x3FA7] =	sst s1  }
0xa: {  	[smem:$0x3FA8] =	sst s2  }
0xb: {  	[smem:$0x3FA9] =	sst s3  }
0xc: {  	[smem:$0x3FAA] =	sst s4  }
0xd: {  	[smem:$0x3FAB] =	sst s5  }
0xe: {  	[smem:$0x3FAC] =	sst s6  }
0xf: {  	[smem:$0x3FAD] =	sst s7  }
0x10: {  	[smem:$0x3FAE] =	sst s8  }
0x11: {  	[smem:$0x3FAF] =	sst s9;
	s0 =	simm.s32 @!p0 $0x0  }
0x12: {  	s1 =	sld [smem:$0x3F95];
	s0 =	simm.s32 @p0 $0x1  }
0x13: {  	[smem:$0x3FB0] =	sst s0;
	s0 =	simm.s32 @!p1 $0x0  }
0x14: {  	s2 =	sld [smem:$0x3F94];
	s0 =	simm.s32 @p1 $0x1  }
0x15: {  	[smem:$0x3FB1] =	sst s0;
	s0 =	simm.s32 @!p2 $0x0  }
0x16: {  	s3 =	sld [smem:$0x3FDB];
	s0 =	simm.s32 @p2 $0x1  }
0x17: {  	s4 =	simm.s32 $0x1BF5;
	[smem:$0x3FB3] =	sst s0  }
0x18: {  	s0 =	sld [smem:$0x3F96];
	_ =	swait.ge [sflag:s4], $0x0  }
0x19: {  	s7 =	sld [smem:$0x3F97]  }
0x1a: {  	s8 =	sadd.s32 $0xFFFFE003, lr  }
0x1b: {  	s9 =	sadd.s32 $0xFFFFFEF7, lr;
	s5 =	simm.s32 $0xFFFFFFFF;
	p2 =	slt.u32 s8, $0xFFFFF086  }
0x1c: {  	p1 =	slt.u32 s9, $0xF7A;
	s5 =	simm.s32 @!p2 $0x0  }
0x1d: {  	s5 =	simm.s32 @p1 $0x1;
	p0 =	seq.s32 s7, s2  }
0x1e: {  	s7 =	smul.u32 @!p0 $0xF7A, s2;
	p2 =	seq.s32 @!p0 s5, $0x0  }
0x1f: {  	s9 =	smul.u32 $0xF7A, s1;
	s8 =	simm.s32 @!p0 $0x1BF5;
	p2 =	por !p2, p0  }
0x20: {  	[sflag:s8] =	ssyncset.s32 @!p0 $0xFFFFF086;
	s6 =	sadd.s32 @!p0 s3, s7;
	s7 =	simm.s32 @!p0 $0x108  }
0x21: {  	s3 =	sadd.s32 s3, s9;
	s6 =	sadd.s32 @!p0 $0x88, s6;
	s7 =	simm.s32 @p2 $0x1082  }
0x22: {  	[simem:s7], [sflag:s8] =	dma.local @!p0 [hbm:s6], $0xF7A  }
0x23: {  	s9 =	sor.u32 $0xD0000000, s2;
	s6 =	simm.s32 $0x108;
	_ =	swait.ge @!p0 [sflag:s8], $0x0  }
0x24: {  	s3 =	sadd.s32 $0x88, s3;
	s6 =	simm.s32 @!p1 $0x1082;
	[sflag:s4] =	ssyncset.s32 $0xFFFFF086  }
0x25: {  	[simem:s6], [sflag:s4] =	dma.local [hbm:s3], $0xF7A  }
0x26: {  	[smem:$0x3F97] =	sst s1;
	(tag) =	ssettag s2;
	_ =	strace s9  }
0x27: {  	s1 =	sld [smem:$0x3FA7]  }
0x28: {  	s2 =	sld [smem:$0x3FA8]  }
0x29: {  	s4 =	sld [smem:$0x3FAA]  }
0x2a: {  	p0 =	seq.s32 s5, $0x0;
	s5 =	sld [smem:$0x3FAB]  }
0x2b: {  	s6 =	sld [smem:$0x3FAC]  }
0x2c: {  	s7 =	sld [smem:$0x3FAD]  }
0x2d: {  	s3 =	simm.s32 $0x108;
	s8 =	sld [smem:$0x3FAE]  }
0x2e: {  	s3 =	simm.s32 @!p0 $0x1082;
	s9 =	sld [smem:$0x3FAF]  }
0x2f: {  	lr =	sadd.s32 s0, s3;
	s0 =	sld [smem:$0x3FA6]  }
0x30: {  	s3 =	sld [smem:$0x3FA9]  }
0x31: {  	[smem:$0x3FB2] =	sst s10  }
0x32: {  	s10 =	sld [smem:$0x3FB0];
	_ =	sdelay $0x3  }
0x33: {  	p0 =	seq.s32 s10, $0x1;
	s10 =	sld [smem:$0x3FB2];
	_ =	sdelay $0x3  }
0x34: {  	[smem:$0x3FB2] =	sst s10  }
0x35: {  	s10 =	sld [smem:$0x3FB1];
	_ =	sdelay $0x3  }
0x36: {  	p1 =	seq.s32 s10, $0x1;
	s10 =	sld [smem:$0x3FB2];
	_ =	sdelay $0x3  }
0x37: {  	[smem:$0x3FB2] =	sst s10  }
0x38: {  	s10 =	sld [smem:$0x3FB3]  }
0x39: {  	_ = 	snop;
	(pc) =	sbr.ind lr, $3  }
0x3a: {  	_ = 	snop  }
0x3b: {  	_ = 	snop  }
0x3c: {  	p2 =	seq.s32 s10, $0x1;
	s10 =	sld [smem:$0x3FB2]  }
0x3d: {  	_ =	shalt  }
0x3e: {  	_ =	shalt  }
0x3f: {  	_ =	shalt  }
0x40: {  	_ =	shalt  }
0x41: {  	_ =	shalt  }
0x42: {  	_ =	shalt  }
0x43: {  	_ =	shalt  }
0x44: {  	_ =	shalt  }
0x45: {  	_ =	shalt  }
0x46: {  	_ =	shalt  }
0x47: {  	_ =	shalt  }
0x48: {  	_ =	shalt  }
0x49: {  	_ =	shalt  }
0x4a: {  	_ =	shalt  }
0x4b: {  	_ =	shalt  }
0x4c: {  	_ =	shalt  }
0x4d: {  	_ =	shalt  }
0x4e: {  	_ =	shalt  }
0x4f: {  	_ =	shalt  }
0x50: {  	_ =	shalt  }
0x51: {  	_ =	shalt  }
0x52: {  	_ =	shalt  }
0x53: {  	_ =	shalt  }
0x54: {  	_ =	shalt  }
0x55: {  	_ =	shalt  }
0x56: {  	_ =	shalt  }
0x57: {  	_ =	shalt  }
0x58: {  	_ =	shalt  }
0x59: {  	_ =	shalt  }
0x5a: {  	_ =	shalt  }
0x5b: {  	_ =	shalt  }
0x5c: {  	_ =	shalt  }
0x5d: {  	_ =	shalt  }
0x5e: {  	_ =	shalt  }
0x5f: {  	_ =	shalt  }
0x60: {  	_ =	shalt  }
0x61: {  	_ =	shalt  }
0x62: {  	_ =	shalt  }
0x63: {  	_ =	shalt  }
0x64: {  	_ =	shalt  }
0x65: {  	_ =	shalt  }
0x66: {  	_ =	shalt  }
0x67: {  	_ =	shalt  }
0x68: {  	_ =	shalt  }
0x69: {  	_ =	shalt  }
0x6a: {  	_ =	shalt  }
0x6b: {  	_ =	shalt  }
0x6c: {  	_ =	shalt  }
0x6d: {  	_ =	shalt  }
0x6e: {  	_ =	shalt  }
0x6f: {  	_ =	shalt  }
0x70: {  	_ =	shalt  }
0x71: {  	_ =	shalt  }
0x72: {  	_ =	shalt  }
0x73: {  	_ =	shalt  }
0x74: {  	_ =	shalt  }
0x75: {  	_ =	shalt  }
0x76: {  	_ =	shalt  }
0x77: {  	_ =	shalt  }
0x78: {  	_ =	shalt  }
0x79: {  	_ =	shalt  }
0x7a: {  	_ =	shalt  }
0x7b: {  	_ =	shalt  }
0x7c: {  	_ =	shalt  }
0x7d: {  	_ =	shalt  }
0x7e: {  	_ =	shalt  }
0x7f: {  	_ =	shalt  }
0x80: {  	_ =	shalt  }
0x81: {  	_ =	shalt  }
0x82: {  	_ =	shalt  }
0x83: {  	_ =	shalt  }
0x84: {  	_ =	shalt  }
0x85: {  	_ =	shalt  }
0x86: {  	_ =	shalt  }
0x87: {  	_ =	shalt  }
.Lfunc_end0:
.L_simem_size_0:
called_computation_lowered:
.L_overlay_start_0:
0x88: {  	s2 =	sld [smem:$0x3FD9]  }
0x89: {  	s3 =	sld [smem:$0x3FFE];
	_ =	sdelay $0x1  }
0x8a: {  	s1 =	srdreg.scid  }
0x8b: {  	s0 =	sand.u32 $0x1, s1  }
0x8c: {  	s17 =	sshll.u32 s0, $0xA;
	s2 =	sadd.s32 s3, s2  }
0x8d: {  	s2 =	sadd.s32 s2, s17  }
0x8e: {  	[smem:$0x3FBE] =	sst s2  }
0x8f: {  	_ = 	snop  }
0x90: {  	s2 =	sld [smem:$0x3FD0];
	(tm) =	ssettm $0x1  }
0x91: {  	s18 =	sld [smem:$0x3FFB];
	_ =	sdelay $0x3  }
0x92: {  	_ =	strace s18  }
0x93: {  	s3 =	sld [smem:$0x3FFC];
	_ =	sdelay $0x3  }
0x94: {  	_ =	strace s3  }
0x95: {  	s3 =	sld [smem:$0x3FFD];
	_ =	sdelay $0x3  }
0x96: {  	_ =	strace s3  }
0x97: {  	_ =	strace $0x8FFFFFFF  }
0x98: {  	s19 =	sld [smem:$0x3FDB];
	_ =	sdelay $0x1  }
0x99: {  	s4 =	simm.s32 $_scs_section_size  }
0x9a: {  	s5 =	simm.s32 $_size__tile_overlayer_lowered;
	s6 =	simm.s32 $_tile_overlayer_lowered  }
0x9b: {  	s22 =	simm.s32 $0x1BFF;
	s21 =	sshll.u32 s6, $0x1;
	s3 =	sadd.s32 s4, s19  }
0x9c: {  	s7 =	simm.s32 $0x0;
	s20 =	sshll.u32 s5, $0x1;
	s5 =	sadd.s32 s21, s3  }
0x9d: {  	[timem:s7], [sflag:s22] =	dma.local [hbm:s5], s20  }
0x9e: {  	_ =	swait.ge [sflag:s22], s20  }
0x9f: {  	s4 =	ssub.s32 $0x0, s20;
	[sflag:s22] =	ssyncset.done $0x0  }
0xa0: {  	[sflag:s22] =	ssyncadd.s32 s4;
	_ =	sdelay $0x1  }
0xa1: {  	s23 =	simm.s32 $0x1B8B  }
0xa2: {  	_ =	swait.ge [sflag:s23], $0x1  }
0xa3: {  	[sflag:s23] =	ssyncset.done $0x0  }
0xa4: {  	s25 =	simm.s32 $0x1B8E;
	s24 =	sld [smem:$0x3FFE];
	[sflag:s23] =	ssyncadd.s32 $0xFFFFFFFF  }
0xa5: {  	s26 =	simm.s32 $execute0_lowered;
	[smem:$0x3FD2] =	sst s25  }
0xa6: {  	s5 =	sshll.u32 s26, $0x1;
	_ =	strace $0x80000046;
	[dreg:$0x1] =	wrdreg $0xFFFFFFFF  }
0xa7: {  	s28 =	simm.s32 $_size_execute0_lowered;
	s3 =	sadd.s32 s3, s5;
	[dreg:$0x0] =	wrdreg $0x0  }
0xa8: {  	s5 =	sshll.u32 s28, $0x1;
	[dreg:$0x2] =	wrdreg s3  }
0xa9: {  	[dreg:$0x3] =	wrdreg s5  }
0xaa: {  	[dreg:$0x4] =	wrdreg $0xC0  }
0xab: {  	_ =	task [dreg:s7], $0x5FFFF  }
0xac: {  	[dreg:$0x1] =	wrdreg $0xFFFFFFFF  }
0xad: {  	[dreg:$0x0] =	wrdreg $0x60  }
0xae: {  	[dreg:$0x2] =	wrdreg s24  }
0xaf: {  	[dreg:$0x3] =	wrdreg s2  }
0xb0: {  	[dreg:$0x4] =	wrdreg $0x9  }
0xb1: {  	_ =	task.clear_ibuf [dreg:s7], $0x5FFFF;
	_ =	strace $0x90000046  }
0xb2: {  	s29 =	simm.s32 $0x9;
	_ =	strace $0x80000048  }
0xb3: {  	_ =	swait.ge [sflag:s29], $0x1  }
0xb4: {  	[sflag:s29] =	ssyncadd.s32 $0xFFFFFFFF  }
0xb5: {  	_ =	strace $0x90000048  }
0xb6: {  	_ =	sfence  }
0xb7: {  	s30 =	sld [smem:$0x0];
	_ =	sdelay $0x2  }
0xb8: {  	s31 =	sshll.u32 s1, $0xD;
	s1 =	sshrl.u32 s1, $0x2  }
0xb9: {  	s3 =	sand.u32 $0x4000, s31;
	s1 =	sadd.s32 s1, s30  }
0xba: {  	s0 =	sor.u32 s3, s0;
	s1 =	sshll.u32 s1, $0x11  }
0xbb: {  	s0 =	sor.u32 s1, s0  }
0xbc: {  	s0 =	sadd.s32 $0x8F2B, s0  }
0xbd: {  	[sflag:s0] =	ssyncadd.remote.s32 $0x1  }
0xbe: {  	_ =	sfence.sel $0xFFFF  }
0xbf: {  	[dreg:$0x0] =	wrdreg $0xFFFFFFFF;
	(pc) =	sbr.abs _section_cstart, $3  }
0xc0: {  	[dreg:$0x1] =	wrdreg $0xFFFFFFFF  }
0xc1: {  	_ =	task.clear_ibuf [dreg:s7], $0x2FFFF;
	_ =	strace $0x9FFFFFFF  }
0xc2: {  	(tm) =	ssettm $0x7FFFFFFF  }
0xc3: {  	_ =	shalt  }
tec
execute0_lowered:
.L_overlay_start_1:
0x0: {  	(tag) =	ssettag $0x1  }
0x1: {  	s7 =	stileid.u32;
	s0 =	srdreg.scid  }
0x2: {  	s3 =	rddreg [dreg:$0x0];
	s0 =	sand.u32 $0x1, s0;
	s1 =	sshll.u32 s7, $0x1  }
0x3: {  	s4 =	rddreg [dreg:$0x1];
	s2 =	simm.s32 $0x0;
	s1 =	sor.u32 s0, s1  }
0x4: {  	s28 =	simm.s32 $0x4;
	s29 =	simm.s32 $0x0;
	s5 =	smul.u32 $0x402, s1  }
0x5: {  	[smem:$0x7FF] =	sst s2;
	s6 =	sshll.u32 s7, $0x3;
	s7 =	sshrl.u32 s7, $0x2  }
0x6: {  	s14 =	sadd.s32 $0x4C00, s3;
	s1 =	smul.u32 $0x6, s1;
	s5 =	sshrl.u32 s5, $0xB  }
0x7: {  	_ =	strace $0x80000047;
	s6 =	sand.u32 $0x18, s6;
	s5 =	smul.u32 $0xC, s5  }
0x8: {  	s8 =	sshll.u32 s7, $0xC;
	s18 =	smul.u32 $0x120000, s7;
	s0 =	ssub.s32 $0x2, s0  }
0x9: {  	s19 =	sshll.u32 s6, $0x7;
	s6 =	smul.u32 $0xC00, s6;
	s1 =	ssub.s32 s1, s5  }
0xa: {  	s20 =	sshrl.u32 s0, $0x1;
	s7 =	sor.u32 s8, s19;
	s1 =	sand.u32 $0xFE, s1  }
0xb: {  	s0 =	ssub.s32 s0, s20;
	s19 =	simm.s32 $0x5;
	s1 =	smul.u32 $0x18000, s1  }
0xc: {  	s8 =	sadd.s32 s7, s3;
	s3 =	sadd.s32 $0x94C00, s3;
	s5 =	sor.u32 s18, s6  }
0xd: {  	s4 =	sadd.s32 s4, s7;
	s17 =	smax.u32 s0, $0x1;
	s1 =	sadd.s32 s1, s5  }
0xe: {  	[dreg:$0x3] =	wrdreg s4;
	s21 =	sadd.s32 $0xC00, s8;
	s1 =	sshrl.u32 s1, $0x3  }
0xf: {  	[dreg:$0x4] =	wrdreg s21;
	s21 =	simm.s32 $0x6000;
	s22 =	sadd.s32 s14, s1  }
0x10: {  	s23 =	sadd.s32 $0x3000, s1;
	s25 =	sadd.s32 s3, s1;
	s26 =	sadd.s32 $0x6000, s1  }
0x11: {  	s30 =	sadd.s32 $0x9000, s1;
	s31 =	sadd.s32 $0xC000, s1;
	[dreg:$0x5] =	wrdreg s22  }
0x12: {  	s1 =	sadd.s32 $0xF000, s1;
	s24 =	sadd.s32 s14, s23;
	[dreg:$0x7] =	wrdreg s25  }
0x13: {  	s8 =	sadd.s32 s14, s26;
	s9 =	sadd.s32 s3, s23;
	s10 =	sadd.s32 s14, s30  }
0x14: {  	s11 =	sadd.s32 s3, s26;
	s12 =	sadd.s32 s14, s31;
	s13 =	sadd.s32 s3, s30  }
0x15: {  	s14 =	sadd.s32 s14, s1;
	s15 =	sadd.s32 s3, s31;
	s16 =	sadd.s32 s3, s1  }
0x16: {  	s22 =	simm.s32 $0x1;
	s23 =	simm.s32 $0xC000;
	s25 =	simm.s32 $0x12000  }
0x17: {  	v0 =	vimm.f32 $0.0e+00;
	s26 =	simm.s32 $0x3;
	[dreg:$0x6] =	wrdreg s24;
	s24 =	simm.s32 $0x2  }
.LBB2_1:
0x18: {  	s0 =	rddreg [dreg:$0x3];
	s1 =	simm.s32 $0x18000  }
0x19: {  	[tilespmem:s1], [sflag:$0x5] =	stream.linear.gather [hbm4b:s0+s2], $0x2000, $0x38;
	[tilespmem:$0x1C000] =	vst v63  }
0x1a: {  	_ =	swait.ge [sflag:s19], $0x2000  }
0x1b: {  	[sflag:s19] =	ssyncset.done $0x0  }
0x1c: {  	s4 =	simm.s32 $0x1A000;
	s3 =	rddreg [dreg:$0x4];
	[sflag:s19] =	ssyncadd.s32 $0xFFFFE000  }
0x1d: {  	[tilespmem:s4], [sflag:$0x5] =	stream.linear.gather [hbm4b:s3+s2], $0x2000, $0x38;
	[tilespmem:$0x1C000] =	vst v63  }
0x1e: {  	_ =	swait.ge [sflag:s19], $0x2000  }
0x1f: {  	[sflag:s19] =	ssyncset.done $0x0  }
0x20: {  	s6 =	simm.s32 $0x0;
	s5 =	rddreg [dreg:$0x5];
	[sflag:s19] =	ssyncadd.s32 $0xFFFFE000  }
0x21: {  	[tilespmem:s2], [sflag:$0x1] =	stream.linear.gather [hbm4b:s5+s2], $0x6000, $0x38;
	[tilespmem:$0x1C000] =	vst v63  }
0x22: {  	s0 =	smul.u32 $0x3000, s6;
	s7 =	rddreg [dreg:$0x6]  }
0x23: {  	[tilespmem:s21], [sflag:$0x2] =	stream.linear.gather [hbm4b:s7+s2], $0x6000, $0x38;
	[tilespmem:$0x1C000] =	vst v63  }
0x24: {  	s18 =	simm.s32 $0x80;
	s0 =	sshra.s32 s0, $0x2;
	_ =	swait.ge [sflag:s22], $0x6000  }
0x25: {  	s1 =	sand.u32 $0x380, s18;
	s3 =	sadd.s32 $0xC000, s0;
	[sflag:s22] =	ssyncset.done $0x0  }
0x26: {  	s4 =	sor.u32 s1, s3;
	[sflag:s22] =	ssyncadd.s32 $0xFFFFA000  }
0x27: {  	[tilespmem:s4+$0x0] =	vst v0  }
0x28: {  	[tilespmem:s4+$0x10] =	vst v0  }
0x29: {  	[tilespmem:s4+$0x20] =	vst v0  }
0x2a: {  	[tilespmem:s4+$0x30] =	vst v0  }
0x2b: {  	[tilespmem:s4+$0x40] =	vst v0  }
0x2c: {  	[tilespmem:s4+$0x50] =	vst v0  }
0x2d: {  	s5 =	sadd.s32 $0xC400, s0;
	[tilespmem:s4+$0x60] =	vst v0  }
0x2e: {  	s20 =	sor.u32 s1, s5;
	[tilespmem:s4+$0x70] =	vst v0  }
0x2f: {  	[tilespmem:s20+$0x0] =	vst v0  }
0x30: {  	[tilespmem:s20+$0x10] =	vst v0  }
0x31: {  	[tilespmem:s20+$0x20] =	vst v0  }
0x32: {  	[tilespmem:s20+$0x30] =	vst v0  }
0x33: {  	[tilespmem:s20+$0x40] =	vst v0  }
0x34: {  	[tilespmem:s20+$0x50] =	vst v0  }
0x35: {  	s18 =	sadd.s32 $0xC800, s0;
	[tilespmem:s20+$0x60] =	vst v0  }
0x36: {  	s1 =	sor.u32 s1, s18;
	[tilespmem:s20+$0x70] =	vst v0  }
0x37: {  	[tilespmem:s1+$0x0] =	vst v0  }
0x38: {  	[tilespmem:s1+$0x10] =	vst v0  }
0x39: {  	s0 =	sand.u32 $0x300, s2;
	[tilespmem:s1+$0x20] =	vst v0  }
0x3a: {  	s6 =	simm.s32 $0x1A080;
	s3 =	sor.u32 s0, s3;
	[tilespmem:s1+$0x30] =	vst v0  }
0x3b: {  	[tilespmem:s3+$0x0] =	vst v0;
	v1 =	vld [tilespmem:s6+$0x0]  }
0x3c: {  	[tilespmem:s3+$0x10] =	vst v0;
	v2 =	vld [tilespmem:s6+$0x10]  }
0x3d: {  	[tilespmem:s3+$0x20] =	vst v0;
	v3 =	vld [tilespmem:s6+$0x20]  }
0x3e: {  	s7 =	simm.s32 $0x18080;
	[tilespmem:s3+$0x30] =	vst v0;
	v4 =	vld [tilespmem:s6+$0x30]  }
0x3f: {  	[tilespmem:s3+$0x40] =	vst v0;
	s20 =	simm.s32 $0x1;
	v5 =	vld [tilespmem:s7+$0x0]  }
0x40: {  	[tilespmem:s3+$0x50] =	vst v0;
	v6 =	vmov s20;
	v7 =	vld [tilespmem:s7+$0x10]  }
0x41: {  	[tilespmem:s3+$0x60] =	vst v0;
	v8 =	vshrl.u32 v6, $0x3;
	v9 =	vld [tilespmem:s7+$0x20]  }
0x42: {  	s5 =	sor.u32 s0, s5;
	[tilespmem:s3+$0x70] =	vst v0;
	v10 =	vld [tilespmem:s7+$0x30];
	v8 =	vmul.u32 $0xC00, v8  }
0x43: {  	[tilespmem:s5+$0x0] =	vst v0;
	v6 =	vshll.u32 v6, $0x7  }
0x44: {  	[tilespmem:s5+$0x10] =	vst v0;
	v6 =	vand.u32 $0x380, v6;
	v11 =	vadd.s32 $0x800, v8  }
0x45: {  	[tilespmem:s5+$0x20] =	vst v0;
	v12 =	vand.u32 $0x7F, v5;
	v13 =	vshll.u32 v1, $0x3;
	v14 =	vand.u32 $0x7F, v7  }
0x46: {  	[tilespmem:s5+$0x30] =	vst v0;
	v15 =	vshll.u32 v2, $0x3;
	v17 =	vand.u32 $0x7F, v9;
	v16 =	vshll.u32 v3, $0x3  }
0x47: {  	[tilespmem:s5+$0x40] =	vst v0;
	v1 =	vand.u32 $0x7F, v1;
	v18 =	vand.u32 $0x7F, v10;
	v19 =	vshll.u32 v4, $0x3  }
0x48: {  	[tilespmem:s5+$0x50] =	vst v0;
	v2 =	vand.u32 $0x7F, v2;
	v3 =	vand.u32 $0x7F, v3;
	v4 =	vand.u32 $0x7F, v4  }
0x49: {  	[tilespmem:s5+$0x60] =	vst v0;
	v5 =	vshll.u32 v5, $0x3;
	v7 =	vshll.u32 v7, $0x3;
	v9 =	vshll.u32 v9, $0x3  }
0x4a: {  	[tilespmem:s5+$0x70] =	vst v0;
	s20 =	sor.u32 s0, s18;
	v20 =	vshll.u32 v10, $0x3;
	v13 =	vand.u32 $0xFFFFFC00, v13;
	v15 =	vand.u32 $0xFFFFFC00, v15  }
0x4b: {  	[tilespmem:s20+$0x0] =	vst v0;
	v1 =	vor.u32 v1, v11;
	v16 =	vand.u32 $0xFFFFFC00, v16;
	v19 =	vand.u32 $0xFFFFFC00, v19  }
0x4c: {  	[tilespmem:s20+$0x10] =	vst v0;
	v2 =	vor.u32 v2, v11;
	v3 =	vor.u32 v3, v11;
	v4 =	vor.u32 v4, v11  }
0x4d: {  	[tilespmem:s20+$0x20] =	vst v0;
	v5 =	vand.u32 $0xFFFFFC00, v5;
	v7 =	vand.u32 $0xFFFFFC00, v7;
	v1 =	vor.u32 v6, v1  }
0x4e: {  	[tilespmem:s20+$0x30] =	vst v0;
	v5 =	vadd.s32 v8, v5;
	v10 =	vadd.s32 v13, v1;
	v1 =	vor.u32 v6, v2  }
0x4f: {  	v21 =	vld [tilespmem:s7+$0xFFFFFF80];
	v2 =	vand.u32 $0xFFFFFC00, v9;
	v9 =	vadd.s32 v15, v1;
	v1 =	vor.u32 v6, v3  }
0x50: {  	v5 =	vor.u32 v12, v5;
	v3 =	vand.u32 $0xFFFFFC00, v20;
	v20 =	vld [tilespmem:s7+$0xFFFFFF90];
	v11 =	vadd.s32 v16, v1  }
0x51: {  	v7 =	vadd.s32 v8, v7;
	v1 =	vor.u32 v6, v4;
	v4 =	vld [tilespmem:s7+$0xFFFFFFA0];
	v16 =	vor.u32 v6, v5  }
0x52: {  	v2 =	vadd.s32 v8, v2;
	v5 =	vor.u32 v14, v7;
	v12 =	vadd.s32 v19, v1;
	v1 =	vld [tilespmem:s7+$0xFFFFFFB0]  }
0x53: {  	v2 =	vor.u32 v17, v2;
	v3 =	vadd.s32 v8, v3;
	v14 =	vor.u32 v6, v5;
	v7 =	vld.idx.msk [tilespmem:v10+s2+$0x0], $0xffff  }
0x54: {  	v15 =	vor.u32 v6, v2;
	v2 =	vor.u32 v18, v3;
	v5 =	vld.idx.msk [tilespmem:v9+s2+$0x0], $0xffff  }
0x55: {  	v13 =	vor.u32 v6, v2;
	v3 =	vld.idx.msk [tilespmem:v11+s2+$0x0], $0xffff  }
0x56: {  	v6 =	vld.idx.msk [tilespmem:v16+s2+$0x0], $0xffff  }
0x57: {  	v8 =	vmov s2;
	v2 =	vld.idx.msk [tilespmem:v12+s2+$0x0], $0xffff  }
0x58: {  	v18 =	vshll.u32 v8, $0x7;
	v8 =	vshrl.u32 v8, $0x3;
	v17 =	vld.idx.msk [tilespmem:v14+s2+$0x0], $0xffff  }
0x59: {  	v23 =	vshll.u32 v21, $0x3;
	v8 =	vmul.u32 $0xC00, v8;
	v19 =	vld.idx.msk [tilespmem:v15+s2+$0x0], $0xffff  }
0x5a: {  	v23 =	vand.u32 $0xFFFFFC00, v23;
	v24 =	vshll.u32 v20, $0x3;
	v22 =	vld.idx.msk [tilespmem:v13+s2+$0x0], $0xffff  }
0x5b: {  	v18 =	vand.u32 $0x300, v18;
	v23 =	vadd.s32 v8, v23;
	v24 =	vand.u32 $0xFFFFFC00, v24  }
0x5c: {  	v25 =	vshll.u32 v4, $0x3;
	v4 =	vand.u32 $0x7F, v4;
	v24 =	vadd.s32 v8, v24  }
0x5d: {  	v25 =	vand.u32 $0xFFFFFC00, v25;
	v26 =	vshll.u32 v1, $0x3;
	v6 =	vadd.f32 v7, v6  }
0x5e: {  	v7 =	vand.u32 $0x7F, v20;
	v17 =	vadd.f32 v5, v17;
	v5 =	vand.u32 $0x7F, v21  }
0x5f: {  	v20 =	vld [tilespmem:s6+$0xFFFFFF80];
	v19 =	vadd.f32 v3, v19;
	v3 =	vand.u32 $0xFFFFFC00, v26;
	v21 =	vadd.f32 v2, v22  }
0x60: {  	v24 =	vor.u32 v7, v24;
	v2 =	vadd.s32 v8, v25;
	v22 =	vld [tilespmem:s6+$0xFFFFFF90];
	v5 =	vor.u32 v5, v23  }
0x61: {  	s3 =	simm.s32 $0x0;
	v25 =	vmax.f32 v6, v17;
	v7 =	vor.u32 v18, v5;
	v5 =	vld [tilespmem:s6+$0xFFFFFFB0];
	v26 =	vmax.f32 v19, v21  }
0x62: {  	s0 =	smul.u32 $0x3000, s3;
	v1 =	vand.u32 $0x7F, v1;
	v3 =	vadd.s32 v8, v3;
	v23 =	vld [tilespmem:s6+$0xFFFFFFA0];
	v25 =	vmax.f32 v25, v26  }
0x63: {  	v2 =	vor.u32 v4, v2;
	v1 =	vor.u32 v1, v3;
	(xrf0) =	vmax.scan.msk.f32 $0xffff, v25  }
0x64: {  	s5 =	simm.s32 $0x180;
	s4 =	sshra.s32 s0, $0x2;
	v3 =	vor.u32 v18, v24;
	v4 =	vadd.s32 $0x800, v8;
	v2 =	vor.u32 v18, v2  }
0x65: {  	s1 =	sadd.s32 $0xC000, s4;
	s6 =	sand.u32 $0x380, s5;
	v1 =	vor.u32 v18, v1;
	v8 =	vand.u32 $0x7F, v20;
	v20 =	vshll.u32 v20, $0x3  }
0x66: {  	s7 =	sor.u32 s6, s1;
	v8 =	vor.u32 v8, v4;
	v24 =	vand.u32 $0x7F, v22;
	v26 =	vand.u32 $0x7F, v5  }
0x67: {  	[tilespmem:s7+$0x0] =	vst v0;
	v25 =	vand.u32 $0x7F, v23;
	v22 =	vshll.u32 v22, $0x3;
	v8 =	vor.u32 v18, v8  }
0x68: {  	[tilespmem:s7+$0x10] =	vst v0;
	v23 =	vshll.u32 v23, $0x3;
	v24 =	vor.u32 v24, v4;
	v25 =	vor.u32 v25, v4  }
0x69: {  	[tilespmem:s7+$0x20] =	vst v0;
	v4 =	vor.u32 v26, v4;
	v24 =	vor.u32 v18, v24;
	v25 =	vor.u32 v18, v25;
	v26, _, _ =	vpop (xrf0)  }
0x6a: {  	[tilespmem:s7+$0x30] =	vst v0;
	v4 =	vor.u32 v18, v4;
	v18 =	vand.u32 $0xFFFFFC00, v20;
	v26 =	vbroadcast v26, $0xF  }
0x6b: {  	[tilespmem:s7+$0x40] =	vst v0;
	v5 =	vshll.u32 v5, $0x3;
	v20 =	vand.u32 $0xFFFFFC00, v22;
	v8 =	vadd.s32 v18, v8  }
0x6c: {  	[tilespmem:s7+$0x50] =	vst v0;
	v23 =	vand.u32 $0xFFFFFC00, v23;
	v22 =	vld.idx.msk [tilespmem:v7+s2+$0x0], $0xffff;
	v18 =	vsub.f32 v6, v26;
	v6 =	vadd.s32 v20, v24  }
0x6d: {  	s0 =	sadd.s32 $0xC400, s4;
	[tilespmem:s7+$0x60] =	vst v0;
	v20 =	vand.u32 $0xFFFFFC00, v5;
	v24 =	vld.idx.msk [tilespmem:v3+s2+$0x0], $0xffff;
	v5 =	vadd.s32 v23, v25  }
0x6e: {  	s18 =	sor.u32 s6, s0;
	[tilespmem:s7+$0x70] =	vst v0;
	v17 =	vsub.f32 v17, v26;
	v23 =	vld.idx.msk [tilespmem:v2+s2+$0x0], $0xffff;
	v4 =	vadd.s32 v20, v4;
	v18 =	vmul.f32 $1.442695020e+00, v18  }
0x6f: {  	[tilespmem:s18+$0x0] =	vst v0;
	v20 =	vld.idx.msk [tilespmem:v1+s2+$0x0], $0xffff  }
0x70: {  	[tilespmem:s18+$0x10] =	vst v0;
	v17 =	vmul.f32 $1.442695020e+00, v17;
	(erf) = vpow2.f32 v18;
	v18 =	vld.idx.msk [tilespmem:v8+s2+$0x0], $0xffff  }
0x71: {  	[tilespmem:s18+$0x20] =	vst v0;
	v19 =	vsub.f32 v19, v26;
	v25 =	vld.idx.msk [tilespmem:v6+s2+$0x0], $0xffff  }
0x72: {  	[tilespmem:s18+$0x30] =	vst v0;
	(erf) = vpow2.f32 v17;
	v17 =	vld.idx.msk [tilespmem:v5+s2+$0x0], $0xffff  }
0x73: {  	[tilespmem:s18+$0x40] =	vst v0;
	v21 =	vsub.f32 v21, v26;
	v19 =	vmul.f32 $1.442695020e+00, v19;
	v26 =	vld.idx.msk [tilespmem:v4+s2+$0x0], $0xffff  }
0x74: {  	[tilespmem:s18+$0x50] =	vst v0  }
0x75: {  	s3 =	sadd.s32 $0xC800, s4;
	[tilespmem:s18+$0x60] =	vst v0;
	v21 =	vmul.f32 $1.442695020e+00, v21;
	(erf) = vpow2.f32 v19  }
0x76: {  	s20 =	sor.u32 s6, s3;
	[tilespmem:s18+$0x70] =	vst v0  }
0x77: {  	[tilespmem:s20+$0x0] =	vst v0;
	(erf) = vpow2.f32 v21;
	v18 =	vadd.f32 v18, v22;
	v19 =	vadd.f32 v25, v24  }
0x78: {  	[tilespmem:s20+$0x10] =	vst v0;
	v17 =	vadd.f32 v17, v23;
	v20 =	vadd.f32 v26, v20  }
0x79: {  	[tilespmem:s20+$0x20] =	vst v0;
	v21 =	vpop (erf)  }
0x7a: {  	v22 =	vmax.f32 v17, v20;
	[tilespmem:v16+s23+$0x0] =	vst.idx.msk $0xffff, v21;
	v16 =	vmax.f32 v18, v19  }
0x7b: {  	[tilespmem:s20+$0x30] =	vst v0;
	v16 =	vmax.f32 v16, v22  }
0x7c: {  	[tilespmem:v10+s23+$0x0] =	vst.idx.add.f32.msk $0xffff, v21;
	v10 =	vpop (erf);
	(xrf0) =	vmax.scan.msk.f32 $0xffff, v16  }
0x7d: {  	[tilespmem:v14+s23+$0x0] =	vst.idx.msk $0xffff, v10  }
0x7e: {  	s31 =	simm.s32 $0x100;
	[tilespmem:v9+s23+$0x0] =	vst.idx.add.f32.msk $0xffff, v10;
	v9 =	vpop (erf)  }
0x7f: {  	s4 =	sand.u32 $0x300, s31;
	[tilespmem:v15+s23+$0x0] =	vst.idx.msk $0xffff, v9  }
0x80: {  	s18 =	sor.u32 s4, s1;
	s1 =	simm.s32 $0x18180;
	[tilespmem:v11+s23+$0x0] =	vst.idx.add.f32.msk $0xffff, v9;
	v9 =	vpop (erf)  }
0x81: {  	v25 =	vld [tilespmem:s1+$0x20];
	[tilespmem:v13+s23+$0x0] =	vst.idx.msk $0xffff, v9  }
0x82: {  	[tilespmem:v12+s23+$0x0] =	vst.idx.add.f32.msk $0xffff, v9;
	v9, _, _ =	vpop (xrf0)  }
0x83: {  	s30 =	simm.s32 $0x1A180;
	v26 =	vld [tilespmem:s1+$0x30];
	v9 =	vbroadcast v9, $0xF  }
0x84: {  	[tilespmem:s18+$0x0] =	vst v0;
	v16 =	vld [tilespmem:s30+$0x30]  }
0x85: {  	[tilespmem:s18+$0x10] =	vst v0;
	v10 =	vsub.f32 v18, v9  }
0x86: {  	[tilespmem:s18+$0x20] =	vst v0;
	v15 =	vld [tilespmem:s30+$0x20];
	v11 =	vsub.f32 v19, v9  }
0x87: {  	[tilespmem:s18+$0x30] =	vst v0;
	v23 =	vand.u32 $0x7F, v25;
	v14 =	vsub.f32 v17, v9;
	v10 =	vmul.f32 $1.442695020e+00, v10  }
0x88: {  	[tilespmem:s18+$0x40] =	vst v0;
	v24 =	vand.u32 $0x7F, v26;
	v13 =	vld [tilespmem:s30+$0x10];
	v9 =	vsub.f32 v20, v9;
	v11 =	vmul.f32 $1.442695020e+00, v11  }
0x89: {  	[tilespmem:s18+$0x50] =	vst v0;
	v12 =	vld [tilespmem:s30+$0x0];
	v32 =	vshll.u32 v16, $0x3;
	v14 =	vmul.f32 $1.442695020e+00, v14;
	(erf) = vpow2.f32 v10  }
0x8a: {  	[tilespmem:s18+$0x60] =	vst v0;
	v35 =	vand.u32 $0x7F, v16;
	v18 =	vld [tilespmem:s1+$0x10];
	v9 =	vmul.f32 $1.442695020e+00, v9;
	(erf) = vpow2.f32 v11  }
0x8b: {  	s0 =	sor.u32 s4, s0;
	[tilespmem:s18+$0x70] =	vst v0;
	v30 =	vshll.u32 v15, $0x3;
	v34 =	vand.u32 $0x7F, v15;
	(erf) = vpow2.f32 v14  }
0x8c: {  	s6 =	simm.s32 $0x3;
	[tilespmem:s0+$0x0] =	vst v0;
	v15 =	vshll.u32 v25, $0x3;
	v25 =	vand.u32 $0xFFFFFC00, v32;
	(erf) = vpow2.f32 v9  }
0x8d: {  	s7 =	simm.s32 $0x2;
	[tilespmem:s0+$0x10] =	vst v0;
	v17 =	vmov s6;
	v27 =	vshll.u32 v13, $0x3;
	v33 =	vand.u32 $0x7F, v13  }
0x8e: {  	[tilespmem:s0+$0x20] =	vst v0;
	v31 =	vand.u32 $0x7F, v12;
	v27 =	vand.u32 $0xFFFFFC00, v27;
	v10 =	vld [tilespmem:s1+$0x0];
	v11 =	vmov s7  }
0x8f: {  	[tilespmem:s0+$0x30] =	vst v0;
	v19 =	vand.u32 $0x7F, v18;
	v16 =	vshll.u32 v18, $0x3;
	v14 =	vshrl.u32 v17, $0x3  }
0x90: {  	[tilespmem:s0+$0x40] =	vst v0;
	v18 =	vshll.u32 v26, $0x3;
	v9 =	vshll.u32 v11, $0x7;
	v21 =	vmul.u32 $0xC00, v14  }
0x91: {  	[tilespmem:s0+$0x50] =	vst v0;
	v14 =	vshrl.u32 v11, $0x3;
	v11 =	vand.u32 $0x300, v9;
	v9 =	vshll.u32 v17, $0x7  }
0x92: {  	[tilespmem:s0+$0x60] =	vst v0;
	v26 =	vand.u32 $0xFFFFFC00, v30;
	v22 =	vand.u32 $0x380, v9;
	v9 =	vshll.u32 v12, $0x3;
	v13 =	vpop (erf)  }
0x93: {  	s20 =	sor.u32 s4, s3;
	[tilespmem:s0+$0x70] =	vst v0;
	v14 =	vmul.u32 $0xC00, v14;
	v29 =	vadd.s32 $0x800, v21;
	v20 =	vand.u32 $0x7F, v10;
	v12 =	vpop (erf)  }
0x94: {  	[tilespmem:s20+$0x0] =	vst v0;
	v17 =	vshll.u32 v10, $0x3;
	v28 =	vand.u32 $0xFFFFFC00, v9;
	v31 =	vor.u32 v31, v29;
	v10 =	vpop (erf)  }
0x95: {  	s0 =	simm.s32 $0x4;
	[tilespmem:s20+$0x10] =	vst v0;
	v32 =	vor.u32 v33, v29;
	v30 =	vor.u32 v34, v29;
	v29 =	vor.u32 v35, v29;
	v9 =	vpop (erf)  }
.LBB2_2:
0x96: {  	p0 =	slt.u32 s0, $0x3E;
	[tilespmem:s20+$0x20] =	vst v0;
	v33 =	vand.u32 $0xFFFFFC00, v17;
	v17 =	vor.u32 v22, v31;
	v31 =	vand.u32 $0xFFFFFC00, v16  }
0x97: {  	[tilespmem:s20+$0x30] =	vst v0;
	v16 =	vadd.s32 v28, v17;
	v17 =	vor.u32 v22, v32;
	v28 =	vand.u32 $0xFFFFFC00, v15  }
0x98: {  	v15 =	vor.u32 v22, v30;
	v32 =	vld [tilespmem:s1+$0xFFFFFF80];
	v17 =	vadd.s32 v27, v17;
	v27 =	vand.u32 $0xFFFFFC00, v18;
	[tilespmem:v7+s23+$0x0] =	vst.idx.msk $0xffff, v13  }
0x99: {  	v30 =	vadd.s32 v21, v33;
	v18 =	vadd.s32 v26, v15;
	v15 =	vor.u32 v22, v29;
	v7 =	vld [tilespmem:s1+$0xFFFFFF90]  }
0x9a: {  	v20 =	vor.u32 v20, v30;
	v29 =	vadd.s32 v21, v31;
	v15 =	vadd.s32 v25, v15;
	v26 =	vld [tilespmem:s1+$0xFFFFFFA0]  }
0x9b: {  	v28 =	vadd.s32 v21, v28;
	v20 =	vor.u32 v22, v20;
	v19 =	vor.u32 v19, v29;
	v25 =	vld [tilespmem:s1+$0xFFFFFFB0]  }
0x9c: {  	v23 =	vor.u32 v23, v28;
	v27 =	vadd.s32 v21, v27;
	v19 =	vor.u32 v22, v19;
	v29 =	vld.idx.msk [tilespmem:v16+s2+$0x0], $0xffff  }
0x9d: {  	v21 =	vor.u32 v22, v23;
	v23 =	vor.u32 v24, v27;
	v28 =	vshll.u32 v32, $0x3;
	v30 =	vld.idx.msk [tilespmem:v17+s2+$0x0], $0xffff  }
0x9e: {  	v22 =	vor.u32 v22, v23;
	v24 =	vand.u32 $0xFFFFFC00, v28;
	v27 =	vshll.u32 v7, $0x3;
	v28 =	vld.idx.msk [tilespmem:v18+s2+$0x0], $0xffff  }
0x9f: {  	v23 =	vadd.s32 v14, v24;
	v24 =	vand.u32 $0xFFFFFC00, v27;
	v27 =	vshll.u32 v26, $0x3;
	v31 =	vld.idx.msk [tilespmem:v15+s2+$0x0], $0xffff  }
0xa0: {  	v24 =	vadd.s32 v14, v24;
	v27 =	vand.u32 $0xFFFFFC00, v27;
	v33 =	vshll.u32 v25, $0x3;
	v34 =	vld.idx.msk [tilespmem:v20+s2+$0x0], $0xffff  }
0xa1: {  	v32 =	vand.u32 $0x7F, v32;
	v27 =	vadd.s32 v14, v27;
	v33 =	vand.u32 $0xFFFFFC00, v33;
	v35 =	vld.idx.msk [tilespmem:v19+s2+$0x0], $0xffff  }
0xa2: {  	v7 =	vand.u32 $0x7F, v7;
	v26 =	vand.u32 $0x7F, v26;
	v33 =	vadd.s32 v14, v33;
	v36 =	vld.idx.msk [tilespmem:v21+s2+$0x0], $0xffff  }
0xa3: {  	v23 =	vor.u32 v32, v23;
	v25 =	vand.u32 $0x7F, v25;
	v24 =	vor.u32 v7, v24;
	v32 =	vld.idx.msk [tilespmem:v22+s2+$0x0], $0xffff  }
0xa4: {  	v7 =	vor.u32 v11, v23;
	v23 =	vor.u32 v26, v27;
	v25 =	vor.u32 v25, v33;
	v37 =	vld [tilespmem:s30+$0xFFFFFF80]  }
0xa5: {  	v24 =	vor.u32 v11, v24;
	v23 =	vor.u32 v11, v23;
	v25 =	vor.u32 v11, v25;
	v26 =	vld [tilespmem:s30+$0xFFFFFF90]  }
0xa6: {  	v27 =	vld [tilespmem:s30+$0xFFFFFFA0]  }
0xa7: {  	v33 =	vld [tilespmem:s30+$0xFFFFFFB0]  }
0xa8: {  	v14 =	vadd.s32 $0x800, v14;
	v29 =	vadd.f32 v29, v34;
	v30 =	vadd.f32 v30, v35;
	[tilespmem:v8+s23+$0x0] =	vst.idx.add.f32.msk $0xffff, v13  }
0xa9: {  	v28 =	vadd.f32 v28, v36;
	v31 =	vadd.f32 v31, v32;
	v13 =	vld.idx.msk [tilespmem:v7+s2+$0x0], $0xffff;
	v8 =	vand.u32 $0x7F, v37  }
0xaa: {  	v32 =	vshll.u32 v37, $0x3;
	v8 =	vor.u32 v8, v14;
	v34 =	vld.idx.msk [tilespmem:v24+s2+$0x0], $0xffff;
	v35 =	vand.u32 $0x7F, v26;
	[tilespmem:v3+s23+$0x0] =	vst.idx.msk $0xffff, v12  }
0xab: {  	v38 =	vmax.f32 v29, v30;
	v39 =	vmax.f32 v28, v31;
	v3 =	vmovc v24;
	v36 =	vld.idx.msk [tilespmem:v23+s2+$0x0], $0xffff;
	v37 =	vand.u32 $0x7F, v27  }
0xac: {  	v24 =	vor.u32 v35, v14;
	v38 =	vmax.f32 v38, v39;
	v35 =	vld.idx.msk [tilespmem:v25+s2+$0x0], $0xffff;
	v40 =	vand.u32 $0x7F, v33  }
0xad: {  	v26 =	vshll.u32 v26, $0x3;
	v37 =	vor.u32 v37, v14;
	v14 =	vor.u32 v40, v14;
	(xrf0) =	vmax.scan.msk.f32 $0xffff, v38  }
0xae: {  	s3 =	sshrl.u32 s0, $0x3;
	v8 =	vor.u32 v11, v8;
	v27 =	vshll.u32 v27, $0x3;
	v33 =	vshll.u32 v33, $0x3;
	[tilespmem:v6+s23+$0x0] =	vst.idx.add.f32.msk $0xffff, v12  }
0xaf: {  	s3 =	smul.u32 $0x3000, s3;
	v6 =	vor.u32 v11, v24;
	v12 =	vor.u32 v11, v37;
	v11 =	vor.u32 v11, v14  }
0xb0: {  	s31 =	sadd.s32 $0x100, s31;
	v14 =	vand.u32 $0xFFFFFC00, v32;
	v24 =	vand.u32 $0xFFFFFC00, v26;
	v26 =	vand.u32 $0xFFFFFC00, v27;
	[tilespmem:v2+s23+$0x0] =	vst.idx.msk $0xffff, v10;
	v2 =	vmovc v23  }
0xb1: {  	s20 =	sand.u32 $0x300, s31;
	s4 =	sshra.s32 s3, $0x2;
	s3 =	sadd.s32 $0x80, s31;
	v8 =	vadd.s32 v14, v8;
	v6 =	vadd.s32 v24, v6;
	v14 =	vand.u32 $0xFFFFFC00, v33;
	[tilespmem:v5+s23+$0x0] =	vst.idx.add.f32.msk $0xffff, v10  }
0xb2: {  	s18 =	sadd.s32 $0xC000, s4;
	s5 =	sand.u32 $0x380, s3;
	v5 =	vadd.s32 v26, v12;
	v10 =	vadd.s32 v14, v11;
	[tilespmem:v1+s23+$0x0] =	vst.idx.msk $0xffff, v9;
	v1 =	vmov v25  }
0xb3: {  	s3 =	sor.u32 s20, s18;
	s6 =	sor.u32 s5, s18;
	v11, _, _ =	vpop (xrf0);
	[tilespmem:v4+s23+$0x0] =	vst.idx.add.f32.msk $0xffff, v9;
	v4 =	vmov v10  }
0xb4: {  	[tilespmem:s6+$0x0] =	vst v0;
	v9 =	vbroadcast v11, $0xF  }
0xb5: {  	[tilespmem:s6+$0x10] =	vst v0  }
0xb6: {  	[tilespmem:s6+$0x20] =	vst v0;
	v10 =	vld.idx.msk [tilespmem:v8+s2+$0x0], $0xffff;
	v11 =	vsub.f32 v29, v9  }
0xb7: {  	[tilespmem:s6+$0x30] =	vst v0;
	v12 =	vld.idx.msk [tilespmem:v6+s2+$0x0], $0xffff  }
0xb8: {  	v23 =	vsub.f32 v30, v9;
	[tilespmem:s6+$0x40] =	vst v0;
	v14 =	vld.idx.msk [tilespmem:v5+s2+$0x0], $0xffff;
	v11 =	vmul.f32 $1.442695020e+00, v11  }
0xb9: {  	[tilespmem:s6+$0x50] =	vst v0;
	v24 =	vld.idx.msk [tilespmem:v4+s2+$0x0], $0xffff  }
0xba: {  	s7 =	sadd.s32 $0xC400, s4;
	v25 =	vsub.f32 v28, v9;
	v23 =	vmul.f32 $1.442695020e+00, v23;
	[tilespmem:s6+$0x60] =	vst v0;
	(erf) = vpow2.f32 v11  }
0xbb: {  	s18 =	sor.u32 s20, s7;
	[tilespmem:s6+$0x70] =	vst v0;
	s6 =	sor.u32 s5, s7  }
0xbc: {  	v9 =	vsub.f32 v31, v9;
	v11 =	vmul.f32 $1.442695020e+00, v25;
	[tilespmem:s6+$0x0] =	vst v0;
	(erf) = vpow2.f32 v23  }
0xbd: {  	v10 =	vadd.f32 v10, v13;
	v12 =	vadd.f32 v12, v34;
	[tilespmem:s6+$0x10] =	vst v0  }
0xbe: {  	v9 =	vmul.f32 $1.442695020e+00, v9;
	v13 =	vadd.f32 v14, v36;
	[tilespmem:s6+$0x20] =	vst v0;
	(erf) = vpow2.f32 v11  }
0xbf: {  	v11 =	vadd.f32 v24, v35;
	v14 =	vmax.f32 v10, v12;
	[tilespmem:s6+$0x30] =	vst v0  }
0xc0: {  	[tilespmem:s6+$0x40] =	vst v0;
	(erf) = vpow2.f32 v9  }
0xc1: {  	v9 =	vmax.f32 v13, v11;
	[tilespmem:s6+$0x50] =	vst v0  }
0xc2: {  	v9 =	vmax.f32 v14, v9;
	[tilespmem:s6+$0x60] =	vst v0  }
0xc3: {  	[tilespmem:s6+$0x70] =	vst v0;
	v14 =	vpop (erf)  }
0xc4: {  	[tilespmem:v20+s23+$0x0] =	vst.idx.msk $0xffff, v14;
	(xrf0) =	vmax.scan.msk.f32 $0xffff, v9  }
0xc5: {  	[tilespmem:v16+s23+$0x0] =	vst.idx.add.f32.msk $0xffff, v14;
	v9 =	vpop (erf)  }
0xc6: {  	[tilespmem:v19+s23+$0x0] =	vst.idx.msk $0xffff, v9  }
0xc7: {  	[tilespmem:v17+s23+$0x0] =	vst.idx.add.f32.msk $0xffff, v9;
	v9 =	vpop (erf)  }
0xc8: {  	[tilespmem:v21+s23+$0x0] =	vst.idx.msk $0xffff, v9  }
0xc9: {  	[tilespmem:v18+s23+$0x0] =	vst.idx.add.f32.msk $0xffff, v9;
	v9 =	vpop (erf)  }
0xca: {  	s4 =	sadd.s32 $0xC800, s4;
	[tilespmem:v22+s23+$0x0] =	vst.idx.msk $0xffff, v9;
	v14, _, _ =	vpop (xrf0)  }
0xcb: {  	s20 =	sor.u32 s20, s4;
	s4 =	sor.u32 s5, s4;
	v14 =	vbroadcast v14, $0xF;
	[tilespmem:v15+s23+$0x0] =	vst.idx.add.f32.msk $0xffff, v9  }
0xcc: {  	[tilespmem:s4+$0x0] =	vst v0  }
0xcd: {  	[tilespmem:s4+$0x10] =	vst v0;
	v9 =	vsub.f32 v10, v14;
	v10 =	vsub.f32 v12, v14  }
0xce: {  	v12 =	vsub.f32 v13, v14;
	v11 =	vsub.f32 v11, v14;
	[tilespmem:s4+$0x20] =	vst v0  }
0xcf: {  	s30 =	sadd.s32 $0x100, s30;
	[tilespmem:s4+$0x30] =	vst v0;
	v9 =	vmul.f32 $1.442695020e+00, v9;
	v10 =	vmul.f32 $1.442695020e+00, v10  }
0xd0: {  	v12 =	vmul.f32 $1.442695020e+00, v12;
	v11 =	vmul.f32 $1.442695020e+00, v11;
	[tilespmem:s3+$0x0] =	vst v0;
	v15 =	vld [tilespmem:s30+$0x0]  }
0xd1: {  	[tilespmem:s3+$0x10] =	vst v0;
	v16 =	vld [tilespmem:s30+$0x10];
	(erf) = vpow2.f32 v9  }
0xd2: {  	[tilespmem:s3+$0x20] =	vst v0;
	v9 =	vld [tilespmem:s30+$0x20];
	(erf) = vpow2.f32 v10  }
0xd3: {  	s1 =	sadd.s32 $0x100, s1;
	[tilespmem:s3+$0x30] =	vst v0;
	v17 =	vld [tilespmem:s30+$0x30];
	(erf) = vpow2.f32 v12  }
0xd4: {  	s4 =	sadd.s32 $0x1, s0;
	[tilespmem:s3+$0x40] =	vst v0;
	v18 =	vld [tilespmem:s1+$0x0];
	(erf) = vpow2.f32 v11  }
0xd5: {  	v10 =	vmov s4;
	[tilespmem:s3+$0x50] =	vst v0;
	v25 =	vld [tilespmem:s1+$0x10]  }
0xd6: {  	v12 =	vshrl.u32 v10, $0x3;
	v11 =	vmov s0;
	[tilespmem:s3+$0x60] =	vst v0;
	v26 =	vld [tilespmem:s1+$0x20]  }
0xd7: {  	v21 =	vmul.u32 $0xC00, v12;
	v13 =	vshll.u32 v11, $0x7;
	[tilespmem:s3+$0x70] =	vst v0;
	v29 =	vld [tilespmem:s1+$0x30]  }
0xd8: {  	v10 =	vshll.u32 v10, $0x7;
	v12 =	vshrl.u32 v11, $0x3;
	v11 =	vand.u32 $0x300, v13;
	[tilespmem:s18+$0x0] =	vst v0  }
0xd9: {  	v22 =	vand.u32 $0x380, v10;
	v14 =	vmul.u32 $0xC00, v12;
	v33 =	vadd.s32 $0x800, v21;
	[tilespmem:s18+$0x10] =	vst v0  }
0xda: {  	v27 =	vshll.u32 v15, $0x3;
	v20 =	vand.u32 $0x7F, v18;
	[tilespmem:s18+$0x20] =	vst v0;
	v19 =	vand.u32 $0x7F, v25;
	v13 =	vpop (erf)  }
0xdb: {  	v30 =	vshll.u32 v16, $0x3;
	v32 =	vshll.u32 v9, $0x3;
	[tilespmem:s18+$0x30] =	vst v0;
	v23 =	vand.u32 $0x7F, v26;
	v12 =	vpop (erf)  }
0xdc: {  	v31 =	vand.u32 $0x7F, v15;
	v34 =	vshll.u32 v17, $0x3;
	[tilespmem:s18+$0x40] =	vst v0;
	v24 =	vand.u32 $0x7F, v29;
	v10 =	vpop (erf)  }
.Ltmp0:
0xdd: {  	v35 =	vand.u32 $0x7F, v16;
	v36 =	vand.u32 $0x7F, v9;
	v37 =	vand.u32 $0x7F, v17;
	[tilespmem:s18+$0x50] =	vst v0;
	v9 =	vpop (erf);
	(pc) =	sbr.rel @p0 .LBB2_2-.Ltmp0, $4  }
0xde: {  	v17 =	vshll.u32 v18, $0x3;
	v16 =	vshll.u32 v25, $0x3;
	v15 =	vshll.u32 v26, $0x3;
	[tilespmem:s18+$0x60] =	vst v0  }
0xdf: {  	v28 =	vand.u32 $0xFFFFFC00, v27;
	v27 =	vand.u32 $0xFFFFFC00, v30;
	v18 =	vshll.u32 v29, $0x3;
	[tilespmem:s18+$0x70] =	vst v0  }
0xe0: {  	v31 =	vor.u32 v31, v33;
	v25 =	vand.u32 $0xFFFFFC00, v34;
	v26 =	vand.u32 $0xFFFFFC00, v32;
	[tilespmem:s20+$0x0] =	vst v0  }
0xe1: {  	s0 =	sadd.s32 $0x2, s0;
	v30 =	vor.u32 v36, v33;
	v32 =	vor.u32 v35, v33;
	v29 =	vor.u32 v37, v33;
	[tilespmem:s20+$0x10] =	vst v0  }
0xe2: {  	[tilespmem:s20+$0x20] =	vst v0  }
0xe3: {  	v33 =	vand.u32 $0xFFFFFC00, v17;
	v17 =	vor.u32 v22, v31;
	v31 =	vand.u32 $0xFFFFFC00, v16;
	[tilespmem:s20+$0x30] =	vst v0  }
0xe4: {  	v16 =	vor.u32 v22, v32;
	v17 =	vadd.s32 v28, v17;
	v28 =	vand.u32 $0xFFFFFC00, v15;
	v45 =	vld [tilespmem:s1+$0xFFFFFF80]  }
0xe5: {  	v15 =	vadd.s32 v27, v16;
	v16 =	vor.u32 v22, v30;
	v27 =	vand.u32 $0xFFFFFC00, v18;
	v30 =	vld [tilespmem:s1+$0xFFFFFF90]  }
0xe6: {  	v18 =	vadd.s32 v21, v33;
	v31 =	vadd.s32 v21, v31;
	v46 =	vld [tilespmem:s30+$0xFFFFFF90];
	v16 =	vadd.s32 v26, v16  }
0xe7: {  	v47 =	vld [tilespmem:s30+$0xFFFFFFA0];
	v26 =	vor.u32 v22, v29;
	v20 =	vor.u32 v20, v18;
	v19 =	vor.u32 v19, v31  }
0xe8: {  	v18 =	vadd.s32 v25, v26;
	v26 =	vor.u32 v22, v20;
	v20 =	vadd.s32 v21, v28  }
0xe9: {  	v29 =	vld [tilespmem:s1+$0xFFFFFFA0];
	v28 =	vor.u32 v22, v19;
	v19 =	vor.u32 v23, v20;
	v20 =	vadd.s32 v21, v27  }
0xea: {  	v19 =	vor.u32 v22, v19;
	v20 =	vor.u32 v24, v20;
	v21 =	vshll.u32 v45, $0x3  }
0xeb: {  	v25 =	vld [tilespmem:s1+$0xFFFFFFB0];
	v23 =	vshll.u32 v30, $0x3;
	v20 =	vor.u32 v22, v20;
	v31 =	vand.u32 $0x7F, v45  }
0xec: {  	v30 =	vand.u32 $0x7F, v30;
	v36 =	vand.u32 $0x7F, v46;
	v37 =	vand.u32 $0x7F, v47  }
0xed: {  	v27 =	vld [tilespmem:s30+$0xFFFFFF80];
	v32 =	vshll.u32 v46, $0x3;
	v33 =	vshll.u32 v47, $0x3;
	v21 =	vand.u32 $0xFFFFFC00, v21  }
0xee: {  	v22 =	vand.u32 $0xFFFFFC00, v23;
	v23 =	vshll.u32 v29, $0x3;
	v29 =	vand.u32 $0x7F, v29  }
0xef: {  	v32 =	vand.u32 $0xFFFFFC00, v32;
	v33 =	vand.u32 $0xFFFFFC00, v33;
	v21 =	vadd.s32 v14, v21  }
0xf0: {  	v22 =	vadd.s32 v14, v22;
	v23 =	vand.u32 $0xFFFFFC00, v23;
	v24 =	vshll.u32 v25, $0x3;
	v35 =	vld.idx.msk [tilespmem:v18+s2+$0x0], $0xffff  }
0xf1: {  	v25 =	vand.u32 $0x7F, v25;
	v38 =	vld.idx.msk [tilespmem:v26+s2+$0x0], $0xffff;
	v23 =	vadd.s32 v14, v23;
	v24 =	vand.u32 $0xFFFFFC00, v24  }
0xf2: {  	v40 =	vld.idx.msk [tilespmem:v28+s2+$0x0], $0xffff;
	v21 =	vor.u32 v31, v21;
	v22 =	vor.u32 v30, v22;
	v34 =	vand.u32 $0x7F, v27  }
0xf3: {  	v30 =	vld [tilespmem:s30+$0xFFFFFFB0];
	v27 =	vshll.u32 v27, $0x3;
	v24 =	vadd.s32 v14, v24;
	v21 =	vor.u32 v11, v21  }
0xf4: {  	v31 =	vld.idx.msk [tilespmem:v17+s2+$0x0], $0xffff;
	v23 =	vor.u32 v29, v23;
	v22 =	vor.u32 v11, v22;
	v14 =	vadd.s32 $0x800, v14  }
0xf5: {  	v29 =	vld.idx.msk [tilespmem:v16+s2+$0x0], $0xffff;
	v27 =	vand.u32 $0xFFFFFC00, v27;
	v24 =	vor.u32 v25, v24;
	v23 =	vor.u32 v11, v23  }
0xf6: {  	v48 =	vld.idx.msk [tilespmem:v19+s2+$0x0], $0xffff;
	v34 =	vor.u32 v34, v14;
	v36 =	vor.u32 v36, v14;
	v37 =	vor.u32 v37, v14  }
0xf7: {  	v25 =	vld.idx.msk [tilespmem:v15+s2+$0x0], $0xffff;
	v24 =	vor.u32 v11, v24;
	v34 =	vor.u32 v11, v34;
	v36 =	vor.u32 v11, v36  }
0xf8: {  	v41 =	vld.idx.msk [tilespmem:v20+s2+$0x0], $0xffff;
	v37 =	vor.u32 v11, v37;
	v27 =	vadd.s32 v27, v34;
	v39 =	vand.u32 $0x7F, v30  }
0xf9: {  	v32 =	vadd.s32 v32, v36;
	v30 =	vshll.u32 v30, $0x3;
	v14 =	vor.u32 v39, v14;
	v49 =	vld.idx.msk [tilespmem:v21+s2+$0x0], $0xffff  }
0xfa: {  	v50 =	vld.idx.msk [tilespmem:v22+s2+$0x0], $0xffff;
	v11 =	vor.u32 v11, v14;
	v14 =	vand.u32 $0xFFFFFC00, v30;
	v30 =	vadd.s32 v33, v37  }
0xfb: {  	v51 =	vld.idx.msk [tilespmem:v23+s2+$0x0], $0xffff;
	v11 =	vadd.s32 v14, v11  }
0xfc: {  	v14 =	vadd.f32 v31, v38;
	v31 =	vld.idx.msk [tilespmem:v24+s2+$0x0], $0xffff  }
0xfd: {  	v29 =	vadd.f32 v29, v48;
	v52 =	vld.idx.msk [tilespmem:v27+s2+$0x0], $0xffff  }
0xfe: {  	v25 =	vadd.f32 v25, v40;
	v35 =	vadd.f32 v35, v41;
	v53 =	vld.idx.msk [tilespmem:v32+s2+$0x0], $0xffff  }
0xff: {  	v56 =	vld.idx.msk [tilespmem:v30+s2+$0x0], $0xffff  }
0x100: {  	v55 =	vmax.f32 v29, v35;
	v54 =	vmax.f32 v14, v25;
	v57 =	vld.idx.msk [tilespmem:v11+s2+$0x0], $0xffff  }
0x101: {  	v39 =	vmax.f32 v54, v55  }
0x102: {  	(xrf0) =	vmax.scan.msk.f32 $0xffff, v39;
	_ =	sdelay $0x1  }
0x103: {  	v34 =	vadd.f32 v52, v49;
	v36 =	vadd.f32 v53, v50  }
0x104: {  	v33 =	vadd.f32 v56, v51;
	v31 =	vadd.f32 v57, v31;
	_ =	sdelay $0x1  }
0x105: {  	v38 =	vmax.f32 v34, v36;
	v59 =	vmax.f32 v33, v31  }
0x106: {  	v58, _, _ =	vpop (xrf0);
	v38 =	vmax.f32 v38, v59  }
0x107: {  	v37 =	vbroadcast v58, $0xF;
	(xrf0) =	vmax.scan.msk.f32 $0xffff, v38;
	_ =	sdelay $0x1  }
0x108: {  	v14 =	vsub.f32 v14, v37;
	v29 =	vsub.f32 v29, v37  }
0x109: {  	v25 =	vsub.f32 v25, v37  }
0x10a: {  	v14 =	vmul.f32 $1.442695020e+00, v14  }
0x10b: {  	v25 =	vmul.f32 $1.442695020e+00, v25  }
0x10c: {  	(erf) = vpow2.f32 v14;
	v14 =	vmul.f32 $1.442695020e+00, v29;
	v29, _, _ =	vpop (xrf0)  }
0x10d: {  	[tilespmem:v7+s23+$0x0] =	vst.idx.msk $0xffff, v13;
	v7 =	vsub.f32 v35, v37;
	(erf) = vpow2.f32 v25;
	v25 =	vbroadcast v29, $0xF  }
0x10e: {  	[tilespmem:v8+s23+$0x0] =	vst.idx.add.f32.msk $0xffff, v13  }
0x10f: {  	[tilespmem:v3+s23+$0x0] =	vst.idx.msk $0xffff, v12;
	v3 =	vmul.f32 $1.442695020e+00, v7;
	v7 =	vsub.f32 v34, v25  }
0x110: {  	[tilespmem:v6+s23+$0x0] =	vst.idx.add.f32.msk $0xffff, v12;
	(erf) = vpow2.f32 v14  }
0x111: {  	[tilespmem:v2+s23+$0x0] =	vst.idx.msk $0xffff, v10;
	(erf) = vpow2.f32 v3;
	v2 =	vsub.f32 v36, v25;
	v3 =	vmul.f32 $1.442695020e+00, v7  }
0x112: {  	[tilespmem:v5+s23+$0x0] =	vst.idx.add.f32.msk $0xffff, v10  }
0x113: {  	[tilespmem:v1+s23+$0x0] =	vst.idx.msk $0xffff, v9;
	v1 =	vsub.f32 v33, v25;
	v2 =	vmul.f32 $1.442695020e+00, v2  }
0x114: {  	(erf) = vpow2.f32 v3  }
0x115: {  	[tilespmem:v4+s23+$0x0] =	vst.idx.add.f32.msk $0xffff, v9;
	v1 =	vmul.f32 $1.442695020e+00, v1;
	v3 =	vpop (erf)  }
0x116: {  	v4 =	vsub.f32 v31, v25;
	(erf) = vpow2.f32 v2;
	[tilespmem:v26+s23+$0x0] =	vst.idx.msk $0xffff, v3  }
0x117: {  	v2 =	vpop (erf);
	[tilespmem:v17+s23+$0x0] =	vst.idx.add.f32.msk $0xffff, v3  }
0x118: {  	(erf) = vpow2.f32 v1;
	v3 =	vmul.f32 $1.442695020e+00, v4;
	[tilespmem:v28+s23+$0x0] =	vst.idx.msk $0xffff, v2  }
0x119: {  	v1 =	vpop (erf);
	[tilespmem:v15+s23+$0x0] =	vst.idx.add.f32.msk $0xffff, v2  }
0x11a: {  	(erf) = vpow2.f32 v3;
	[tilespmem:v19+s23+$0x0] =	vst.idx.msk $0xffff, v1  }
0x11b: {  	v2 =	vpop (erf);
	[tilespmem:v16+s23+$0x0] =	vst.idx.add.f32.msk $0xffff, v1  }
0x11c: {  	[tilespmem:v20+s23+$0x0] =	vst.idx.msk $0xffff, v2  }
0x11d: {  	v1 =	vpop (erf);
	[tilespmem:v18+s23+$0x0] =	vst.idx.add.f32.msk $0xffff, v2  }
0x11e: {  	[tilespmem:v21+s23+$0x0] =	vst.idx.msk $0xffff, v1  }
0x11f: {  	v2 =	vpop (erf);
	[tilespmem:v27+s23+$0x0] =	vst.idx.add.f32.msk $0xffff, v1  }
0x120: {  	[tilespmem:v22+s23+$0x0] =	vst.idx.msk $0xffff, v2  }
0x121: {  	v1 =	vpop (erf);
	[tilespmem:v32+s23+$0x0] =	vst.idx.add.f32.msk $0xffff, v2  }
0x122: {  	[tilespmem:v23+s23+$0x0] =	vst.idx.msk $0xffff, v1  }
0x123: {  	v2 =	vpop (erf);
	[tilespmem:v30+s23+$0x0] =	vst.idx.add.f32.msk $0xffff, v1  }
0x124: {  	[tilespmem:v24+s23+$0x0] =	vst.idx.msk $0xffff, v2  }
0x125: {  	[tilespmem:v11+s23+$0x0] =	vst.idx.add.f32.msk $0xffff, v2  }
0x126: {  	s7 =	simm.s32 $0x0;
	s1 =	simm.s32 $0x0;
	s0 =	rddreg [dreg:$0x7]  }
0x127: {  	[hbm4b:s0+s1] =	stream.linear.scatter [tilespmem:s23], [sflag:$0x3], $0x6000, $0x38;
	[tilespmem:$0x1C000] =	vst v63  }
0x128: {  	s0 =	smul.u32 $0x3000, s7  }
0x129: {  	[tilespmem:s1], [sflag:$0x1] =	stream.linear.gather [hbm4b:s8+s1], $0x6000, $0x38;
	[tilespmem:$0x1C000] =	vst v63  }
0x12a: {  	s3 =	simm.s32 $0x80;
	s0 =	sshra.s32 s0, $0x2;
	_ =	swait.ge [sflag:s24], $0x6000  }
0x12b: {  	s3 =	sand.u32 $0x380, s3;
	s4 =	sadd.s32 $0x12000, s0;
	[sflag:s24] =	ssyncset.done $0x0  }
0x12c: {  	s5 =	sor.u32 s3, s4;
	[sflag:s24] =	ssyncadd.s32 $0xFFFFA000  }
0x12d: {  	[tilespmem:s5+$0x0] =	vst v0  }
0x12e: {  	[tilespmem:s5+$0x10] =	vst v0  }
0x12f: {  	[tilespmem:s5+$0x20] =	vst v0  }
0x130: {  	[tilespmem:s5+$0x30] =	vst v0  }
0x131: {  	[tilespmem:s5+$0x40] =	vst v0  }
0x132: {  	[tilespmem:s5+$0x50] =	vst v0  }
0x133: {  	s6 =	sadd.s32 $0x12400, s0;
	[tilespmem:s5+$0x60] =	vst v0  }
0x134: {  	s18 =	sor.u32 s3, s6;
	[tilespmem:s5+$0x70] =	vst v0  }
0x135: {  	[tilespmem:s18+$0x0] =	vst v0  }
0x136: {  	[tilespmem:s18+$0x10] =	vst v0  }
0x137: {  	[tilespmem:s18+$0x20] =	vst v0  }
0x138: {  	[tilespmem:s18+$0x30] =	vst v0  }
0x139: {  	[tilespmem:s18+$0x40] =	vst v0  }
0x13a: {  	[tilespmem:s18+$0x50] =	vst v0  }
0x13b: {  	s7 =	sadd.s32 $0x12800, s0;
	[tilespmem:s18+$0x60] =	vst v0  }
0x13c: {  	s3 =	sor.u32 s3, s7;
	[tilespmem:s18+$0x70] =	vst v0  }
0x13d: {  	[tilespmem:s3+$0x0] =	vst v0  }
0x13e: {  	[tilespmem:s3+$0x10] =	vst v0  }
0x13f: {  	s20 =	sand.u32 $0x300, s1;
	[tilespmem:s3+$0x20] =	vst v0  }
0x140: {  	s0 =	simm.s32 $0x1A080;
	s4 =	sor.u32 s20, s4;
	[tilespmem:s3+$0x30] =	vst v0  }
0x141: {  	[tilespmem:s4+$0x0] =	vst v0;
	v1 =	vld [tilespmem:s0+$0x0]  }
0x142: {  	[tilespmem:s4+$0x10] =	vst v0;
	v2 =	vld [tilespmem:s0+$0x10]  }
0x143: {  	[tilespmem:s4+$0x20] =	vst v0;
	v3 =	vld [tilespmem:s0+$0x20]  }
0x144: {  	[tilespmem:s4+$0x30] =	vst v0;
	s3 =	simm.s32 $0x18080;
	v4 =	vld [tilespmem:s0+$0x30]  }
0x145: {  	[tilespmem:s4+$0x40] =	vst v0;
	s18 =	simm.s32 $0x1;
	v5 =	vld [tilespmem:s3+$0x0]  }
0x146: {  	[tilespmem:s4+$0x50] =	vst v0;
	v6 =	vmov s18;
	v7 =	vld [tilespmem:s3+$0x10]  }
0x147: {  	[tilespmem:s4+$0x60] =	vst v0;
	v8 =	vshrl.u32 v6, $0x3;
	v9 =	vld [tilespmem:s3+$0x20]  }
0x148: {  	s6 =	sor.u32 s20, s6;
	[tilespmem:s4+$0x70] =	vst v0;
	v10 =	vld [tilespmem:s3+$0x30];
	v8 =	vmul.u32 $0xC00, v8  }
0x149: {  	[tilespmem:s6+$0x0] =	vst v0;
	v6 =	vshll.u32 v6, $0x7  }
0x14a: {  	[tilespmem:s6+$0x10] =	vst v0;
	v6 =	vand.u32 $0x380, v6;
	v11 =	vadd.s32 $0x800, v8  }
0x14b: {  	[tilespmem:s6+$0x20] =	vst v0;
	v12 =	vand.u32 $0x7F, v5;
	v13 =	vshll.u32 v1, $0x3;
	v14 =	vand.u32 $0x7F, v7  }
0x14c: {  	[tilespmem:s6+$0x30] =	vst v0;
	v15 =	vshll.u32 v2, $0x3;
	v17 =	vand.u32 $0x7F, v9;
	v16 =	vshll.u32 v3, $0x3  }
0x14d: {  	[tilespmem:s6+$0x40] =	vst v0;
	v1 =	vand.u32 $0x7F, v1;
	v18 =	vand.u32 $0x7F, v10;
	v19 =	vshll.u32 v4, $0x3  }
0x14e: {  	[tilespmem:s6+$0x50] =	vst v0;
	v2 =	vand.u32 $0x7F, v2;
	v3 =	vand.u32 $0x7F, v3;
	v4 =	vand.u32 $0x7F, v4  }
0x14f: {  	[tilespmem:s6+$0x60] =	vst v0;
	v5 =	vshll.u32 v5, $0x3;
	v7 =	vshll.u32 v7, $0x3;
	v9 =	vshll.u32 v9, $0x3  }
0x150: {  	s20 =	sor.u32 s20, s7;
	[tilespmem:s6+$0x70] =	vst v0;
	v20 =	vshll.u32 v10, $0x3;
	v13 =	vand.u32 $0xFFFFFC00, v13;
	v15 =	vand.u32 $0xFFFFFC00, v15  }
0x151: {  	[tilespmem:s20+$0x0] =	vst v0;
	v1 =	vor.u32 v1, v11;
	v16 =	vand.u32 $0xFFFFFC00, v16;
	v19 =	vand.u32 $0xFFFFFC00, v19  }
0x152: {  	[tilespmem:s20+$0x10] =	vst v0;
	v2 =	vor.u32 v2, v11;
	v3 =	vor.u32 v3, v11;
	v4 =	vor.u32 v4, v11  }
0x153: {  	[tilespmem:s20+$0x20] =	vst v0;
	v5 =	vand.u32 $0xFFFFFC00, v5;
	v7 =	vand.u32 $0xFFFFFC00, v7;
	v1 =	vor.u32 v6, v1  }
0x154: {  	[tilespmem:s20+$0x30] =	vst v0;
	v5 =	vadd.s32 v8, v5;
	v10 =	vadd.s32 v13, v1;
	v1 =	vor.u32 v6, v2  }
0x155: {  	v21 =	vld [tilespmem:s3+$0xFFFFFF80];
	v2 =	vand.u32 $0xFFFFFC00, v9;
	v9 =	vadd.s32 v15, v1;
	v1 =	vor.u32 v6, v3  }
0x156: {  	v5 =	vor.u32 v12, v5;
	v3 =	vand.u32 $0xFFFFFC00, v20;
	v20 =	vld [tilespmem:s3+$0xFFFFFF90];
	v11 =	vadd.s32 v16, v1  }
0x157: {  	v7 =	vadd.s32 v8, v7;
	v1 =	vor.u32 v6, v4;
	v4 =	vld [tilespmem:s3+$0xFFFFFFA0];
	v16 =	vor.u32 v6, v5  }
0x158: {  	v2 =	vadd.s32 v8, v2;
	v5 =	vor.u32 v14, v7;
	v12 =	vadd.s32 v19, v1;
	v1 =	vld [tilespmem:s3+$0xFFFFFFB0]  }
0x159: {  	v2 =	vor.u32 v17, v2;
	v3 =	vadd.s32 v8, v3;
	v14 =	vor.u32 v6, v5;
	v7 =	vld.idx.msk [tilespmem:v10+s21+$0x0], $0xffff  }
0x15a: {  	v15 =	vor.u32 v6, v2;
	v2 =	vor.u32 v18, v3;
	v5 =	vld.idx.msk [tilespmem:v9+s21+$0x0], $0xffff  }
0x15b: {  	v13 =	vor.u32 v6, v2;
	v3 =	vld.idx.msk [tilespmem:v11+s21+$0x0], $0xffff  }
0x15c: {  	v6 =	vld.idx.msk [tilespmem:v16+s21+$0x0], $0xffff  }
0x15d: {  	v8 =	vmov s1;
	v2 =	vld.idx.msk [tilespmem:v12+s21+$0x0], $0xffff  }
0x15e: {  	v18 =	vshll.u32 v8, $0x7;
	v8 =	vshrl.u32 v8, $0x3;
	v17 =	vld.idx.msk [tilespmem:v14+s21+$0x0], $0xffff  }
0x15f: {  	v23 =	vshll.u32 v21, $0x3;
	v8 =	vmul.u32 $0xC00, v8;
	v19 =	vld.idx.msk [tilespmem:v15+s21+$0x0], $0xffff  }
0x160: {  	v23 =	vand.u32 $0xFFFFFC00, v23;
	v24 =	vshll.u32 v20, $0x3;
	v22 =	vld.idx.msk [tilespmem:v13+s21+$0x0], $0xffff  }
0x161: {  	v18 =	vand.u32 $0x300, v18;
	v23 =	vadd.s32 v8, v23;
	v24 =	vand.u32 $0xFFFFFC00, v24  }
0x162: {  	v25 =	vshll.u32 v4, $0x3;
	v4 =	vand.u32 $0x7F, v4;
	v24 =	vadd.s32 v8, v24  }
0x163: {  	v25 =	vand.u32 $0xFFFFFC00, v25;
	v26 =	vshll.u32 v1, $0x3;
	v6 =	vadd.f32 v7, v6  }
0x164: {  	v7 =	vand.u32 $0x7F, v20;
	v17 =	vadd.f32 v5, v17;
	v5 =	vand.u32 $0x7F, v21  }
0x165: {  	v20 =	vld [tilespmem:s0+$0xFFFFFF80];
	v19 =	vadd.f32 v3, v19;
	v3 =	vand.u32 $0xFFFFFC00, v26;
	v21 =	vadd.f32 v2, v22  }
0x166: {  	v24 =	vor.u32 v7, v24;
	v2 =	vadd.s32 v8, v25;
	v22 =	vld [tilespmem:s0+$0xFFFFFF90];
	v5 =	vor.u32 v5, v23  }
0x167: {  	s3 =	simm.s32 $0x0;
	v25 =	vmax.f32 v6, v17;
	v7 =	vor.u32 v18, v5;
	v5 =	vld [tilespmem:s0+$0xFFFFFFB0];
	v26 =	vmax.f32 v19, v21  }
0x168: {  	v1 =	vand.u32 $0x7F, v1;
	v3 =	vadd.s32 v8, v3;
	v23 =	vld [tilespmem:s0+$0xFFFFFFA0];
	s0 =	smul.u32 $0x3000, s3;
	v25 =	vmax.f32 v25, v26  }
0x169: {  	v2 =	vor.u32 v4, v2;
	v1 =	vor.u32 v1, v3;
	(xrf0) =	vmax.scan.msk.f32 $0xffff, v25  }
0x16a: {  	s7 =	simm.s32 $0x180;
	v3 =	vor.u32 v18, v24;
	v4 =	vadd.s32 $0x800, v8;
	v2 =	vor.u32 v18, v2;
	s4 =	sshra.s32 s0, $0x2  }
0x16b: {  	s18 =	sand.u32 $0x380, s7;
	v1 =	vor.u32 v18, v1;
	v8 =	vand.u32 $0x7F, v20;
	v20 =	vshll.u32 v20, $0x3;
	s1 =	sadd.s32 $0x12000, s4  }
0x16c: {  	v8 =	vor.u32 v8, v4;
	v24 =	vand.u32 $0x7F, v22;
	s20 =	sor.u32 s18, s1;
	v26 =	vand.u32 $0x7F, v5  }
0x16d: {  	v25 =	vand.u32 $0x7F, v23;
	v22 =	vshll.u32 v22, $0x3;
	v8 =	vor.u32 v18, v8;
	[tilespmem:s20+$0x0] =	vst v0  }
0x16e: {  	v23 =	vshll.u32 v23, $0x3;
	v24 =	vor.u32 v24, v4;
	v25 =	vor.u32 v25, v4;
	[tilespmem:s20+$0x10] =	vst v0  }
0x16f: {  	[tilespmem:s20+$0x20] =	vst v0;
	v4 =	vor.u32 v26, v4;
	v24 =	vor.u32 v18, v24;
	v25 =	vor.u32 v18, v25;
	v26, _, _ =	vpop (xrf0)  }
0x170: {  	[tilespmem:s20+$0x30] =	vst v0;
	v4 =	vor.u32 v18, v4;
	v18 =	vand.u32 $0xFFFFFC00, v20;
	v26 =	vbroadcast v26, $0xF  }
0x171: {  	v5 =	vshll.u32 v5, $0x3;
	[tilespmem:s20+$0x40] =	vst v0;
	v20 =	vand.u32 $0xFFFFFC00, v22;
	v8 =	vadd.s32 v18, v8  }
0x172: {  	v23 =	vand.u32 $0xFFFFFC00, v23;
	[tilespmem:s20+$0x50] =	vst v0;
	v22 =	vld.idx.msk [tilespmem:v7+s21+$0x0], $0xffff;
	v18 =	vsub.f32 v6, v26;
	v6 =	vadd.s32 v20, v24  }
0x173: {  	s0 =	sadd.s32 $0x12400, s4;
	[tilespmem:s20+$0x60] =	vst v0;
	v20 =	vand.u32 $0xFFFFFC00, v5;
	v24 =	vld.idx.msk [tilespmem:v3+s21+$0x0], $0xffff;
	v5 =	vadd.s32 v23, v25  }
0x174: {  	s6 =	sor.u32 s18, s0;
	[tilespmem:s20+$0x70] =	vst v0;
	v17 =	vsub.f32 v17, v26;
	v23 =	vld.idx.msk [tilespmem:v2+s21+$0x0], $0xffff;
	v4 =	vadd.s32 v20, v4;
	v18 =	vmul.f32 $1.442695020e+00, v18  }
0x175: {  	[tilespmem:s6+$0x0] =	vst v0;
	v20 =	vld.idx.msk [tilespmem:v1+s21+$0x0], $0xffff  }
0x176: {  	[tilespmem:s6+$0x10] =	vst v0;
	v17 =	vmul.f32 $1.442695020e+00, v17;
	(erf) = vpow2.f32 v18;
	v18 =	vld.idx.msk [tilespmem:v8+s21+$0x0], $0xffff  }
0x177: {  	[tilespmem:s6+$0x20] =	vst v0;
	v19 =	vsub.f32 v19, v26;
	v25 =	vld.idx.msk [tilespmem:v6+s21+$0x0], $0xffff  }
0x178: {  	[tilespmem:s6+$0x30] =	vst v0;
	(erf) = vpow2.f32 v17;
	v17 =	vld.idx.msk [tilespmem:v5+s21+$0x0], $0xffff  }
0x179: {  	[tilespmem:s6+$0x40] =	vst v0;
	v21 =	vsub.f32 v21, v26;
	v19 =	vmul.f32 $1.442695020e+00, v19;
	v26 =	vld.idx.msk [tilespmem:v4+s21+$0x0], $0xffff  }
0x17a: {  	[tilespmem:s6+$0x50] =	vst v0  }
0x17b: {  	s3 =	sadd.s32 $0x12800, s4;
	[tilespmem:s6+$0x60] =	vst v0;
	v21 =	vmul.f32 $1.442695020e+00, v21;
	(erf) = vpow2.f32 v19  }
0x17c: {  	s7 =	sor.u32 s18, s3;
	[tilespmem:s6+$0x70] =	vst v0  }
0x17d: {  	[tilespmem:s7+$0x0] =	vst v0;
	(erf) = vpow2.f32 v21;
	v18 =	vadd.f32 v18, v22;
	v19 =	vadd.f32 v25, v24  }
0x17e: {  	[tilespmem:s7+$0x10] =	vst v0;
	v17 =	vadd.f32 v17, v23;
	v20 =	vadd.f32 v26, v20  }
0x17f: {  	[tilespmem:s7+$0x20] =	vst v0;
	v21 =	vpop (erf)  }
0x180: {  	v22 =	vmax.f32 v17, v20;
	[tilespmem:v16+s25+$0x0] =	vst.idx.msk $0xffff, v21;
	v16 =	vmax.f32 v18, v19  }
0x181: {  	[tilespmem:s7+$0x30] =	vst v0;
	v16 =	vmax.f32 v16, v22  }
0x182: {  	[tilespmem:v10+s25+$0x0] =	vst.idx.add.f32.msk $0xffff, v21;
	v10 =	vpop (erf);
	(xrf0) =	vmax.scan.msk.f32 $0xffff, v16  }
0x183: {  	[tilespmem:v14+s25+$0x0] =	vst.idx.msk $0xffff, v10  }
0x184: {  	s31 =	simm.s32 $0x100;
	[tilespmem:v9+s25+$0x0] =	vst.idx.add.f32.msk $0xffff, v10;
	v9 =	vpop (erf)  }
0x185: {  	s4 =	sand.u32 $0x300, s31;
	[tilespmem:v15+s25+$0x0] =	vst.idx.msk $0xffff, v9  }
0x186: {  	s6 =	sor.u32 s4, s1;
	s1 =	simm.s32 $0x18180;
	[tilespmem:v11+s25+$0x0] =	vst.idx.add.f32.msk $0xffff, v9;
	v9 =	vpop (erf)  }
0x187: {  	v25 =	vld [tilespmem:s1+$0x20];
	[tilespmem:v13+s25+$0x0] =	vst.idx.msk $0xffff, v9  }
0x188: {  	[tilespmem:v12+s25+$0x0] =	vst.idx.add.f32.msk $0xffff, v9;
	v9, _, _ =	vpop (xrf0)  }
0x189: {  	s30 =	simm.s32 $0x1A180;
	v26 =	vld [tilespmem:s1+$0x30];
	v9 =	vbroadcast v9, $0xF  }
0x18a: {  	[tilespmem:s6+$0x0] =	vst v0;
	v16 =	vld [tilespmem:s30+$0x30]  }
0x18b: {  	[tilespmem:s6+$0x10] =	vst v0;
	v10 =	vsub.f32 v18, v9  }
0x18c: {  	[tilespmem:s6+$0x20] =	vst v0;
	v15 =	vld [tilespmem:s30+$0x20];
	v11 =	vsub.f32 v19, v9  }
0x18d: {  	[tilespmem:s6+$0x30] =	vst v0;
	v23 =	vand.u32 $0x7F, v25;
	v13 =	vld [tilespmem:s30+$0x10];
	v14 =	vsub.f32 v17, v9;
	v10 =	vmul.f32 $1.442695020e+00, v10  }
0x18e: {  	[tilespmem:s6+$0x40] =	vst v0;
	v24 =	vand.u32 $0x7F, v26;
	v12 =	vld [tilespmem:s30+$0x0];
	v9 =	vsub.f32 v20, v9;
	v11 =	vmul.f32 $1.442695020e+00, v11  }
0x18f: {  	[tilespmem:s6+$0x50] =	vst v0;
	v60 =	vshll.u32 v16, $0x3;
	v18 =	vld [tilespmem:s1+$0x10];
	v14 =	vmul.f32 $1.442695020e+00, v14;
	(erf) = vpow2.f32 v10  }
0x190: {  	[tilespmem:s6+$0x60] =	vst v0;
	v63 =	vand.u32 $0x7F, v16;
	v9 =	vmul.f32 $1.442695020e+00, v9;
	(erf) = vpow2.f32 v11  }
0x191: {  	s0 =	sor.u32 s4, s0;
	[tilespmem:s6+$0x70] =	vst v0;
	v30 =	vshll.u32 v15, $0x3;
	v62 =	vand.u32 $0x7F, v15;
	(erf) = vpow2.f32 v14  }
0x192: {  	s18 =	simm.s32 $0x3;
	[tilespmem:s0+$0x0] =	vst v0;
	v15 =	vshll.u32 v25, $0x3;
	v25 =	vand.u32 $0xFFFFFC00, v60;
	(erf) = vpow2.f32 v9  }
0x193: {  	s20 =	simm.s32 $0x2;
	[tilespmem:s0+$0x10] =	vst v0;
	v17 =	vmov s18;
	v61 =	vand.u32 $0x7F, v13;
	v31 =	vand.u32 $0x7F, v12  }
0x194: {  	[tilespmem:s0+$0x20] =	vst v0;
	v10 =	vld [tilespmem:s1+$0x0];
	v11 =	vmov s20;
	v19 =	vand.u32 $0x7F, v18;
	v16 =	vshll.u32 v18, $0x3  }
0x195: {  	[tilespmem:s0+$0x30] =	vst v0;
	v18 =	vshll.u32 v26, $0x3;
	v26 =	vand.u32 $0xFFFFFC00, v30;
	v14 =	vshrl.u32 v17, $0x3  }
0x196: {  	[tilespmem:s0+$0x40] =	vst v0;
	v9 =	vshll.u32 v11, $0x7;
	v21 =	vmul.u32 $0xC00, v14;
	v14 =	vshrl.u32 v11, $0x3  }
0x197: {  	[tilespmem:s0+$0x50] =	vst v0;
	v11 =	vand.u32 $0x300, v9;
	v9 =	vshll.u32 v17, $0x7;
	v14 =	vmul.u32 $0xC00, v14  }
0x198: {  	[tilespmem:s0+$0x60] =	vst v0;
	v17 =	vshll.u32 v13, $0x3;
	v22 =	vand.u32 $0x380, v9;
	v9 =	vshll.u32 v12, $0x3;
	v13 =	vpop (erf)  }
0x199: {  	[tilespmem:s0+$0x70] =	vst v0;
	s20 =	sor.u32 s4, s3;
	v29 =	vadd.s32 $0x800, v21;
	v20 =	vand.u32 $0x7F, v10;
	v27 =	vshll.u32 v10, $0x3;
	v12 =	vpop (erf)  }
0x19a: {  	[tilespmem:s20+$0x0] =	vst v0;
	v17 =	vand.u32 $0xFFFFFC00, v17;
	v28 =	vand.u32 $0xFFFFFC00, v9;
	v31 =	vor.u32 v31, v29;
	v10 =	vpop (erf)  }
0x19b: {  	s0 =	simm.s32 $0x4;
	[tilespmem:s20+$0x10] =	vst v0;
	v32 =	vor.u32 v61, v29;
	v30 =	vor.u32 v62, v29;
	v29 =	vor.u32 v63, v29;
	v9 =	vpop (erf)  }
.LBB2_4:
0x19c: {  	p0 =	slt.u32 s0, $0x3E;
	[tilespmem:s20+$0x20] =	vst v0;
	v27 =	vand.u32 $0xFFFFFC00, v27;
	v31 =	vor.u32 v22, v31;
	v33 =	vand.u32 $0xFFFFFC00, v16  }
0x19d: {  	[tilespmem:s20+$0x30] =	vst v0;
	v16 =	vadd.s32 v28, v31;
	v28 =	vor.u32 v22, v32;
	v31 =	vand.u32 $0xFFFFFC00, v15  }
0x19e: {  	v15 =	vor.u32 v22, v30;
	v32 =	vld [tilespmem:s1+$0xFFFFFF80];
	v17 =	vadd.s32 v17, v28;
	v28 =	vand.u32 $0xFFFFFC00, v18;
	[tilespmem:v7+s25+$0x0] =	vst.idx.msk $0xffff, v13  }
0x19f: {  	v27 =	vadd.s32 v21, v27;
	v18 =	vadd.s32 v26, v15;
	v15 =	vor.u32 v22, v29;
	v7 =	vld [tilespmem:s1+$0xFFFFFF90]  }
0x1a0: {  	v20 =	vor.u32 v20, v27;
	v27 =	vadd.s32 v21, v33;
	v15 =	vadd.s32 v25, v15;
	v26 =	vld [tilespmem:s1+$0xFFFFFFA0]  }
0x1a1: {  	v20 =	vor.u32 v22, v20;
	v19 =	vor.u32 v19, v27;
	v27 =	vadd.s32 v21, v31;
	v25 =	vld [tilespmem:s1+$0xFFFFFFB0]  }
0x1a2: {  	v19 =	vor.u32 v22, v19;
	v23 =	vor.u32 v23, v27;
	v27 =	vadd.s32 v21, v28;
	v29 =	vld.idx.msk [tilespmem:v16+s21+$0x0], $0xffff  }
0x1a3: {  	v21 =	vor.u32 v22, v23;
	v23 =	vor.u32 v24, v27;
	v28 =	vshll.u32 v32, $0x3;
	v30 =	vld.idx.msk [tilespmem:v17+s21+$0x0], $0xffff  }
0x1a4: {  	v22 =	vor.u32 v22, v23;
	v24 =	vand.u32 $0xFFFFFC00, v28;
	v27 =	vshll.u32 v7, $0x3;
	v28 =	vld.idx.msk [tilespmem:v18+s21+$0x0], $0xffff  }
0x1a5: {  	v23 =	vadd.s32 v14, v24;
	v24 =	vand.u32 $0xFFFFFC00, v27;
	v27 =	vshll.u32 v26, $0x3;
	v31 =	vld.idx.msk [tilespmem:v15+s21+$0x0], $0xffff  }
0x1a6: {  	v24 =	vadd.s32 v14, v24;
	v27 =	vand.u32 $0xFFFFFC00, v27;
	v33 =	vshll.u32 v25, $0x3;
	v34 =	vld.idx.msk [tilespmem:v20+s21+$0x0], $0xffff  }
0x1a7: {  	v32 =	vand.u32 $0x7F, v32;
	v27 =	vadd.s32 v14, v27;
	v33 =	vand.u32 $0xFFFFFC00, v33;
	v35 =	vld.idx.msk [tilespmem:v19+s21+$0x0], $0xffff  }
0x1a8: {  	v7 =	vand.u32 $0x7F, v7;
	v26 =	vand.u32 $0x7F, v26;
	v33 =	vadd.s32 v14, v33;
	v36 =	vld.idx.msk [tilespmem:v21+s21+$0x0], $0xffff  }
0x1a9: {  	v23 =	vor.u32 v32, v23;
	v25 =	vand.u32 $0x7F, v25;
	v24 =	vor.u32 v7, v24;
	v32 =	vld.idx.msk [tilespmem:v22+s21+$0x0], $0xffff  }
0x1aa: {  	v7 =	vor.u32 v11, v23;
	v23 =	vor.u32 v26, v27;
	v25 =	vor.u32 v25, v33;
	v37 =	vld [tilespmem:s30+$0xFFFFFF80]  }
0x1ab: {  	v24 =	vor.u32 v11, v24;
	v23 =	vor.u32 v11, v23;
	v25 =	vor.u32 v11, v25;
	v26 =	vld [tilespmem:s30+$0xFFFFFF90]  }
0x1ac: {  	v27 =	vld [tilespmem:s30+$0xFFFFFFA0]  }
0x1ad: {  	v33 =	vld [tilespmem:s30+$0xFFFFFFB0]  }
0x1ae: {  	v14 =	vadd.s32 $0x800, v14;
	v29 =	vadd.f32 v29, v34;
	v30 =	vadd.f32 v30, v35;
	[tilespmem:v8+s25+$0x0] =	vst.idx.add.f32.msk $0xffff, v13  }
0x1af: {  	v28 =	vadd.f32 v28, v36;
	v31 =	vadd.f32 v31, v32;
	v13 =	vld.idx.msk [tilespmem:v7+s21+$0x0], $0xffff;
	v8 =	vand.u32 $0x7F, v37  }
0x1b0: {  	v32 =	vshll.u32 v37, $0x3;
	v8 =	vor.u32 v8, v14;
	v34 =	vld.idx.msk [tilespmem:v24+s21+$0x0], $0xffff;
	v35 =	vand.u32 $0x7F, v26;
	[tilespmem:v3+s25+$0x0] =	vst.idx.msk $0xffff, v12  }
0x1b1: {  	v38 =	vmax.f32 v29, v30;
	v39 =	vmax.f32 v28, v31;
	v3 =	vmovc v24;
	v36 =	vld.idx.msk [tilespmem:v23+s21+$0x0], $0xffff;
	v37 =	vand.u32 $0x7F, v27  }
0x1b2: {  	v24 =	vor.u32 v35, v14;
	v38 =	vmax.f32 v38, v39;
	v35 =	vld.idx.msk [tilespmem:v25+s21+$0x0], $0xffff;
	v40 =	vand.u32 $0x7F, v33  }
0x1b3: {  	v26 =	vshll.u32 v26, $0x3;
	v37 =	vor.u32 v37, v14;
	v14 =	vor.u32 v40, v14;
	(xrf0) =	vmax.scan.msk.f32 $0xffff, v38  }
0x1b4: {  	s3 =	sshrl.u32 s0, $0x3;
	v8 =	vor.u32 v11, v8;
	v27 =	vshll.u32 v27, $0x3;
	v33 =	vshll.u32 v33, $0x3;
	[tilespmem:v6+s25+$0x0] =	vst.idx.add.f32.msk $0xffff, v12  }
0x1b5: {  	s3 =	smul.u32 $0x3000, s3;
	v6 =	vor.u32 v11, v24;
	v12 =	vor.u32 v11, v37;
	v11 =	vor.u32 v11, v14  }
0x1b6: {  	s31 =	sadd.s32 $0x100, s31;
	v14 =	vand.u32 $0xFFFFFC00, v32;
	v24 =	vand.u32 $0xFFFFFC00, v26;
	v26 =	vand.u32 $0xFFFFFC00, v27;
	[tilespmem:v2+s25+$0x0] =	vst.idx.msk $0xffff, v10;
	v2 =	vmovc v23  }
0x1b7: {  	s20 =	sand.u32 $0x300, s31;
	s4 =	sshra.s32 s3, $0x2;
	s3 =	sadd.s32 $0x80, s31;
	v8 =	vadd.s32 v14, v8;
	v6 =	vadd.s32 v24, v6;
	v14 =	vand.u32 $0xFFFFFC00, v33;
	[tilespmem:v5+s25+$0x0] =	vst.idx.add.f32.msk $0xffff, v10  }
0x1b8: {  	s6 =	sadd.s32 $0x12000, s4;
	s5 =	sand.u32 $0x380, s3;
	v5 =	vadd.s32 v26, v12;
	v10 =	vadd.s32 v14, v11;
	[tilespmem:v1+s25+$0x0] =	vst.idx.msk $0xffff, v9;
	v1 =	vmov v25  }
0x1b9: {  	s3 =	sor.u32 s20, s6;
	s6 =	sor.u32 s5, s6;
	v11, _, _ =	vpop (xrf0);
	[tilespmem:v4+s25+$0x0] =	vst.idx.add.f32.msk $0xffff, v9;
	v4 =	vmov v10  }
0x1ba: {  	[tilespmem:s6+$0x0] =	vst v0;
	v9 =	vbroadcast v11, $0xF  }
0x1bb: {  	[tilespmem:s6+$0x10] =	vst v0  }
0x1bc: {  	[tilespmem:s6+$0x20] =	vst v0;
	v10 =	vld.idx.msk [tilespmem:v8+s21+$0x0], $0xffff;
	v11 =	vsub.f32 v29, v9  }
0x1bd: {  	[tilespmem:s6+$0x30] =	vst v0;
	v12 =	vld.idx.msk [tilespmem:v6+s21+$0x0], $0xffff  }
0x1be: {  	v23 =	vsub.f32 v30, v9;
	[tilespmem:s6+$0x40] =	vst v0;
	v14 =	vld.idx.msk [tilespmem:v5+s21+$0x0], $0xffff;
	v11 =	vmul.f32 $1.442695020e+00, v11  }
0x1bf: {  	[tilespmem:s6+$0x50] =	vst v0;
	v24 =	vld.idx.msk [tilespmem:v4+s21+$0x0], $0xffff  }
0x1c0: {  	s7 =	sadd.s32 $0x12400, s4;
	v25 =	vsub.f32 v28, v9;
	v23 =	vmul.f32 $1.442695020e+00, v23;
	[tilespmem:s6+$0x60] =	vst v0;
	(erf) = vpow2.f32 v11  }
0x1c1: {  	s18 =	sor.u32 s20, s7;
	[tilespmem:s6+$0x70] =	vst v0;
	s6 =	sor.u32 s5, s7  }
0x1c2: {  	v9 =	vsub.f32 v31, v9;
	v11 =	vmul.f32 $1.442695020e+00, v25;
	[tilespmem:s6+$0x0] =	vst v0;
	(erf) = vpow2.f32 v23  }
0x1c3: {  	v10 =	vadd.f32 v10, v13;
	v12 =	vadd.f32 v12, v34;
	[tilespmem:s6+$0x10] =	vst v0  }
0x1c4: {  	v9 =	vmul.f32 $1.442695020e+00, v9;
	v13 =	vadd.f32 v14, v36;
	[tilespmem:s6+$0x20] =	vst v0;
	(erf) = vpow2.f32 v11  }
0x1c5: {  	v11 =	vadd.f32 v24, v35;
	v14 =	vmax.f32 v10, v12;
	[tilespmem:s6+$0x30] =	vst v0  }
0x1c6: {  	[tilespmem:s6+$0x40] =	vst v0;
	(erf) = vpow2.f32 v9  }
0x1c7: {  	v9 =	vmax.f32 v13, v11;
	[tilespmem:s6+$0x50] =	vst v0  }
0x1c8: {  	v9 =	vmax.f32 v14, v9;
	[tilespmem:s6+$0x60] =	vst v0  }
0x1c9: {  	[tilespmem:s6+$0x70] =	vst v0;
	v14 =	vpop (erf)  }
0x1ca: {  	[tilespmem:v20+s25+$0x0] =	vst.idx.msk $0xffff, v14;
	(xrf0) =	vmax.scan.msk.f32 $0xffff, v9  }
0x1cb: {  	[tilespmem:v16+s25+$0x0] =	vst.idx.add.f32.msk $0xffff, v14;
	v9 =	vpop (erf)  }
0x1cc: {  	[tilespmem:v19+s25+$0x0] =	vst.idx.msk $0xffff, v9  }
0x1cd: {  	[tilespmem:v17+s25+$0x0] =	vst.idx.add.f32.msk $0xffff, v9;
	v9 =	vpop (erf)  }
0x1ce: {  	[tilespmem:v21+s25+$0x0] =	vst.idx.msk $0xffff, v9  }
0x1cf: {  	[tilespmem:v18+s25+$0x0] =	vst.idx.add.f32.msk $0xffff, v9;
	v9 =	vpop (erf)  }
0x1d0: {  	s4 =	sadd.s32 $0x12800, s4;
	[tilespmem:v22+s25+$0x0] =	vst.idx.msk $0xffff, v9;
	v14, _, _ =	vpop (xrf0)  }
0x1d1: {  	s20 =	sor.u32 s20, s4;
	s4 =	sor.u32 s5, s4;
	v14 =	vbroadcast v14, $0xF;
	[tilespmem:v15+s25+$0x0] =	vst.idx.add.f32.msk $0xffff, v9  }
0x1d2: {  	[tilespmem:s4+$0x0] =	vst v0  }
0x1d3: {  	[tilespmem:s4+$0x10] =	vst v0;
	v9 =	vsub.f32 v10, v14;
	v10 =	vsub.f32 v12, v14  }
0x1d4: {  	v12 =	vsub.f32 v13, v14;
	v11 =	vsub.f32 v11, v14;
	[tilespmem:s4+$0x20] =	vst v0  }
0x1d5: {  	s30 =	sadd.s32 $0x100, s30;
	[tilespmem:s4+$0x30] =	vst v0;
	v9 =	vmul.f32 $1.442695020e+00, v9;
	v10 =	vmul.f32 $1.442695020e+00, v10  }
0x1d6: {  	v12 =	vmul.f32 $1.442695020e+00, v12;
	v11 =	vmul.f32 $1.442695020e+00, v11;
	[tilespmem:s3+$0x0] =	vst v0;
	v15 =	vld [tilespmem:s30+$0x0]  }
0x1d7: {  	[tilespmem:s3+$0x10] =	vst v0;
	v16 =	vld [tilespmem:s30+$0x10];
	(erf) = vpow2.f32 v9  }
0x1d8: {  	[tilespmem:s3+$0x20] =	vst v0;
	v9 =	vld [tilespmem:s30+$0x20];
	(erf) = vpow2.f32 v10  }
0x1d9: {  	s1 =	sadd.s32 $0x100, s1;
	[tilespmem:s3+$0x30] =	vst v0;
	v17 =	vld [tilespmem:s30+$0x30];
	(erf) = vpow2.f32 v12  }
0x1da: {  	s4 =	sadd.s32 $0x1, s0;
	[tilespmem:s3+$0x40] =	vst v0;
	v18 =	vld [tilespmem:s1+$0x0];
	(erf) = vpow2.f32 v11  }
0x1db: {  	v10 =	vmov s4;
	[tilespmem:s3+$0x50] =	vst v0;
	v25 =	vld [tilespmem:s1+$0x10]  }
0x1dc: {  	v12 =	vshrl.u32 v10, $0x3;
	v11 =	vmov s0;
	[tilespmem:s3+$0x60] =	vst v0;
	v26 =	vld [tilespmem:s1+$0x20]  }
0x1dd: {  	v21 =	vmul.u32 $0xC00, v12;
	v13 =	vshll.u32 v11, $0x7;
	[tilespmem:s3+$0x70] =	vst v0;
	v29 =	vld [tilespmem:s1+$0x30]  }
0x1de: {  	v10 =	vshll.u32 v10, $0x7;
	v12 =	vshrl.u32 v11, $0x3;
	v11 =	vand.u32 $0x300, v13;
	[tilespmem:s18+$0x0] =	vst v0  }
0x1df: {  	v22 =	vand.u32 $0x380, v10;
	v14 =	vmul.u32 $0xC00, v12;
	v33 =	vadd.s32 $0x800, v21;
	[tilespmem:s18+$0x10] =	vst v0  }
0x1e0: {  	v28 =	vshll.u32 v15, $0x3;
	v20 =	vand.u32 $0x7F, v18;
	[tilespmem:s18+$0x20] =	vst v0;
	v19 =	vand.u32 $0x7F, v25;
	v13 =	vpop (erf)  }
0x1e1: {  	v30 =	vshll.u32 v16, $0x3;
	v32 =	vshll.u32 v9, $0x3;
	[tilespmem:s18+$0x30] =	vst v0;
	v23 =	vand.u32 $0x7F, v26;
	v12 =	vpop (erf)  }
0x1e2: {  	v31 =	vand.u32 $0x7F, v15;
	v34 =	vshll.u32 v17, $0x3;
	[tilespmem:s18+$0x40] =	vst v0;
	v24 =	vand.u32 $0x7F, v29;
	v10 =	vpop (erf)  }
.Ltmp1:
0x1e3: {  	v35 =	vand.u32 $0x7F, v16;
	v36 =	vand.u32 $0x7F, v9;
	v37 =	vand.u32 $0x7F, v17;
	[tilespmem:s18+$0x50] =	vst v0;
	v9 =	vpop (erf);
	(pc) =	sbr.rel @p0 .LBB2_4-.Ltmp1, $4  }
0x1e4: {  	v27 =	vshll.u32 v18, $0x3;
	v16 =	vshll.u32 v25, $0x3;
	v15 =	vshll.u32 v26, $0x3;
	[tilespmem:s18+$0x60] =	vst v0  }
0x1e5: {  	v28 =	vand.u32 $0xFFFFFC00, v28;
	v17 =	vand.u32 $0xFFFFFC00, v30;
	v18 =	vshll.u32 v29, $0x3;
	[tilespmem:s18+$0x70] =	vst v0  }
0x1e6: {  	v31 =	vor.u32 v31, v33;
	v25 =	vand.u32 $0xFFFFFC00, v34;
	v26 =	vand.u32 $0xFFFFFC00, v32;
	[tilespmem:s20+$0x0] =	vst v0  }
0x1e7: {  	s0 =	sadd.s32 $0x2, s0;
	v30 =	vor.u32 v36, v33;
	v32 =	vor.u32 v35, v33;
	v29 =	vor.u32 v37, v33;
	[tilespmem:s20+$0x10] =	vst v0  }
0x1e8: {  	[tilespmem:s20+$0x20] =	vst v0  }
0x1e9: {  	v27 =	vand.u32 $0xFFFFFC00, v27;
	v31 =	vor.u32 v22, v31;
	v33 =	vand.u32 $0xFFFFFC00, v16;
	[tilespmem:s20+$0x30] =	vst v0  }
0x1ea: {  	v16 =	vadd.s32 v28, v31;
	v28 =	vor.u32 v22, v32;
	v31 =	vand.u32 $0xFFFFFC00, v15;
	v48 =	vld [tilespmem:s1+$0xFFFFFF80]  }
0x1eb: {  	v49 =	vld [tilespmem:s30+$0xFFFFFF90];
	v15 =	vadd.s32 v17, v28;
	v17 =	vor.u32 v22, v30;
	v28 =	vand.u32 $0xFFFFFC00, v18  }
0x1ec: {  	v50 =	vld [tilespmem:s30+$0xFFFFFFA0];
	v18 =	vadd.s32 v21, v27;
	v17 =	vadd.s32 v26, v17;
	v26 =	vor.u32 v22, v29  }
0x1ed: {  	v20 =	vor.u32 v20, v18;
	v29 =	vadd.s32 v21, v33;
	v18 =	vadd.s32 v25, v26  }
0x1ee: {  	v30 =	vld [tilespmem:s1+$0xFFFFFF90];
	v26 =	vor.u32 v22, v20;
	v19 =	vor.u32 v19, v29;
	v20 =	vadd.s32 v21, v31  }
0x1ef: {  	v29 =	vor.u32 v22, v19;
	v19 =	vor.u32 v23, v20;
	v20 =	vadd.s32 v21, v28  }
0x1f0: {  	v27 =	vld [tilespmem:s1+$0xFFFFFFA0];
	v21 =	vshll.u32 v48, $0x3;
	v19 =	vor.u32 v22, v19;
	v20 =	vor.u32 v24, v20  }
0x1f1: {  	v31 =	vand.u32 $0x7F, v48;
	v36 =	vand.u32 $0x7F, v49;
	v37 =	vand.u32 $0x7F, v50  }
0x1f2: {  	v25 =	vld [tilespmem:s1+$0xFFFFFFB0];
	v32 =	vshll.u32 v49, $0x3;
	v33 =	vshll.u32 v50, $0x3;
	v21 =	vand.u32 $0xFFFFFC00, v21  }
0x1f3: {  	v23 =	vshll.u32 v30, $0x3;
	v20 =	vor.u32 v22, v20;
	v30 =	vand.u32 $0x7F, v30  }
0x1f4: {  	v28 =	vld [tilespmem:s30+$0xFFFFFF80];
	v32 =	vand.u32 $0xFFFFFC00, v32;
	v33 =	vand.u32 $0xFFFFFC00, v33;
	v21 =	vadd.s32 v14, v21  }
0x1f5: {  	v22 =	vand.u32 $0xFFFFFC00, v23;
	v23 =	vshll.u32 v27, $0x3;
	v27 =	vand.u32 $0x7F, v27  }
0x1f6: {  	v22 =	vadd.s32 v14, v22;
	v23 =	vand.u32 $0xFFFFFC00, v23;
	v21 =	vor.u32 v31, v21;
	v31 =	vld.idx.msk [tilespmem:v16+s21+$0x0], $0xffff  }
0x1f7: {  	v24 =	vshll.u32 v25, $0x3;
	v25 =	vand.u32 $0x7F, v25;
	v35 =	vld.idx.msk [tilespmem:v18+s21+$0x0], $0xffff;
	v23 =	vadd.s32 v14, v23  }
0x1f8: {  	v38 =	vld.idx.msk [tilespmem:v26+s21+$0x0], $0xffff;
	v24 =	vand.u32 $0xFFFFFC00, v24;
	v22 =	vor.u32 v30, v22;
	v21 =	vor.u32 v11, v21  }
0x1f9: {  	v30 =	vld [tilespmem:s30+$0xFFFFFFB0];
	v34 =	vand.u32 $0x7F, v28;
	v28 =	vshll.u32 v28, $0x3;
	v24 =	vadd.s32 v14, v24  }
0x1fa: {  	v40 =	vld.idx.msk [tilespmem:v29+s21+$0x0], $0xffff;
	v23 =	vor.u32 v27, v23;
	v22 =	vor.u32 v11, v22;
	v14 =	vadd.s32 $0x800, v14  }
0x1fb: {  	v27 =	vld.idx.msk [tilespmem:v17+s21+$0x0], $0xffff;
	v28 =	vand.u32 $0xFFFFFC00, v28;
	v24 =	vor.u32 v25, v24;
	v23 =	vor.u32 v11, v23  }
0x1fc: {  	v51 =	vld.idx.msk [tilespmem:v19+s21+$0x0], $0xffff;
	v34 =	vor.u32 v34, v14;
	v36 =	vor.u32 v36, v14;
	v37 =	vor.u32 v37, v14  }
0x1fd: {  	v25 =	vld.idx.msk [tilespmem:v15+s21+$0x0], $0xffff;
	v24 =	vor.u32 v11, v24;
	v34 =	vor.u32 v11, v34;
	v36 =	vor.u32 v11, v36  }
0x1fe: {  	v41 =	vld.idx.msk [tilespmem:v20+s21+$0x0], $0xffff;
	v37 =	vor.u32 v11, v37;
	v28 =	vadd.s32 v28, v34;
	v39 =	vand.u32 $0x7F, v30  }
0x1ff: {  	v32 =	vadd.s32 v32, v36;
	v30 =	vshll.u32 v30, $0x3;
	v52 =	vld.idx.msk [tilespmem:v21+s21+$0x0], $0xffff;
	v14 =	vor.u32 v39, v14  }
0x200: {  	v53 =	vld.idx.msk [tilespmem:v22+s21+$0x0], $0xffff;
	v54 =	vor.u32 v11, v14;
	v14 =	vand.u32 $0xFFFFFC00, v30;
	v30 =	vadd.s32 v33, v37  }
0x201: {  	v55 =	vld.idx.msk [tilespmem:v23+s21+$0x0], $0xffff;
	v11 =	vadd.s32 v14, v54  }
0x202: {  	v14 =	vadd.f32 v31, v38;
	v31 =	vld.idx.msk [tilespmem:v24+s21+$0x0], $0xffff  }
0x203: {  	v27 =	vadd.f32 v27, v51;
	v56 =	vld.idx.msk [tilespmem:v28+s21+$0x0], $0xffff  }
0x204: {  	v25 =	vadd.f32 v25, v40;
	v35 =	vadd.f32 v35, v41;
	v57 =	vld.idx.msk [tilespmem:v32+s21+$0x0], $0xffff  }
0x205: {  	v60 =	vld.idx.msk [tilespmem:v30+s21+$0x0], $0xffff  }
0x206: {  	v59 =	vmax.f32 v27, v35;
	v58 =	vmax.f32 v14, v25;
	v61 =	vld.idx.msk [tilespmem:v11+s21+$0x0], $0xffff  }
0x207: {  	v39 =	vmax.f32 v58, v59  }
0x208: {  	(xrf0) =	vmax.scan.msk.f32 $0xffff, v39;
	_ =	sdelay $0x1  }
0x209: {  	v34 =	vadd.f32 v56, v52;
	v36 =	vadd.f32 v57, v53  }
0x20a: {  	v33 =	vadd.f32 v60, v55;
	v31 =	vadd.f32 v61, v31;
	_ =	sdelay $0x1  }
0x20b: {  	v38 =	vmax.f32 v34, v36;
	v63 =	vmax.f32 v33, v31  }
0x20c: {  	v62, _, _ =	vpop (xrf0);
	v38 =	vmax.f32 v38, v63  }
0x20d: {  	v37 =	vbroadcast v62, $0xF;
	(xrf0) =	vmax.scan.msk.f32 $0xffff, v38;
	_ =	sdelay $0x1  }
0x20e: {  	v14 =	vsub.f32 v14, v37;
	v27 =	vsub.f32 v27, v37  }
0x20f: {  	v25 =	vsub.f32 v25, v37  }
0x210: {  	v14 =	vmul.f32 $1.442695020e+00, v14  }
0x211: {  	v25 =	vmul.f32 $1.442695020e+00, v25  }
0x212: {  	(erf) = vpow2.f32 v14;
	v14 =	vmul.f32 $1.442695020e+00, v27;
	v27, _, _ =	vpop (xrf0)  }
0x213: {  	[tilespmem:v7+s25+$0x0] =	vst.idx.msk $0xffff, v13;
	v7 =	vsub.f32 v35, v37;
	(erf) = vpow2.f32 v25;
	v25 =	vbroadcast v27, $0xF  }
0x214: {  	[tilespmem:v8+s25+$0x0] =	vst.idx.add.f32.msk $0xffff, v13  }
0x215: {  	[tilespmem:v3+s25+$0x0] =	vst.idx.msk $0xffff, v12;
	v3 =	vmul.f32 $1.442695020e+00, v7;
	v7 =	vsub.f32 v34, v25  }
0x216: {  	[tilespmem:v6+s25+$0x0] =	vst.idx.add.f32.msk $0xffff, v12;
	(erf) = vpow2.f32 v14  }
0x217: {  	[tilespmem:v2+s25+$0x0] =	vst.idx.msk $0xffff, v10;
	(erf) = vpow2.f32 v3;
	v2 =	vsub.f32 v36, v25;
	v3 =	vmul.f32 $1.442695020e+00, v7  }
0x218: {  	[tilespmem:v5+s25+$0x0] =	vst.idx.add.f32.msk $0xffff, v10  }
0x219: {  	[tilespmem:v1+s25+$0x0] =	vst.idx.msk $0xffff, v9;
	v1 =	vsub.f32 v33, v25;
	v2 =	vmul.f32 $1.442695020e+00, v2  }
0x21a: {  	(erf) = vpow2.f32 v3  }
0x21b: {  	[tilespmem:v4+s25+$0x0] =	vst.idx.add.f32.msk $0xffff, v9;
	v1 =	vmul.f32 $1.442695020e+00, v1;
	v3 =	vpop (erf)  }
0x21c: {  	v4 =	vsub.f32 v31, v25;
	(erf) = vpow2.f32 v2;
	[tilespmem:v26+s25+$0x0] =	vst.idx.msk $0xffff, v3  }
0x21d: {  	v2 =	vpop (erf);
	[tilespmem:v16+s25+$0x0] =	vst.idx.add.f32.msk $0xffff, v3  }
0x21e: {  	(erf) = vpow2.f32 v1;
	v3 =	vmul.f32 $1.442695020e+00, v4;
	[tilespmem:v29+s25+$0x0] =	vst.idx.msk $0xffff, v2  }
0x21f: {  	v1 =	vpop (erf);
	[tilespmem:v15+s25+$0x0] =	vst.idx.add.f32.msk $0xffff, v2  }
0x220: {  	(erf) = vpow2.f32 v3;
	[tilespmem:v19+s25+$0x0] =	vst.idx.msk $0xffff, v1  }
0x221: {  	[tilespmem:v17+s25+$0x0] =	vst.idx.add.f32.msk $0xffff, v1;
	v1 =	vpop (erf)  }
0x222: {  	[tilespmem:v20+s25+$0x0] =	vst.idx.msk $0xffff, v1  }
0x223: {  	[tilespmem:v18+s25+$0x0] =	vst.idx.add.f32.msk $0xffff, v1;
	v1 =	vpop (erf)  }
0x224: {  	[tilespmem:v21+s25+$0x0] =	vst.idx.msk $0xffff, v1  }
0x225: {  	v2 =	vpop (erf);
	[tilespmem:v28+s25+$0x0] =	vst.idx.add.f32.msk $0xffff, v1  }
0x226: {  	[tilespmem:v22+s25+$0x0] =	vst.idx.msk $0xffff, v2  }
0x227: {  	v1 =	vpop (erf);
	[tilespmem:v32+s25+$0x0] =	vst.idx.add.f32.msk $0xffff, v2  }
0x228: {  	[tilespmem:v23+s25+$0x0] =	vst.idx.msk $0xffff, v1  }
0x229: {  	v2 =	vpop (erf);
	[tilespmem:v30+s25+$0x0] =	vst.idx.add.f32.msk $0xffff, v1  }
0x22a: {  	[tilespmem:v24+s25+$0x0] =	vst.idx.msk $0xffff, v2  }
0x22b: {  	s0 =	simm.s32 $0x0;
	[tilespmem:v11+s25+$0x0] =	vst.idx.add.f32.msk $0xffff, v2  }
0x22c: {  	[hbm4b:s9+s0] =	stream.linear.scatter [tilespmem:s25], [sflag:$0x4], $0x6000, $0x38;
	[tilespmem:$0x1C000] =	vst v63  }
0x22d: {  	_ = 	snop  }
0x22e: {  	[tilespmem:s21], [sflag:$0x2] =	stream.linear.gather [hbm4b:s10+s0], $0x6000, $0x38;
	[tilespmem:$0x1C000] =	vst v63  }
0x22f: {  	s5 =	simm.s32 $0x0;
	_ =	swait.ge [sflag:s22], $0x6000  }
0x230: {  	s1 =	smul.u32 $0x3000, s5;
	[sflag:s22] =	ssyncset.done $0x0  }
0x231: {  	[sflag:s22] =	ssyncadd.s32 $0xFFFFA000  }
0x232: {  	s3 =	simm.s32 $0x80;
	s1 =	sshra.s32 s1, $0x2;
	_ =	swait.ge [sflag:s26], $0x6000  }
0x233: {  	s6 =	sand.u32 $0x380, s3;
	s4 =	sadd.s32 $0xC800, s1;
	[sflag:s26] =	ssyncset.done $0x0  }
0x234: {  	s3 =	sor.u32 s6, s4;
	[sflag:s26] =	ssyncadd.s32 $0xFFFFA000  }
0x235: {  	[tilespmem:s3+$0x0] =	vst v0  }
0x236: {  	[tilespmem:s3+$0x10] =	vst v0  }
0x237: {  	[tilespmem:s3+$0x20] =	vst v0  }
0x238: {  	s7 =	simm.s32 $0x1A080;
	[tilespmem:s3+$0x30] =	vst v0  }
0x239: {  	v1 =	vld [tilespmem:s7+$0x0]  }
0x23a: {  	v2 =	vld [tilespmem:s7+$0x10]  }
0x23b: {  	v3 =	vld [tilespmem:s7+$0x20]  }
0x23c: {  	s18 =	simm.s32 $0x18080;
	v4 =	vld [tilespmem:s7+$0x30]  }
0x23d: {  	s5 =	simm.s32 $0x1;
	v5 =	vld [tilespmem:s18+$0x0]  }
0x23e: {  	v6 =	vmov s5;
	v7 =	vld [tilespmem:s18+$0x10]  }
0x23f: {  	v35 =	vshrl.u32 v6, $0x3;
	v36 =	vld [tilespmem:s18+$0x20]  }
0x240: {  	v37 =	vmul.u32 $0xC00, v35;
	v38 =	vld [tilespmem:s18+$0x30]  }
0x241: {  	v6 =	vshll.u32 v6, $0x7  }
0x242: {  	v6 =	vand.u32 $0x380, v6;
	v39 =	vadd.s32 $0x800, v37  }
0x243: {  	s20 =	sand.u32 $0x300, s0;
	v12 =	vand.u32 $0x7F, v5;
	v13 =	vshll.u32 v1, $0x3;
	v14 =	vand.u32 $0x7F, v7  }
0x244: {  	s4 =	sor.u32 s20, s4;
	v15 =	vshll.u32 v2, $0x3;
	v17 =	vand.u32 $0x7F, v36;
	v16 =	vshll.u32 v3, $0x3  }
0x245: {  	[tilespmem:s4+$0x0] =	vst v0;
	v1 =	vand.u32 $0x7F, v1;
	v22 =	vand.u32 $0x7F, v38;
	v18 =	vshll.u32 v4, $0x3  }
0x246: {  	[tilespmem:s4+$0x10] =	vst v0;
	v2 =	vand.u32 $0x7F, v2;
	v3 =	vand.u32 $0x7F, v3;
	v4 =	vand.u32 $0x7F, v4  }
0x247: {  	[tilespmem:s4+$0x20] =	vst v0;
	v5 =	vshll.u32 v5, $0x3;
	v7 =	vshll.u32 v7, $0x3;
	v9 =	vshll.u32 v36, $0x3  }
0x248: {  	[tilespmem:s4+$0x30] =	vst v0;
	v20 =	vshll.u32 v38, $0x3;
	v13 =	vand.u32 $0xFFFFFC00, v13;
	v15 =	vand.u32 $0xFFFFFC00, v15  }
0x249: {  	v23 =	vld [tilespmem:s18+$0xFFFFFF80];
	v1 =	vor.u32 v1, v39;
	v2 =	vor.u32 v2, v39;
	v16 =	vand.u32 $0xFFFFFC00, v16  }
0x24a: {  	v24 =	vld [tilespmem:s18+$0xFFFFFF90];
	v3 =	vor.u32 v3, v39;
	v21 =	vand.u32 $0xFFFFFC00, v18;
	v4 =	vor.u32 v4, v39  }
0x24b: {  	v40 =	vld [tilespmem:s18+$0xFFFFFFA0];
	v5 =	vand.u32 $0xFFFFFC00, v5;
	v7 =	vand.u32 $0xFFFFFC00, v7;
	v1 =	vor.u32 v6, v1  }
0x24c: {  	v25 =	vld [tilespmem:s18+$0xFFFFFFB0];
	v5 =	vadd.s32 v37, v5;
	v8 =	vadd.s32 v13, v1;
	v1 =	vor.u32 v6, v2  }
0x24d: {  	v7 =	vadd.s32 v37, v7;
	v13 =	vld [tilespmem:s7+$0xFFFFFF80];
	v5 =	vor.u32 v12, v5;
	v19 =	vadd.s32 v15, v1  }
0x24e: {  	v2 =	vand.u32 $0xFFFFFC00, v9;
	v1 =	vor.u32 v6, v3;
	v15 =	vld [tilespmem:s7+$0xFFFFFF90];
	v9 =	vor.u32 v6, v5  }
0x24f: {  	v3 =	vand.u32 $0xFFFFFC00, v20;
	v18 =	vadd.s32 v16, v1;
	v1 =	vor.u32 v6, v4;
	v4 =	vld [tilespmem:s7+$0xFFFFFFA0]  }
0x250: {  	v5 =	vor.u32 v14, v7;
	v2 =	vadd.s32 v37, v2;
	v16 =	vadd.s32 v21, v1;
	v1 =	vld [tilespmem:s7+$0xFFFFFFB0]  }
0x251: {  	v2 =	vor.u32 v17, v2;
	v3 =	vadd.s32 v37, v3;
	v21 =	vor.u32 v6, v5;
	v7 =	vld.idx.msk [tilespmem:v8+s2+$0x0], $0xffff  }
0x252: {  	v20 =	vor.u32 v6, v2;
	v2 =	vor.u32 v22, v3;
	v5 =	vld.idx.msk [tilespmem:v19+s2+$0x0], $0xffff  }
0x253: {  	v17 =	vor.u32 v6, v2;
	v12 =	vld.idx.msk [tilespmem:v9+s2+$0x0], $0xffff  }
0x254: {  	v27 =	vshll.u32 v23, $0x3;
	v28 =	vshll.u32 v24, $0x3;
	v3 =	vld.idx.msk [tilespmem:v18+s2+$0x0], $0xffff  }
0x255: {  	v30 =	vshll.u32 v40, $0x3;
	v31 =	vshll.u32 v25, $0x3;
	v23 =	vand.u32 $0x7F, v23;
	v6 =	vld.idx.msk [tilespmem:v16+s2+$0x0], $0xffff  }
0x256: {  	v24 =	vand.u32 $0x7F, v24;
	v11 =	vand.u32 $0x7F, v40;
	v25 =	vand.u32 $0x7F, v25;
	v42 =	vld.idx.msk [tilespmem:v21+s2+$0x0], $0xffff  }
0x257: {  	v27 =	vand.u32 $0xFFFFFC00, v27;
	v28 =	vand.u32 $0xFFFFFC00, v28;
	v2 =	vmov s0;
	v22 =	vld.idx.msk [tilespmem:v20+s2+$0x0], $0xffff  }
0x258: {  	s5 =	simm.s32 $0x0;
	v30 =	vand.u32 $0xFFFFFC00, v30;
	v31 =	vand.u32 $0xFFFFFC00, v31;
	v41 =	vshrl.u32 v2, $0x3;
	v29 =	vld.idx.msk [tilespmem:v17+s2+$0x0], $0xffff  }
0x259: {  	s0 =	smul.u32 $0x3000, s5;
	v2 =	vshll.u32 v2, $0x7;
	v43 =	vand.u32 $0x7F, v13;
	v14 =	vmul.u32 $0xC00, v41  }
0x25a: {  	v13 =	vshll.u32 v13, $0x3;
	v2 =	vand.u32 $0x300, v2;
	v44 =	vand.u32 $0x7F, v15  }
0x25b: {  	s6 =	simm.s32 $0x180;
	s0 =	sshra.s32 s0, $0x2;
	v15 =	vshll.u32 v15, $0x3;
	v45 =	vand.u32 $0x7F, v4;
	v26 =	vadd.s32 $0x800, v14  }
0x25c: {  	s7 =	sand.u32 $0x380, s6;
	s1 =	sadd.s32 $0xC800, s0;
	v46 =	vand.u32 $0x7F, v1;
	v12 =	vadd.f32 v7, v12;
	v47 =	vadd.f32 v5, v42  }
0x25d: {  	s0 =	sor.u32 s7, s1;
	v7 =	vadd.s32 v14, v30;
	v3 =	vadd.f32 v3, v22;
	v10 =	vadd.f32 v6, v29  }
0x25e: {  	[tilespmem:s0+$0x0] =	vst v0;
	v5 =	vadd.s32 v14, v27;
	v22 =	vor.u32 v43, v26;
	v27 =	vor.u32 v44, v26  }
0x25f: {  	[tilespmem:s0+$0x10] =	vst v0;
	v6 =	vadd.s32 v14, v28;
	v28 =	vmax.f32 v12, v47;
	v29 =	vmax.f32 v3, v10  }
0x260: {  	[tilespmem:s0+$0x20] =	vst v0;
	v5 =	vor.u32 v23, v5;
	v28 =	vmax.f32 v28, v29;
	v29 =	vor.u32 v45, v26  }
0x261: {  	s18 =	simm.s32 $0x1A180;
	[tilespmem:s0+$0x30] =	vst v0;
	v26 =	vor.u32 v46, v26;
	v23 =	vor.u32 v2, v29;
	v29 =	vor.u32 v2, v5  }
0x262: {  	v14 =	vadd.s32 v14, v31;
	v6 =	vor.u32 v24, v6;
	v24 =	vor.u32 v2, v26;
	v26 =	vld [tilespmem:s18+$0x0];
	[tilespmem:$0x1FFF0] =	vst v29  }
0x263: {  	v48 =	vor.u32 v25, v14;
	v14 =	vor.u32 v2, v22;
	v22 =	vor.u32 v2, v27;
	(xrf0) =	vmax.scan.msk.f32 $0xffff, v28;
	v27 =	vld [tilespmem:s18+$0x10]  }
0x264: {  	s20 =	simm.s32 $0x18180;
	v13 =	vand.u32 $0xFFFFFC00, v13;
	v4 =	vshll.u32 v4, $0x3;
	v15 =	vand.u32 $0xFFFFFC00, v15;
	v28 =	vld [tilespmem:s18+$0x20]  }
0x265: {  	v1 =	vshll.u32 v1, $0x3;
	v4 =	vand.u32 $0xFFFFFC00, v4;
	v7 =	vor.u32 v11, v7;
	v50 =	vld [tilespmem:s20+$0x0]  }
0x266: {  	s5 =	simm.s32 $0x2;
	v1 =	vand.u32 $0xFFFFFC00, v1;
	v25 =	vor.u32 v2, v7;
	v49 =	vadd.s32 v13, v14;
	v13 =	vld [tilespmem:s20+$0x10]  }
0x267: {  	v42 =	vadd.s32 v15, v22;
	v52 =	vadd.s32 v1, v24;
	v1 =	vmov s5;
	v22 =	vld [tilespmem:s20+$0x20]  }
0x268: {  	v7 =	vadd.s32 v4, v23;
	v55 =	vshrl.u32 v1, $0x3;
	v1 =	vshll.u32 v1, $0x7;
	v23 =	vld [tilespmem:s20+$0x30]  }
0x269: {  	v6 =	vor.u32 v2, v6;
	v1 =	vand.u32 $0x300, v1;
	v33 =	vld.idx.msk [tilespmem:v29+s2+$0x0], $0xffff;
	v29 =	vshll.u32 v26, $0x3;
	v5, _, _ =	vpop (xrf0)  }
0x26a: {  	v26 =	vand.u32 $0x7F, v26;
	v29 =	vand.u32 $0xFFFFFC00, v29;
	v31 =	vbroadcast v5, $0xF  }
0x26b: {  	v5 =	vor.u32 v2, v48;
	v24 =	vand.u32 $0x7F, v50;
	v56 =	vand.u32 $0x7F, v13  }
0x26c: {  	v30 =	vshll.u32 v27, $0x3;
	v57 =	vand.u32 $0x7F, v22;
	v58 =	vshll.u32 v28, $0x3  }
0x26d: {  	v60 =	vand.u32 $0x7F, v23;
	v27 =	vand.u32 $0x7F, v27;
	v28 =	vand.u32 $0x7F, v28  }
0x26e: {  	s7 =	simm.s32 $0x100;
	v11 =	vshll.u32 v50, $0x3;
	v13 =	vshll.u32 v13, $0x3;
	v22 =	vshll.u32 v22, $0x3  }
0x26f: {  	s4 =	sand.u32 $0x300, s7;
	v2 =	vld [tilespmem:s18+$0x30];
	[tilespmem:$0x1FF30] =	vst v6;
	v44 =	vshll.u32 v23, $0x3;
	v30 =	vand.u32 $0xFFFFFC00, v30;
	v11 =	vand.u32 $0xFFFFFC00, v11  }
0x270: {  	s6 =	simm.s32 $0x3;
	s1 =	sor.u32 s4, s1;
	v35 =	vld.idx.msk [tilespmem:v6+s2+$0x0], $0xffff;
	[tilespmem:$0x1FF40] =	vst v25;
	v13 =	vand.u32 $0xFFFFFC00, v13;
	v63 =	vand.u32 $0xFFFFFC00, v44;
	v4 =	vsub.f32 v12, v31  }
0x271: {  	v12 =	vmov s6;
	v14 =	vsub.f32 v47, v31;
	v3 =	vsub.f32 v3, v31;
	[tilespmem:s1+$0x0] =	vst v0  }
0x272: {  	v59 =	vld.idx.msk [tilespmem:v25+s2+$0x0], $0xffff;
	v10 =	vsub.f32 v10, v31;
	v15 =	vshrl.u32 v12, $0x3;
	v12 =	vshll.u32 v12, $0x7;
	[tilespmem:$0x1FF50] =	vst v49  }
0x273: {  	v4 =	vmul.f32 $1.442695020e+00, v4;
	v15 =	vmul.u32 $0xC00, v15;
	v14 =	vmul.f32 $1.442695020e+00, v14;
	[tilespmem:s1+$0x10] =	vst v0  }
0x274: {  	v41 =	vld.idx.msk [tilespmem:v49+s2+$0x0], $0xffff;
	v3 =	vmul.f32 $1.442695020e+00, v3;
	v10 =	vmul.f32 $1.442695020e+00, v10;
	v61 =	vshll.u32 v2, $0x3;
	[tilespmem:$0x1FF60] =	vst v42  }
0x275: {  	v2 =	vand.u32 $0x7F, v2;
	(erf) = vpow2.f32 v4;
	v4 =	vand.u32 $0x380, v12;
	[tilespmem:s1+$0x20] =	vst v0  }
0x276: {  	v12 =	vadd.s32 $0x800, v15;
	v42 =	vld.idx.msk [tilespmem:v42+s2+$0x0], $0xffff;
	v11 =	vadd.s32 v15, v11;
	v13 =	vadd.s32 v15, v13;
	[tilespmem:$0x1FF70] =	vst v7  }
0x277: {  	v40 =	vand.u32 $0xFFFFFC00, v61;
	v23 =	vor.u32 v26, v12;
	v26 =	vor.u32 v27, v12;
	v43 =	vld.idx.msk [tilespmem:v7+s2+$0x0], $0xffff;
	[tilespmem:s1+$0x30] =	vst v0  }
0x278: {  	v27 =	vand.u32 $0xFFFFFC00, v58;
	v62 =	vor.u32 v28, v12;
	v2 =	vor.u32 v2, v12;
	v45 =	vld [tilespmem:s20+$0xFFFFFF80]  }
0x279: {  	v11 =	vor.u32 v24, v11;
	v53 =	vor.u32 v56, v13;
	(erf) = vpow2.f32 v14;
	v46 =	vld [tilespmem:s20+$0xFFFFFF90]  }
0x27a: {  	v23 =	vor.u32 v4, v23;
	v2 =	vor.u32 v4, v2;
	(erf) = vpow2.f32 v3;
	v12 =	vld [tilespmem:s20+$0xFFFFFFA0]  }
0x27b: {  	v47 =	vld [tilespmem:s20+$0xFFFFFFB0];
	v28 =	vadd.s32 v29, v23;
	v23 =	vor.u32 v4, v26;
	v26 =	vand.u32 $0xFFFFFC00, v22  }
0x27c: {  	v48 =	vld [tilespmem:s18+$0xFFFFFF80];
	v22 =	vor.u32 v4, v62;
	v24 =	vadd.s32 v40, v2;
	v29 =	vor.u32 v4, v53  }
0x27d: {  	v44 =	vld [tilespmem:s18+$0xFFFFFF90];
	v32 =	vadd.f32 v41, v33;
	v23 =	vadd.s32 v30, v23;
	v30 =	vor.u32 v4, v11  }
0x27e: {  	v49 =	vld [tilespmem:s18+$0xFFFFFFA0];
	(erf) = vpow2.f32 v10;
	v22 =	vadd.s32 v27, v22;
	v13 =	vadd.s32 v15, v26  }
0x27f: {  	v2 =	vld [tilespmem:s18+$0xFFFFFFB0];
	v54 =	vor.u32 v57, v13;
	v13 =	vadd.s32 v15, v63;
	v15 =	vmul.u32 $0xC00, v55  }
0x280: {  	v33 =	vadd.f32 v42, v35;
	v27 =	vor.u32 v4, v54;
	v56 =	vor.u32 v60, v13  }
0x281: {  	v26 =	vor.u32 v4, v56;
	v11 =	vadd.s32 $0x800, v15;
	v34 =	vadd.f32 v43, v59;
	v40 =	vld.idx.msk [tilespmem:v28+s2+$0x0], $0xffff  }
0x282: {  	v3 =	vmax.f32 v32, v33;
	v57 =	vshll.u32 v45, $0x3;
	v58 =	vshll.u32 v46, $0x3;
	v14 =	vld.idx.msk [tilespmem:v30+s2+$0x0], $0xffff  }
0x283: {  	v4 =	vld.idx.msk [tilespmem:v24+s2+$0x0], $0xffff;
	v60 =	vshll.u32 v12, $0x3;
	v62 =	vshll.u32 v47, $0x3;
	v63 =	vand.u32 $0x7F, v48  }
0x284: {  	v31 =	vld.idx.msk [tilespmem:v29+s2+$0x0], $0xffff;
	v54 =	vand.u32 $0x7F, v44;
	v50 =	vand.u32 $0x7F, v49;
	v51 =	vand.u32 $0x7F, v2  }
0x285: {  	v6 =	vand.u32 $0x7F, v45;
	v48 =	vshll.u32 v48, $0x3;
	v44 =	vshll.u32 v44, $0x3;
	v55 =	vld.idx.msk [tilespmem:v23+s2+$0x0], $0xffff  }
0x286: {  	s18 =	simm.s32 $0x0;
	v12 =	vand.u32 $0x7F, v12;
	v2 =	vshll.u32 v2, $0x3;
	v13 =	vld.idx.msk [tilespmem:v22+s2+$0x0], $0xffff;
	v10 =	vand.u32 $0xFFFFFC00, v57  }
0x287: {  	s0 =	smul.u32 $0x3000, s18;
	v35 =	vand.u32 $0xFFFFFC00, v58;
	v38 =	vand.u32 $0xFFFFFC00, v60;
	v59 =	vld.idx.msk [tilespmem:v27+s2+$0x0], $0xffff;
	v40 =	vadd.f32 v40, v14;
	v14 =	vpop (erf)  }
0x288: {  	v41 =	vand.u32 $0xFFFFFC00, v62;
	v57 =	vor.u32 v50, v11;
	v62 =	vshll.u32 v49, $0x3;
	v61 =	vld.idx.msk [tilespmem:v26+s2+$0x0], $0xffff;
	[tilespmem:v9+s23+$0x0] =	vst.idx.msk $0xffff, v14  }
0x289: {  	s20 =	simm.s32 $0x280;
	s0 =	sshra.s32 s0, $0x2;
	v10 =	vadd.s32 v15, v10;
	v35 =	vadd.s32 v15, v35;
	v38 =	vadd.s32 v15, v38;
	[tilespmem:$0x1FF80] =	vst v5  }
0x28a: {  	s4 =	sand.u32 $0x380, s20;
	s1 =	sadd.s32 $0xC800, s0;
	v2 =	vand.u32 $0xFFFFFC00, v2;
	v56 =	vadd.s32 v15, v41;
	v49 =	vor.u32 v1, v57;
	v15 =	vld.idx.msk [tilespmem:v5+s2+$0x0], $0xffff;
	[tilespmem:$0x1FF90] =	vst v52  }
0x28b: {  	s0 =	sor.u32 s4, s1;
	v53 =	vand.u32 $0xFFFFFC00, v62;
	v31 =	vadd.f32 v55, v31;
	v55 =	vor.u32 v63, v11;
	[tilespmem:v8+s23+$0x0] =	vst.idx.add.f32.msk $0xffff, v14  }
0x28c: {  	v10 =	vor.u32 v6, v10;
	v12 =	vor.u32 v12, v38;
	v63 =	vor.u32 v1, v55;
	[tilespmem:s0+$0x0] =	vst v0  }
0x28d: {  	v42 =	vadd.f32 v13, v59;
	v58 =	vmax.f32 v40, v31;
	v37 =	vadd.f32 v4, v61;
	[tilespmem:s0+$0x10] =	vst v0  }
0x28e: {  	v4 =	vor.u32 v54, v11;
	v11 =	vor.u32 v51, v11;
	v61 =	vand.u32 $0x7F, v46;
	[tilespmem:s0+$0x20] =	vst v0  }
0x28f: {  	s5 =	simm.s32 $0x1A280;
	v51 =	vand.u32 $0xFFFFFC00, v48;
	v60 =	vld.idx.msk [tilespmem:v52+s2+$0x0], $0xffff;
	v14 =	vand.u32 $0x7F, v47;
	v5 =	vor.u32 v61, v35;
	[tilespmem:s0+$0x30] =	vst v0  }
0x290: {  	v4 =	vor.u32 v1, v4;
	v50 =	vor.u32 v1, v11;
	v14 =	vor.u32 v14, v56;
	v56 =	vld [tilespmem:s5+$0x0]  }
0x291: {  	s7 =	simm.s32 $0x18280;
	v52 =	vand.u32 $0xFFFFFC00, v44;
	v8 =	vor.u32 v1, v12;
	v59 =	vmax.f32 v42, v37;
	v45 =	vld [tilespmem:s5+$0x10]  }
0x292: {  	s6 =	simm.s32 $0x4;
	v9 =	vadd.s32 v51, v63;
	v6 =	vor.u32 v1, v5;
	v61 =	vld [tilespmem:s7+$0x30];
	v41 =	vmax.f32 v58, v59  }
0x293: {  	s18 =	simm.s32 $0x5;
	v11 =	vadd.s32 v52, v4;
	v7 =	vadd.s32 v2, v50;
	v2 =	vmov s6;
	(xrf0) =	vmax.scan.msk.f32 $0xffff, v41  }
0x294: {  	v35 =	vld [tilespmem:s7+$0x0];
	v5 =	vor.u32 v1, v14;
	v57 =	vshrl.u32 v2, $0x3;
	v58 =	vmov s18  }
0x295: {  	v4 =	vld [tilespmem:s5+$0x30];
	v2 =	vshll.u32 v2, $0x7;
	v59 =	vpop (erf);
	v39 =	vadd.f32 v60, v15;
	v15 =	vor.u32 v1, v10  }
0x296: {  	v10 =	vadd.s32 v53, v49;
	v60 =	vld [tilespmem:s7+$0x20];
	[tilespmem:v21+s23+$0x0] =	vst.idx.msk $0xffff, v59;
	v49 =	vmul.u32 $0xC00, v57;
	v62 =	vshll.u32 v45, $0x3  }
0x297: {  	v21 =	vpop (erf);
	[tilespmem:v19+s23+$0x0] =	vst.idx.add.f32.msk $0xffff, v59;
	v44 =	vand.u32 $0x7F, v56;
	v53 =	vand.u32 $0x7F, v61;
	v45 =	vand.u32 $0x7F, v45  }
0x298: {  	v1 =	vld [tilespmem:s5+$0x20];
	v48 =	vshll.u32 v61, $0x3;
	v54 =	vmax.f32 v34, v39;
	[tilespmem:v20+s23+$0x0] =	vst.idx.msk $0xffff, v21;
	v36 =	vand.u32 $0xFFFFFC00, v62  }
0x299: {  	v48 =	vand.u32 $0xFFFFFC00, v48;
	v3 =	vmax.f32 v3, v54;
	[tilespmem:v18+s23+$0x0] =	vst.idx.add.f32.msk $0xffff, v21;
	v18 =	vand.u32 $0x7F, v35;
	v55, _, _ =	vpop (xrf0)  }
0x29a: {  	v21 =	vshll.u32 v56, $0x3;
	v54 =	vshll.u32 v4, $0x3;
	(xrf0) =	vmax.scan.msk.f32 $0xffff, v3;
	v46 =	vbroadcast v55, $0xF  }
0x29b: {  	s20 =	simm.s32 $0x200;
	v4 =	vand.u32 $0x7F, v4;
	v35 =	vshll.u32 v35, $0x3;
	v21 =	vand.u32 $0xFFFFFC00, v21;
	v50 =	vld.idx.msk [tilespmem:v15+s2+$0x0], $0xffff  }
0x29c: {  	s4 =	sand.u32 $0x300, s20;
	v54 =	vand.u32 $0xFFFFFC00, v54;
	v51 =	vand.u32 $0x7F, v60;
	v3 =	vsub.f32 v40, v46;
	v40 =	vld [tilespmem:s7+$0x10];
	[tilespmem:$0x1FFA0] =	vst v6  }
0x29d: {  	s1 =	sor.u32 s4, s1;
	v63 =	vshll.u32 v1, $0x3;
	v1 =	vand.u32 $0x7F, v1;
	v31 =	vsub.f32 v31, v46;
	v52 =	vld.idx.msk [tilespmem:v6+s2+$0x0], $0xffff;
	[tilespmem:$0x1FFB0] =	vst v8  }
0x29e: {  	v43 =	vshll.u32 v60, $0x3;
	v60 =	vand.u32 $0xFFFFFC00, v35;
	v3 =	vmul.f32 $1.442695020e+00, v3;
	[tilespmem:s1+$0x0] =	vst v0  }
0x29f: {  	v41 =	vand.u32 $0xFFFFFC00, v63;
	v47 =	vmul.f32 $1.442695020e+00, v31;
	v31 =	vshrl.u32 v58, $0x3;
	v55 =	vld.idx.msk [tilespmem:v8+s2+$0x0], $0xffff;
	[tilespmem:$0x1FFC0] =	vst v9  }
0x2a0: {  	v42 =	vsub.f32 v42, v46;
	v19, _, _ =	vpop (xrf0);
	(erf) = vpow2.f32 v3;
	v3 =	vmul.u32 $0xC00, v31;
	[tilespmem:s1+$0x10] =	vst v0  }
0x2a1: {  	v31 =	vand.u32 $0x300, v2;
	v2 =	vshll.u32 v58, $0x7;
	v19 =	vbroadcast v19, $0xF;
	v56 =	vld.idx.msk [tilespmem:v9+s2+$0x0], $0xffff;
	[tilespmem:$0x1FFD0] =	vst v11  }
0x2a2: {  	v38 =	vand.u32 $0x7F, v40;
	v40 =	vshll.u32 v40, $0x3;
	v20 =	vadd.s32 $0x800, v3;
	[tilespmem:s1+$0x20] =	vst v0  }
0x2a3: {  	v2 =	vand.u32 $0x380, v2;
	v57 =	vld.idx.msk [tilespmem:v11+s2+$0x0], $0xffff;
	v40 =	vand.u32 $0xFFFFFC00, v40;
	[tilespmem:$0x1FFE0] =	vst v10;
	v44 =	vor.u32 v44, v20  }
0x2a4: {  	v11 =	vand.u32 $0xFFFFFC00, v43;
	v1 =	vor.u32 v1, v20;
	v58 =	vld.idx.msk [tilespmem:v10+s2+$0x0], $0xffff;
	[tilespmem:s1+$0x30] =	vst v0;
	v10 =	vor.u32 v2, v44  }
0x2a5: {  	v45 =	vor.u32 v45, v20;
	v1 =	vor.u32 v2, v1;
	v59 =	vld [tilespmem:s7+$0xFFFFFF80];
	v35 =	vadd.s32 v21, v10  }
0x2a6: {  	v4 =	vor.u32 v4, v20;
	v20 =	vld [tilespmem:s7+$0xFFFFFF90];
	v21 =	vor.u32 v2, v45;
	v41 =	vadd.s32 v41, v1  }
0x2a7: {  	v61 =	vld [tilespmem:s7+$0xFFFFFFA0];
	v1 =	vor.u32 v2, v4;
	v43 =	vadd.s32 v36, v21;
	v21 =	vadd.s32 v3, v60  }
0x2a8: {  	v40 =	vadd.s32 v3, v40;
	v62 =	vld [tilespmem:s7+$0xFFFFFFB0];
	v18 =	vor.u32 v18, v21;
	v21 =	vadd.s32 v54, v1  }
0x2a9: {  	v63 =	vld [tilespmem:s5+$0xFFFFFF80];
	v1 =	vor.u32 v38, v40;
	v36 =	vor.u32 v2, v18;
	v18 =	vadd.s32 v3, v11  }
0x2aa: {  	v45 =	vor.u32 v2, v1;
	v3 =	vadd.s32 v3, v48;
	v1 =	vor.u32 v51, v18;
	v40 =	vld.idx.msk [tilespmem:v35+s2+$0x0], $0xffff  }
0x2ab: {  	(erf) = vpow2.f32 v47;
	v44 =	vor.u32 v2, v1;
	v1 =	vor.u32 v53, v3;
	v47 =	vld.idx.msk [tilespmem:v41+s2+$0x0], $0xffff  }
0x2ac: {  	v18 =	vmul.f32 $1.442695020e+00, v42;
	v3 =	vsub.f32 v37, v46;
	v42 =	vld.idx.msk [tilespmem:v43+s2+$0x0], $0xffff;
	v6 =	vor.u32 v2, v1  }
0x2ad: {  	v48 =	vld.idx.msk [tilespmem:v21+s2+$0x0], $0xffff  }
0x2ae: {  	v32 =	vsub.f32 v32, v19;
	(erf) = vpow2.f32 v18;
	v3 =	vmul.f32 $1.442695020e+00, v3;
	v18 =	vld.idx.msk [tilespmem:v36+s2+$0x0], $0xffff  }
0x2af: {  	v33 =	vsub.f32 v33, v19;
	v38 =	vadd.f32 v56, v50;
	v51 =	vld.idx.msk [tilespmem:v45+s2+$0x0], $0xffff  }
0x2b0: {  	(erf) = vpow2.f32 v3;
	v3 =	vsub.f32 v34, v19;
	v34 =	vsub.f32 v39, v19;
	v19 =	vld.idx.msk [tilespmem:v44+s2+$0x0], $0xffff  }
0x2b1: {  	v37 =	vadd.f32 v57, v52;
	v46 =	vadd.f32 v58, v55;
	v8 =	vshll.u32 v59, $0x3;
	v11 =	vld.idx.msk [tilespmem:v6+s2+$0x0], $0xffff  }
0x2b2: {  	v9 =	vshll.u32 v20, $0x3;
	v10 =	vshll.u32 v61, $0x3;
	v20 =	vand.u32 $0x7F, v20  }
0x2b3: {  	v2 =	vadd.s32 $0x800, v49;
	v60 =	vand.u32 $0xFFFFFC00, v9;
	v9 =	vand.u32 $0x7F, v63  }
0x2b4: {  	v55 =	vand.u32 $0xFFFFFC00, v10;
	v50 =	vmax.f32 v38, v37;
	v52 =	vadd.s32 v49, v60;
	v39 =	vpop (erf)  }
0x2b5: {  	v4 =	vld [tilespmem:s5+$0xFFFFFF90];
	[tilespmem:v17+s23+$0x0] =	vst.idx.msk $0xffff, v39;
	v17 =	vand.u32 $0xFFFFFC00, v8;
	v40 =	vadd.f32 v40, v18;
	v42 =	vadd.f32 v42, v51  }
0x2b6: {  	v54 =	vld [tilespmem:s5+$0xFFFFFFA0];
	v8 =	vshll.u32 v62, $0x3;
	v47 =	vadd.f32 v47, v19;
	v48 =	vadd.f32 v48, v11  }
0x2b7: {  	v10 =	vadd.s32 v49, v55;
	v20 =	vor.u32 v20, v52;
	v53 =	vand.u32 $0xFFFFFC00, v8  }
0x2b8: {  	v17 =	vadd.s32 v49, v17;
	v56 =	vmax.f32 v40, v42;
	v57 =	vmax.f32 v47, v48  }
0x2b9: {  	[tilespmem:v16+s23+$0x0] =	vst.idx.add.f32.msk $0xffff, v39;
	v16 =	vpop (erf);
	v3 =	vmul.f32 $1.442695020e+00, v3;
	v11 =	vadd.s32 v49, v53;
	v49 =	vmax.f32 v56, v57  }
0x2ba: {  	[tilespmem:v30+s23+$0x0] =	vst.idx.msk $0xffff, v16;
	v30 =	vand.u32 $0x7F, v4;
	v4 =	vshll.u32 v4, $0x3;
	(xrf0) =	vmax.scan.msk.f32 $0xffff, v49  }
0x2bb: {  	v18 =	vand.u32 $0x7F, v54;
	v30 =	vor.u32 v30, v2;
	[tilespmem:v28+s23+$0x0] =	vst.idx.add.f32.msk $0xffff, v16;
	v16 =	vpop (erf);
	v28 =	vand.u32 $0x7F, v59  }
0x2bc: {  	v58 =	vld.idx.msk [tilespmem:v5+s2+$0x0], $0xffff;
	v59 =	vand.u32 $0x7F, v61;
	v4 =	vand.u32 $0xFFFFFC00, v4;
	[tilespmem:v29+s23+$0x0] =	vst.idx.msk $0xffff, v16;
	v29 =	vshll.u32 v63, $0x3  }
0x2bd: {  	v17 =	vor.u32 v28, v17;
	v19 =	vor.u32 v9, v2;
	[tilespmem:v23+s23+$0x0] =	vst.idx.add.f32.msk $0xffff, v16;
	v16 =	vshll.u32 v54, $0x3;
	v61 =	vpop (erf)  }
0x2be: {  	v28 =	vld.idx.msk [tilespmem:v7+s2+$0x0], $0xffff;
	v23 =	vand.u32 $0x7F, v62;
	v19 =	vor.u32 v31, v19;
	[tilespmem:v27+s23+$0x0] =	vst.idx.msk $0xffff, v61;
	v27 =	vand.u32 $0xFFFFFC00, v29  }
0x2bf: {  	v63 =	vand.u32 $0xFFFFFC00, v16;
	v23 =	vor.u32 v23, v11;
	[tilespmem:v22+s23+$0x0] =	vst.idx.add.f32.msk $0xffff, v61;
	v22 =	vor.u32 v31, v20;
	v29 =	vpop (erf)  }
0x2c0: {  	s4 =	simm.s32 $0x0;
	v16 =	vor.u32 v31, v23;
	v23 =	vadd.s32 v27, v19;
	v19 =	vmul.f32 $1.442695020e+00, v32;
	[tilespmem:v26+s23+$0x0] =	vst.idx.msk $0xffff, v29;
	v20, _, _ =	vpop (xrf0)  }
0x2c1: {  	s1 =	smul.u32 $0x3000, s4;
	v18 =	vor.u32 v18, v2;
	[tilespmem:v24+s23+$0x0] =	vst.idx.add.f32.msk $0xffff, v29;
	v24 =	vmul.f32 $1.442695020e+00, v33;
	v26 =	vbroadcast v20, $0xF  }
0x2c2: {  	v60 =	vor.u32 v59, v10;
	v30 =	vor.u32 v31, v30;
	(erf) = vpow2.f32 v19  }
0x2c3: {  	s6 =	simm.s32 $0x380;
	v17 =	vor.u32 v31, v17;
	v27 =	vld [tilespmem:s5+$0xFFFFFFB0];
	s5 =	sshra.s32 s1, $0x2;
	(erf) = vpow2.f32 v24;
	v24 =	vsub.f32 v40, v26  }
0x2c4: {  	s1 =	sand.u32 $0x380, s6;
	s0 =	sadd.s32 $0xC800, s5;
	v49 =	vadd.f32 v28, v58;
	v20 =	vadd.s32 v4, v30;
	v30 =	vmul.f32 $1.442695020e+00, v34  }
0x2c5: {  	v62 =	vor.u32 v31, v18;
	s1 =	sor.u32 s1, s0;
	(erf) = vpow2.f32 v3;
	v3 =	vmul.f32 $1.442695020e+00, v24  }
0x2c6: {  	[tilespmem:s1+$0x0] =	vst v0;
	v28 =	vmax.f32 v46, v49;
	(erf) = vpow2.f32 v30;
	v24 =	vsub.f32 v42, v26  }
0x2c7: {  	[tilespmem:s1+$0x10] =	vst v0;
	v51 =	vld.idx.msk [tilespmem:v22+s2+$0x0], $0xffff;
	v28 =	vmax.f32 v50, v28;
	v30 =	vsub.f32 v47, v26;
	(erf) = vpow2.f32 v3  }
0x2c8: {  	[tilespmem:s1+$0x20] =	vst v0;
	v8 =	vand.u32 $0x7F, v27;
	(xrf0) =	vmax.scan.msk.f32 $0xffff, v28;
	v28 =	vld.idx.msk [tilespmem:v23+s2+$0x0], $0xffff;
	v24 =	vmul.f32 $1.442695020e+00, v24  }
0x2c9: {  	s30 =	simm.s32 $0x1A380;
	s7 =	simm.s32 $0x6;
	v18 =	vor.u32 v31, v60;
	[tilespmem:s1+$0x30] =	vst v0;
	v2 =	vor.u32 v8, v2;
	v4 =	vld.idx.msk [tilespmem:v17+s2+$0x0], $0xffff;
	v30 =	vmul.f32 $1.442695020e+00, v30  }
0x2ca: {  	v10 =	vld [tilespmem:s30+$0x0];
	(erf) = vpow2.f32 v24;
	v24 =	vshll.u32 v27, $0x3;
	v27 =	vmov s7  }
0x2cb: {  	s1 =	simm.s32 $0x300;
	v11 =	vld [tilespmem:s30+$0x10];
	v2 =	vor.u32 v31, v2;
	v31 =	vshrl.u32 v27, $0x3;
	v27 =	vshll.u32 v27, $0x7  }
0x2cc: {  	s18 =	sand.u32 $0x300, s1;
	v54 =	vld [tilespmem:s30+$0x20];
	v34 =	vpop (erf);
	(erf) = vpow2.f32 v30;
	v32 =	vand.u32 $0x300, v27;
	v27 =	vsub.f32 v48, v26  }
0x2cd: {  	s31 =	simm.s32 $0x18380;
	s0 =	sor.u32 s18, s0;
	v33 =	vpop (erf);
	v3 =	vld.idx.msk [tilespmem:v20+s2+$0x0], $0xffff  }
0x2ce: {  	s20 =	simm.s32 $0x7;
	v61 =	vld [tilespmem:s31+$0x0];
	[tilespmem:s0+$0x0] =	vst v0;
	v39 =	vmul.u32 $0xC00, v31;
	v26 =	vadd.f32 v28, v4;
	v31 =	vpop (erf);
	v4 =	vmul.f32 $1.442695020e+00, v27  }
0x2cf: {  	v57 =	vmov s20;
	v19 =	vadd.s32 v63, v62;
	v62 =	vld [tilespmem:s31+$0x10];
	[tilespmem:s0+$0x10] =	vst v0;
	v30 =	vpop (erf)  }
0x2d0: {  	v63 =	vld [tilespmem:s31+$0x30];
	[tilespmem:s0+$0x20] =	vst v0;
	v59 =	vpop (erf);
	(erf) = vpow2.f32 v4;
	v4 =	vshll.u32 v57, $0x7  }
0x2d1: {  	v50 =	vld.idx.msk [tilespmem:v18+s2+$0x0], $0xffff;
	[tilespmem:s0+$0x30] =	vst v0  }
0x2d2: {  	v28 =	vadd.f32 v3, v51;
	v3 =	vld [tilespmem:s31+$0x20];
	[tilespmem:v36+s23+$0x0] =	vst.idx.msk $0xffff, v59  }
0x2d3: {  	v58 =	vshrl.u32 v57, $0x3;
	v24 =	vand.u32 $0xFFFFFC00, v24;
	v55 =	vand.u32 $0x380, v4;
	[tilespmem:v35+s23+$0x0] =	vst.idx.add.f32.msk $0xffff, v59;
	v4 =	vpop (erf)  }
0x2d4: {  	v53 =	vmul.u32 $0xC00, v58;
	v9 =	vld.idx.msk [tilespmem:v19+s2+$0x0], $0xffff;
	v24 =	vadd.s32 v24, v2;
	v2, _, _ =	vpop (xrf0);
	[tilespmem:v45+s23+$0x0] =	vst.idx.msk $0xffff, v4  }
0x2d5: {  	[tilespmem:v43+s23+$0x0] =	vst.idx.add.f32.msk $0xffff, v4;
	v4 =	vpop (erf)  }
0x2d6: {  	v56 =	vld [tilespmem:s30+$0x30];
	v8 =	vadd.s32 $0x800, v53;
	v60 =	vand.u32 $0x7F, v61;
	v2 =	vbroadcast v2, $0xF;
	[tilespmem:v44+s23+$0x0] =	vst.idx.msk $0xffff, v4  }
0x2d7: {  	v25 =	vshll.u32 v10, $0x3;
	v1 =	vshll.u32 v54, $0x3;
	v58 =	vand.u32 $0x7F, v63;
	[tilespmem:v41+s23+$0x0] =	vst.idx.add.f32.msk $0xffff, v4  }
0x2d8: {  	v36 =	vsub.f32 v46, v2;
	v46 =	vshll.u32 v3, $0x3;
	v59 =	vand.u32 $0x7F, v3;
	v3 =	vld [tilespmem:$0x1FFF0]  }
0x2d9: {  	v29 =	vld.idx.msk [tilespmem:v16+s2+$0x0], $0xffff;
	v54 =	vand.u32 $0x7F, v54;
	v1 =	vand.u32 $0xFFFFFC00, v1;
	v47 =	vshll.u32 v62, $0x3  }
0x2da: {  	v52 =	vld [tilespmem:s30+$0xFFFFFF80];
	v40 =	vadd.s32 $0x800, v39;
	v27 =	vadd.f32 v9, v50;
	v9 =	vand.u32 $0x7F, v10  }
0x2db: {  	v48 =	vld [tilespmem:s31+$0xFFFFFF80];
	v10 =	vshll.u32 v56, $0x3;
	v56 =	vand.u32 $0x7F, v56;
	v38 =	vsub.f32 v38, v2  }
0x2dc: {  	v14 =	vmovc v5;
	v51 =	vld [tilespmem:s31+$0xFFFFFFA0];
	v37 =	vsub.f32 v37, v2;
	v57 =	vand.u32 $0x7F, v62;
	v62 =	vshll.u32 v63, $0x3  }
0x2dd: {  	v13 =	vmovc v15;
	v15 =	vmovc v7;
	v50 =	vld [tilespmem:s31+$0xFFFFFFB0];
	v35 =	vsub.f32 v49, v2;
	v2 =	vshll.u32 v11, $0x3;
	v11 =	vand.u32 $0x7F, v11  }
0x2de: {  	v63 =	vand.u32 $0xFFFFFC00, v10;
	v49 =	vld [tilespmem:s31+$0xFFFFFF90];
	v42 =	vor.u32 v11, v8;
	v43 =	vshll.u32 v61, $0x3;
	v61 =	vpop (erf)  }
0x2df: {  	v2 =	vand.u32 $0xFFFFFC00, v2;
	v45 =	vor.u32 v56, v8;
	v56 =	vld [tilespmem:s30+$0xFFFFFFA0];
	v4 =	vor.u32 v9, v8;
	[tilespmem:v6+s23+$0x0] =	vst.idx.msk $0xffff, v61  }
0x2e0: {  	s0 =	simm.s32 $0x8;
	v41 =	vor.u32 v54, v8;
	v54 =	vld [tilespmem:s30+$0xFFFFFF90];
	[tilespmem:v3+s23+$0x0] =	vst.idx.msk $0xffff, v34;
	v3 =	vand.u32 $0xFFFFFC00, v25;
	v25 =	vmax.f32 v26, v28  }
.LBB2_6:
0x2e1: {  	v4 =	vor.u32 v55, v4  }
0x2e2: {  	v44 =	vand.u32 $0xFFFFFC00, v43;
	v47 =	vand.u32 $0xFFFFFC00, v47;
	v43 =	vadd.s32 v3, v4  }
0x2e3: {  	[tilespmem:v21+s23+$0x0] =	vst.idx.add.f32.msk $0xffff, v61;
	v3 =	vor.u32 v55, v42;
	v4 =	vand.u32 $0xFFFFFC00, v46;
	v21 =	vadd.s32 v53, v44  }
0x2e4: {  	v61 =	vld [tilespmem:s30+$0xFFFFFFB0];
	v10 =	vadd.s32 v53, v47;
	v42 =	vadd.s32 v2, v3;
	v2 =	vor.u32 v55, v41  }
0x2e5: {  	v41 =	vadd.s32 v1, v2;
	v1 =	vor.u32 v55, v45;
	v2 =	vor.u32 v60, v21  }
0x2e6: {  	v3 =	vand.u32 $0xFFFFFC00, v62;
	v21 =	vadd.s32 v63, v1;
	v47 =	vor.u32 v55, v2  }
0x2e7: {  	v1 =	vor.u32 v57, v10;
	v2 =	vadd.s32 v53, v4;
	v63 =	vand.u32 $0x7F, v54  }
0x2e8: {  	v5 =	vand.u32 $0x7F, v56;
	v46 =	vor.u32 v55, v1;
	v1 =	vor.u32 v59, v2  }
0x2e9: {  	v9 =	vld [tilespmem:$0x1FF50];
	v2 =	vadd.s32 v53, v3;
	v59 =	vand.u32 $0x7F, v52;
	v6 =	vand.u32 $0x7F, v61  }
0x2ea: {  	v63 =	vor.u32 v63, v40;
	v5 =	vor.u32 v5, v40;
	v45 =	vor.u32 v55, v1  }
0x2eb: {  	v62 =	vld.idx.msk [tilespmem:v24+s2+$0x0], $0xffff;
	v1 =	vor.u32 v58, v2;
	v2 =	vshll.u32 v49, $0x3;
	v59 =	vor.u32 v59, v40  }
0x2ec: {  	v6 =	vor.u32 v6, v40;
	v40 =	vand.u32 $0x7F, v49;
	v49 =	vshll.u32 v54, $0x3;
	v54 =	vld [tilespmem:$0x1FF30]  }
0x2ed: {  	v10 =	vld [tilespmem:$0x1FFA0]  }
0x2ee: {  	v4 =	vld.idx.msk [tilespmem:v43+s2+$0x0], $0xffff  }
0x2ef: {  	v53 =	vld.idx.msk [tilespmem:v42+s2+$0x0], $0xffff  }
0x2f0: {  	v58 =	vld.idx.msk [tilespmem:v41+s2+$0x0], $0xffff  }
0x2f1: {  	[tilespmem:v9+s23+$0x0] =	vst.idx.add.f32.msk $0xffff, v34  }
0x2f2: {  	v44 =	vor.u32 v55, v1;
	v55 =	vld.idx.msk [tilespmem:v21+s2+$0x0], $0xffff  }
0x2f3: {  	v2 =	vand.u32 $0xFFFFFC00, v2;
	v60 =	vld.idx.msk [tilespmem:v47+s2+$0x0], $0xffff  }
0x2f4: {  	v2 =	vadd.s32 v39, v2;
	[tilespmem:v54+s23+$0x0] =	vst.idx.msk $0xffff, v33;
	v54 =	vld [tilespmem:$0x1FF60]  }
0x2f5: {  	v3 =	vshll.u32 v48, $0x3;
	v2 =	vor.u32 v40, v2;
	v40 =	vld [tilespmem:$0x1FF40]  }
0x2f6: {  	v11 =	vshll.u32 v51, $0x3;
	v1 =	vand.u32 $0xFFFFFC00, v3;
	v3 =	vshll.u32 v50, $0x3;
	v7 =	vld.idx.msk [tilespmem:v46+s2+$0x0], $0xffff  }
0x2f7: {  	v57 =	vand.u32 $0xFFFFFC00, v11;
	v3 =	vand.u32 $0xFFFFFC00, v3;
	v8 =	vld.idx.msk [tilespmem:v45+s2+$0x0], $0xffff  }
0x2f8: {  	v57 =	vadd.s32 v39, v57;
	v1 =	vadd.s32 v39, v1;
	v3 =	vadd.s32 v39, v3;
	v39 =	vld.idx.msk [tilespmem:v44+s2+$0x0], $0xffff;
	_ =	sdelay $0x1  }
0x2f9: {  	s3 =	sshrl.u32 s0, $0x3  }
0x2fa: {  	s3 =	smul.u32 $0x3000, s3;
	v34 =	vshll.u32 v52, $0x3;
	v52 =	vmovc v22;
	v22 =	vand.u32 $0x7F, v51;
	v51 =	vshll.u32 v56, $0x3;
	v56 =	vld [tilespmem:$0x1FFC0]  }
0x2fb: {  	s1 =	sadd.s32 $0x100, s1;
	v48 =	vand.u32 $0x7F, v48;
	v4 =	vadd.f32 v4, v60;
	v7 =	vadd.f32 v53, v7;
	[tilespmem:v54+s23+$0x0] =	vst.idx.add.f32.msk $0xffff, v33  }
0x2fc: {  	s5 =	sadd.s32 $0x80, s1;
	s3 =	sshra.s32 s3, $0x2;
	v10 =	vmov v10;
	v8 =	vadd.f32 v58, v8;
	v58 =	vld [tilespmem:$0x1FF70];
	[tilespmem:v40+s23+$0x0] =	vst.idx.msk $0xffff, v31;
	v40 =	vadd.f32 v55, v39  }
0x2fd: {  	s4 =	sand.u32 $0x300, s1;
	s5 =	sand.u32 $0x380, s5;
	s3 =	sadd.s32 $0xC800, s3;
	v11 =	vmov v18;
	v1 =	vor.u32 v48, v1;
	[tilespmem:$0x1FF30] =	vst v10;
	v33 =	vmov v23  }
0x2fe: {  	s4 =	sor.u32 s4, s3;
	s3 =	sor.u32 s5, s3;
	v48 =	vld [tilespmem:$0x1FFB0];
	v18 =	vmax.f32 v4, v7;
	[tilespmem:$0x1FFC0] =	vst v33;
	v33 =	vor.u32 v22, v57;
	v22 =	vmax.f32 v8, v40  }
0x2ff: {  	[tilespmem:s3+$0x0] =	vst v0;
	v10 =	vmovc v56;
	v56 =	vmov v20;
	v20 =	vand.u32 $0xFFFFFC00, v34;
	v34 =	vld [tilespmem:$0x1FF90];
	v18 =	vmax.f32 v18, v22  }
0x300: {  	[tilespmem:s3+$0x10] =	vst v0;
	(xrf0) =	vmax.scan.msk.f32 $0xffff, v18;
	v18 =	vor.u32 v32, v33;
	v33 =	vld [tilespmem:$0x1FF80]  }
0x301: {  	v5 =	vor.u32 v32, v5;
	[tilespmem:s3+$0x20] =	vst v0;
	v53 =	vor.u32 v32, v59;
	v59 =	vld [tilespmem:$0x1FFE0]  }
0x302: {  	s30 =	sadd.s32 $0x100, s30;
	v50 =	vand.u32 $0x7F, v50;
	v6 =	vor.u32 v32, v6;
	v1 =	vor.u32 v32, v1;
	[tilespmem:s3+$0x30] =	vst v0;
	v55 =	vld [tilespmem:$0x1FFD0]  }
0x303: {  	v23 =	vshll.u32 v61, $0x3;
	v54 =	vor.u32 v32, v63;
	v63 =	vmul.f32 $1.442695020e+00, v38;
	[tilespmem:$0x1FFD0] =	vst v56;
	v56 =	vld [tilespmem:s30+$0x20]  }
0x304: {  	v61 =	vmovc v19;
	v57 =	vand.u32 $0xFFFFFC00, v49;
	v60 =	vand.u32 $0xFFFFFC00, v23;
	[tilespmem:v58+s23+$0x0] =	vst.idx.add.f32.msk $0xffff, v31;
	v31 =	vand.u32 $0xFFFFFC00, v51  }
0x305: {  	[tilespmem:$0x1FFE0] =	vst v61;
	v23 =	vadd.s32 v20, v53;
	v61 =	vld [tilespmem:s30+$0x30];
	v20 =	vadd.s32 v57, v54;
	v19 =	vadd.s32 v31, v5  }
0x306: {  	s31 =	sadd.s32 $0x100, s31;
	[tilespmem:$0x1FFA0] =	vst v52;
	v54 =	vld [tilespmem:s30+$0x10];
	v5 =	vadd.f32 v62, v29;
	v29 =	vmul.f32 $1.442695020e+00, v37;
	v22 =	vor.u32 v32, v2  }
0x307: {  	[tilespmem:$0x1FFB0] =	vst v11;
	v3 =	vor.u32 v50, v3;
	(erf) = vpow2.f32 v63;
	v63 =	vld [tilespmem:s31+$0x20];
	v31 =	vmul.f32 $1.442695020e+00, v36  }
0x308: {  	v62 =	vld [tilespmem:s31+$0x10];
	v2 =	vor.u32 v32, v3;
	(erf) = vpow2.f32 v29;
	v39, _, _ =	vpop (xrf0);
	[tilespmem:v33+s23+$0x0] =	vst.idx.msk $0xffff, v30  }
0x309: {  	v52 =	vmov v48;
	(erf) = vpow2.f32 v31;
	v48 =	vbroadcast v39, $0xF;
	[tilespmem:v34+s23+$0x0] =	vst.idx.add.f32.msk $0xffff, v30  }
0x30a: {  	s20 =	sadd.s32 $0x1, s0;
	[tilespmem:$0x1FF50] =	vst v10;
	v38 =	vmul.f32 $1.442695020e+00, v35;
	v36 =	vmovc v14;
	v3 =	vadd.s32 v60, v6;
	v6 =	vmov v15;
	v30 =	vld.idx.msk [tilespmem:v1+s2+$0x0], $0xffff  }
0x30b: {  	v58 =	vmov s20;
	v37 =	vmax.f32 v27, v5;
	[tilespmem:$0x1FF90] =	vst v6;
	v10 =	vmovc v55;
	v4 =	vsub.f32 v4, v48;
	v6 =	vld.idx.msk [tilespmem:v22+s2+$0x0], $0xffff  }
0x30c: {  	[tilespmem:$0x1FF40] =	vst v52;
	v15 =	vmovc v24;
	v24 =	vmovc v3;
	v25 =	vmax.f32 v25, v37;
	v31 =	vmov s0;
	(erf) = vpow2.f32 v38;
	v3 =	vld.idx.msk [tilespmem:v18+s2+$0x0], $0xffff  }
0x30d: {  	v14 =	vmovc v16;
	v9 =	vshll.u32 v61, $0x3;
	(xrf0) =	vmax.scan.msk.f32 $0xffff, v25;
	v7 =	vsub.f32 v7, v48;
	v29 =	vld.idx.msk [tilespmem:v2+s2+$0x0], $0xffff;
	v50 =	vmul.f32 $1.442695020e+00, v4  }
0x30e: {  	v16 =	vmovc v2;
	v11 =	vand.u32 $0x7F, v56;
	[tilespmem:$0x1FF60] =	vst v10;
	v57 =	vshrl.u32 v31, $0x3;
	v31 =	vshll.u32 v31, $0x7;
	v10 =	vmovc v59;
	v2 =	vld.idx.msk [tilespmem:v23+s2+$0x0], $0xffff  }
0x30f: {  	[tilespmem:$0x1FF70] =	vst v10;
	v8 =	vsub.f32 v8, v48;
	v49 =	vld.idx.msk [tilespmem:v19+s2+$0x0], $0xffff;
	v7 =	vmul.f32 $1.442695020e+00, v7;
	(erf) = vpow2.f32 v50  }
0x310: {  	v12 =	vand.u32 $0x7F, v61;
	v32 =	vand.u32 $0x300, v31;
	v59 =	vshrl.u32 v58, $0x3;
	v34 =	vpop (erf);
	v25 =	vld.idx.msk [tilespmem:v20+s2+$0x0], $0xffff;
	[tilespmem:s4+$0x0] =	vst v0  }
0x311: {  	v35 =	vsub.f32 v40, v48;
	[tilespmem:s4+$0x10] =	vst v0;
	v33 =	vpop (erf);
	v8 =	vmul.f32 $1.442695020e+00, v8;
	(erf) = vpow2.f32 v7  }
0x312: {  	v52 =	vld [tilespmem:s30+$0x0];
	v53 =	vmul.u32 $0xC00, v59;
	v59 =	vand.u32 $0x7F, v63;
	v10 =	vand.u32 $0x7F, v54;
	[tilespmem:s4+$0x20] =	vst v0;
	v31 =	vpop (erf)  }
0x313: {  	v39 =	vmul.u32 $0xC00, v57;
	[tilespmem:s4+$0x30] =	vst v0;
	v35 =	vmul.f32 $1.442695020e+00, v35;
	v4, _, _ =	vpop (xrf0);
	(erf) = vpow2.f32 v8  }
0x314: {  	[tilespmem:v13+s23+$0x0] =	vst.idx.msk $0xffff, v34;
	v13 =	vmovc v17;
	v17 =	vmov v1;
	v1 =	vld [tilespmem:s31+$0x30];
	v4 =	vbroadcast v4, $0xF;
	v3 =	vadd.f32 v49, v3  }
0x315: {  	v57 =	vand.u32 $0x7F, v62;
	v48 =	vld [tilespmem:s31+$0xFFFFFF80];
	v2 =	vadd.f32 v2, v30;
	v30 =	vpop (erf);
	(erf) = vpow2.f32 v35  }
0x316: {  	v40 =	vadd.s32 $0x800, v39;
	v7 =	vld [tilespmem:s31+$0x0];
	v6 =	vadd.f32 v25, v6;
	v38 =	vsub.f32 v26, v4  }
0x317: {  	[tilespmem:$0x1FF80] =	vst v36;
	v51 =	vld [tilespmem:s31+$0xFFFFFFA0];
	v8 =	vand.u32 $0x7F, v52;
	v37 =	vsub.f32 v28, v4;
	v36 =	vsub.f32 v27, v4  }
0x318: {  	v50 =	vld [tilespmem:s31+$0xFFFFFFB0];
	v35 =	vsub.f32 v5, v4;
	v4 =	vshll.u32 v54, $0x3;
	v27 =	vmov v3;
	v3 =	vpop (erf)  }
0x319: {  	v49 =	vld [tilespmem:s31+$0xFFFFFF90];
	v5 =	vshll.u32 v56, $0x3;
	v25 =	vmax.f32 v2, v6;
	v26 =	vmovc v2;
	v2 =	vshll.u32 v58, $0x7;
	[tilespmem:v47+s23+$0x0] =	vst.idx.msk $0xffff, v3  }
0x31a: {  	p0 =	slt.u32 s0, $0x3E;
	v28 =	vmov v6;
	v6 =	vadd.s32 $0x800, v53;
	v58 =	vand.u32 $0x7F, v1;
	[tilespmem:v43+s23+$0x0] =	vst.idx.add.f32.msk $0xffff, v3;
	v3 =	vpop (erf)  }
.Ltmp2:
0x31b: {  	v54 =	vld [tilespmem:s30+$0xFFFFFF90];
	v55 =	vand.u32 $0x380, v2;
	v2 =	vshll.u32 v52, $0x3;
	v60 =	vand.u32 $0x7F, v7;
	[tilespmem:v46+s23+$0x0] =	vst.idx.msk $0xffff, v3;
	(pc) =	sbr.rel @p0 .LBB2_6-.Ltmp2, $4  }
0x31c: {  	v47 =	vshll.u32 v62, $0x3;
	v62 =	vshll.u32 v1, $0x3;
	v43 =	vshll.u32 v7, $0x3;
	v7 =	vpop (erf);
	[tilespmem:v42+s23+$0x0] =	vst.idx.add.f32.msk $0xffff, v3  }
0x31d: {  	v56 =	vld [tilespmem:s30+$0xFFFFFFA0];
	v1 =	vand.u32 $0xFFFFFC00, v5;
	v46 =	vshll.u32 v63, $0x3;
	v3 =	vand.u32 $0xFFFFFC00, v2;
	[tilespmem:v45+s23+$0x0] =	vst.idx.msk $0xffff, v7  }
0x31e: {  	v2 =	vand.u32 $0xFFFFFC00, v4;
	v4 =	vor.u32 v8, v6;
	v42 =	vor.u32 v10, v6;
	v61 =	vpop (erf);
	[tilespmem:v41+s23+$0x0] =	vst.idx.add.f32.msk $0xffff, v7  }
0x31f: {  	s0 =	sadd.s32 $0x2, s0;
	v52 =	vld [tilespmem:s30+$0xFFFFFF80];
	v63 =	vand.u32 $0xFFFFFC00, v9;
	v45 =	vor.u32 v12, v6;
	v41 =	vor.u32 v11, v6;
	[tilespmem:v44+s23+$0x0] =	vst.idx.msk $0xffff, v61  }
0x320: {  	v5 =	vand.u32 $0xFFFFFC00, v43;
	v4 =	vor.u32 v55, v4;
	v6 =	vor.u32 v55, v42  }
0x321: {  	v43 =	vadd.s32 v3, v4;
	v42 =	vadd.s32 v2, v6;
	v2 =	vadd.s32 v53, v5  }
0x322: {  	v3 =	vand.u32 $0xFFFFFC00, v47;
	v4 =	vand.u32 $0xFFFFFC00, v46;
	v2 =	vor.u32 v60, v2  }
0x323: {  	v5 =	vor.u32 v55, v41;
	v6 =	vand.u32 $0xFFFFFC00, v62;
	v46 =	vor.u32 v55, v2  }
0x324: {  	v44 =	vadd.s32 v1, v5;
	v1 =	vor.u32 v55, v45;
	v2 =	vadd.s32 v53, v3  }
0x325: {  	v41 =	vadd.s32 v63, v1;
	v1 =	vor.u32 v57, v2;
	v2 =	vadd.s32 v53, v4  }
0x326: {  	v57 =	vor.u32 v55, v1;
	v1 =	vor.u32 v59, v2;
	v2 =	vadd.s32 v53, v6;
	v3 =	vld.idx.msk [tilespmem:v43+s2+$0x0], $0xffff  }
0x327: {  	v4 =	vld.idx.msk [tilespmem:v42+s2+$0x0], $0xffff;
	v47 =	vor.u32 v55, v1;
	v1 =	vor.u32 v58, v2  }
0x328: {  	v45 =	vor.u32 v55, v1;
	v1 =	vld.idx.msk [tilespmem:v46+s2+$0x0], $0xffff  }
0x329: {  	v2 =	vld.idx.msk [tilespmem:v44+s2+$0x0], $0xffff  }
0x32a: {  	v5 =	vld.idx.msk [tilespmem:v41+s2+$0x0], $0xffff  }
0x32b: {  	v6 =	vld.idx.msk [tilespmem:v57+s2+$0x0], $0xffff  }
0x32c: {  	v8 =	vld.idx.msk [tilespmem:v47+s2+$0x0], $0xffff  }
0x32d: {  	v1 =	vadd.f32 v3, v1;
	v3 =	vld.idx.msk [tilespmem:v45+s2+$0x0], $0xffff  }
0x32e: {  	v7 =	vshll.u32 v48, $0x3;
	v9 =	vshll.u32 v49, $0x3;
	v10 =	vshll.u32 v51, $0x3  }
0x32f: {  	v11 =	vshll.u32 v50, $0x3;
	[tilespmem:v21+s23+$0x0] =	vst.idx.add.f32.msk $0xffff, v61;
	v61 =	vmul.f32 $1.442695020e+00, v38;
	v7 =	vand.u32 $0xFFFFFC00, v7  }
0x330: {  	v9 =	vand.u32 $0xFFFFFC00, v9;
	v10 =	vand.u32 $0xFFFFFC00, v10;
	v11 =	vand.u32 $0xFFFFFC00, v11  }
0x331: {  	v62 =	vand.u32 $0x7F, v51;
	v7 =	vadd.s32 v39, v7;
	v4 =	vadd.f32 v4, v6  }
0x332: {  	v9 =	vadd.s32 v39, v9;
	v2 =	vadd.f32 v2, v8;
	v3 =	vadd.f32 v5, v3  }
0x333: {  	v12 =	vld [tilespmem:s30+$0xFFFFFFB0];
	v10 =	vadd.s32 v39, v10;
	v58 =	vand.u32 $0x7F, v48;
	v55 =	vand.u32 $0x7F, v56  }
0x334: {  	v8 =	vor.u32 v55, v40;
	v63 =	vmax.f32 v1, v4;
	v55 =	vmax.f32 v2, v3  }
0x335: {  	v60 =	vand.u32 $0x7F, v49;
	v7 =	vor.u32 v58, v7;
	v58 =	vmax.f32 v63, v55  }
0x336: {  	v11 =	vadd.s32 v39, v11;
	(erf) = vpow2.f32 v61;
	v9 =	vor.u32 v60, v9;
	(xrf0) =	vmax.scan.msk.f32 $0xffff, v58  }
0x337: {  	v10 =	vor.u32 v62, v10;
	v60 =	vshll.u32 v54, $0x3;
	v62 =	vand.u32 $0x7F, v50  }
0x338: {  	v11 =	vor.u32 v62, v11;
	v59 =	vand.u32 $0x7F, v12;
	v12 =	vshll.u32 v12, $0x3  }
0x339: {  	v49 =	vand.u32 $0xFFFFFC00, v60;
	v60 =	vor.u32 v32, v11;
	v12 =	vand.u32 $0xFFFFFC00, v12  }
0x33a: {  	v39 =	vor.u32 v32, v7;
	v6 =	vand.u32 $0x7F, v54;
	v54 =	vld.idx.msk [tilespmem:v24+s2+$0x0], $0xffff;
	v5 =	vand.u32 $0x7F, v52  }
0x33b: {  	v53 =	vld [tilespmem:$0x1FF50];
	v6 =	vor.u32 v6, v40;
	v7 =	vor.u32 v32, v8;
	v5 =	vor.u32 v5, v40  }
0x33c: {  	v40 =	vor.u32 v59, v40;
	v59 =	vshll.u32 v52, $0x3;
	v63 =	vshll.u32 v56, $0x3;
	v62, _, _ =	vpop (xrf0)  }
0x33d: {  	v55 =	vor.u32 v32, v40;
	v56 =	vand.u32 $0xFFFFFC00, v59;
	v11 =	vbroadcast v62, $0xF  }
0x33e: {  	v59 =	vand.u32 $0xFFFFFC00, v63;
	v8 =	vadd.s32 v12, v55;
	v12 =	vmul.f32 $1.442695020e+00, v37  }
0x33f: {  	v63 =	vadd.f32 v54, v29;
	v29 =	vmul.f32 $1.442695020e+00, v36;
	v1 =	vsub.f32 v1, v11  }
0x340: {  	v35 =	vmul.f32 $1.442695020e+00, v35;
	(erf) = vpow2.f32 v12;
	v4 =	vsub.f32 v4, v11  }
0x341: {  	(erf) = vpow2.f32 v29;
	v1 =	vmul.f32 $1.442695020e+00, v1  }
0x342: {  	(erf) = vpow2.f32 v35;
	v4 =	vmul.f32 $1.442695020e+00, v4  }
0x343: {  	[tilespmem:v53+s23+$0x0] =	vst.idx.add.f32.msk $0xffff, v34;
	(erf) = vpow2.f32 v1  }
0x344: {  	(erf) = vpow2.f32 v4;
	v4 =	vld [tilespmem:$0x1FF30];
	_ =	sdelay $0x7  }
0x345: {  	[tilespmem:v4+s23+$0x0] =	vst.idx.msk $0xffff, v33  }
0x346: {  	v4 =	vld [tilespmem:$0x1FF60];
	_ =	sdelay $0x4  }
0x347: {  	v2 =	vsub.f32 v2, v11;
	_ =	sdelay $0x1  }
0x348: {  	v5 =	vor.u32 v32, v5;
	v2 =	vmul.f32 $1.442695020e+00, v2  }
0x349: {  	v5 =	vadd.s32 v56, v5;
	[tilespmem:v4+s23+$0x0] =	vst.idx.add.f32.msk $0xffff, v33  }
0x34a: {  	v4 =	vpop (erf);
	(erf) = vpow2.f32 v2;
	v2 =	vld [tilespmem:$0x1FF40];
	_ =	sdelay $0x2  }
0x34b: {  	v21 =	vld.idx.msk [tilespmem:v39+s2+$0x0], $0xffff  }
0x34c: {  	v29 =	vld.idx.msk [tilespmem:v5+s2+$0x0], $0xffff;
	_ =	sdelay $0x3  }
0x34d: {  	[tilespmem:v2+s23+$0x0] =	vst.idx.msk $0xffff, v31  }
0x34e: {  	v54 =	vadd.f32 v29, v21;
	v21 =	vld [tilespmem:$0x1FF70];
	_ =	sdelay $0x4  }
0x34f: {  	v3 =	vsub.f32 v3, v11;
	_ =	sdelay $0x1  }
0x350: {  	v3 =	vmul.f32 $1.442695020e+00, v3  }
0x351: {  	[tilespmem:v21+s23+$0x0] =	vst.idx.add.f32.msk $0xffff, v31  }
0x352: {  	v21 =	vpop (erf);
	(erf) = vpow2.f32 v3;
	v3 =	vld [tilespmem:$0x1FF80]  }
0x353: {  	v40 =	vor.u32 v32, v9  }
0x354: {  	v6 =	vor.u32 v32, v6;
	v58 =	vor.u32 v32, v10  }
0x355: {  	v6 =	vadd.s32 v49, v6;
	v12 =	vld.idx.msk [tilespmem:v60+s2+$0x0], $0xffff  }
0x356: {  	v1 =	vld.idx.msk [tilespmem:v8+s2+$0x0], $0xffff  }
0x357: {  	v7 =	vadd.s32 v59, v7  }
0x358: {  	v50 =	vmax.f32 v27, v63;
	v49 =	vld.idx.msk [tilespmem:v40+s2+$0x0], $0xffff  }
0x359: {  	v25 =	vmax.f32 v25, v50;
	v51 =	vld.idx.msk [tilespmem:v58+s2+$0x0], $0xffff  }
0x35a: {  	(xrf0) =	vmax.scan.msk.f32 $0xffff, v25;
	v25 =	vld.idx.msk [tilespmem:v6+s2+$0x0], $0xffff;
	[tilespmem:v3+s23+$0x0] =	vst.idx.msk $0xffff, v30  }
0x35b: {  	v1 =	vadd.f32 v1, v12;
	v12 =	vld [tilespmem:$0x1FF90]  }
0x35c: {  	v52 =	vld.idx.msk [tilespmem:v7+s2+$0x0], $0xffff;
	_ =	sdelay $0x4  }
0x35d: {  	v9 =	vadd.f32 v25, v49;
	v25 =	vadd.f32 v52, v51;
	_ =	sdelay $0x1  }
0x35e: {  	v29 =	vmax.f32 v54, v9;
	v3 =	vpop (erf);
	[tilespmem:v12+s23+$0x0] =	vst.idx.add.f32.msk $0xffff, v30;
	v30 =	vmax.f32 v25, v1  }
0x35f: {  	v12 =	vpop (erf);
	v29 =	vmax.f32 v29, v30  }
0x360: {  	[tilespmem:v13+s23+$0x0] =	vst.idx.msk $0xffff, v4;
	v31 =	vpop (erf)  }
0x361: {  	v2, _, _ =	vpop (xrf0);
	[tilespmem:v46+s23+$0x0] =	vst.idx.msk $0xffff, v31  }
0x362: {  	v2 =	vbroadcast v2, $0xF;
	(xrf0) =	vmax.scan.msk.f32 $0xffff, v29;
	[tilespmem:v43+s23+$0x0] =	vst.idx.add.f32.msk $0xffff, v31;
	v29 =	vpop (erf)  }
0x363: {  	[tilespmem:v57+s23+$0x0] =	vst.idx.msk $0xffff, v29  }
0x364: {  	v26 =	vsub.f32 v26, v2;
	v27 =	vsub.f32 v27, v2;
	[tilespmem:v42+s23+$0x0] =	vst.idx.add.f32.msk $0xffff, v29;
	v29 =	vpop (erf)  }
0x365: {  	[tilespmem:v47+s23+$0x0] =	vst.idx.msk $0xffff, v29  }
0x366: {  	v26 =	vmul.f32 $1.442695020e+00, v26;
	[tilespmem:v44+s23+$0x0] =	vst.idx.add.f32.msk $0xffff, v29;
	v29 =	vpop (erf)  }
0x367: {  	[tilespmem:v45+s23+$0x0] =	vst.idx.msk $0xffff, v29  }
0x368: {  	(erf) = vpow2.f32 v26;
	v26 =	vmul.f32 $1.442695020e+00, v27;
	v27, _, _ =	vpop (xrf0);
	[tilespmem:v41+s23+$0x0] =	vst.idx.add.f32.msk $0xffff, v29  }
0x369: {  	v55 =	vbroadcast v27, $0xF;
	v27 =	vld [tilespmem:$0x1FFC0];
	_ =	sdelay $0x7  }
0x36a: {  	[tilespmem:v27+s23+$0x0] =	vst.idx.add.f32.msk $0xffff, v4  }
0x36b: {  	v4 =	vld [tilespmem:$0x1FFA0];
	_ =	sdelay $0x7  }
0x36c: {  	[tilespmem:v4+s23+$0x0] =	vst.idx.msk $0xffff, v21  }
0x36d: {  	v56 =	vld [tilespmem:$0x1FFD0];
	_ =	sdelay $0x7  }
0x36e: {  	[tilespmem:v56+s23+$0x0] =	vst.idx.add.f32.msk $0xffff, v21  }
0x36f: {  	v11 =	vld [tilespmem:$0x1FFB0];
	_ =	sdelay $0x5  }
0x370: {  	v28 =	vsub.f32 v28, v2;
	_ =	sdelay $0x1  }
0x371: {  	v28 =	vmul.f32 $1.442695020e+00, v28;
	[tilespmem:v11+s23+$0x0] =	vst.idx.msk $0xffff, v3  }
0x372: {  	v2 =	vsub.f32 v63, v2;
	v57 =	vld [tilespmem:$0x1FFE0]  }
0x373: {  	(erf) = vpow2.f32 v28  }
0x374: {  	v2 =	vmul.f32 $1.442695020e+00, v2;
	v4 =	vsub.f32 v54, v55  }
0x375: {  	(erf) = vpow2.f32 v26  }
0x376: {  	(erf) = vpow2.f32 v2;
	v2 =	vsub.f32 v9, v55;
	v4 =	vmul.f32 $1.442695020e+00, v4;
	_ =	sdelay $0x1  }
0x377: {  	v2 =	vmul.f32 $1.442695020e+00, v2;
	_ =	sdelay $0x1  }
0x378: {  	(erf) = vpow2.f32 v4;
	v4 =	vpop (erf);
	[tilespmem:v57+s23+$0x0] =	vst.idx.add.f32.msk $0xffff, v3;
	v3 =	vsub.f32 v25, v55  }
0x379: {  	[tilespmem:v17+s23+$0x0] =	vst.idx.msk $0xffff, v4  }
0x37a: {  	v1 =	vsub.f32 v1, v55;
	(erf) = vpow2.f32 v2;
	v2 =	vpop (erf);
	[tilespmem:v23+s23+$0x0] =	vst.idx.add.f32.msk $0xffff, v4;
	v3 =	vmul.f32 $1.442695020e+00, v3  }
0x37b: {  	[tilespmem:v22+s23+$0x0] =	vst.idx.msk $0xffff, v2  }
0x37c: {  	v1 =	vmul.f32 $1.442695020e+00, v1;
	[tilespmem:v20+s23+$0x0] =	vst.idx.add.f32.msk $0xffff, v2  }
0x37d: {  	[tilespmem:v14+s23+$0x0] =	vst.idx.msk $0xffff, v12;
	(erf) = vpow2.f32 v3  }
0x37e: {  	[tilespmem:v15+s23+$0x0] =	vst.idx.add.f32.msk $0xffff, v12;
	v3 =	vpop (erf)  }
0x37f: {  	(erf) = vpow2.f32 v1;
	[tilespmem:v18+s23+$0x0] =	vst.idx.msk $0xffff, v3  }
0x380: {  	v1 =	vpop (erf);
	[tilespmem:v19+s23+$0x0] =	vst.idx.add.f32.msk $0xffff, v3  }
0x381: {  	[tilespmem:v16+s23+$0x0] =	vst.idx.msk $0xffff, v1  }
0x382: {  	[tilespmem:v24+s23+$0x0] =	vst.idx.add.f32.msk $0xffff, v1;
	v1 =	vpop (erf)  }
0x383: {  	[tilespmem:v39+s23+$0x0] =	vst.idx.msk $0xffff, v1  }
0x384: {  	v2 =	vpop (erf);
	[tilespmem:v5+s23+$0x0] =	vst.idx.add.f32.msk $0xffff, v1  }
0x385: {  	[tilespmem:v40+s23+$0x0] =	vst.idx.msk $0xffff, v2  }
0x386: {  	v1 =	vpop (erf);
	[tilespmem:v6+s23+$0x0] =	vst.idx.add.f32.msk $0xffff, v2  }
0x387: {  	[tilespmem:v58+s23+$0x0] =	vst.idx.msk $0xffff, v1  }
0x388: {  	v2 =	vpop (erf);
	[tilespmem:v7+s23+$0x0] =	vst.idx.add.f32.msk $0xffff, v1  }
0x389: {  	[tilespmem:v60+s23+$0x0] =	vst.idx.msk $0xffff, v2  }
0x38a: {  	s0 =	simm.s32 $0x0;
	[tilespmem:v8+s23+$0x0] =	vst.idx.add.f32.msk $0xffff, v2  }
0x38b: {  	[hbm4b:s11+s0] =	stream.linear.scatter [tilespmem:s23], [sflag:$0x3], $0x6000, $0x38;
	[tilespmem:$0x1C000] =	vst v63  }
0x38c: {  	_ = 	snop  }
0x38d: {  	[tilespmem:s0], [sflag:$0x1] =	stream.linear.gather [hbm4b:s12+s0], $0x6000, $0x38;
	[tilespmem:$0x1C000] =	vst v63  }
0x38e: {  	s1 =	simm.s32 $0x0;
	_ =	swait.ge [sflag:s24], $0x6000  }
0x38f: {  	s1 =	smul.u32 $0x3000, s1;
	[sflag:s24] =	ssyncset.done $0x0  }
0x390: {  	[sflag:s24] =	ssyncadd.s32 $0xFFFFA000  }
0x391: {  	s3 =	simm.s32 $0x80;
	s1 =	sshra.s32 s1, $0x2;
	_ =	swait.ge [sflag:s28], $0x6000  }
0x392: {  	s6 =	sand.u32 $0x380, s3;
	s4 =	sadd.s32 $0x12800, s1;
	[sflag:s28] =	ssyncset.done $0x0  }
0x393: {  	s3 =	sor.u32 s6, s4;
	[sflag:s28] =	ssyncadd.s32 $0xFFFFA000  }
0x394: {  	[tilespmem:s3+$0x0] =	vst v0  }
0x395: {  	[tilespmem:s3+$0x10] =	vst v0  }
0x396: {  	[tilespmem:s3+$0x20] =	vst v0  }
0x397: {  	s7 =	simm.s32 $0x1A080;
	[tilespmem:s3+$0x30] =	vst v0  }
0x398: {  	v1 =	vld [tilespmem:s7+$0x0]  }
0x399: {  	v2 =	vld [tilespmem:s7+$0x10]  }
0x39a: {  	v3 =	vld [tilespmem:s7+$0x20]  }
0x39b: {  	s18 =	simm.s32 $0x18080;
	v4 =	vld [tilespmem:s7+$0x30]  }
0x39c: {  	s5 =	simm.s32 $0x1;
	v5 =	vld [tilespmem:s18+$0x0]  }
0x39d: {  	v6 =	vmov s5;
	v7 =	vld [tilespmem:s18+$0x10]  }
0x39e: {  	v58 =	vshrl.u32 v6, $0x3;
	v59 =	vld [tilespmem:s18+$0x20]  }
0x39f: {  	v60 =	vmul.u32 $0xC00, v58;
	v61 =	vld [tilespmem:s18+$0x30]  }
0x3a0: {  	v6 =	vshll.u32 v6, $0x7  }
0x3a1: {  	v6 =	vand.u32 $0x380, v6;
	v62 =	vadd.s32 $0x800, v60  }
0x3a2: {  	s20 =	sand.u32 $0x300, s0;
	v12 =	vand.u32 $0x7F, v5;
	v13 =	vshll.u32 v1, $0x3;
	v14 =	vand.u32 $0x7F, v7  }
0x3a3: {  	s4 =	sor.u32 s20, s4;
	v15 =	vshll.u32 v2, $0x3;
	v17 =	vand.u32 $0x7F, v59;
	v16 =	vshll.u32 v3, $0x3  }
0x3a4: {  	[tilespmem:s4+$0x0] =	vst v0;
	v1 =	vand.u32 $0x7F, v1;
	v22 =	vand.u32 $0x7F, v61;
	v18 =	vshll.u32 v4, $0x3  }
0x3a5: {  	[tilespmem:s4+$0x10] =	vst v0;
	v2 =	vand.u32 $0x7F, v2;
	v3 =	vand.u32 $0x7F, v3;
	v4 =	vand.u32 $0x7F, v4  }
0x3a6: {  	[tilespmem:s4+$0x20] =	vst v0;
	v5 =	vshll.u32 v5, $0x3;
	v7 =	vshll.u32 v7, $0x3;
	v9 =	vshll.u32 v59, $0x3  }
0x3a7: {  	[tilespmem:s4+$0x30] =	vst v0;
	v20 =	vshll.u32 v61, $0x3;
	v13 =	vand.u32 $0xFFFFFC00, v13;
	v15 =	vand.u32 $0xFFFFFC00, v15  }
0x3a8: {  	v23 =	vld [tilespmem:s18+$0xFFFFFF80];
	v1 =	vor.u32 v1, v62;
	v2 =	vor.u32 v2, v62;
	v16 =	vand.u32 $0xFFFFFC00, v16  }
0x3a9: {  	v24 =	vld [tilespmem:s18+$0xFFFFFF90];
	v3 =	vor.u32 v3, v62;
	v21 =	vand.u32 $0xFFFFFC00, v18;
	v4 =	vor.u32 v4, v62  }
0x3aa: {  	v63 =	vld [tilespmem:s18+$0xFFFFFFA0];
	v5 =	vand.u32 $0xFFFFFC00, v5;
	v7 =	vand.u32 $0xFFFFFC00, v7;
	v1 =	vor.u32 v6, v1  }
0x3ab: {  	v25 =	vld [tilespmem:s18+$0xFFFFFFB0];
	v5 =	vadd.s32 v60, v5;
	v8 =	vadd.s32 v13, v1;
	v1 =	vor.u32 v6, v2  }
0x3ac: {  	v7 =	vadd.s32 v60, v7;
	v13 =	vld [tilespmem:s7+$0xFFFFFF80];
	v5 =	vor.u32 v12, v5;
	v19 =	vadd.s32 v15, v1  }
0x3ad: {  	v2 =	vand.u32 $0xFFFFFC00, v9;
	v1 =	vor.u32 v6, v3;
	v15 =	vld [tilespmem:s7+$0xFFFFFF90];
	v9 =	vor.u32 v6, v5  }
0x3ae: {  	v3 =	vand.u32 $0xFFFFFC00, v20;
	v18 =	vadd.s32 v16, v1;
	v1 =	vor.u32 v6, v4;
	v4 =	vld [tilespmem:s7+$0xFFFFFFA0]  }
0x3af: {  	v5 =	vor.u32 v14, v7;
	v2 =	vadd.s32 v60, v2;
	v16 =	vadd.s32 v21, v1;
	v1 =	vld [tilespmem:s7+$0xFFFFFFB0]  }
0x3b0: {  	v2 =	vor.u32 v17, v2;
	v3 =	vadd.s32 v60, v3;
	v21 =	vor.u32 v6, v5;
	v7 =	vld.idx.msk [tilespmem:v8+s21+$0x0], $0xffff  }
0x3b1: {  	v20 =	vor.u32 v6, v2;
	v2 =	vor.u32 v22, v3;
	v5 =	vld.idx.msk [tilespmem:v19+s21+$0x0], $0xffff  }
0x3b2: {  	v17 =	vor.u32 v6, v2;
	v12 =	vld.idx.msk [tilespmem:v9+s21+$0x0], $0xffff  }
0x3b3: {  	v27 =	vshll.u32 v23, $0x3;
	v28 =	vshll.u32 v24, $0x3;
	v3 =	vld.idx.msk [tilespmem:v18+s21+$0x0], $0xffff  }
0x3b4: {  	v30 =	vshll.u32 v63, $0x3;
	v31 =	vshll.u32 v25, $0x3;
	v23 =	vand.u32 $0x7F, v23;
	v6 =	vld.idx.msk [tilespmem:v16+s21+$0x0], $0xffff  }
0x3b5: {  	v24 =	vand.u32 $0x7F, v24;
	v11 =	vand.u32 $0x7F, v63;
	v25 =	vand.u32 $0x7F, v25;
	v41 =	vld.idx.msk [tilespmem:v21+s21+$0x0], $0xffff  }
0x3b6: {  	v27 =	vand.u32 $0xFFFFFC00, v27;
	v28 =	vand.u32 $0xFFFFFC00, v28;
	v2 =	vmov s0;
	v22 =	vld.idx.msk [tilespmem:v20+s21+$0x0], $0xffff  }
0x3b7: {  	s5 =	simm.s32 $0x0;
	v30 =	vand.u32 $0xFFFFFC00, v30;
	v31 =	vand.u32 $0xFFFFFC00, v31;
	v40 =	vshrl.u32 v2, $0x3;
	v29 =	vld.idx.msk [tilespmem:v17+s21+$0x0], $0xffff  }
0x3b8: {  	s0 =	smul.u32 $0x3000, s5;
	v2 =	vshll.u32 v2, $0x7;
	v42 =	vand.u32 $0x7F, v13;
	v14 =	vmul.u32 $0xC00, v40  }
0x3b9: {  	v13 =	vshll.u32 v13, $0x3;
	v2 =	vand.u32 $0x300, v2;
	v43 =	vand.u32 $0x7F, v15  }
0x3ba: {  	s6 =	simm.s32 $0x180;
	s0 =	sshra.s32 s0, $0x2;
	v15 =	vshll.u32 v15, $0x3;
	v44 =	vand.u32 $0x7F, v4;
	v26 =	vadd.s32 $0x800, v14  }
0x3bb: {  	s7 =	sand.u32 $0x380, s6;
	s1 =	sadd.s32 $0x12800, s0;
	v45 =	vand.u32 $0x7F, v1;
	v12 =	vadd.f32 v7, v12;
	v46 =	vadd.f32 v5, v41  }
0x3bc: {  	s0 =	sor.u32 s7, s1;
	v7 =	vadd.s32 v14, v30;
	v3 =	vadd.f32 v3, v22;
	v10 =	vadd.f32 v6, v29  }
0x3bd: {  	[tilespmem:s0+$0x0] =	vst v0;
	v5 =	vadd.s32 v14, v27;
	v22 =	vor.u32 v42, v26;
	v27 =	vor.u32 v43, v26  }
0x3be: {  	[tilespmem:s0+$0x10] =	vst v0;
	v6 =	vadd.s32 v14, v28;
	v28 =	vmax.f32 v12, v46;
	v29 =	vmax.f32 v3, v10  }
0x3bf: {  	[tilespmem:s0+$0x20] =	vst v0;
	v5 =	vor.u32 v23, v5;
	v28 =	vmax.f32 v28, v29;
	v29 =	vor.u32 v44, v26  }
0x3c0: {  	s18 =	simm.s32 $0x1A180;
	[tilespmem:s0+$0x30] =	vst v0;
	v26 =	vor.u32 v45, v26;
	v23 =	vor.u32 v2, v29;
	v29 =	vor.u32 v2, v5  }
0x3c1: {  	v14 =	vadd.s32 v14, v31;
	v6 =	vor.u32 v24, v6;
	v24 =	vor.u32 v2, v26;
	v26 =	vld [tilespmem:s18+$0x0];
	[tilespmem:$0x1FF20] =	vst v29  }
0x3c2: {  	v47 =	vor.u32 v25, v14;
	v14 =	vor.u32 v2, v22;
	v22 =	vor.u32 v2, v27;
	(xrf0) =	vmax.scan.msk.f32 $0xffff, v28;
	v27 =	vld [tilespmem:s18+$0x10]  }
0x3c3: {  	s20 =	simm.s32 $0x18180;
	v13 =	vand.u32 $0xFFFFFC00, v13;
	v4 =	vshll.u32 v4, $0x3;
	v15 =	vand.u32 $0xFFFFFC00, v15;
	v28 =	vld [tilespmem:s18+$0x20]  }
0x3c4: {  	v1 =	vshll.u32 v1, $0x3;
	v4 =	vand.u32 $0xFFFFFC00, v4;
	v7 =	vor.u32 v11, v7;
	v50 =	vld [tilespmem:s20+$0x0]  }
0x3c5: {  	s5 =	simm.s32 $0x2;
	v1 =	vand.u32 $0xFFFFFC00, v1;
	v25 =	vor.u32 v2, v7;
	v48 =	vadd.s32 v13, v14;
	v13 =	vld [tilespmem:s20+$0x10]  }
0x3c6: {  	v49 =	vadd.s32 v15, v22;
	v52 =	vadd.s32 v1, v24;
	v1 =	vmov s5;
	v22 =	vld [tilespmem:s20+$0x20]  }
0x3c7: {  	v7 =	vadd.s32 v4, v23;
	v32 =	vshrl.u32 v1, $0x3;
	v1 =	vshll.u32 v1, $0x7;
	v23 =	vld [tilespmem:s20+$0x30]  }
0x3c8: {  	v6 =	vor.u32 v2, v6;
	v1 =	vand.u32 $0x300, v1;
	v33 =	vld.idx.msk [tilespmem:v29+s21+$0x0], $0xffff;
	v29 =	vshll.u32 v26, $0x3;
	v5, _, _ =	vpop (xrf0)  }
0x3c9: {  	v26 =	vand.u32 $0x7F, v26;
	v29 =	vand.u32 $0xFFFFFC00, v29;
	v31 =	vbroadcast v5, $0xF  }
0x3ca: {  	v5 =	vor.u32 v2, v47;
	v24 =	vand.u32 $0x7F, v50;
	v54 =	vand.u32 $0x7F, v13  }
0x3cb: {  	v30 =	vshll.u32 v27, $0x3;
	v55 =	vand.u32 $0x7F, v22;
	v56 =	vshll.u32 v28, $0x3  }
0x3cc: {  	v58 =	vand.u32 $0x7F, v23;
	v27 =	vand.u32 $0x7F, v27;
	v28 =	vand.u32 $0x7F, v28  }
0x3cd: {  	s7 =	simm.s32 $0x100;
	v11 =	vshll.u32 v50, $0x3;
	v13 =	vshll.u32 v13, $0x3;
	v22 =	vshll.u32 v22, $0x3  }
0x3ce: {  	s4 =	sand.u32 $0x300, s7;
	v2 =	vld [tilespmem:s18+$0x30];
	[tilespmem:$0x1FE60] =	vst v6;
	v61 =	vshll.u32 v23, $0x3;
	v30 =	vand.u32 $0xFFFFFC00, v30;
	v11 =	vand.u32 $0xFFFFFC00, v11  }
0x3cf: {  	s6 =	simm.s32 $0x3;
	s1 =	sor.u32 s4, s1;
	v35 =	vld.idx.msk [tilespmem:v6+s21+$0x0], $0xffff;
	[tilespmem:$0x1FE70] =	vst v25;
	v13 =	vand.u32 $0xFFFFFC00, v13;
	v63 =	vand.u32 $0xFFFFFC00, v61;
	v4 =	vsub.f32 v12, v31  }
0x3d0: {  	v12 =	vmov s6;
	v14 =	vsub.f32 v46, v31;
	v3 =	vsub.f32 v3, v31;
	[tilespmem:s1+$0x0] =	vst v0  }
0x3d1: {  	v57 =	vld.idx.msk [tilespmem:v25+s21+$0x0], $0xffff;
	v10 =	vsub.f32 v10, v31;
	v15 =	vshrl.u32 v12, $0x3;
	v12 =	vshll.u32 v12, $0x7;
	[tilespmem:$0x1FE80] =	vst v48  }
0x3d2: {  	v4 =	vmul.f32 $1.442695020e+00, v4;
	v15 =	vmul.u32 $0xC00, v15;
	v14 =	vmul.f32 $1.442695020e+00, v14;
	[tilespmem:s1+$0x10] =	vst v0  }
0x3d3: {  	v41 =	vld.idx.msk [tilespmem:v48+s21+$0x0], $0xffff;
	v3 =	vmul.f32 $1.442695020e+00, v3;
	v10 =	vmul.f32 $1.442695020e+00, v10;
	v59 =	vshll.u32 v2, $0x3;
	[tilespmem:$0x1FE90] =	vst v49  }
0x3d4: {  	v2 =	vand.u32 $0x7F, v2;
	(erf) = vpow2.f32 v4;
	v4 =	vand.u32 $0x380, v12;
	[tilespmem:s1+$0x20] =	vst v0  }
0x3d5: {  	v12 =	vadd.s32 $0x800, v15;
	v42 =	vld.idx.msk [tilespmem:v49+s21+$0x0], $0xffff;
	v11 =	vadd.s32 v15, v11;
	v13 =	vadd.s32 v15, v13;
	[tilespmem:$0x1FEA0] =	vst v7  }
0x3d6: {  	v40 =	vand.u32 $0xFFFFFC00, v59;
	v23 =	vor.u32 v26, v12;
	v26 =	vor.u32 v27, v12;
	v60 =	vld.idx.msk [tilespmem:v7+s21+$0x0], $0xffff;
	[tilespmem:s1+$0x30] =	vst v0  }
0x3d7: {  	v27 =	vand.u32 $0xFFFFFC00, v56;
	v62 =	vor.u32 v28, v12;
	v2 =	vor.u32 v2, v12;
	v45 =	vld [tilespmem:s20+$0xFFFFFF80]  }
0x3d8: {  	v11 =	vor.u32 v24, v11;
	v51 =	vor.u32 v54, v13;
	(erf) = vpow2.f32 v14;
	v46 =	vld [tilespmem:s20+$0xFFFFFF90]  }
0x3d9: {  	v23 =	vor.u32 v4, v23;
	v2 =	vor.u32 v4, v2;
	(erf) = vpow2.f32 v3;
	v12 =	vld [tilespmem:s20+$0xFFFFFFA0]  }
0x3da: {  	v47 =	vld [tilespmem:s20+$0xFFFFFFB0];
	v28 =	vadd.s32 v29, v23;
	v23 =	vor.u32 v4, v26;
	v26 =	vand.u32 $0xFFFFFC00, v22  }
0x3db: {  	v48 =	vld [tilespmem:s18+$0xFFFFFF80];
	v22 =	vor.u32 v4, v62;
	v23 =	vadd.s32 v30, v23;
	v30 =	vor.u32 v4, v11  }
0x3dc: {  	v44 =	vld [tilespmem:s18+$0xFFFFFF90];
	v24 =	vadd.s32 v40, v2;
	v29 =	vor.u32 v4, v51;
	v13 =	vadd.s32 v15, v26  }
0x3dd: {  	v49 =	vld [tilespmem:s18+$0xFFFFFFA0];
	(erf) = vpow2.f32 v10;
	v22 =	vadd.s32 v27, v22;
	v53 =	vor.u32 v55, v13  }
0x3de: {  	v2 =	vld [tilespmem:s18+$0xFFFFFFB0];
	v13 =	vadd.s32 v15, v63;
	v15 =	vmul.u32 $0xC00, v32;
	v32 =	vadd.f32 v41, v33  }
0x3df: {  	v33 =	vadd.f32 v42, v35;
	v27 =	vor.u32 v4, v53;
	v54 =	vor.u32 v58, v13;
	v40 =	vld.idx.msk [tilespmem:v28+s21+$0x0], $0xffff  }
0x3e0: {  	v26 =	vor.u32 v4, v54;
	v11 =	vadd.s32 $0x800, v15;
	v34 =	vadd.f32 v60, v57;
	v14 =	vld.idx.msk [tilespmem:v30+s21+$0x0], $0xffff  }
0x3e1: {  	v3 =	vmax.f32 v32, v33;
	v55 =	vshll.u32 v45, $0x3;
	v56 =	vshll.u32 v46, $0x3  }
0x3e2: {  	v4 =	vld.idx.msk [tilespmem:v24+s21+$0x0], $0xffff;
	v58 =	vshll.u32 v12, $0x3;
	v60 =	vshll.u32 v47, $0x3;
	v61 =	vand.u32 $0x7F, v48  }
0x3e3: {  	v31 =	vld.idx.msk [tilespmem:v29+s21+$0x0], $0xffff;
	v62 =	vand.u32 $0x7F, v44;
	v63 =	vand.u32 $0x7F, v49;
	v54 =	vand.u32 $0x7F, v2  }
0x3e4: {  	s18 =	simm.s32 $0x0;
	v6 =	vand.u32 $0x7F, v45;
	v48 =	vshll.u32 v48, $0x3;
	v44 =	vshll.u32 v44, $0x3;
	v36 =	vld.idx.msk [tilespmem:v23+s21+$0x0], $0xffff  }
0x3e5: {  	s0 =	smul.u32 $0x3000, s18;
	v12 =	vand.u32 $0x7F, v12;
	v13 =	vld.idx.msk [tilespmem:v22+s21+$0x0], $0xffff;
	v10 =	vand.u32 $0xFFFFFC00, v55;
	v40 =	vadd.f32 v40, v14;
	v14 =	vpop (erf)  }
0x3e6: {  	v35 =	vand.u32 $0xFFFFFC00, v56;
	v38 =	vand.u32 $0xFFFFFC00, v58;
	v55 =	vor.u32 v61, v11;
	v57 =	vld.idx.msk [tilespmem:v27+s21+$0x0], $0xffff;
	[tilespmem:v9+s25+$0x0] =	vst.idx.msk $0xffff, v14  }
0x3e7: {  	s20 =	simm.s32 $0x280;
	s0 =	sshra.s32 s0, $0x2;
	v41 =	vand.u32 $0xFFFFFC00, v60;
	v10 =	vadd.s32 v15, v10;
	v35 =	vadd.s32 v15, v35;
	v59 =	vld.idx.msk [tilespmem:v26+s21+$0x0], $0xffff;
	[tilespmem:$0x1FEB0] =	vst v5  }
0x3e8: {  	s4 =	sand.u32 $0x380, s20;
	s1 =	sadd.s32 $0x12800, s0;
	v2 =	vshll.u32 v2, $0x3;
	v38 =	vadd.s32 v15, v38;
	v56 =	vadd.s32 v15, v41;
	v15 =	vld.idx.msk [tilespmem:v5+s21+$0x0], $0xffff;
	[tilespmem:$0x1FEC0] =	vst v52  }
0x3e9: {  	s0 =	sor.u32 s4, s1;
	v61 =	vand.u32 $0x7F, v46;
	v51 =	vand.u32 $0xFFFFFC00, v48;
	v31 =	vadd.f32 v36, v31;
	[tilespmem:v8+s25+$0x0] =	vst.idx.add.f32.msk $0xffff, v14  }
0x3ea: {  	v2 =	vand.u32 $0xFFFFFC00, v2;
	v10 =	vor.u32 v6, v10;
	v12 =	vor.u32 v12, v38;
	[tilespmem:s0+$0x0] =	vst v0  }
0x3eb: {  	v42 =	vadd.f32 v13, v57;
	v57 =	vor.u32 v63, v11;
	v58 =	vmax.f32 v40, v31;
	[tilespmem:s0+$0x10] =	vst v0  }
0x3ec: {  	v63 =	vor.u32 v1, v55;
	v37 =	vadd.f32 v4, v59;
	v4 =	vor.u32 v62, v11;
	[tilespmem:s0+$0x20] =	vst v0  }
0x3ed: {  	s5 =	simm.s32 $0x1A280;
	v11 =	vor.u32 v54, v11;
	v62 =	vshll.u32 v49, $0x3;
	v60 =	vld.idx.msk [tilespmem:v52+s21+$0x0], $0xffff;
	v14 =	vand.u32 $0x7F, v47;
	[tilespmem:s0+$0x30] =	vst v0  }
0x3ee: {  	v5 =	vor.u32 v61, v35;
	v49 =	vor.u32 v1, v57;
	v14 =	vor.u32 v14, v56;
	v56 =	vld [tilespmem:s5+$0x0]  }
0x3ef: {  	v9 =	vadd.s32 v51, v63;
	v4 =	vor.u32 v1, v4;
	v52 =	vand.u32 $0xFFFFFC00, v44;
	v45 =	vld [tilespmem:s5+$0x10]  }
0x3f0: {  	s7 =	simm.s32 $0x18280;
	v50 =	vor.u32 v1, v11;
	v59 =	vmax.f32 v42, v37;
	v11 =	vadd.s32 v52, v4;
	v4 =	vld [tilespmem:s5+$0x30]  }
0x3f1: {  	s6 =	simm.s32 $0x4;
	v53 =	vand.u32 $0xFFFFFC00, v62;
	v6 =	vor.u32 v1, v5;
	v43 =	vld [tilespmem:s7+$0x20];
	v41 =	vmax.f32 v58, v59  }
0x3f2: {  	s18 =	simm.s32 $0x5;
	v8 =	vor.u32 v1, v12;
	v7 =	vadd.s32 v2, v50;
	v2 =	vmov s6;
	(xrf0) =	vmax.scan.msk.f32 $0xffff, v41  }
0x3f3: {  	v35 =	vld [tilespmem:s7+$0x0];
	v5 =	vor.u32 v1, v14;
	v57 =	vshrl.u32 v2, $0x3;
	v58 =	vmov s18  }
0x3f4: {  	v2 =	vshll.u32 v2, $0x7;
	v59 =	vpop (erf);
	v39 =	vadd.f32 v60, v15;
	v15 =	vor.u32 v1, v10;
	v1 =	vld [tilespmem:s5+$0x20]  }
0x3f5: {  	v10 =	vadd.s32 v53, v49;
	[tilespmem:v21+s25+$0x0] =	vst.idx.msk $0xffff, v59;
	v60 =	vld [tilespmem:s7+$0x30];
	v49 =	vmul.u32 $0xC00, v57;
	v61 =	vshll.u32 v45, $0x3  }
0x3f6: {  	v21 =	vpop (erf);
	[tilespmem:v19+s25+$0x0] =	vst.idx.add.f32.msk $0xffff, v59;
	v51 =	vand.u32 $0x7F, v43;
	v44 =	vand.u32 $0x7F, v56;
	v63 =	vshll.u32 v4, $0x3  }
0x3f7: {  	v45 =	vand.u32 $0x7F, v45;
	v4 =	vand.u32 $0x7F, v4;
	v54 =	vmax.f32 v34, v39;
	[tilespmem:v20+s25+$0x0] =	vst.idx.msk $0xffff, v21  }
0x3f8: {  	v43 =	vshll.u32 v43, $0x3;
	v36 =	vand.u32 $0xFFFFFC00, v61;
	v3 =	vmax.f32 v3, v54;
	[tilespmem:v18+s25+$0x0] =	vst.idx.add.f32.msk $0xffff, v21;
	v55, _, _ =	vpop (xrf0)  }
0x3f9: {  	v18 =	vand.u32 $0x7F, v35;
	v21 =	vshll.u32 v56, $0x3;
	(xrf0) =	vmax.scan.msk.f32 $0xffff, v3;
	v46 =	vbroadcast v55, $0xF  }
0x3fa: {  	s20 =	simm.s32 $0x200;
	v35 =	vshll.u32 v35, $0x3;
	v54 =	vand.u32 $0xFFFFFC00, v63;
	v21 =	vand.u32 $0xFFFFFC00, v21;
	v50 =	vld.idx.msk [tilespmem:v15+s21+$0x0], $0xffff  }
0x3fb: {  	s4 =	sand.u32 $0x300, s20;
	v62 =	vshll.u32 v1, $0x3;
	v53 =	vand.u32 $0x7F, v60;
	v3 =	vsub.f32 v40, v46;
	v40 =	vld [tilespmem:s7+$0x10];
	[tilespmem:$0x1FED0] =	vst v6  }
0x3fc: {  	s1 =	sor.u32 s4, s1;
	v1 =	vand.u32 $0x7F, v1;
	v48 =	vshll.u32 v60, $0x3;
	v31 =	vsub.f32 v31, v46;
	v52 =	vld.idx.msk [tilespmem:v6+s21+$0x0], $0xffff;
	[tilespmem:$0x1FEE0] =	vst v8  }
0x3fd: {  	v41 =	vand.u32 $0xFFFFFC00, v62;
	v48 =	vand.u32 $0xFFFFFC00, v48;
	v3 =	vmul.f32 $1.442695020e+00, v3;
	[tilespmem:s1+$0x0] =	vst v0  }
0x3fe: {  	v42 =	vsub.f32 v42, v46;
	v47 =	vmul.f32 $1.442695020e+00, v31;
	v31 =	vshrl.u32 v58, $0x3;
	v55 =	vld.idx.msk [tilespmem:v8+s21+$0x0], $0xffff;
	[tilespmem:$0x1FEF0] =	vst v9  }
0x3ff: {  	v19, _, _ =	vpop (xrf0);
	(erf) = vpow2.f32 v3;
	v3 =	vmul.u32 $0xC00, v31;
	v31 =	vand.u32 $0x300, v2;
	[tilespmem:s1+$0x10] =	vst v0  }
0x400: {  	v2 =	vshll.u32 v58, $0x7;
	v19 =	vbroadcast v19, $0xF;
	v56 =	vld.idx.msk [tilespmem:v9+s21+$0x0], $0xffff;
	v9 =	vand.u32 $0xFFFFFC00, v35;
	[tilespmem:$0x1FF00] =	vst v11  }
0x401: {  	v38 =	vand.u32 $0x7F, v40;
	v40 =	vshll.u32 v40, $0x3;
	v20 =	vadd.s32 $0x800, v3;
	[tilespmem:s1+$0x20] =	vst v0  }
0x402: {  	v2 =	vand.u32 $0x380, v2;
	v57 =	vld.idx.msk [tilespmem:v11+s21+$0x0], $0xffff;
	v40 =	vand.u32 $0xFFFFFC00, v40;
	[tilespmem:$0x1FF10] =	vst v10;
	v44 =	vor.u32 v44, v20  }
0x403: {  	v11 =	vand.u32 $0xFFFFFC00, v43;
	v1 =	vor.u32 v1, v20;
	v58 =	vld.idx.msk [tilespmem:v10+s21+$0x0], $0xffff;
	[tilespmem:s1+$0x30] =	vst v0;
	v10 =	vor.u32 v2, v44  }
0x404: {  	v45 =	vor.u32 v45, v20;
	v1 =	vor.u32 v2, v1;
	v59 =	vld [tilespmem:s7+$0xFFFFFF80];
	v35 =	vadd.s32 v21, v10  }
0x405: {  	v4 =	vor.u32 v4, v20;
	v20 =	vld [tilespmem:s7+$0xFFFFFF90];
	v21 =	vor.u32 v2, v45;
	v41 =	vadd.s32 v41, v1  }
0x406: {  	v61 =	vld [tilespmem:s7+$0xFFFFFFA0];
	v1 =	vor.u32 v2, v4;
	v43 =	vadd.s32 v36, v21;
	v21 =	vadd.s32 v3, v9  }
0x407: {  	v40 =	vadd.s32 v3, v40;
	v62 =	vld [tilespmem:s7+$0xFFFFFFB0];
	v18 =	vor.u32 v18, v21;
	v21 =	vadd.s32 v54, v1  }
0x408: {  	v63 =	vld [tilespmem:s5+$0xFFFFFF80];
	v1 =	vor.u32 v38, v40;
	v36 =	vor.u32 v2, v18;
	v18 =	vadd.s32 v3, v11  }
0x409: {  	v45 =	vor.u32 v2, v1;
	v3 =	vadd.s32 v3, v48;
	v1 =	vor.u32 v51, v18;
	v40 =	vld.idx.msk [tilespmem:v35+s21+$0x0], $0xffff  }
0x40a: {  	(erf) = vpow2.f32 v47;
	v44 =	vor.u32 v2, v1;
	v1 =	vor.u32 v53, v3;
	v47 =	vld.idx.msk [tilespmem:v41+s21+$0x0], $0xffff  }
0x40b: {  	v18 =	vmul.f32 $1.442695020e+00, v42;
	v3 =	vsub.f32 v37, v46;
	v42 =	vld.idx.msk [tilespmem:v43+s21+$0x0], $0xffff;
	v6 =	vor.u32 v2, v1  }
0x40c: {  	v48 =	vld.idx.msk [tilespmem:v21+s21+$0x0], $0xffff  }
0x40d: {  	v32 =	vsub.f32 v32, v19;
	(erf) = vpow2.f32 v18;
	v3 =	vmul.f32 $1.442695020e+00, v3;
	v18 =	vld.idx.msk [tilespmem:v36+s21+$0x0], $0xffff  }
0x40e: {  	v33 =	vsub.f32 v33, v19;
	v38 =	vadd.f32 v56, v50;
	v51 =	vld.idx.msk [tilespmem:v45+s21+$0x0], $0xffff  }
0x40f: {  	(erf) = vpow2.f32 v3;
	v3 =	vsub.f32 v34, v19;
	v34 =	vsub.f32 v39, v19;
	v19 =	vld.idx.msk [tilespmem:v44+s21+$0x0], $0xffff  }
0x410: {  	v37 =	vadd.f32 v57, v52;
	v46 =	vadd.f32 v58, v55;
	v8 =	vshll.u32 v59, $0x3;
	v11 =	vld.idx.msk [tilespmem:v6+s21+$0x0], $0xffff  }
0x411: {  	v9 =	vshll.u32 v20, $0x3;
	v10 =	vshll.u32 v61, $0x3;
	v20 =	vand.u32 $0x7F, v20  }
0x412: {  	v2 =	vadd.s32 $0x800, v49;
	v60 =	vand.u32 $0xFFFFFC00, v9;
	v9 =	vand.u32 $0x7F, v63  }
0x413: {  	v55 =	vand.u32 $0xFFFFFC00, v10;
	v50 =	vmax.f32 v38, v37;
	v52 =	vadd.s32 v49, v60;
	v39 =	vpop (erf)  }
0x414: {  	v4 =	vld [tilespmem:s5+$0xFFFFFF90];
	[tilespmem:v17+s25+$0x0] =	vst.idx.msk $0xffff, v39;
	v17 =	vand.u32 $0xFFFFFC00, v8;
	v40 =	vadd.f32 v40, v18;
	v42 =	vadd.f32 v42, v51  }
0x415: {  	v54 =	vld [tilespmem:s5+$0xFFFFFFA0];
	v8 =	vshll.u32 v62, $0x3;
	v47 =	vadd.f32 v47, v19;
	v48 =	vadd.f32 v48, v11  }
0x416: {  	v10 =	vadd.s32 v49, v55;
	v20 =	vor.u32 v20, v52;
	v53 =	vand.u32 $0xFFFFFC00, v8  }
0x417: {  	v17 =	vadd.s32 v49, v17;
	v56 =	vmax.f32 v40, v42;
	v57 =	vmax.f32 v47, v48  }
0x418: {  	[tilespmem:v16+s25+$0x0] =	vst.idx.add.f32.msk $0xffff, v39;
	v16 =	vpop (erf);
	v3 =	vmul.f32 $1.442695020e+00, v3;
	v11 =	vadd.s32 v49, v53;
	v49 =	vmax.f32 v56, v57  }
0x419: {  	[tilespmem:v30+s25+$0x0] =	vst.idx.msk $0xffff, v16;
	v30 =	vand.u32 $0x7F, v4;
	v4 =	vshll.u32 v4, $0x3;
	(xrf0) =	vmax.scan.msk.f32 $0xffff, v49  }
0x41a: {  	v18 =	vand.u32 $0x7F, v54;
	v30 =	vor.u32 v30, v2;
	[tilespmem:v28+s25+$0x0] =	vst.idx.add.f32.msk $0xffff, v16;
	v16 =	vpop (erf);
	v28 =	vand.u32 $0x7F, v59  }
0x41b: {  	v58 =	vld.idx.msk [tilespmem:v5+s21+$0x0], $0xffff;
	v59 =	vand.u32 $0x7F, v61;
	v4 =	vand.u32 $0xFFFFFC00, v4;
	[tilespmem:v29+s25+$0x0] =	vst.idx.msk $0xffff, v16;
	v29 =	vshll.u32 v63, $0x3  }
0x41c: {  	v17 =	vor.u32 v28, v17;
	v19 =	vor.u32 v9, v2;
	[tilespmem:v23+s25+$0x0] =	vst.idx.add.f32.msk $0xffff, v16;
	v16 =	vshll.u32 v54, $0x3;
	v61 =	vpop (erf)  }
0x41d: {  	v28 =	vld.idx.msk [tilespmem:v7+s21+$0x0], $0xffff;
	v23 =	vand.u32 $0x7F, v62;
	v19 =	vor.u32 v31, v19;
	[tilespmem:v27+s25+$0x0] =	vst.idx.msk $0xffff, v61;
	v27 =	vand.u32 $0xFFFFFC00, v29  }
0x41e: {  	v63 =	vand.u32 $0xFFFFFC00, v16;
	v23 =	vor.u32 v23, v11;
	[tilespmem:v22+s25+$0x0] =	vst.idx.add.f32.msk $0xffff, v61;
	v22 =	vor.u32 v31, v20;
	v29 =	vpop (erf)  }
0x41f: {  	s4 =	simm.s32 $0x0;
	v16 =	vor.u32 v31, v23;
	v23 =	vadd.s32 v27, v19;
	v19 =	vmul.f32 $1.442695020e+00, v32;
	[tilespmem:v26+s25+$0x0] =	vst.idx.msk $0xffff, v29;
	v20, _, _ =	vpop (xrf0)  }
0x420: {  	s1 =	smul.u32 $0x3000, s4;
	v18 =	vor.u32 v18, v2;
	[tilespmem:v24+s25+$0x0] =	vst.idx.add.f32.msk $0xffff, v29;
	v24 =	vmul.f32 $1.442695020e+00, v33;
	v26 =	vbroadcast v20, $0xF  }
0x421: {  	v60 =	vor.u32 v59, v10;
	v30 =	vor.u32 v31, v30;
	(erf) = vpow2.f32 v19  }
0x422: {  	s6 =	simm.s32 $0x380;
	v17 =	vor.u32 v31, v17;
	v27 =	vld [tilespmem:s5+$0xFFFFFFB0];
	s5 =	sshra.s32 s1, $0x2;
	(erf) = vpow2.f32 v24;
	v24 =	vsub.f32 v40, v26  }
0x423: {  	s1 =	sand.u32 $0x380, s6;
	s0 =	sadd.s32 $0x12800, s5;
	v49 =	vadd.f32 v28, v58;
	v20 =	vadd.s32 v4, v30;
	v30 =	vmul.f32 $1.442695020e+00, v34  }
0x424: {  	v62 =	vor.u32 v31, v18;
	s1 =	sor.u32 s1, s0;
	(erf) = vpow2.f32 v3;
	v3 =	vmul.f32 $1.442695020e+00, v24  }
0x425: {  	[tilespmem:s1+$0x0] =	vst v0;
	v28 =	vmax.f32 v46, v49;
	(erf) = vpow2.f32 v30;
	v24 =	vsub.f32 v42, v26  }
0x426: {  	[tilespmem:s1+$0x10] =	vst v0;
	v51 =	vld.idx.msk [tilespmem:v22+s21+$0x0], $0xffff;
	v28 =	vmax.f32 v50, v28;
	v30 =	vsub.f32 v47, v26;
	(erf) = vpow2.f32 v3  }
0x427: {  	[tilespmem:s1+$0x20] =	vst v0;
	v8 =	vand.u32 $0x7F, v27;
	(xrf0) =	vmax.scan.msk.f32 $0xffff, v28;
	v28 =	vld.idx.msk [tilespmem:v23+s21+$0x0], $0xffff;
	v24 =	vmul.f32 $1.442695020e+00, v24  }
0x428: {  	s30 =	simm.s32 $0x1A380;
	s7 =	simm.s32 $0x6;
	v18 =	vor.u32 v31, v60;
	[tilespmem:s1+$0x30] =	vst v0;
	v2 =	vor.u32 v8, v2;
	v4 =	vld.idx.msk [tilespmem:v17+s21+$0x0], $0xffff;
	v30 =	vmul.f32 $1.442695020e+00, v30  }
0x429: {  	v10 =	vld [tilespmem:s30+$0x0];
	(erf) = vpow2.f32 v24;
	v24 =	vshll.u32 v27, $0x3;
	v27 =	vmov s7  }
0x42a: {  	s1 =	simm.s32 $0x300;
	v11 =	vld [tilespmem:s30+$0x10];
	v2 =	vor.u32 v31, v2;
	v31 =	vshrl.u32 v27, $0x3;
	v27 =	vshll.u32 v27, $0x7  }
0x42b: {  	s18 =	sand.u32 $0x300, s1;
	v54 =	vld [tilespmem:s30+$0x20];
	v34 =	vpop (erf);
	(erf) = vpow2.f32 v30;
	v32 =	vand.u32 $0x300, v27;
	v27 =	vsub.f32 v48, v26  }
0x42c: {  	s31 =	simm.s32 $0x18380;
	s0 =	sor.u32 s18, s0;
	v33 =	vpop (erf);
	v3 =	vld.idx.msk [tilespmem:v20+s21+$0x0], $0xffff  }
0x42d: {  	s20 =	simm.s32 $0x7;
	v61 =	vld [tilespmem:s31+$0x0];
	[tilespmem:s0+$0x0] =	vst v0;
	v39 =	vmul.u32 $0xC00, v31;
	v26 =	vadd.f32 v28, v4;
	v31 =	vpop (erf);
	v4 =	vmul.f32 $1.442695020e+00, v27  }
0x42e: {  	v57 =	vmov s20;
	v19 =	vadd.s32 v63, v62;
	v62 =	vld [tilespmem:s31+$0x10];
	[tilespmem:s0+$0x10] =	vst v0;
	v30 =	vpop (erf)  }
0x42f: {  	v63 =	vld [tilespmem:s31+$0x30];
	[tilespmem:s0+$0x20] =	vst v0;
	v59 =	vpop (erf);
	(erf) = vpow2.f32 v4;
	v4 =	vshll.u32 v57, $0x7  }
0x430: {  	v50 =	vld.idx.msk [tilespmem:v18+s21+$0x0], $0xffff;
	[tilespmem:s0+$0x30] =	vst v0  }
0x431: {  	v28 =	vadd.f32 v3, v51;
	v3 =	vld [tilespmem:s31+$0x20];
	[tilespmem:v36+s25+$0x0] =	vst.idx.msk $0xffff, v59  }
0x432: {  	v58 =	vshrl.u32 v57, $0x3;
	v24 =	vand.u32 $0xFFFFFC00, v24;
	v55 =	vand.u32 $0x380, v4;
	[tilespmem:v35+s25+$0x0] =	vst.idx.add.f32.msk $0xffff, v59;
	v4 =	vpop (erf)  }
0x433: {  	v53 =	vmul.u32 $0xC00, v58;
	v9 =	vld.idx.msk [tilespmem:v19+s21+$0x0], $0xffff;
	v24 =	vadd.s32 v24, v2;
	v2, _, _ =	vpop (xrf0);
	[tilespmem:v45+s25+$0x0] =	vst.idx.msk $0xffff, v4  }
0x434: {  	[tilespmem:v43+s25+$0x0] =	vst.idx.add.f32.msk $0xffff, v4;
	v4 =	vpop (erf)  }
0x435: {  	v56 =	vld [tilespmem:s30+$0x30];
	v8 =	vadd.s32 $0x800, v53;
	v60 =	vand.u32 $0x7F, v61;
	v2 =	vbroadcast v2, $0xF;
	[tilespmem:v44+s25+$0x0] =	vst.idx.msk $0xffff, v4  }
0x436: {  	v25 =	vshll.u32 v10, $0x3;
	v1 =	vshll.u32 v54, $0x3;
	v58 =	vand.u32 $0x7F, v63;
	[tilespmem:v41+s25+$0x0] =	vst.idx.add.f32.msk $0xffff, v4  }
0x437: {  	v36 =	vsub.f32 v46, v2;
	v46 =	vshll.u32 v3, $0x3;
	v59 =	vand.u32 $0x7F, v3;
	v3 =	vld [tilespmem:$0x1FF20]  }
0x438: {  	v29 =	vld.idx.msk [tilespmem:v16+s21+$0x0], $0xffff;
	v54 =	vand.u32 $0x7F, v54;
	v1 =	vand.u32 $0xFFFFFC00, v1;
	v47 =	vshll.u32 v62, $0x3  }
0x439: {  	v52 =	vld [tilespmem:s30+$0xFFFFFF80];
	v40 =	vadd.s32 $0x800, v39;
	v27 =	vadd.f32 v9, v50;
	v9 =	vand.u32 $0x7F, v10  }
0x43a: {  	v48 =	vld [tilespmem:s31+$0xFFFFFF80];
	v10 =	vshll.u32 v56, $0x3;
	v56 =	vand.u32 $0x7F, v56;
	v38 =	vsub.f32 v38, v2  }
0x43b: {  	v14 =	vmovc v5;
	v51 =	vld [tilespmem:s31+$0xFFFFFFA0];
	v37 =	vsub.f32 v37, v2;
	v57 =	vand.u32 $0x7F, v62;
	v62 =	vshll.u32 v63, $0x3  }
0x43c: {  	v13 =	vmovc v15;
	v15 =	vmovc v7;
	v50 =	vld [tilespmem:s31+$0xFFFFFFB0];
	v35 =	vsub.f32 v49, v2;
	v2 =	vshll.u32 v11, $0x3;
	v11 =	vand.u32 $0x7F, v11  }
0x43d: {  	v63 =	vand.u32 $0xFFFFFC00, v10;
	v49 =	vld [tilespmem:s31+$0xFFFFFF90];
	v42 =	vor.u32 v11, v8;
	v43 =	vshll.u32 v61, $0x3;
	v61 =	vpop (erf)  }
0x43e: {  	v2 =	vand.u32 $0xFFFFFC00, v2;
	v45 =	vor.u32 v56, v8;
	v56 =	vld [tilespmem:s30+$0xFFFFFFA0];
	v4 =	vor.u32 v9, v8;
	[tilespmem:v6+s25+$0x0] =	vst.idx.msk $0xffff, v61  }
0x43f: {  	s0 =	simm.s32 $0x8;
	v41 =	vor.u32 v54, v8;
	v54 =	vld [tilespmem:s30+$0xFFFFFF90];
	[tilespmem:v3+s25+$0x0] =	vst.idx.msk $0xffff, v34;
	v3 =	vand.u32 $0xFFFFFC00, v25;
	v25 =	vmax.f32 v26, v28  }
.LBB2_8:
0x440: {  	v4 =	vor.u32 v55, v4  }
0x441: {  	v44 =	vand.u32 $0xFFFFFC00, v43;
	v47 =	vand.u32 $0xFFFFFC00, v47;
	v43 =	vadd.s32 v3, v4  }
0x442: {  	[tilespmem:v21+s25+$0x0] =	vst.idx.add.f32.msk $0xffff, v61;
	v3 =	vor.u32 v55, v42;
	v4 =	vand.u32 $0xFFFFFC00, v46;
	v21 =	vadd.s32 v53, v44  }
0x443: {  	v61 =	vld [tilespmem:s30+$0xFFFFFFB0];
	v10 =	vadd.s32 v53, v47;
	v42 =	vadd.s32 v2, v3;
	v2 =	vor.u32 v55, v41  }
0x444: {  	v41 =	vadd.s32 v1, v2;
	v1 =	vor.u32 v55, v45;
	v2 =	vor.u32 v60, v21  }
0x445: {  	v3 =	vand.u32 $0xFFFFFC00, v62;
	v21 =	vadd.s32 v63, v1;
	v47 =	vor.u32 v55, v2  }
0x446: {  	v1 =	vor.u32 v57, v10;
	v2 =	vadd.s32 v53, v4;
	v63 =	vand.u32 $0x7F, v54  }
0x447: {  	v5 =	vand.u32 $0x7F, v56;
	v46 =	vor.u32 v55, v1;
	v1 =	vor.u32 v59, v2  }
0x448: {  	v9 =	vld [tilespmem:$0x1FE80];
	v2 =	vadd.s32 v53, v3;
	v59 =	vand.u32 $0x7F, v52;
	v6 =	vand.u32 $0x7F, v61  }
0x449: {  	v63 =	vor.u32 v63, v40;
	v5 =	vor.u32 v5, v40;
	v45 =	vor.u32 v55, v1  }
0x44a: {  	v62 =	vld.idx.msk [tilespmem:v24+s21+$0x0], $0xffff;
	v1 =	vor.u32 v58, v2;
	v2 =	vshll.u32 v49, $0x3;
	v59 =	vor.u32 v59, v40  }
0x44b: {  	v6 =	vor.u32 v6, v40;
	v40 =	vand.u32 $0x7F, v49;
	v49 =	vshll.u32 v54, $0x3;
	v54 =	vld [tilespmem:$0x1FE60]  }
0x44c: {  	v10 =	vld [tilespmem:$0x1FED0]  }
0x44d: {  	v4 =	vld.idx.msk [tilespmem:v43+s21+$0x0], $0xffff  }
0x44e: {  	v53 =	vld.idx.msk [tilespmem:v42+s21+$0x0], $0xffff  }
0x44f: {  	v58 =	vld.idx.msk [tilespmem:v41+s21+$0x0], $0xffff  }
0x450: {  	[tilespmem:v9+s25+$0x0] =	vst.idx.add.f32.msk $0xffff, v34  }
0x451: {  	v44 =	vor.u32 v55, v1;
	v55 =	vld.idx.msk [tilespmem:v21+s21+$0x0], $0xffff  }
0x452: {  	v2 =	vand.u32 $0xFFFFFC00, v2;
	v60 =	vld.idx.msk [tilespmem:v47+s21+$0x0], $0xffff  }
0x453: {  	v2 =	vadd.s32 v39, v2;
	[tilespmem:v54+s25+$0x0] =	vst.idx.msk $0xffff, v33;
	v54 =	vld [tilespmem:$0x1FE90]  }
0x454: {  	v3 =	vshll.u32 v48, $0x3;
	v2 =	vor.u32 v40, v2;
	v40 =	vld [tilespmem:$0x1FE70]  }
0x455: {  	v11 =	vshll.u32 v51, $0x3;
	v1 =	vand.u32 $0xFFFFFC00, v3;
	v3 =	vshll.u32 v50, $0x3;
	v7 =	vld.idx.msk [tilespmem:v46+s21+$0x0], $0xffff  }
0x456: {  	v57 =	vand.u32 $0xFFFFFC00, v11;
	v3 =	vand.u32 $0xFFFFFC00, v3;
	v8 =	vld.idx.msk [tilespmem:v45+s21+$0x0], $0xffff  }
0x457: {  	v57 =	vadd.s32 v39, v57;
	v1 =	vadd.s32 v39, v1;
	v3 =	vadd.s32 v39, v3;
	v39 =	vld.idx.msk [tilespmem:v44+s21+$0x0], $0xffff;
	_ =	sdelay $0x1  }
0x458: {  	s3 =	sshrl.u32 s0, $0x3  }
0x459: {  	s3 =	smul.u32 $0x3000, s3;
	v34 =	vshll.u32 v52, $0x3;
	v52 =	vmovc v22;
	v22 =	vand.u32 $0x7F, v51;
	v51 =	vshll.u32 v56, $0x3;
	v56 =	vld [tilespmem:$0x1FEF0]  }
0x45a: {  	s1 =	sadd.s32 $0x100, s1;
	v48 =	vand.u32 $0x7F, v48;
	v4 =	vadd.f32 v4, v60;
	v7 =	vadd.f32 v53, v7;
	[tilespmem:v54+s25+$0x0] =	vst.idx.add.f32.msk $0xffff, v33  }
0x45b: {  	s5 =	sadd.s32 $0x80, s1;
	s3 =	sshra.s32 s3, $0x2;
	v10 =	vmov v10;
	v8 =	vadd.f32 v58, v8;
	v58 =	vld [tilespmem:$0x1FEA0];
	[tilespmem:v40+s25+$0x0] =	vst.idx.msk $0xffff, v31;
	v40 =	vadd.f32 v55, v39  }
0x45c: {  	s4 =	sand.u32 $0x300, s1;
	s5 =	sand.u32 $0x380, s5;
	s3 =	sadd.s32 $0x12800, s3;
	v11 =	vmov v18;
	v1 =	vor.u32 v48, v1;
	[tilespmem:$0x1FE60] =	vst v10;
	v33 =	vmov v23  }
0x45d: {  	s4 =	sor.u32 s4, s3;
	s3 =	sor.u32 s5, s3;
	v48 =	vld [tilespmem:$0x1FEE0];
	v18 =	vmax.f32 v4, v7;
	[tilespmem:$0x1FEF0] =	vst v33;
	v33 =	vor.u32 v22, v57;
	v22 =	vmax.f32 v8, v40  }
0x45e: {  	[tilespmem:s3+$0x0] =	vst v0;
	v10 =	vmovc v56;
	v56 =	vmov v20;
	v20 =	vand.u32 $0xFFFFFC00, v34;
	v34 =	vld [tilespmem:$0x1FEC0];
	v18 =	vmax.f32 v18, v22  }
0x45f: {  	[tilespmem:s3+$0x10] =	vst v0;
	(xrf0) =	vmax.scan.msk.f32 $0xffff, v18;
	v18 =	vor.u32 v32, v33;
	v33 =	vld [tilespmem:$0x1FEB0]  }
0x460: {  	v5 =	vor.u32 v32, v5;
	[tilespmem:s3+$0x20] =	vst v0;
	v53 =	vor.u32 v32, v59;
	v59 =	vld [tilespmem:$0x1FF10]  }
0x461: {  	s30 =	sadd.s32 $0x100, s30;
	v50 =	vand.u32 $0x7F, v50;
	v6 =	vor.u32 v32, v6;
	v1 =	vor.u32 v32, v1;
	[tilespmem:s3+$0x30] =	vst v0;
	v55 =	vld [tilespmem:$0x1FF00]  }
0x462: {  	v23 =	vshll.u32 v61, $0x3;
	v54 =	vor.u32 v32, v63;
	v63 =	vmul.f32 $1.442695020e+00, v38;
	[tilespmem:$0x1FF00] =	vst v56;
	v56 =	vld [tilespmem:s30+$0x20]  }
0x463: {  	v61 =	vmovc v19;
	v57 =	vand.u32 $0xFFFFFC00, v49;
	v60 =	vand.u32 $0xFFFFFC00, v23;
	[tilespmem:v58+s25+$0x0] =	vst.idx.add.f32.msk $0xffff, v31;
	v31 =	vand.u32 $0xFFFFFC00, v51  }
0x464: {  	[tilespmem:$0x1FF10] =	vst v61;
	v23 =	vadd.s32 v20, v53;
	v61 =	vld [tilespmem:s30+$0x30];
	v20 =	vadd.s32 v57, v54;
	v19 =	vadd.s32 v31, v5  }
0x465: {  	s31 =	sadd.s32 $0x100, s31;
	[tilespmem:$0x1FED0] =	vst v52;
	v54 =	vld [tilespmem:s30+$0x10];
	v5 =	vadd.f32 v62, v29;
	v29 =	vmul.f32 $1.442695020e+00, v37;
	v22 =	vor.u32 v32, v2  }
0x466: {  	[tilespmem:$0x1FEE0] =	vst v11;
	v3 =	vor.u32 v50, v3;
	(erf) = vpow2.f32 v63;
	v63 =	vld [tilespmem:s31+$0x20];
	v31 =	vmul.f32 $1.442695020e+00, v36  }
0x467: {  	v62 =	vld [tilespmem:s31+$0x10];
	v2 =	vor.u32 v32, v3;
	(erf) = vpow2.f32 v29;
	v39, _, _ =	vpop (xrf0);
	[tilespmem:v33+s25+$0x0] =	vst.idx.msk $0xffff, v30  }
0x468: {  	v52 =	vmov v48;
	(erf) = vpow2.f32 v31;
	v48 =	vbroadcast v39, $0xF;
	[tilespmem:v34+s25+$0x0] =	vst.idx.add.f32.msk $0xffff, v30  }
0x469: {  	s20 =	sadd.s32 $0x1, s0;
	[tilespmem:$0x1FE80] =	vst v10;
	v38 =	vmul.f32 $1.442695020e+00, v35;
	v36 =	vmovc v14;
	v3 =	vadd.s32 v60, v6;
	v6 =	vmov v15;
	v30 =	vld.idx.msk [tilespmem:v1+s21+$0x0], $0xffff  }
0x46a: {  	v58 =	vmov s20;
	v37 =	vmax.f32 v27, v5;
	[tilespmem:$0x1FEC0] =	vst v6;
	v10 =	vmovc v55;
	v4 =	vsub.f32 v4, v48;
	v6 =	vld.idx.msk [tilespmem:v22+s21+$0x0], $0xffff  }
0x46b: {  	[tilespmem:$0x1FE70] =	vst v52;
	v15 =	vmovc v24;
	v24 =	vmovc v3;
	v25 =	vmax.f32 v25, v37;
	v31 =	vmov s0;
	(erf) = vpow2.f32 v38;
	v3 =	vld.idx.msk [tilespmem:v18+s21+$0x0], $0xffff  }
0x46c: {  	v14 =	vmovc v16;
	v9 =	vshll.u32 v61, $0x3;
	(xrf0) =	vmax.scan.msk.f32 $0xffff, v25;
	v7 =	vsub.f32 v7, v48;
	v29 =	vld.idx.msk [tilespmem:v2+s21+$0x0], $0xffff;
	v50 =	vmul.f32 $1.442695020e+00, v4  }
0x46d: {  	v16 =	vmovc v2;
	v11 =	vand.u32 $0x7F, v56;
	[tilespmem:$0x1FE90] =	vst v10;
	v57 =	vshrl.u32 v31, $0x3;
	v31 =	vshll.u32 v31, $0x7;
	v10 =	vmovc v59;
	v2 =	vld.idx.msk [tilespmem:v23+s21+$0x0], $0xffff  }
0x46e: {  	[tilespmem:$0x1FEA0] =	vst v10;
	v8 =	vsub.f32 v8, v48;
	v49 =	vld.idx.msk [tilespmem:v19+s21+$0x0], $0xffff;
	v7 =	vmul.f32 $1.442695020e+00, v7;
	(erf) = vpow2.f32 v50  }
0x46f: {  	v12 =	vand.u32 $0x7F, v61;
	v32 =	vand.u32 $0x300, v31;
	v59 =	vshrl.u32 v58, $0x3;
	v34 =	vpop (erf);
	v25 =	vld.idx.msk [tilespmem:v20+s21+$0x0], $0xffff;
	[tilespmem:s4+$0x0] =	vst v0  }
0x470: {  	v35 =	vsub.f32 v40, v48;
	[tilespmem:s4+$0x10] =	vst v0;
	v33 =	vpop (erf);
	v8 =	vmul.f32 $1.442695020e+00, v8;
	(erf) = vpow2.f32 v7  }
0x471: {  	v52 =	vld [tilespmem:s30+$0x0];
	v53 =	vmul.u32 $0xC00, v59;
	v59 =	vand.u32 $0x7F, v63;
	v10 =	vand.u32 $0x7F, v54;
	[tilespmem:s4+$0x20] =	vst v0;
	v31 =	vpop (erf)  }
0x472: {  	v39 =	vmul.u32 $0xC00, v57;
	[tilespmem:s4+$0x30] =	vst v0;
	v35 =	vmul.f32 $1.442695020e+00, v35;
	v4, _, _ =	vpop (xrf0);
	(erf) = vpow2.f32 v8  }
0x473: {  	[tilespmem:v13+s25+$0x0] =	vst.idx.msk $0xffff, v34;
	v13 =	vmovc v17;
	v17 =	vmov v1;
	v1 =	vld [tilespmem:s31+$0x30];
	v4 =	vbroadcast v4, $0xF;
	v3 =	vadd.f32 v49, v3  }
0x474: {  	v57 =	vand.u32 $0x7F, v62;
	v48 =	vld [tilespmem:s31+$0xFFFFFF80];
	v2 =	vadd.f32 v2, v30;
	v30 =	vpop (erf);
	(erf) = vpow2.f32 v35  }
0x475: {  	v40 =	vadd.s32 $0x800, v39;
	v7 =	vld [tilespmem:s31+$0x0];
	v6 =	vadd.f32 v25, v6;
	v38 =	vsub.f32 v26, v4  }
0x476: {  	[tilespmem:$0x1FEB0] =	vst v36;
	v51 =	vld [tilespmem:s31+$0xFFFFFFA0];
	v8 =	vand.u32 $0x7F, v52;
	v37 =	vsub.f32 v28, v4;
	v36 =	vsub.f32 v27, v4  }
0x477: {  	v50 =	vld [tilespmem:s31+$0xFFFFFFB0];
	v35 =	vsub.f32 v5, v4;
	v4 =	vshll.u32 v54, $0x3;
	v27 =	vmov v3;
	v3 =	vpop (erf)  }
0x478: {  	v49 =	vld [tilespmem:s31+$0xFFFFFF90];
	v5 =	vshll.u32 v56, $0x3;
	v25 =	vmax.f32 v2, v6;
	v26 =	vmovc v2;
	v2 =	vshll.u32 v58, $0x7;
	[tilespmem:v47+s25+$0x0] =	vst.idx.msk $0xffff, v3  }
0x479: {  	p0 =	slt.u32 s0, $0x3E;
	v28 =	vmov v6;
	v6 =	vadd.s32 $0x800, v53;
	v58 =	vand.u32 $0x7F, v1;
	[tilespmem:v43+s25+$0x0] =	vst.idx.add.f32.msk $0xffff, v3;
	v3 =	vpop (erf)  }
.Ltmp3:
0x47a: {  	v54 =	vld [tilespmem:s30+$0xFFFFFF90];
	v55 =	vand.u32 $0x380, v2;
	v2 =	vshll.u32 v52, $0x3;
	v60 =	vand.u32 $0x7F, v7;
	[tilespmem:v46+s25+$0x0] =	vst.idx.msk $0xffff, v3;
	(pc) =	sbr.rel @p0 .LBB2_8-.Ltmp3, $4  }
0x47b: {  	v47 =	vshll.u32 v62, $0x3;
	v62 =	vshll.u32 v1, $0x3;
	v43 =	vshll.u32 v7, $0x3;
	v7 =	vpop (erf);
	[tilespmem:v42+s25+$0x0] =	vst.idx.add.f32.msk $0xffff, v3  }
0x47c: {  	v56 =	vld [tilespmem:s30+$0xFFFFFFA0];
	v1 =	vand.u32 $0xFFFFFC00, v5;
	v46 =	vshll.u32 v63, $0x3;
	v3 =	vand.u32 $0xFFFFFC00, v2;
	[tilespmem:v45+s25+$0x0] =	vst.idx.msk $0xffff, v7  }
0x47d: {  	v2 =	vand.u32 $0xFFFFFC00, v4;
	v4 =	vor.u32 v8, v6;
	v42 =	vor.u32 v10, v6;
	v61 =	vpop (erf);
	[tilespmem:v41+s25+$0x0] =	vst.idx.add.f32.msk $0xffff, v7  }
0x47e: {  	s0 =	sadd.s32 $0x2, s0;
	v52 =	vld [tilespmem:s30+$0xFFFFFF80];
	v63 =	vand.u32 $0xFFFFFC00, v9;
	v45 =	vor.u32 v12, v6;
	v41 =	vor.u32 v11, v6;
	[tilespmem:v44+s25+$0x0] =	vst.idx.msk $0xffff, v61  }
0x47f: {  	v5 =	vand.u32 $0xFFFFFC00, v43;
	v4 =	vor.u32 v55, v4;
	v6 =	vor.u32 v55, v42  }
0x480: {  	v43 =	vadd.s32 v3, v4;
	v42 =	vadd.s32 v2, v6;
	v2 =	vadd.s32 v53, v5  }
0x481: {  	v3 =	vand.u32 $0xFFFFFC00, v47;
	v4 =	vand.u32 $0xFFFFFC00, v46;
	v2 =	vor.u32 v60, v2  }
0x482: {  	v5 =	vor.u32 v55, v41;
	v6 =	vand.u32 $0xFFFFFC00, v62;
	v46 =	vor.u32 v55, v2  }
0x483: {  	v44 =	vadd.s32 v1, v5;
	v1 =	vor.u32 v55, v45;
	v2 =	vadd.s32 v53, v3  }
0x484: {  	v41 =	vadd.s32 v63, v1;
	v1 =	vor.u32 v57, v2;
	v2 =	vadd.s32 v53, v4  }
0x485: {  	v57 =	vor.u32 v55, v1;
	v1 =	vor.u32 v59, v2;
	v2 =	vadd.s32 v53, v6;
	v3 =	vld.idx.msk [tilespmem:v43+s21+$0x0], $0xffff  }
0x486: {  	v4 =	vld.idx.msk [tilespmem:v42+s21+$0x0], $0xffff;
	v47 =	vor.u32 v55, v1;
	v1 =	vor.u32 v58, v2  }
0x487: {  	v45 =	vor.u32 v55, v1;
	v1 =	vld.idx.msk [tilespmem:v46+s21+$0x0], $0xffff  }
0x488: {  	v2 =	vld.idx.msk [tilespmem:v44+s21+$0x0], $0xffff  }
0x489: {  	v5 =	vld.idx.msk [tilespmem:v41+s21+$0x0], $0xffff  }
0x48a: {  	v6 =	vld.idx.msk [tilespmem:v57+s21+$0x0], $0xffff  }
0x48b: {  	v8 =	vld.idx.msk [tilespmem:v47+s21+$0x0], $0xffff  }
0x48c: {  	v1 =	vadd.f32 v3, v1;
	v3 =	vld.idx.msk [tilespmem:v45+s21+$0x0], $0xffff  }
0x48d: {  	v7 =	vshll.u32 v48, $0x3;
	v9 =	vshll.u32 v49, $0x3;
	v10 =	vshll.u32 v51, $0x3  }
0x48e: {  	v11 =	vshll.u32 v50, $0x3;
	[tilespmem:v21+s25+$0x0] =	vst.idx.add.f32.msk $0xffff, v61;
	v61 =	vmul.f32 $1.442695020e+00, v38;
	v7 =	vand.u32 $0xFFFFFC00, v7  }
0x48f: {  	v9 =	vand.u32 $0xFFFFFC00, v9;
	v10 =	vand.u32 $0xFFFFFC00, v10;
	v11 =	vand.u32 $0xFFFFFC00, v11  }
0x490: {  	v62 =	vand.u32 $0x7F, v51;
	v7 =	vadd.s32 v39, v7;
	v4 =	vadd.f32 v4, v6  }
0x491: {  	v9 =	vadd.s32 v39, v9;
	v2 =	vadd.f32 v2, v8;
	v3 =	vadd.f32 v5, v3  }
0x492: {  	v12 =	vld [tilespmem:s30+$0xFFFFFFB0];
	v10 =	vadd.s32 v39, v10;
	v58 =	vand.u32 $0x7F, v48;
	v55 =	vand.u32 $0x7F, v56  }
0x493: {  	v8 =	vor.u32 v55, v40;
	v63 =	vmax.f32 v1, v4;
	v55 =	vmax.f32 v2, v3  }
0x494: {  	v60 =	vand.u32 $0x7F, v49;
	v7 =	vor.u32 v58, v7;
	v58 =	vmax.f32 v63, v55  }
0x495: {  	v11 =	vadd.s32 v39, v11;
	(erf) = vpow2.f32 v61;
	v9 =	vor.u32 v60, v9;
	(xrf0) =	vmax.scan.msk.f32 $0xffff, v58  }
0x496: {  	v10 =	vor.u32 v62, v10;
	v60 =	vshll.u32 v54, $0x3;
	v62 =	vand.u32 $0x7F, v50  }
0x497: {  	v11 =	vor.u32 v62, v11;
	v59 =	vand.u32 $0x7F, v12;
	v12 =	vshll.u32 v12, $0x3  }
0x498: {  	v49 =	vand.u32 $0xFFFFFC00, v60;
	v60 =	vor.u32 v32, v11;
	v12 =	vand.u32 $0xFFFFFC00, v12  }
0x499: {  	v39 =	vor.u32 v32, v7;
	v6 =	vand.u32 $0x7F, v54;
	v54 =	vld.idx.msk [tilespmem:v24+s21+$0x0], $0xffff;
	v5 =	vand.u32 $0x7F, v52  }
0x49a: {  	v53 =	vld [tilespmem:$0x1FE80];
	v6 =	vor.u32 v6, v40;
	v7 =	vor.u32 v32, v8;
	v5 =	vor.u32 v5, v40  }
0x49b: {  	v40 =	vor.u32 v59, v40;
	v59 =	vshll.u32 v52, $0x3;
	v63 =	vshll.u32 v56, $0x3;
	v62, _, _ =	vpop (xrf0)  }
0x49c: {  	v55 =	vor.u32 v32, v40;
	v56 =	vand.u32 $0xFFFFFC00, v59;
	v11 =	vbroadcast v62, $0xF  }
0x49d: {  	v59 =	vand.u32 $0xFFFFFC00, v63;
	v8 =	vadd.s32 v12, v55;
	v12 =	vmul.f32 $1.442695020e+00, v37  }
0x49e: {  	v63 =	vadd.f32 v54, v29;
	v29 =	vmul.f32 $1.442695020e+00, v36;
	v1 =	vsub.f32 v1, v11  }
0x49f: {  	v35 =	vmul.f32 $1.442695020e+00, v35;
	(erf) = vpow2.f32 v12;
	v4 =	vsub.f32 v4, v11  }
0x4a0: {  	(erf) = vpow2.f32 v29;
	v1 =	vmul.f32 $1.442695020e+00, v1  }
0x4a1: {  	(erf) = vpow2.f32 v35;
	v4 =	vmul.f32 $1.442695020e+00, v4  }
0x4a2: {  	[tilespmem:v53+s25+$0x0] =	vst.idx.add.f32.msk $0xffff, v34;
	(erf) = vpow2.f32 v1  }
0x4a3: {  	(erf) = vpow2.f32 v4;
	v4 =	vld [tilespmem:$0x1FE60];
	_ =	sdelay $0x7  }
0x4a4: {  	[tilespmem:v4+s25+$0x0] =	vst.idx.msk $0xffff, v33  }
0x4a5: {  	v4 =	vld [tilespmem:$0x1FE90];
	_ =	sdelay $0x4  }
0x4a6: {  	v2 =	vsub.f32 v2, v11;
	_ =	sdelay $0x1  }
0x4a7: {  	v5 =	vor.u32 v32, v5;
	v2 =	vmul.f32 $1.442695020e+00, v2  }
0x4a8: {  	v5 =	vadd.s32 v56, v5;
	[tilespmem:v4+s25+$0x0] =	vst.idx.add.f32.msk $0xffff, v33  }
0x4a9: {  	v4 =	vpop (erf);
	(erf) = vpow2.f32 v2;
	v2 =	vld [tilespmem:$0x1FE70];
	_ =	sdelay $0x2  }
0x4aa: {  	v21 =	vld.idx.msk [tilespmem:v39+s21+$0x0], $0xffff  }
0x4ab: {  	v29 =	vld.idx.msk [tilespmem:v5+s21+$0x0], $0xffff;
	_ =	sdelay $0x3  }
0x4ac: {  	[tilespmem:v2+s25+$0x0] =	vst.idx.msk $0xffff, v31  }
0x4ad: {  	v54 =	vadd.f32 v29, v21;
	v21 =	vld [tilespmem:$0x1FEA0];
	_ =	sdelay $0x4  }
0x4ae: {  	v3 =	vsub.f32 v3, v11;
	_ =	sdelay $0x1  }
0x4af: {  	v3 =	vmul.f32 $1.442695020e+00, v3  }
0x4b0: {  	[tilespmem:v21+s25+$0x0] =	vst.idx.add.f32.msk $0xffff, v31  }
0x4b1: {  	v21 =	vpop (erf);
	(erf) = vpow2.f32 v3;
	v3 =	vld [tilespmem:$0x1FEB0]  }
0x4b2: {  	v40 =	vor.u32 v32, v9  }
0x4b3: {  	v6 =	vor.u32 v32, v6;
	v58 =	vor.u32 v32, v10  }
0x4b4: {  	v6 =	vadd.s32 v49, v6;
	v12 =	vld.idx.msk [tilespmem:v60+s21+$0x0], $0xffff  }
0x4b5: {  	v1 =	vld.idx.msk [tilespmem:v8+s21+$0x0], $0xffff  }
0x4b6: {  	v7 =	vadd.s32 v59, v7  }
0x4b7: {  	v50 =	vmax.f32 v27, v63;
	v49 =	vld.idx.msk [tilespmem:v40+s21+$0x0], $0xffff  }
0x4b8: {  	v25 =	vmax.f32 v25, v50;
	v51 =	vld.idx.msk [tilespmem:v58+s21+$0x0], $0xffff  }
0x4b9: {  	(xrf0) =	vmax.scan.msk.f32 $0xffff, v25;
	v25 =	vld.idx.msk [tilespmem:v6+s21+$0x0], $0xffff;
	[tilespmem:v3+s25+$0x0] =	vst.idx.msk $0xffff, v30  }
0x4ba: {  	v1 =	vadd.f32 v1, v12;
	v12 =	vld [tilespmem:$0x1FEC0]  }
0x4bb: {  	v52 =	vld.idx.msk [tilespmem:v7+s21+$0x0], $0xffff;
	_ =	sdelay $0x4  }
0x4bc: {  	v9 =	vadd.f32 v25, v49;
	v25 =	vadd.f32 v52, v51;
	_ =	sdelay $0x1  }
0x4bd: {  	v29 =	vmax.f32 v54, v9;
	v3 =	vpop (erf);
	[tilespmem:v12+s25+$0x0] =	vst.idx.add.f32.msk $0xffff, v30;
	v30 =	vmax.f32 v25, v1  }
0x4be: {  	v12 =	vpop (erf);
	v29 =	vmax.f32 v29, v30  }
0x4bf: {  	[tilespmem:v13+s25+$0x0] =	vst.idx.msk $0xffff, v4;
	v31 =	vpop (erf)  }
0x4c0: {  	v2, _, _ =	vpop (xrf0);
	[tilespmem:v46+s25+$0x0] =	vst.idx.msk $0xffff, v31  }
0x4c1: {  	v2 =	vbroadcast v2, $0xF;
	(xrf0) =	vmax.scan.msk.f32 $0xffff, v29;
	[tilespmem:v43+s25+$0x0] =	vst.idx.add.f32.msk $0xffff, v31;
	v29 =	vpop (erf)  }
0x4c2: {  	[tilespmem:v57+s25+$0x0] =	vst.idx.msk $0xffff, v29  }
0x4c3: {  	v26 =	vsub.f32 v26, v2;
	v27 =	vsub.f32 v27, v2;
	[tilespmem:v42+s25+$0x0] =	vst.idx.add.f32.msk $0xffff, v29;
	v29 =	vpop (erf)  }
0x4c4: {  	[tilespmem:v47+s25+$0x0] =	vst.idx.msk $0xffff, v29  }
0x4c5: {  	v26 =	vmul.f32 $1.442695020e+00, v26;
	[tilespmem:v44+s25+$0x0] =	vst.idx.add.f32.msk $0xffff, v29;
	v29 =	vpop (erf)  }
0x4c6: {  	[tilespmem:v45+s25+$0x0] =	vst.idx.msk $0xffff, v29  }
0x4c7: {  	(erf) = vpow2.f32 v26;
	v26 =	vmul.f32 $1.442695020e+00, v27;
	v27, _, _ =	vpop (xrf0);
	[tilespmem:v41+s25+$0x0] =	vst.idx.add.f32.msk $0xffff, v29  }
0x4c8: {  	v55 =	vbroadcast v27, $0xF;
	v27 =	vld [tilespmem:$0x1FEF0];
	_ =	sdelay $0x7  }
0x4c9: {  	[tilespmem:v27+s25+$0x0] =	vst.idx.add.f32.msk $0xffff, v4  }
0x4ca: {  	v4 =	vld [tilespmem:$0x1FED0];
	_ =	sdelay $0x7  }
0x4cb: {  	[tilespmem:v4+s25+$0x0] =	vst.idx.msk $0xffff, v21  }
0x4cc: {  	v56 =	vld [tilespmem:$0x1FF00];
	_ =	sdelay $0x7  }
0x4cd: {  	[tilespmem:v56+s25+$0x0] =	vst.idx.add.f32.msk $0xffff, v21  }
0x4ce: {  	v11 =	vld [tilespmem:$0x1FEE0];
	_ =	sdelay $0x5  }
0x4cf: {  	v28 =	vsub.f32 v28, v2;
	_ =	sdelay $0x1  }
0x4d0: {  	v28 =	vmul.f32 $1.442695020e+00, v28;
	[tilespmem:v11+s25+$0x0] =	vst.idx.msk $0xffff, v3  }
0x4d1: {  	v2 =	vsub.f32 v63, v2;
	v57 =	vld [tilespmem:$0x1FF10]  }
0x4d2: {  	(erf) = vpow2.f32 v28  }
0x4d3: {  	v2 =	vmul.f32 $1.442695020e+00, v2;
	v4 =	vsub.f32 v54, v55  }
0x4d4: {  	(erf) = vpow2.f32 v26  }
0x4d5: {  	(erf) = vpow2.f32 v2;
	v2 =	vsub.f32 v9, v55;
	v4 =	vmul.f32 $1.442695020e+00, v4;
	_ =	sdelay $0x1  }
0x4d6: {  	v2 =	vmul.f32 $1.442695020e+00, v2;
	_ =	sdelay $0x1  }
0x4d7: {  	(erf) = vpow2.f32 v4;
	v4 =	vpop (erf);
	[tilespmem:v57+s25+$0x0] =	vst.idx.add.f32.msk $0xffff, v3;
	v3 =	vsub.f32 v25, v55  }
0x4d8: {  	[tilespmem:v17+s25+$0x0] =	vst.idx.msk $0xffff, v4  }
0x4d9: {  	v1 =	vsub.f32 v1, v55;
	(erf) = vpow2.f32 v2;
	v2 =	vpop (erf);
	[tilespmem:v23+s25+$0x0] =	vst.idx.add.f32.msk $0xffff, v4;
	v3 =	vmul.f32 $1.442695020e+00, v3  }
0x4da: {  	[tilespmem:v22+s25+$0x0] =	vst.idx.msk $0xffff, v2  }
0x4db: {  	v1 =	vmul.f32 $1.442695020e+00, v1;
	[tilespmem:v20+s25+$0x0] =	vst.idx.add.f32.msk $0xffff, v2  }
0x4dc: {  	[tilespmem:v14+s25+$0x0] =	vst.idx.msk $0xffff, v12;
	(erf) = vpow2.f32 v3  }
0x4dd: {  	[tilespmem:v15+s25+$0x0] =	vst.idx.add.f32.msk $0xffff, v12;
	v3 =	vpop (erf)  }
0x4de: {  	(erf) = vpow2.f32 v1;
	[tilespmem:v18+s25+$0x0] =	vst.idx.msk $0xffff, v3  }
0x4df: {  	v1 =	vpop (erf);
	[tilespmem:v19+s25+$0x0] =	vst.idx.add.f32.msk $0xffff, v3  }
0x4e0: {  	[tilespmem:v16+s25+$0x0] =	vst.idx.msk $0xffff, v1  }
0x4e1: {  	[tilespmem:v24+s25+$0x0] =	vst.idx.add.f32.msk $0xffff, v1;
	v1 =	vpop (erf)  }
0x4e2: {  	[tilespmem:v39+s25+$0x0] =	vst.idx.msk $0xffff, v1  }
0x4e3: {  	v2 =	vpop (erf);
	[tilespmem:v5+s25+$0x0] =	vst.idx.add.f32.msk $0xffff, v1  }
0x4e4: {  	[tilespmem:v40+s25+$0x0] =	vst.idx.msk $0xffff, v2  }
0x4e5: {  	v1 =	vpop (erf);
	[tilespmem:v6+s25+$0x0] =	vst.idx.add.f32.msk $0xffff, v2  }
0x4e6: {  	[tilespmem:v58+s25+$0x0] =	vst.idx.msk $0xffff, v1  }
0x4e7: {  	v2 =	vpop (erf);
	[tilespmem:v7+s25+$0x0] =	vst.idx.add.f32.msk $0xffff, v1  }
0x4e8: {  	[tilespmem:v60+s25+$0x0] =	vst.idx.msk $0xffff, v2  }
0x4e9: {  	s0 =	simm.s32 $0x0;
	[tilespmem:v8+s25+$0x0] =	vst.idx.add.f32.msk $0xffff, v2  }
0x4ea: {  	[hbm4b:s13+s0] =	stream.linear.scatter [tilespmem:s25], [sflag:$0x4], $0x6000, $0x38;
	[tilespmem:$0x1C000] =	vst v63  }
0x4eb: {  	_ = 	snop  }
0x4ec: {  	[tilespmem:s21], [sflag:$0x2] =	stream.linear.gather [hbm4b:s14+s0], $0x6000, $0x38;
	[tilespmem:$0x1C000] =	vst v63  }
0x4ed: {  	s1 =	simm.s32 $0x0;
	_ =	swait.ge [sflag:s22], $0x6000  }
0x4ee: {  	s1 =	smul.u32 $0x3000, s1;
	[sflag:s22] =	ssyncset.done $0x0  }
0x4ef: {  	[sflag:s22] =	ssyncadd.s32 $0xFFFFA000  }
0x4f0: {  	s3 =	simm.s32 $0x80;
	s1 =	sshra.s32 s1, $0x2;
	_ =	swait.ge [sflag:s26], $0x6000  }
0x4f1: {  	s6 =	sand.u32 $0x380, s3;
	s4 =	sadd.s32 $0xC800, s1;
	[sflag:s26] =	ssyncset.done $0x0  }
0x4f2: {  	s3 =	sor.u32 s6, s4;
	[sflag:s26] =	ssyncadd.s32 $0xFFFFA000  }
0x4f3: {  	[tilespmem:s3+$0x0] =	vst v0  }
0x4f4: {  	[tilespmem:s3+$0x10] =	vst v0  }
0x4f5: {  	[tilespmem:s3+$0x20] =	vst v0  }
0x4f6: {  	s7 =	simm.s32 $0x1A080;
	[tilespmem:s3+$0x30] =	vst v0  }
0x4f7: {  	v1 =	vld [tilespmem:s7+$0x0]  }
0x4f8: {  	v2 =	vld [tilespmem:s7+$0x10]  }
0x4f9: {  	v3 =	vld [tilespmem:s7+$0x20]  }
0x4fa: {  	s18 =	simm.s32 $0x18080;
	v4 =	vld [tilespmem:s7+$0x30]  }
0x4fb: {  	s5 =	simm.s32 $0x1;
	v5 =	vld [tilespmem:s18+$0x0]  }
0x4fc: {  	v6 =	vmov s5;
	v7 =	vld [tilespmem:s18+$0x10]  }
0x4fd: {  	v58 =	vshrl.u32 v6, $0x3;
	v59 =	vld [tilespmem:s18+$0x20]  }
0x4fe: {  	v60 =	vmul.u32 $0xC00, v58;
	v61 =	vld [tilespmem:s18+$0x30]  }
0x4ff: {  	v6 =	vshll.u32 v6, $0x7  }
0x500: {  	v6 =	vand.u32 $0x380, v6;
	v62 =	vadd.s32 $0x800, v60  }
0x501: {  	s20 =	sand.u32 $0x300, s0;
	v12 =	vand.u32 $0x7F, v5;
	v13 =	vshll.u32 v1, $0x3;
	v14 =	vand.u32 $0x7F, v7  }
0x502: {  	s4 =	sor.u32 s20, s4;
	v15 =	vshll.u32 v2, $0x3;
	v17 =	vand.u32 $0x7F, v59;
	v16 =	vshll.u32 v3, $0x3  }
0x503: {  	[tilespmem:s4+$0x0] =	vst v0;
	v1 =	vand.u32 $0x7F, v1;
	v22 =	vand.u32 $0x7F, v61;
	v18 =	vshll.u32 v4, $0x3  }
0x504: {  	[tilespmem:s4+$0x10] =	vst v0;
	v2 =	vand.u32 $0x7F, v2;
	v3 =	vand.u32 $0x7F, v3;
	v4 =	vand.u32 $0x7F, v4  }
0x505: {  	[tilespmem:s4+$0x20] =	vst v0;
	v5 =	vshll.u32 v5, $0x3;
	v7 =	vshll.u32 v7, $0x3;
	v9 =	vshll.u32 v59, $0x3  }
0x506: {  	[tilespmem:s4+$0x30] =	vst v0;
	v20 =	vshll.u32 v61, $0x3;
	v13 =	vand.u32 $0xFFFFFC00, v13;
	v15 =	vand.u32 $0xFFFFFC00, v15  }
0x507: {  	v23 =	vld [tilespmem:s18+$0xFFFFFF80];
	v1 =	vor.u32 v1, v62;
	v2 =	vor.u32 v2, v62;
	v16 =	vand.u32 $0xFFFFFC00, v16  }
0x508: {  	v24 =	vld [tilespmem:s18+$0xFFFFFF90];
	v3 =	vor.u32 v3, v62;
	v21 =	vand.u32 $0xFFFFFC00, v18;
	v4 =	vor.u32 v4, v62  }
0x509: {  	v63 =	vld [tilespmem:s18+$0xFFFFFFA0];
	v5 =	vand.u32 $0xFFFFFC00, v5;
	v7 =	vand.u32 $0xFFFFFC00, v7;
	v1 =	vor.u32 v6, v1  }
0x50a: {  	v25 =	vld [tilespmem:s18+$0xFFFFFFB0];
	v5 =	vadd.s32 v60, v5;
	v8 =	vadd.s32 v13, v1;
	v1 =	vor.u32 v6, v2  }
0x50b: {  	v7 =	vadd.s32 v60, v7;
	v13 =	vld [tilespmem:s7+$0xFFFFFF80];
	v5 =	vor.u32 v12, v5;
	v19 =	vadd.s32 v15, v1  }
0x50c: {  	v2 =	vand.u32 $0xFFFFFC00, v9;
	v1 =	vor.u32 v6, v3;
	v15 =	vld [tilespmem:s7+$0xFFFFFF90];
	v9 =	vor.u32 v6, v5  }
0x50d: {  	v3 =	vand.u32 $0xFFFFFC00, v20;
	v18 =	vadd.s32 v16, v1;
	v1 =	vor.u32 v6, v4;
	v4 =	vld [tilespmem:s7+$0xFFFFFFA0]  }
0x50e: {  	v5 =	vor.u32 v14, v7;
	v2 =	vadd.s32 v60, v2;
	v16 =	vadd.s32 v21, v1;
	v1 =	vld [tilespmem:s7+$0xFFFFFFB0]  }
0x50f: {  	v2 =	vor.u32 v17, v2;
	v3 =	vadd.s32 v60, v3;
	v21 =	vor.u32 v6, v5;
	v7 =	vld.idx.msk [tilespmem:v8+s2+$0x0], $0xffff  }
0x510: {  	v20 =	vor.u32 v6, v2;
	v2 =	vor.u32 v22, v3;
	v5 =	vld.idx.msk [tilespmem:v19+s2+$0x0], $0xffff  }
0x511: {  	v17 =	vor.u32 v6, v2;
	v12 =	vld.idx.msk [tilespmem:v9+s2+$0x0], $0xffff  }
0x512: {  	v27 =	vshll.u32 v23, $0x3;
	v28 =	vshll.u32 v24, $0x3;
	v3 =	vld.idx.msk [tilespmem:v18+s2+$0x0], $0xffff  }
0x513: {  	v30 =	vshll.u32 v63, $0x3;
	v31 =	vshll.u32 v25, $0x3;
	v23 =	vand.u32 $0x7F, v23;
	v6 =	vld.idx.msk [tilespmem:v16+s2+$0x0], $0xffff  }
0x514: {  	v24 =	vand.u32 $0x7F, v24;
	v11 =	vand.u32 $0x7F, v63;
	v25 =	vand.u32 $0x7F, v25;
	v41 =	vld.idx.msk [tilespmem:v21+s2+$0x0], $0xffff  }
0x515: {  	v27 =	vand.u32 $0xFFFFFC00, v27;
	v28 =	vand.u32 $0xFFFFFC00, v28;
	v2 =	vmov s0;
	v22 =	vld.idx.msk [tilespmem:v20+s2+$0x0], $0xffff  }
0x516: {  	s5 =	simm.s32 $0x0;
	v30 =	vand.u32 $0xFFFFFC00, v30;
	v31 =	vand.u32 $0xFFFFFC00, v31;
	v40 =	vshrl.u32 v2, $0x3;
	v29 =	vld.idx.msk [tilespmem:v17+s2+$0x0], $0xffff  }
0x517: {  	s0 =	smul.u32 $0x3000, s5;
	v2 =	vshll.u32 v2, $0x7;
	v42 =	vand.u32 $0x7F, v13;
	v14 =	vmul.u32 $0xC00, v40  }
0x518: {  	v13 =	vshll.u32 v13, $0x3;
	v2 =	vand.u32 $0x300, v2;
	v43 =	vand.u32 $0x7F, v15  }
0x519: {  	s6 =	simm.s32 $0x180;
	s0 =	sshra.s32 s0, $0x2;
	v15 =	vshll.u32 v15, $0x3;
	v44 =	vand.u32 $0x7F, v4;
	v26 =	vadd.s32 $0x800, v14  }
0x51a: {  	s7 =	sand.u32 $0x380, s6;
	s1 =	sadd.s32 $0xC800, s0;
	v45 =	vand.u32 $0x7F, v1;
	v12 =	vadd.f32 v7, v12;
	v46 =	vadd.f32 v5, v41  }
0x51b: {  	s0 =	sor.u32 s7, s1;
	v7 =	vadd.s32 v14, v30;
	v3 =	vadd.f32 v3, v22;
	v10 =	vadd.f32 v6, v29  }
0x51c: {  	[tilespmem:s0+$0x0] =	vst v0;
	v5 =	vadd.s32 v14, v27;
	v22 =	vor.u32 v42, v26;
	v27 =	vor.u32 v43, v26  }
0x51d: {  	[tilespmem:s0+$0x10] =	vst v0;
	v6 =	vadd.s32 v14, v28;
	v28 =	vmax.f32 v12, v46;
	v29 =	vmax.f32 v3, v10  }
0x51e: {  	[tilespmem:s0+$0x20] =	vst v0;
	v5 =	vor.u32 v23, v5;
	v28 =	vmax.f32 v28, v29;
	v29 =	vor.u32 v44, v26  }
0x51f: {  	s18 =	simm.s32 $0x1A180;
	[tilespmem:s0+$0x30] =	vst v0;
	v26 =	vor.u32 v45, v26;
	v23 =	vor.u32 v2, v29;
	v29 =	vor.u32 v2, v5  }
0x520: {  	v14 =	vadd.s32 v14, v31;
	v6 =	vor.u32 v24, v6;
	v24 =	vor.u32 v2, v26;
	v26 =	vld [tilespmem:s18+$0x0];
	[tilespmem:$0x1FE50] =	vst v29  }
0x521: {  	v47 =	vor.u32 v25, v14;
	v14 =	vor.u32 v2, v22;
	v22 =	vor.u32 v2, v27;
	(xrf0) =	vmax.scan.msk.f32 $0xffff, v28;
	v27 =	vld [tilespmem:s18+$0x10]  }
0x522: {  	s20 =	simm.s32 $0x18180;
	v13 =	vand.u32 $0xFFFFFC00, v13;
	v4 =	vshll.u32 v4, $0x3;
	v15 =	vand.u32 $0xFFFFFC00, v15;
	v28 =	vld [tilespmem:s18+$0x20]  }
0x523: {  	v1 =	vshll.u32 v1, $0x3;
	v4 =	vand.u32 $0xFFFFFC00, v4;
	v7 =	vor.u32 v11, v7;
	v50 =	vld [tilespmem:s20+$0x0]  }
0x524: {  	s5 =	simm.s32 $0x2;
	v1 =	vand.u32 $0xFFFFFC00, v1;
	v25 =	vor.u32 v2, v7;
	v48 =	vadd.s32 v13, v14;
	v13 =	vld [tilespmem:s20+$0x10]  }
0x525: {  	v49 =	vadd.s32 v15, v22;
	v52 =	vadd.s32 v1, v24;
	v1 =	vmov s5;
	v22 =	vld [tilespmem:s20+$0x20]  }
0x526: {  	v7 =	vadd.s32 v4, v23;
	v32 =	vshrl.u32 v1, $0x3;
	v1 =	vshll.u32 v1, $0x7;
	v23 =	vld [tilespmem:s20+$0x30]  }
0x527: {  	v6 =	vor.u32 v2, v6;
	v1 =	vand.u32 $0x300, v1;
	v33 =	vld.idx.msk [tilespmem:v29+s2+$0x0], $0xffff;
	v29 =	vshll.u32 v26, $0x3;
	v5, _, _ =	vpop (xrf0)  }
0x528: {  	v26 =	vand.u32 $0x7F, v26;
	v29 =	vand.u32 $0xFFFFFC00, v29;
	v31 =	vbroadcast v5, $0xF  }
0x529: {  	v5 =	vor.u32 v2, v47;
	v24 =	vand.u32 $0x7F, v50;
	v54 =	vand.u32 $0x7F, v13  }
0x52a: {  	v30 =	vshll.u32 v27, $0x3;
	v55 =	vand.u32 $0x7F, v22;
	v56 =	vshll.u32 v28, $0x3  }
0x52b: {  	v58 =	vand.u32 $0x7F, v23;
	v27 =	vand.u32 $0x7F, v27;
	v28 =	vand.u32 $0x7F, v28  }
0x52c: {  	s7 =	simm.s32 $0x100;
	v11 =	vshll.u32 v50, $0x3;
	v13 =	vshll.u32 v13, $0x3;
	v22 =	vshll.u32 v22, $0x3  }
0x52d: {  	s4 =	sand.u32 $0x300, s7;
	v2 =	vld [tilespmem:s18+$0x30];
	[tilespmem:$0x1FD90] =	vst v6;
	v61 =	vshll.u32 v23, $0x3;
	v30 =	vand.u32 $0xFFFFFC00, v30;
	v11 =	vand.u32 $0xFFFFFC00, v11  }
0x52e: {  	s6 =	simm.s32 $0x3;
	s1 =	sor.u32 s4, s1;
	v35 =	vld.idx.msk [tilespmem:v6+s2+$0x0], $0xffff;
	[tilespmem:$0x1FDA0] =	vst v25;
	v13 =	vand.u32 $0xFFFFFC00, v13;
	v63 =	vand.u32 $0xFFFFFC00, v61;
	v4 =	vsub.f32 v12, v31  }
0x52f: {  	v12 =	vmov s6;
	v14 =	vsub.f32 v46, v31;
	v3 =	vsub.f32 v3, v31;
	[tilespmem:s1+$0x0] =	vst v0  }
0x530: {  	v57 =	vld.idx.msk [tilespmem:v25+s2+$0x0], $0xffff;
	v10 =	vsub.f32 v10, v31;
	v15 =	vshrl.u32 v12, $0x3;
	v12 =	vshll.u32 v12, $0x7;
	[tilespmem:$0x1FDB0] =	vst v48  }
0x531: {  	v4 =	vmul.f32 $1.442695020e+00, v4;
	v15 =	vmul.u32 $0xC00, v15;
	v14 =	vmul.f32 $1.442695020e+00, v14;
	[tilespmem:s1+$0x10] =	vst v0  }
0x532: {  	v41 =	vld.idx.msk [tilespmem:v48+s2+$0x0], $0xffff;
	v3 =	vmul.f32 $1.442695020e+00, v3;
	v10 =	vmul.f32 $1.442695020e+00, v10;
	v59 =	vshll.u32 v2, $0x3;
	[tilespmem:$0x1FDC0] =	vst v49  }
0x533: {  	v2 =	vand.u32 $0x7F, v2;
	(erf) = vpow2.f32 v4;
	v4 =	vand.u32 $0x380, v12;
	[tilespmem:s1+$0x20] =	vst v0  }
0x534: {  	v12 =	vadd.s32 $0x800, v15;
	v42 =	vld.idx.msk [tilespmem:v49+s2+$0x0], $0xffff;
	v11 =	vadd.s32 v15, v11;
	v13 =	vadd.s32 v15, v13;
	[tilespmem:$0x1FDD0] =	vst v7  }
0x535: {  	v40 =	vand.u32 $0xFFFFFC00, v59;
	v23 =	vor.u32 v26, v12;
	v26 =	vor.u32 v27, v12;
	v60 =	vld.idx.msk [tilespmem:v7+s2+$0x0], $0xffff;
	[tilespmem:s1+$0x30] =	vst v0  }
0x536: {  	v27 =	vand.u32 $0xFFFFFC00, v56;
	v62 =	vor.u32 v28, v12;
	v2 =	vor.u32 v2, v12;
	v45 =	vld [tilespmem:s20+$0xFFFFFF80]  }
0x537: {  	v11 =	vor.u32 v24, v11;
	v51 =	vor.u32 v54, v13;
	(erf) = vpow2.f32 v14;
	v46 =	vld [tilespmem:s20+$0xFFFFFF90]  }
0x538: {  	v23 =	vor.u32 v4, v23;
	v2 =	vor.u32 v4, v2;
	(erf) = vpow2.f32 v3;
	v12 =	vld [tilespmem:s20+$0xFFFFFFA0]  }
0x539: {  	v47 =	vld [tilespmem:s20+$0xFFFFFFB0];
	v28 =	vadd.s32 v29, v23;
	v23 =	vor.u32 v4, v26;
	v26 =	vand.u32 $0xFFFFFC00, v22  }
0x53a: {  	v48 =	vld [tilespmem:s18+$0xFFFFFF80];
	v22 =	vor.u32 v4, v62;
	v23 =	vadd.s32 v30, v23;
	v30 =	vor.u32 v4, v11  }
0x53b: {  	v44 =	vld [tilespmem:s18+$0xFFFFFF90];
	v24 =	vadd.s32 v40, v2;
	v29 =	vor.u32 v4, v51;
	v13 =	vadd.s32 v15, v26  }
0x53c: {  	v49 =	vld [tilespmem:s18+$0xFFFFFFA0];
	(erf) = vpow2.f32 v10;
	v22 =	vadd.s32 v27, v22;
	v53 =	vor.u32 v55, v13  }
0x53d: {  	v2 =	vld [tilespmem:s18+$0xFFFFFFB0];
	v13 =	vadd.s32 v15, v63;
	v15 =	vmul.u32 $0xC00, v32;
	v32 =	vadd.f32 v41, v33  }
0x53e: {  	v33 =	vadd.f32 v42, v35;
	v27 =	vor.u32 v4, v53;
	v54 =	vor.u32 v58, v13;
	v40 =	vld.idx.msk [tilespmem:v28+s2+$0x0], $0xffff  }
0x53f: {  	v26 =	vor.u32 v4, v54;
	v11 =	vadd.s32 $0x800, v15;
	v34 =	vadd.f32 v60, v57;
	v14 =	vld.idx.msk [tilespmem:v30+s2+$0x0], $0xffff  }
0x540: {  	v3 =	vmax.f32 v32, v33;
	v55 =	vshll.u32 v45, $0x3;
	v56 =	vshll.u32 v46, $0x3  }
0x541: {  	v4 =	vld.idx.msk [tilespmem:v24+s2+$0x0], $0xffff;
	v58 =	vshll.u32 v12, $0x3;
	v60 =	vshll.u32 v47, $0x3;
	v61 =	vand.u32 $0x7F, v48  }
0x542: {  	v31 =	vld.idx.msk [tilespmem:v29+s2+$0x0], $0xffff;
	v62 =	vand.u32 $0x7F, v44;
	v63 =	vand.u32 $0x7F, v49;
	v54 =	vand.u32 $0x7F, v2  }
0x543: {  	s18 =	simm.s32 $0x0;
	v6 =	vand.u32 $0x7F, v45;
	v48 =	vshll.u32 v48, $0x3;
	v44 =	vshll.u32 v44, $0x3;
	v36 =	vld.idx.msk [tilespmem:v23+s2+$0x0], $0xffff  }
0x544: {  	s0 =	smul.u32 $0x3000, s18;
	v12 =	vand.u32 $0x7F, v12;
	v13 =	vld.idx.msk [tilespmem:v22+s2+$0x0], $0xffff;
	v10 =	vand.u32 $0xFFFFFC00, v55;
	v40 =	vadd.f32 v40, v14;
	v14 =	vpop (erf)  }
0x545: {  	v35 =	vand.u32 $0xFFFFFC00, v56;
	v38 =	vand.u32 $0xFFFFFC00, v58;
	v55 =	vor.u32 v61, v11;
	v57 =	vld.idx.msk [tilespmem:v27+s2+$0x0], $0xffff;
	[tilespmem:v9+s23+$0x0] =	vst.idx.msk $0xffff, v14  }
0x546: {  	s20 =	simm.s32 $0x280;
	s0 =	sshra.s32 s0, $0x2;
	v41 =	vand.u32 $0xFFFFFC00, v60;
	v10 =	vadd.s32 v15, v10;
	v35 =	vadd.s32 v15, v35;
	v59 =	vld.idx.msk [tilespmem:v26+s2+$0x0], $0xffff;
	[tilespmem:$0x1FDE0] =	vst v5  }
0x547: {  	s4 =	sand.u32 $0x380, s20;
	s1 =	sadd.s32 $0xC800, s0;
	v2 =	vshll.u32 v2, $0x3;
	v38 =	vadd.s32 v15, v38;
	v56 =	vadd.s32 v15, v41;
	v15 =	vld.idx.msk [tilespmem:v5+s2+$0x0], $0xffff;
	[tilespmem:$0x1FDF0] =	vst v52  }
0x548: {  	s0 =	sor.u32 s4, s1;
	v61 =	vand.u32 $0x7F, v46;
	v51 =	vand.u32 $0xFFFFFC00, v48;
	v31 =	vadd.f32 v36, v31;
	[tilespmem:v8+s23+$0x0] =	vst.idx.add.f32.msk $0xffff, v14  }
0x549: {  	v2 =	vand.u32 $0xFFFFFC00, v2;
	v10 =	vor.u32 v6, v10;
	v12 =	vor.u32 v12, v38;
	[tilespmem:s0+$0x0] =	vst v0  }
0x54a: {  	v42 =	vadd.f32 v13, v57;
	v57 =	vor.u32 v63, v11;
	v58 =	vmax.f32 v40, v31;
	[tilespmem:s0+$0x10] =	vst v0  }
0x54b: {  	v63 =	vor.u32 v1, v55;
	v37 =	vadd.f32 v4, v59;
	v4 =	vor.u32 v62, v11;
	[tilespmem:s0+$0x20] =	vst v0  }
0x54c: {  	s5 =	simm.s32 $0x1A280;
	v11 =	vor.u32 v54, v11;
	v62 =	vshll.u32 v49, $0x3;
	v60 =	vld.idx.msk [tilespmem:v52+s2+$0x0], $0xffff;
	v14 =	vand.u32 $0x7F, v47;
	[tilespmem:s0+$0x30] =	vst v0  }
0x54d: {  	v5 =	vor.u32 v61, v35;
	v49 =	vor.u32 v1, v57;
	v14 =	vor.u32 v14, v56;
	v56 =	vld [tilespmem:s5+$0x0]  }
0x54e: {  	v9 =	vadd.s32 v51, v63;
	v4 =	vor.u32 v1, v4;
	v52 =	vand.u32 $0xFFFFFC00, v44;
	v45 =	vld [tilespmem:s5+$0x10]  }
0x54f: {  	s7 =	simm.s32 $0x18280;
	v50 =	vor.u32 v1, v11;
	v59 =	vmax.f32 v42, v37;
	v11 =	vadd.s32 v52, v4;
	v4 =	vld [tilespmem:s5+$0x30]  }
0x550: {  	s6 =	simm.s32 $0x4;
	v53 =	vand.u32 $0xFFFFFC00, v62;
	v6 =	vor.u32 v1, v5;
	v43 =	vld [tilespmem:s7+$0x20];
	v41 =	vmax.f32 v58, v59  }
0x551: {  	s18 =	simm.s32 $0x5;
	v8 =	vor.u32 v1, v12;
	v7 =	vadd.s32 v2, v50;
	v2 =	vmov s6;
	(xrf0) =	vmax.scan.msk.f32 $0xffff, v41  }
0x552: {  	v35 =	vld [tilespmem:s7+$0x0];
	v5 =	vor.u32 v1, v14;
	v57 =	vshrl.u32 v2, $0x3;
	v58 =	vmov s18  }
0x553: {  	v2 =	vshll.u32 v2, $0x7;
	v59 =	vpop (erf);
	v39 =	vadd.f32 v60, v15;
	v15 =	vor.u32 v1, v10;
	v1 =	vld [tilespmem:s5+$0x20]  }
0x554: {  	v10 =	vadd.s32 v53, v49;
	[tilespmem:v21+s23+$0x0] =	vst.idx.msk $0xffff, v59;
	v60 =	vld [tilespmem:s7+$0x30];
	v49 =	vmul.u32 $0xC00, v57;
	v61 =	vshll.u32 v45, $0x3  }
0x555: {  	v21 =	vpop (erf);
	[tilespmem:v19+s23+$0x0] =	vst.idx.add.f32.msk $0xffff, v59;
	v51 =	vand.u32 $0x7F, v43;
	v44 =	vand.u32 $0x7F, v56;
	v63 =	vshll.u32 v4, $0x3  }
0x556: {  	v45 =	vand.u32 $0x7F, v45;
	v4 =	vand.u32 $0x7F, v4;
	v54 =	vmax.f32 v34, v39;
	[tilespmem:v20+s23+$0x0] =	vst.idx.msk $0xffff, v21  }
0x557: {  	v43 =	vshll.u32 v43, $0x3;
	v36 =	vand.u32 $0xFFFFFC00, v61;
	v3 =	vmax.f32 v3, v54;
	[tilespmem:v18+s23+$0x0] =	vst.idx.add.f32.msk $0xffff, v21;
	v55, _, _ =	vpop (xrf0)  }
0x558: {  	v18 =	vand.u32 $0x7F, v35;
	v21 =	vshll.u32 v56, $0x3;
	(xrf0) =	vmax.scan.msk.f32 $0xffff, v3;
	v46 =	vbroadcast v55, $0xF  }
0x559: {  	s20 =	simm.s32 $0x200;
	v35 =	vshll.u32 v35, $0x3;
	v54 =	vand.u32 $0xFFFFFC00, v63;
	v21 =	vand.u32 $0xFFFFFC00, v21;
	v50 =	vld.idx.msk [tilespmem:v15+s2+$0x0], $0xffff  }
0x55a: {  	s4 =	sand.u32 $0x300, s20;
	v62 =	vshll.u32 v1, $0x3;
	v53 =	vand.u32 $0x7F, v60;
	v3 =	vsub.f32 v40, v46;
	v40 =	vld [tilespmem:s7+$0x10];
	[tilespmem:$0x1FE00] =	vst v6  }
0x55b: {  	s1 =	sor.u32 s4, s1;
	v1 =	vand.u32 $0x7F, v1;
	v48 =	vshll.u32 v60, $0x3;
	v31 =	vsub.f32 v31, v46;
	v52 =	vld.idx.msk [tilespmem:v6+s2+$0x0], $0xffff;
	[tilespmem:$0x1FE10] =	vst v8  }
0x55c: {  	v41 =	vand.u32 $0xFFFFFC00, v62;
	v48 =	vand.u32 $0xFFFFFC00, v48;
	v3 =	vmul.f32 $1.442695020e+00, v3;
	[tilespmem:s1+$0x0] =	vst v0  }
0x55d: {  	v42 =	vsub.f32 v42, v46;
	v47 =	vmul.f32 $1.442695020e+00, v31;
	v31 =	vshrl.u32 v58, $0x3;
	v55 =	vld.idx.msk [tilespmem:v8+s2+$0x0], $0xffff;
	[tilespmem:$0x1FE20] =	vst v9  }
0x55e: {  	v19, _, _ =	vpop (xrf0);
	(erf) = vpow2.f32 v3;
	v3 =	vmul.u32 $0xC00, v31;
	v31 =	vand.u32 $0x300, v2;
	[tilespmem:s1+$0x10] =	vst v0  }
0x55f: {  	v2 =	vshll.u32 v58, $0x7;
	v19 =	vbroadcast v19, $0xF;
	v56 =	vld.idx.msk [tilespmem:v9+s2+$0x0], $0xffff;
	v9 =	vand.u32 $0xFFFFFC00, v35;
	[tilespmem:$0x1FE30] =	vst v11  }
0x560: {  	v38 =	vand.u32 $0x7F, v40;
	v40 =	vshll.u32 v40, $0x3;
	v20 =	vadd.s32 $0x800, v3;
	[tilespmem:s1+$0x20] =	vst v0  }
0x561: {  	v2 =	vand.u32 $0x380, v2;
	v57 =	vld.idx.msk [tilespmem:v11+s2+$0x0], $0xffff;
	v40 =	vand.u32 $0xFFFFFC00, v40;
	[tilespmem:$0x1FE40] =	vst v10;
	v44 =	vor.u32 v44, v20  }
0x562: {  	v11 =	vand.u32 $0xFFFFFC00, v43;
	v1 =	vor.u32 v1, v20;
	v58 =	vld.idx.msk [tilespmem:v10+s2+$0x0], $0xffff;
	[tilespmem:s1+$0x30] =	vst v0;
	v10 =	vor.u32 v2, v44  }
0x563: {  	v45 =	vor.u32 v45, v20;
	v1 =	vor.u32 v2, v1;
	v59 =	vld [tilespmem:s7+$0xFFFFFF80];
	v35 =	vadd.s32 v21, v10  }
0x564: {  	v4 =	vor.u32 v4, v20;
	v20 =	vld [tilespmem:s7+$0xFFFFFF90];
	v21 =	vor.u32 v2, v45;
	v41 =	vadd.s32 v41, v1  }
0x565: {  	v61 =	vld [tilespmem:s7+$0xFFFFFFA0];
	v1 =	vor.u32 v2, v4;
	v43 =	vadd.s32 v36, v21;
	v21 =	vadd.s32 v3, v9  }
0x566: {  	v40 =	vadd.s32 v3, v40;
	v62 =	vld [tilespmem:s7+$0xFFFFFFB0];
	v18 =	vor.u32 v18, v21;
	v21 =	vadd.s32 v54, v1  }
0x567: {  	v63 =	vld [tilespmem:s5+$0xFFFFFF80];
	v1 =	vor.u32 v38, v40;
	v36 =	vor.u32 v2, v18;
	v18 =	vadd.s32 v3, v11  }
0x568: {  	v45 =	vor.u32 v2, v1;
	v3 =	vadd.s32 v3, v48;
	v1 =	vor.u32 v51, v18;
	v40 =	vld.idx.msk [tilespmem:v35+s2+$0x0], $0xffff  }
0x569: {  	(erf) = vpow2.f32 v47;
	v44 =	vor.u32 v2, v1;
	v1 =	vor.u32 v53, v3;
	v47 =	vld.idx.msk [tilespmem:v41+s2+$0x0], $0xffff  }
0x56a: {  	v18 =	vmul.f32 $1.442695020e+00, v42;
	v3 =	vsub.f32 v37, v46;
	v42 =	vld.idx.msk [tilespmem:v43+s2+$0x0], $0xffff;
	v6 =	vor.u32 v2, v1  }
0x56b: {  	v48 =	vld.idx.msk [tilespmem:v21+s2+$0x0], $0xffff  }
0x56c: {  	v32 =	vsub.f32 v32, v19;
	(erf) = vpow2.f32 v18;
	v3 =	vmul.f32 $1.442695020e+00, v3;
	v18 =	vld.idx.msk [tilespmem:v36+s2+$0x0], $0xffff  }
0x56d: {  	v33 =	vsub.f32 v33, v19;
	v38 =	vadd.f32 v56, v50;
	v51 =	vld.idx.msk [tilespmem:v45+s2+$0x0], $0xffff  }
0x56e: {  	(erf) = vpow2.f32 v3;
	v3 =	vsub.f32 v34, v19;
	v34 =	vsub.f32 v39, v19;
	v19 =	vld.idx.msk [tilespmem:v44+s2+$0x0], $0xffff  }
0x56f: {  	v37 =	vadd.f32 v57, v52;
	v46 =	vadd.f32 v58, v55;
	v8 =	vshll.u32 v59, $0x3;
	v11 =	vld.idx.msk [tilespmem:v6+s2+$0x0], $0xffff  }
0x570: {  	v9 =	vshll.u32 v20, $0x3;
	v10 =	vshll.u32 v61, $0x3;
	v20 =	vand.u32 $0x7F, v20  }
0x571: {  	v2 =	vadd.s32 $0x800, v49;
	v60 =	vand.u32 $0xFFFFFC00, v9;
	v9 =	vand.u32 $0x7F, v63  }
0x572: {  	v55 =	vand.u32 $0xFFFFFC00, v10;
	v50 =	vmax.f32 v38, v37;
	v52 =	vadd.s32 v49, v60;
	v39 =	vpop (erf)  }
0x573: {  	v4 =	vld [tilespmem:s5+$0xFFFFFF90];
	[tilespmem:v17+s23+$0x0] =	vst.idx.msk $0xffff, v39;
	v17 =	vand.u32 $0xFFFFFC00, v8;
	v40 =	vadd.f32 v40, v18;
	v42 =	vadd.f32 v42, v51  }
0x574: {  	v54 =	vld [tilespmem:s5+$0xFFFFFFA0];
	v8 =	vshll.u32 v62, $0x3;
	v47 =	vadd.f32 v47, v19;
	v48 =	vadd.f32 v48, v11  }
0x575: {  	v10 =	vadd.s32 v49, v55;
	v20 =	vor.u32 v20, v52;
	v53 =	vand.u32 $0xFFFFFC00, v8  }
0x576: {  	v17 =	vadd.s32 v49, v17;
	v56 =	vmax.f32 v40, v42;
	v57 =	vmax.f32 v47, v48  }
0x577: {  	[tilespmem:v16+s23+$0x0] =	vst.idx.add.f32.msk $0xffff, v39;
	v16 =	vpop (erf);
	v3 =	vmul.f32 $1.442695020e+00, v3;
	v11 =	vadd.s32 v49, v53;
	v49 =	vmax.f32 v56, v57  }
0x578: {  	[tilespmem:v30+s23+$0x0] =	vst.idx.msk $0xffff, v16;
	v30 =	vand.u32 $0x7F, v4;
	v4 =	vshll.u32 v4, $0x3;
	(xrf0) =	vmax.scan.msk.f32 $0xffff, v49  }
0x579: {  	v18 =	vand.u32 $0x7F, v54;
	v30 =	vor.u32 v30, v2;
	[tilespmem:v28+s23+$0x0] =	vst.idx.add.f32.msk $0xffff, v16;
	v16 =	vpop (erf);
	v28 =	vand.u32 $0x7F, v59  }
0x57a: {  	v58 =	vld.idx.msk [tilespmem:v5+s2+$0x0], $0xffff;
	v59 =	vand.u32 $0x7F, v61;
	v4 =	vand.u32 $0xFFFFFC00, v4;
	[tilespmem:v29+s23+$0x0] =	vst.idx.msk $0xffff, v16;
	v29 =	vshll.u32 v63, $0x3  }
0x57b: {  	v17 =	vor.u32 v28, v17;
	v19 =	vor.u32 v9, v2;
	[tilespmem:v23+s23+$0x0] =	vst.idx.add.f32.msk $0xffff, v16;
	v16 =	vshll.u32 v54, $0x3;
	v61 =	vpop (erf)  }
0x57c: {  	v28 =	vld.idx.msk [tilespmem:v7+s2+$0x0], $0xffff;
	v23 =	vand.u32 $0x7F, v62;
	v19 =	vor.u32 v31, v19;
	[tilespmem:v27+s23+$0x0] =	vst.idx.msk $0xffff, v61;
	v27 =	vand.u32 $0xFFFFFC00, v29  }
0x57d: {  	v63 =	vand.u32 $0xFFFFFC00, v16;
	v23 =	vor.u32 v23, v11;
	[tilespmem:v22+s23+$0x0] =	vst.idx.add.f32.msk $0xffff, v61;
	v22 =	vor.u32 v31, v20;
	v29 =	vpop (erf)  }
0x57e: {  	s4 =	simm.s32 $0x0;
	v16 =	vor.u32 v31, v23;
	v23 =	vadd.s32 v27, v19;
	v19 =	vmul.f32 $1.442695020e+00, v32;
	[tilespmem:v26+s23+$0x0] =	vst.idx.msk $0xffff, v29;
	v20, _, _ =	vpop (xrf0)  }
0x57f: {  	s1 =	smul.u32 $0x3000, s4;
	v18 =	vor.u32 v18, v2;
	[tilespmem:v24+s23+$0x0] =	vst.idx.add.f32.msk $0xffff, v29;
	v24 =	vmul.f32 $1.442695020e+00, v33;
	v26 =	vbroadcast v20, $0xF  }
0x580: {  	v60 =	vor.u32 v59, v10;
	v30 =	vor.u32 v31, v30;
	(erf) = vpow2.f32 v19  }
0x581: {  	s6 =	simm.s32 $0x380;
	v17 =	vor.u32 v31, v17;
	v27 =	vld [tilespmem:s5+$0xFFFFFFB0];
	s5 =	sshra.s32 s1, $0x2;
	(erf) = vpow2.f32 v24;
	v24 =	vsub.f32 v40, v26  }
0x582: {  	s1 =	sand.u32 $0x380, s6;
	s0 =	sadd.s32 $0xC800, s5;
	v49 =	vadd.f32 v28, v58;
	v20 =	vadd.s32 v4, v30;
	v30 =	vmul.f32 $1.442695020e+00, v34  }
0x583: {  	v62 =	vor.u32 v31, v18;
	s1 =	sor.u32 s1, s0;
	(erf) = vpow2.f32 v3;
	v3 =	vmul.f32 $1.442695020e+00, v24  }
0x584: {  	[tilespmem:s1+$0x0] =	vst v0;
	v28 =	vmax.f32 v46, v49;
	(erf) = vpow2.f32 v30;
	v24 =	vsub.f32 v42, v26  }
0x585: {  	[tilespmem:s1+$0x10] =	vst v0;
	v51 =	vld.idx.msk [tilespmem:v22+s2+$0x0], $0xffff;
	v28 =	vmax.f32 v50, v28;
	v30 =	vsub.f32 v47, v26;
	(erf) = vpow2.f32 v3  }
0x586: {  	[tilespmem:s1+$0x20] =	vst v0;
	v8 =	vand.u32 $0x7F, v27;
	(xrf0) =	vmax.scan.msk.f32 $0xffff, v28;
	v28 =	vld.idx.msk [tilespmem:v23+s2+$0x0], $0xffff;
	v24 =	vmul.f32 $1.442695020e+00, v24  }
0x587: {  	s30 =	simm.s32 $0x1A380;
	s7 =	simm.s32 $0x6;
	v18 =	vor.u32 v31, v60;
	[tilespmem:s1+$0x30] =	vst v0;
	v2 =	vor.u32 v8, v2;
	v4 =	vld.idx.msk [tilespmem:v17+s2+$0x0], $0xffff;
	v30 =	vmul.f32 $1.442695020e+00, v30  }
0x588: {  	v10 =	vld [tilespmem:s30+$0x0];
	(erf) = vpow2.f32 v24;
	v24 =	vshll.u32 v27, $0x3;
	v27 =	vmov s7  }
0x589: {  	s1 =	simm.s32 $0x300;
	v11 =	vld [tilespmem:s30+$0x10];
	v2 =	vor.u32 v31, v2;
	v31 =	vshrl.u32 v27, $0x3;
	v27 =	vshll.u32 v27, $0x7  }
0x58a: {  	s18 =	sand.u32 $0x300, s1;
	v54 =	vld [tilespmem:s30+$0x20];
	v34 =	vpop (erf);
	(erf) = vpow2.f32 v30;
	v32 =	vand.u32 $0x300, v27;
	v27 =	vsub.f32 v48, v26  }
0x58b: {  	s31 =	simm.s32 $0x18380;
	s0 =	sor.u32 s18, s0;
	v33 =	vpop (erf);
	v3 =	vld.idx.msk [tilespmem:v20+s2+$0x0], $0xffff  }
0x58c: {  	s20 =	simm.s32 $0x7;
	v61 =	vld [tilespmem:s31+$0x0];
	[tilespmem:s0+$0x0] =	vst v0;
	v39 =	vmul.u32 $0xC00, v31;
	v26 =	vadd.f32 v28, v4;
	v31 =	vpop (erf);
	v4 =	vmul.f32 $1.442695020e+00, v27  }
0x58d: {  	v57 =	vmov s20;
	v19 =	vadd.s32 v63, v62;
	v62 =	vld [tilespmem:s31+$0x10];
	[tilespmem:s0+$0x10] =	vst v0;
	v30 =	vpop (erf)  }
0x58e: {  	v63 =	vld [tilespmem:s31+$0x30];
	[tilespmem:s0+$0x20] =	vst v0;
	v59 =	vpop (erf);
	(erf) = vpow2.f32 v4;
	v4 =	vshll.u32 v57, $0x7  }
0x58f: {  	v50 =	vld.idx.msk [tilespmem:v18+s2+$0x0], $0xffff;
	[tilespmem:s0+$0x30] =	vst v0  }
0x590: {  	v28 =	vadd.f32 v3, v51;
	v3 =	vld [tilespmem:s31+$0x20];
	[tilespmem:v36+s23+$0x0] =	vst.idx.msk $0xffff, v59  }
0x591: {  	v58 =	vshrl.u32 v57, $0x3;
	v24 =	vand.u32 $0xFFFFFC00, v24;
	v55 =	vand.u32 $0x380, v4;
	[tilespmem:v35+s23+$0x0] =	vst.idx.add.f32.msk $0xffff, v59;
	v4 =	vpop (erf)  }
0x592: {  	v53 =	vmul.u32 $0xC00, v58;
	v9 =	vld.idx.msk [tilespmem:v19+s2+$0x0], $0xffff;
	v24 =	vadd.s32 v24, v2;
	v2, _, _ =	vpop (xrf0);
	[tilespmem:v45+s23+$0x0] =	vst.idx.msk $0xffff, v4  }
0x593: {  	[tilespmem:v43+s23+$0x0] =	vst.idx.add.f32.msk $0xffff, v4;
	v4 =	vpop (erf)  }
0x594: {  	v56 =	vld [tilespmem:s30+$0x30];
	v8 =	vadd.s32 $0x800, v53;
	v60 =	vand.u32 $0x7F, v61;
	v2 =	vbroadcast v2, $0xF;
	[tilespmem:v44+s23+$0x0] =	vst.idx.msk $0xffff, v4  }
0x595: {  	v25 =	vshll.u32 v10, $0x3;
	v1 =	vshll.u32 v54, $0x3;
	v58 =	vand.u32 $0x7F, v63;
	[tilespmem:v41+s23+$0x0] =	vst.idx.add.f32.msk $0xffff, v4  }
0x596: {  	v36 =	vsub.f32 v46, v2;
	v46 =	vshll.u32 v3, $0x3;
	v59 =	vand.u32 $0x7F, v3;
	v3 =	vld [tilespmem:$0x1FE50]  }
0x597: {  	v29 =	vld.idx.msk [tilespmem:v16+s2+$0x0], $0xffff;
	v54 =	vand.u32 $0x7F, v54;
	v1 =	vand.u32 $0xFFFFFC00, v1;
	v47 =	vshll.u32 v62, $0x3  }
0x598: {  	v52 =	vld [tilespmem:s30+$0xFFFFFF80];
	v40 =	vadd.s32 $0x800, v39;
	v27 =	vadd.f32 v9, v50;
	v9 =	vand.u32 $0x7F, v10  }
0x599: {  	v48 =	vld [tilespmem:s31+$0xFFFFFF80];
	v10 =	vshll.u32 v56, $0x3;
	v56 =	vand.u32 $0x7F, v56;
	v38 =	vsub.f32 v38, v2  }
0x59a: {  	v14 =	vmovc v5;
	v51 =	vld [tilespmem:s31+$0xFFFFFFA0];
	v37 =	vsub.f32 v37, v2;
	v57 =	vand.u32 $0x7F, v62;
	v62 =	vshll.u32 v63, $0x3  }
0x59b: {  	v13 =	vmovc v15;
	v15 =	vmovc v7;
	v50 =	vld [tilespmem:s31+$0xFFFFFFB0];
	v35 =	vsub.f32 v49, v2;
	v2 =	vshll.u32 v11, $0x3;
	v11 =	vand.u32 $0x7F, v11  }
0x59c: {  	v63 =	vand.u32 $0xFFFFFC00, v10;
	v49 =	vld [tilespmem:s31+$0xFFFFFF90];
	v42 =	vor.u32 v11, v8;
	v43 =	vshll.u32 v61, $0x3;
	v61 =	vpop (erf)  }
0x59d: {  	v2 =	vand.u32 $0xFFFFFC00, v2;
	v45 =	vor.u32 v56, v8;
	v56 =	vld [tilespmem:s30+$0xFFFFFFA0];
	v4 =	vor.u32 v9, v8;
	[tilespmem:v6+s23+$0x0] =	vst.idx.msk $0xffff, v61  }
0x59e: {  	s0 =	simm.s32 $0x8;
	v41 =	vor.u32 v54, v8;
	v54 =	vld [tilespmem:s30+$0xFFFFFF90];
	[tilespmem:v3+s23+$0x0] =	vst.idx.msk $0xffff, v34;
	v3 =	vand.u32 $0xFFFFFC00, v25;
	v25 =	vmax.f32 v26, v28  }
.LBB2_10:
0x59f: {  	v4 =	vor.u32 v55, v4  }
0x5a0: {  	v44 =	vand.u32 $0xFFFFFC00, v43;
	v47 =	vand.u32 $0xFFFFFC00, v47;
	v43 =	vadd.s32 v3, v4  }
0x5a1: {  	[tilespmem:v21+s23+$0x0] =	vst.idx.add.f32.msk $0xffff, v61;
	v3 =	vor.u32 v55, v42;
	v4 =	vand.u32 $0xFFFFFC00, v46;
	v21 =	vadd.s32 v53, v44  }
0x5a2: {  	v61 =	vld [tilespmem:s30+$0xFFFFFFB0];
	v10 =	vadd.s32 v53, v47;
	v42 =	vadd.s32 v2, v3;
	v2 =	vor.u32 v55, v41  }
0x5a3: {  	v41 =	vadd.s32 v1, v2;
	v1 =	vor.u32 v55, v45;
	v2 =	vor.u32 v60, v21  }
0x5a4: {  	v3 =	vand.u32 $0xFFFFFC00, v62;
	v21 =	vadd.s32 v63, v1;
	v47 =	vor.u32 v55, v2  }
0x5a5: {  	v1 =	vor.u32 v57, v10;
	v2 =	vadd.s32 v53, v4;
	v63 =	vand.u32 $0x7F, v54  }
0x5a6: {  	v5 =	vand.u32 $0x7F, v56;
	v46 =	vor.u32 v55, v1;
	v1 =	vor.u32 v59, v2  }
0x5a7: {  	v9 =	vld [tilespmem:$0x1FDB0];
	v2 =	vadd.s32 v53, v3;
	v59 =	vand.u32 $0x7F, v52;
	v6 =	vand.u32 $0x7F, v61  }
0x5a8: {  	v63 =	vor.u32 v63, v40;
	v5 =	vor.u32 v5, v40;
	v45 =	vor.u32 v55, v1  }
0x5a9: {  	v62 =	vld.idx.msk [tilespmem:v24+s2+$0x0], $0xffff;
	v1 =	vor.u32 v58, v2;
	v2 =	vshll.u32 v49, $0x3;
	v59 =	vor.u32 v59, v40  }
0x5aa: {  	v6 =	vor.u32 v6, v40;
	v40 =	vand.u32 $0x7F, v49;
	v49 =	vshll.u32 v54, $0x3;
	v54 =	vld [tilespmem:$0x1FD90]  }
0x5ab: {  	v10 =	vld [tilespmem:$0x1FE00]  }
0x5ac: {  	v4 =	vld.idx.msk [tilespmem:v43+s2+$0x0], $0xffff  }
0x5ad: {  	v53 =	vld.idx.msk [tilespmem:v42+s2+$0x0], $0xffff  }
0x5ae: {  	v58 =	vld.idx.msk [tilespmem:v41+s2+$0x0], $0xffff  }
0x5af: {  	[tilespmem:v9+s23+$0x0] =	vst.idx.add.f32.msk $0xffff, v34  }
0x5b0: {  	v44 =	vor.u32 v55, v1;
	v55 =	vld.idx.msk [tilespmem:v21+s2+$0x0], $0xffff  }
0x5b1: {  	v2 =	vand.u32 $0xFFFFFC00, v2;
	v60 =	vld.idx.msk [tilespmem:v47+s2+$0x0], $0xffff  }
0x5b2: {  	v2 =	vadd.s32 v39, v2;
	[tilespmem:v54+s23+$0x0] =	vst.idx.msk $0xffff, v33;
	v54 =	vld [tilespmem:$0x1FDC0]  }
0x5b3: {  	v3 =	vshll.u32 v48, $0x3;
	v2 =	vor.u32 v40, v2;
	v40 =	vld [tilespmem:$0x1FDA0]  }
0x5b4: {  	v11 =	vshll.u32 v51, $0x3;
	v1 =	vand.u32 $0xFFFFFC00, v3;
	v3 =	vshll.u32 v50, $0x3;
	v7 =	vld.idx.msk [tilespmem:v46+s2+$0x0], $0xffff  }
0x5b5: {  	v57 =	vand.u32 $0xFFFFFC00, v11;
	v3 =	vand.u32 $0xFFFFFC00, v3;
	v8 =	vld.idx.msk [tilespmem:v45+s2+$0x0], $0xffff  }
0x5b6: {  	v57 =	vadd.s32 v39, v57;
	v1 =	vadd.s32 v39, v1;
	v3 =	vadd.s32 v39, v3;
	v39 =	vld.idx.msk [tilespmem:v44+s2+$0x0], $0xffff;
	_ =	sdelay $0x1  }
0x5b7: {  	s3 =	sshrl.u32 s0, $0x3  }
0x5b8: {  	s3 =	smul.u32 $0x3000, s3;
	v34 =	vshll.u32 v52, $0x3;
	v52 =	vmovc v22;
	v22 =	vand.u32 $0x7F, v51;
	v51 =	vshll.u32 v56, $0x3;
	v56 =	vld [tilespmem:$0x1FE20]  }
0x5b9: {  	s1 =	sadd.s32 $0x100, s1;
	v48 =	vand.u32 $0x7F, v48;
	v4 =	vadd.f32 v4, v60;
	v7 =	vadd.f32 v53, v7;
	[tilespmem:v54+s23+$0x0] =	vst.idx.add.f32.msk $0xffff, v33  }
0x5ba: {  	s5 =	sadd.s32 $0x80, s1;
	s3 =	sshra.s32 s3, $0x2;
	v10 =	vmov v10;
	v8 =	vadd.f32 v58, v8;
	v58 =	vld [tilespmem:$0x1FDD0];
	[tilespmem:v40+s23+$0x0] =	vst.idx.msk $0xffff, v31;
	v40 =	vadd.f32 v55, v39  }
0x5bb: {  	s4 =	sand.u32 $0x300, s1;
	s5 =	sand.u32 $0x380, s5;
	s3 =	sadd.s32 $0xC800, s3;
	v11 =	vmov v18;
	v1 =	vor.u32 v48, v1;
	[tilespmem:$0x1FD90] =	vst v10;
	v33 =	vmov v23  }
0x5bc: {  	s4 =	sor.u32 s4, s3;
	s3 =	sor.u32 s5, s3;
	v48 =	vld [tilespmem:$0x1FE10];
	v18 =	vmax.f32 v4, v7;
	[tilespmem:$0x1FE20] =	vst v33;
	v33 =	vor.u32 v22, v57;
	v22 =	vmax.f32 v8, v40  }
0x5bd: {  	[tilespmem:s3+$0x0] =	vst v0;
	v10 =	vmovc v56;
	v56 =	vmov v20;
	v20 =	vand.u32 $0xFFFFFC00, v34;
	v34 =	vld [tilespmem:$0x1FDF0];
	v18 =	vmax.f32 v18, v22  }
0x5be: {  	[tilespmem:s3+$0x10] =	vst v0;
	(xrf0) =	vmax.scan.msk.f32 $0xffff, v18;
	v18 =	vor.u32 v32, v33;
	v33 =	vld [tilespmem:$0x1FDE0]  }
0x5bf: {  	v5 =	vor.u32 v32, v5;
	[tilespmem:s3+$0x20] =	vst v0;
	v53 =	vor.u32 v32, v59;
	v59 =	vld [tilespmem:$0x1FE40]  }
0x5c0: {  	s30 =	sadd.s32 $0x100, s30;
	v50 =	vand.u32 $0x7F, v50;
	v6 =	vor.u32 v32, v6;
	v1 =	vor.u32 v32, v1;
	[tilespmem:s3+$0x30] =	vst v0;
	v55 =	vld [tilespmem:$0x1FE30]  }
0x5c1: {  	v23 =	vshll.u32 v61, $0x3;
	v54 =	vor.u32 v32, v63;
	v63 =	vmul.f32 $1.442695020e+00, v38;
	[tilespmem:$0x1FE30] =	vst v56;
	v56 =	vld [tilespmem:s30+$0x20]  }
0x5c2: {  	v61 =	vmovc v19;
	v57 =	vand.u32 $0xFFFFFC00, v49;
	v60 =	vand.u32 $0xFFFFFC00, v23;
	[tilespmem:v58+s23+$0x0] =	vst.idx.add.f32.msk $0xffff, v31;
	v31 =	vand.u32 $0xFFFFFC00, v51  }
0x5c3: {  	[tilespmem:$0x1FE40] =	vst v61;
	v23 =	vadd.s32 v20, v53;
	v61 =	vld [tilespmem:s30+$0x30];
	v20 =	vadd.s32 v57, v54;
	v19 =	vadd.s32 v31, v5  }
0x5c4: {  	s31 =	sadd.s32 $0x100, s31;
	[tilespmem:$0x1FE00] =	vst v52;
	v54 =	vld [tilespmem:s30+$0x10];
	v5 =	vadd.f32 v62, v29;
	v29 =	vmul.f32 $1.442695020e+00, v37;
	v22 =	vor.u32 v32, v2  }
0x5c5: {  	[tilespmem:$0x1FE10] =	vst v11;
	v3 =	vor.u32 v50, v3;
	(erf) = vpow2.f32 v63;
	v63 =	vld [tilespmem:s31+$0x20];
	v31 =	vmul.f32 $1.442695020e+00, v36  }
0x5c6: {  	v62 =	vld [tilespmem:s31+$0x10];
	v2 =	vor.u32 v32, v3;
	(erf) = vpow2.f32 v29;
	v39, _, _ =	vpop (xrf0);
	[tilespmem:v33+s23+$0x0] =	vst.idx.msk $0xffff, v30  }
0x5c7: {  	v52 =	vmov v48;
	(erf) = vpow2.f32 v31;
	v48 =	vbroadcast v39, $0xF;
	[tilespmem:v34+s23+$0x0] =	vst.idx.add.f32.msk $0xffff, v30  }
0x5c8: {  	s20 =	sadd.s32 $0x1, s0;
	[tilespmem:$0x1FDB0] =	vst v10;
	v38 =	vmul.f32 $1.442695020e+00, v35;
	v36 =	vmovc v14;
	v3 =	vadd.s32 v60, v6;
	v6 =	vmov v15;
	v30 =	vld.idx.msk [tilespmem:v1+s2+$0x0], $0xffff  }
0x5c9: {  	v58 =	vmov s20;
	v37 =	vmax.f32 v27, v5;
	[tilespmem:$0x1FDF0] =	vst v6;
	v10 =	vmovc v55;
	v4 =	vsub.f32 v4, v48;
	v6 =	vld.idx.msk [tilespmem:v22+s2+$0x0], $0xffff  }
0x5ca: {  	[tilespmem:$0x1FDA0] =	vst v52;
	v15 =	vmovc v24;
	v24 =	vmovc v3;
	v25 =	vmax.f32 v25, v37;
	v31 =	vmov s0;
	(erf) = vpow2.f32 v38;
	v3 =	vld.idx.msk [tilespmem:v18+s2+$0x0], $0xffff  }
0x5cb: {  	v14 =	vmovc v16;
	v9 =	vshll.u32 v61, $0x3;
	(xrf0) =	vmax.scan.msk.f32 $0xffff, v25;
	v7 =	vsub.f32 v7, v48;
	v29 =	vld.idx.msk [tilespmem:v2+s2+$0x0], $0xffff;
	v50 =	vmul.f32 $1.442695020e+00, v4  }
0x5cc: {  	v16 =	vmovc v2;
	v11 =	vand.u32 $0x7F, v56;
	[tilespmem:$0x1FDC0] =	vst v10;
	v57 =	vshrl.u32 v31, $0x3;
	v31 =	vshll.u32 v31, $0x7;
	v10 =	vmovc v59;
	v2 =	vld.idx.msk [tilespmem:v23+s2+$0x0], $0xffff  }
0x5cd: {  	[tilespmem:$0x1FDD0] =	vst v10;
	v8 =	vsub.f32 v8, v48;
	v49 =	vld.idx.msk [tilespmem:v19+s2+$0x0], $0xffff;
	v7 =	vmul.f32 $1.442695020e+00, v7;
	(erf) = vpow2.f32 v50  }
0x5ce: {  	v12 =	vand.u32 $0x7F, v61;
	v32 =	vand.u32 $0x300, v31;
	v59 =	vshrl.u32 v58, $0x3;
	v34 =	vpop (erf);
	v25 =	vld.idx.msk [tilespmem:v20+s2+$0x0], $0xffff;
	[tilespmem:s4+$0x0] =	vst v0  }
0x5cf: {  	v35 =	vsub.f32 v40, v48;
	[tilespmem:s4+$0x10] =	vst v0;
	v33 =	vpop (erf);
	v8 =	vmul.f32 $1.442695020e+00, v8;
	(erf) = vpow2.f32 v7  }
0x5d0: {  	v52 =	vld [tilespmem:s30+$0x0];
	v53 =	vmul.u32 $0xC00, v59;
	v59 =	vand.u32 $0x7F, v63;
	v10 =	vand.u32 $0x7F, v54;
	[tilespmem:s4+$0x20] =	vst v0;
	v31 =	vpop (erf)  }
0x5d1: {  	v39 =	vmul.u32 $0xC00, v57;
	[tilespmem:s4+$0x30] =	vst v0;
	v35 =	vmul.f32 $1.442695020e+00, v35;
	v4, _, _ =	vpop (xrf0);
	(erf) = vpow2.f32 v8  }
0x5d2: {  	[tilespmem:v13+s23+$0x0] =	vst.idx.msk $0xffff, v34;
	v13 =	vmovc v17;
	v17 =	vmov v1;
	v1 =	vld [tilespmem:s31+$0x30];
	v4 =	vbroadcast v4, $0xF;
	v3 =	vadd.f32 v49, v3  }
0x5d3: {  	v57 =	vand.u32 $0x7F, v62;
	v48 =	vld [tilespmem:s31+$0xFFFFFF80];
	v2 =	vadd.f32 v2, v30;
	v30 =	vpop (erf);
	(erf) = vpow2.f32 v35  }
0x5d4: {  	v40 =	vadd.s32 $0x800, v39;
	v7 =	vld [tilespmem:s31+$0x0];
	v6 =	vadd.f32 v25, v6;
	v38 =	vsub.f32 v26, v4  }
0x5d5: {  	[tilespmem:$0x1FDE0] =	vst v36;
	v51 =	vld [tilespmem:s31+$0xFFFFFFA0];
	v8 =	vand.u32 $0x7F, v52;
	v37 =	vsub.f32 v28, v4;
	v36 =	vsub.f32 v27, v4  }
0x5d6: {  	v50 =	vld [tilespmem:s31+$0xFFFFFFB0];
	v35 =	vsub.f32 v5, v4;
	v4 =	vshll.u32 v54, $0x3;
	v27 =	vmov v3;
	v3 =	vpop (erf)  }
0x5d7: {  	v49 =	vld [tilespmem:s31+$0xFFFFFF90];
	v5 =	vshll.u32 v56, $0x3;
	v25 =	vmax.f32 v2, v6;
	v26 =	vmovc v2;
	v2 =	vshll.u32 v58, $0x7;
	[tilespmem:v47+s23+$0x0] =	vst.idx.msk $0xffff, v3  }
0x5d8: {  	p0 =	slt.u32 s0, $0x3E;
	v28 =	vmov v6;
	v6 =	vadd.s32 $0x800, v53;
	v58 =	vand.u32 $0x7F, v1;
	[tilespmem:v43+s23+$0x0] =	vst.idx.add.f32.msk $0xffff, v3;
	v3 =	vpop (erf)  }
.Ltmp4:
0x5d9: {  	v54 =	vld [tilespmem:s30+$0xFFFFFF90];
	v55 =	vand.u32 $0x380, v2;
	v2 =	vshll.u32 v52, $0x3;
	v60 =	vand.u32 $0x7F, v7;
	[tilespmem:v46+s23+$0x0] =	vst.idx.msk $0xffff, v3;
	(pc) =	sbr.rel @p0 .LBB2_10-.Ltmp4, $4  }
0x5da: {  	v47 =	vshll.u32 v62, $0x3;
	v62 =	vshll.u32 v1, $0x3;
	v43 =	vshll.u32 v7, $0x3;
	v7 =	vpop (erf);
	[tilespmem:v42+s23+$0x0] =	vst.idx.add.f32.msk $0xffff, v3  }
0x5db: {  	v56 =	vld [tilespmem:s30+$0xFFFFFFA0];
	v1 =	vand.u32 $0xFFFFFC00, v5;
	v46 =	vshll.u32 v63, $0x3;
	v3 =	vand.u32 $0xFFFFFC00, v2;
	[tilespmem:v45+s23+$0x0] =	vst.idx.msk $0xffff, v7  }
0x5dc: {  	v2 =	vand.u32 $0xFFFFFC00, v4;
	v4 =	vor.u32 v8, v6;
	v42 =	vor.u32 v10, v6;
	v61 =	vpop (erf);
	[tilespmem:v41+s23+$0x0] =	vst.idx.add.f32.msk $0xffff, v7  }
0x5dd: {  	s0 =	sadd.s32 $0x2, s0;
	v52 =	vld [tilespmem:s30+$0xFFFFFF80];
	v63 =	vand.u32 $0xFFFFFC00, v9;
	v45 =	vor.u32 v12, v6;
	v41 =	vor.u32 v11, v6;
	[tilespmem:v44+s23+$0x0] =	vst.idx.msk $0xffff, v61  }
0x5de: {  	v5 =	vand.u32 $0xFFFFFC00, v43;
	v4 =	vor.u32 v55, v4;
	v6 =	vor.u32 v55, v42  }
0x5df: {  	v43 =	vadd.s32 v3, v4;
	v42 =	vadd.s32 v2, v6;
	v2 =	vadd.s32 v53, v5  }
0x5e0: {  	v3 =	vand.u32 $0xFFFFFC00, v47;
	v4 =	vand.u32 $0xFFFFFC00, v46;
	v2 =	vor.u32 v60, v2  }
0x5e1: {  	v5 =	vor.u32 v55, v41;
	v6 =	vand.u32 $0xFFFFFC00, v62;
	v46 =	vor.u32 v55, v2  }
0x5e2: {  	v44 =	vadd.s32 v1, v5;
	v1 =	vor.u32 v55, v45;
	v2 =	vadd.s32 v53, v3  }
0x5e3: {  	v41 =	vadd.s32 v63, v1;
	v1 =	vor.u32 v57, v2;
	v2 =	vadd.s32 v53, v4  }
0x5e4: {  	v57 =	vor.u32 v55, v1;
	v1 =	vor.u32 v59, v2;
	v2 =	vadd.s32 v53, v6;
	v3 =	vld.idx.msk [tilespmem:v43+s2+$0x0], $0xffff  }
0x5e5: {  	v4 =	vld.idx.msk [tilespmem:v42+s2+$0x0], $0xffff;
	v47 =	vor.u32 v55, v1;
	v1 =	vor.u32 v58, v2  }
0x5e6: {  	v45 =	vor.u32 v55, v1;
	v1 =	vld.idx.msk [tilespmem:v46+s2+$0x0], $0xffff  }
0x5e7: {  	v2 =	vld.idx.msk [tilespmem:v44+s2+$0x0], $0xffff  }
0x5e8: {  	v5 =	vld.idx.msk [tilespmem:v41+s2+$0x0], $0xffff  }
0x5e9: {  	v6 =	vld.idx.msk [tilespmem:v57+s2+$0x0], $0xffff  }
0x5ea: {  	v8 =	vld.idx.msk [tilespmem:v47+s2+$0x0], $0xffff  }
0x5eb: {  	v1 =	vadd.f32 v3, v1;
	v3 =	vld.idx.msk [tilespmem:v45+s2+$0x0], $0xffff  }
0x5ec: {  	v7 =	vshll.u32 v48, $0x3;
	v9 =	vshll.u32 v49, $0x3;
	v10 =	vshll.u32 v51, $0x3  }
0x5ed: {  	v11 =	vshll.u32 v50, $0x3;
	[tilespmem:v21+s23+$0x0] =	vst.idx.add.f32.msk $0xffff, v61;
	v61 =	vmul.f32 $1.442695020e+00, v38;
	v7 =	vand.u32 $0xFFFFFC00, v7  }
0x5ee: {  	v9 =	vand.u32 $0xFFFFFC00, v9;
	v10 =	vand.u32 $0xFFFFFC00, v10;
	v11 =	vand.u32 $0xFFFFFC00, v11  }
0x5ef: {  	v62 =	vand.u32 $0x7F, v51;
	v7 =	vadd.s32 v39, v7;
	v4 =	vadd.f32 v4, v6  }
0x5f0: {  	v9 =	vadd.s32 v39, v9;
	v2 =	vadd.f32 v2, v8;
	v3 =	vadd.f32 v5, v3  }
0x5f1: {  	v12 =	vld [tilespmem:s30+$0xFFFFFFB0];
	v10 =	vadd.s32 v39, v10;
	v58 =	vand.u32 $0x7F, v48;
	v55 =	vand.u32 $0x7F, v56  }
0x5f2: {  	v8 =	vor.u32 v55, v40;
	v63 =	vmax.f32 v1, v4;
	v55 =	vmax.f32 v2, v3  }
0x5f3: {  	v60 =	vand.u32 $0x7F, v49;
	v7 =	vor.u32 v58, v7;
	v58 =	vmax.f32 v63, v55  }
0x5f4: {  	v11 =	vadd.s32 v39, v11;
	(erf) = vpow2.f32 v61;
	v9 =	vor.u32 v60, v9;
	(xrf0) =	vmax.scan.msk.f32 $0xffff, v58  }
0x5f5: {  	v10 =	vor.u32 v62, v10;
	v60 =	vshll.u32 v54, $0x3;
	v62 =	vand.u32 $0x7F, v50  }
0x5f6: {  	v11 =	vor.u32 v62, v11;
	v59 =	vand.u32 $0x7F, v12;
	v12 =	vshll.u32 v12, $0x3  }
0x5f7: {  	v49 =	vand.u32 $0xFFFFFC00, v60;
	v60 =	vor.u32 v32, v11;
	v12 =	vand.u32 $0xFFFFFC00, v12  }
0x5f8: {  	v39 =	vor.u32 v32, v7;
	v6 =	vand.u32 $0x7F, v54;
	v54 =	vld.idx.msk [tilespmem:v24+s2+$0x0], $0xffff;
	v5 =	vand.u32 $0x7F, v52  }
0x5f9: {  	v53 =	vld [tilespmem:$0x1FDB0];
	v6 =	vor.u32 v6, v40;
	v7 =	vor.u32 v32, v8;
	v5 =	vor.u32 v5, v40  }
0x5fa: {  	v40 =	vor.u32 v59, v40;
	v59 =	vshll.u32 v52, $0x3;
	v63 =	vshll.u32 v56, $0x3;
	v62, _, _ =	vpop (xrf0)  }
0x5fb: {  	v55 =	vor.u32 v32, v40;
	v56 =	vand.u32 $0xFFFFFC00, v59;
	v11 =	vbroadcast v62, $0xF  }
0x5fc: {  	v59 =	vand.u32 $0xFFFFFC00, v63;
	v8 =	vadd.s32 v12, v55;
	v12 =	vmul.f32 $1.442695020e+00, v37  }
0x5fd: {  	v63 =	vadd.f32 v54, v29;
	v29 =	vmul.f32 $1.442695020e+00, v36;
	v1 =	vsub.f32 v1, v11  }
0x5fe: {  	v35 =	vmul.f32 $1.442695020e+00, v35;
	(erf) = vpow2.f32 v12;
	v4 =	vsub.f32 v4, v11  }
0x5ff: {  	(erf) = vpow2.f32 v29;
	v1 =	vmul.f32 $1.442695020e+00, v1  }
0x600: {  	(erf) = vpow2.f32 v35;
	v4 =	vmul.f32 $1.442695020e+00, v4  }
0x601: {  	[tilespmem:v53+s23+$0x0] =	vst.idx.add.f32.msk $0xffff, v34;
	(erf) = vpow2.f32 v1  }
0x602: {  	(erf) = vpow2.f32 v4;
	v4 =	vld [tilespmem:$0x1FD90];
	_ =	sdelay $0x7  }
0x603: {  	[tilespmem:v4+s23+$0x0] =	vst.idx.msk $0xffff, v33  }
0x604: {  	v4 =	vld [tilespmem:$0x1FDC0];
	_ =	sdelay $0x4  }
0x605: {  	v2 =	vsub.f32 v2, v11;
	_ =	sdelay $0x1  }
0x606: {  	v5 =	vor.u32 v32, v5;
	v2 =	vmul.f32 $1.442695020e+00, v2  }
0x607: {  	v5 =	vadd.s32 v56, v5;
	[tilespmem:v4+s23+$0x0] =	vst.idx.add.f32.msk $0xffff, v33  }
0x608: {  	v4 =	vpop (erf);
	(erf) = vpow2.f32 v2;
	v2 =	vld [tilespmem:$0x1FDA0];
	_ =	sdelay $0x2  }
0x609: {  	v21 =	vld.idx.msk [tilespmem:v39+s2+$0x0], $0xffff  }
0x60a: {  	v29 =	vld.idx.msk [tilespmem:v5+s2+$0x0], $0xffff;
	_ =	sdelay $0x3  }
0x60b: {  	[tilespmem:v2+s23+$0x0] =	vst.idx.msk $0xffff, v31  }
0x60c: {  	v54 =	vadd.f32 v29, v21;
	v21 =	vld [tilespmem:$0x1FDD0];
	_ =	sdelay $0x4  }
0x60d: {  	v3 =	vsub.f32 v3, v11;
	_ =	sdelay $0x1  }
0x60e: {  	v3 =	vmul.f32 $1.442695020e+00, v3  }
0x60f: {  	[tilespmem:v21+s23+$0x0] =	vst.idx.add.f32.msk $0xffff, v31  }
0x610: {  	v21 =	vpop (erf);
	(erf) = vpow2.f32 v3;
	v3 =	vld [tilespmem:$0x1FDE0]  }
0x611: {  	v40 =	vor.u32 v32, v9  }
0x612: {  	v6 =	vor.u32 v32, v6;
	v58 =	vor.u32 v32, v10  }
0x613: {  	v6 =	vadd.s32 v49, v6;
	v12 =	vld.idx.msk [tilespmem:v60+s2+$0x0], $0xffff  }
0x614: {  	v1 =	vld.idx.msk [tilespmem:v8+s2+$0x0], $0xffff  }
0x615: {  	v7 =	vadd.s32 v59, v7  }
0x616: {  	v50 =	vmax.f32 v27, v63;
	v49 =	vld.idx.msk [tilespmem:v40+s2+$0x0], $0xffff  }
0x617: {  	v25 =	vmax.f32 v25, v50;
	v51 =	vld.idx.msk [tilespmem:v58+s2+$0x0], $0xffff  }
0x618: {  	(xrf0) =	vmax.scan.msk.f32 $0xffff, v25;
	v25 =	vld.idx.msk [tilespmem:v6+s2+$0x0], $0xffff;
	[tilespmem:v3+s23+$0x0] =	vst.idx.msk $0xffff, v30  }
0x619: {  	v1 =	vadd.f32 v1, v12;
	v12 =	vld [tilespmem:$0x1FDF0]  }
0x61a: {  	v52 =	vld.idx.msk [tilespmem:v7+s2+$0x0], $0xffff;
	_ =	sdelay $0x4  }
0x61b: {  	v9 =	vadd.f32 v25, v49;
	v25 =	vadd.f32 v52, v51;
	_ =	sdelay $0x1  }
0x61c: {  	v29 =	vmax.f32 v54, v9;
	v3 =	vpop (erf);
	[tilespmem:v12+s23+$0x0] =	vst.idx.add.f32.msk $0xffff, v30;
	v30 =	vmax.f32 v25, v1  }
0x61d: {  	v12 =	vpop (erf);
	v29 =	vmax.f32 v29, v30  }
0x61e: {  	[tilespmem:v13+s23+$0x0] =	vst.idx.msk $0xffff, v4;
	v31 =	vpop (erf)  }
0x61f: {  	v2, _, _ =	vpop (xrf0);
	[tilespmem:v46+s23+$0x0] =	vst.idx.msk $0xffff, v31  }
0x620: {  	v2 =	vbroadcast v2, $0xF;
	(xrf0) =	vmax.scan.msk.f32 $0xffff, v29;
	[tilespmem:v43+s23+$0x0] =	vst.idx.add.f32.msk $0xffff, v31;
	v29 =	vpop (erf)  }
0x621: {  	[tilespmem:v57+s23+$0x0] =	vst.idx.msk $0xffff, v29  }
0x622: {  	v26 =	vsub.f32 v26, v2;
	v27 =	vsub.f32 v27, v2;
	[tilespmem:v42+s23+$0x0] =	vst.idx.add.f32.msk $0xffff, v29;
	v29 =	vpop (erf)  }
0x623: {  	[tilespmem:v47+s23+$0x0] =	vst.idx.msk $0xffff, v29  }
0x624: {  	v26 =	vmul.f32 $1.442695020e+00, v26;
	[tilespmem:v44+s23+$0x0] =	vst.idx.add.f32.msk $0xffff, v29;
	v29 =	vpop (erf)  }
0x625: {  	[tilespmem:v45+s23+$0x0] =	vst.idx.msk $0xffff, v29  }
0x626: {  	(erf) = vpow2.f32 v26;
	v26 =	vmul.f32 $1.442695020e+00, v27;
	v27, _, _ =	vpop (xrf0);
	[tilespmem:v41+s23+$0x0] =	vst.idx.add.f32.msk $0xffff, v29  }
0x627: {  	v55 =	vbroadcast v27, $0xF;
	v27 =	vld [tilespmem:$0x1FE20];
	_ =	sdelay $0x7  }
0x628: {  	[tilespmem:v27+s23+$0x0] =	vst.idx.add.f32.msk $0xffff, v4  }
0x629: {  	v4 =	vld [tilespmem:$0x1FE00];
	_ =	sdelay $0x7  }
0x62a: {  	[tilespmem:v4+s23+$0x0] =	vst.idx.msk $0xffff, v21  }
0x62b: {  	v56 =	vld [tilespmem:$0x1FE30];
	_ =	sdelay $0x7  }
0x62c: {  	[tilespmem:v56+s23+$0x0] =	vst.idx.add.f32.msk $0xffff, v21  }
0x62d: {  	v11 =	vld [tilespmem:$0x1FE10];
	_ =	sdelay $0x5  }
0x62e: {  	v28 =	vsub.f32 v28, v2;
	_ =	sdelay $0x1  }
0x62f: {  	v28 =	vmul.f32 $1.442695020e+00, v28;
	[tilespmem:v11+s23+$0x0] =	vst.idx.msk $0xffff, v3  }
0x630: {  	v2 =	vsub.f32 v63, v2;
	v57 =	vld [tilespmem:$0x1FE40]  }
0x631: {  	(erf) = vpow2.f32 v28  }
0x632: {  	v2 =	vmul.f32 $1.442695020e+00, v2;
	v4 =	vsub.f32 v54, v55  }
0x633: {  	(erf) = vpow2.f32 v26  }
0x634: {  	(erf) = vpow2.f32 v2;
	v2 =	vsub.f32 v9, v55;
	v4 =	vmul.f32 $1.442695020e+00, v4;
	_ =	sdelay $0x1  }
0x635: {  	v2 =	vmul.f32 $1.442695020e+00, v2;
	_ =	sdelay $0x1  }
0x636: {  	(erf) = vpow2.f32 v4;
	v4 =	vpop (erf);
	[tilespmem:v57+s23+$0x0] =	vst.idx.add.f32.msk $0xffff, v3;
	v3 =	vsub.f32 v25, v55  }
0x637: {  	[tilespmem:v17+s23+$0x0] =	vst.idx.msk $0xffff, v4  }
0x638: {  	v1 =	vsub.f32 v1, v55;
	(erf) = vpow2.f32 v2;
	v2 =	vpop (erf);
	[tilespmem:v23+s23+$0x0] =	vst.idx.add.f32.msk $0xffff, v4;
	v3 =	vmul.f32 $1.442695020e+00, v3  }
0x639: {  	[tilespmem:v22+s23+$0x0] =	vst.idx.msk $0xffff, v2  }
0x63a: {  	v1 =	vmul.f32 $1.442695020e+00, v1;
	[tilespmem:v20+s23+$0x0] =	vst.idx.add.f32.msk $0xffff, v2  }
0x63b: {  	[tilespmem:v14+s23+$0x0] =	vst.idx.msk $0xffff, v12;
	(erf) = vpow2.f32 v3  }
0x63c: {  	[tilespmem:v15+s23+$0x0] =	vst.idx.add.f32.msk $0xffff, v12;
	v3 =	vpop (erf)  }
0x63d: {  	(erf) = vpow2.f32 v1;
	[tilespmem:v18+s23+$0x0] =	vst.idx.msk $0xffff, v3  }
0x63e: {  	v1 =	vpop (erf);
	[tilespmem:v19+s23+$0x0] =	vst.idx.add.f32.msk $0xffff, v3  }
0x63f: {  	[tilespmem:v16+s23+$0x0] =	vst.idx.msk $0xffff, v1  }
0x640: {  	[tilespmem:v24+s23+$0x0] =	vst.idx.add.f32.msk $0xffff, v1;
	v1 =	vpop (erf)  }
0x641: {  	[tilespmem:v39+s23+$0x0] =	vst.idx.msk $0xffff, v1  }
0x642: {  	v2 =	vpop (erf);
	[tilespmem:v5+s23+$0x0] =	vst.idx.add.f32.msk $0xffff, v1  }
0x643: {  	[tilespmem:v40+s23+$0x0] =	vst.idx.msk $0xffff, v2  }
0x644: {  	v1 =	vpop (erf);
	[tilespmem:v6+s23+$0x0] =	vst.idx.add.f32.msk $0xffff, v2  }
0x645: {  	[tilespmem:v58+s23+$0x0] =	vst.idx.msk $0xffff, v1  }
0x646: {  	v2 =	vpop (erf);
	[tilespmem:v7+s23+$0x0] =	vst.idx.add.f32.msk $0xffff, v1  }
0x647: {  	[tilespmem:v60+s23+$0x0] =	vst.idx.msk $0xffff, v2  }
0x648: {  	s0 =	simm.s32 $0x0;
	[tilespmem:v8+s23+$0x0] =	vst.idx.add.f32.msk $0xffff, v2  }
0x649: {  	[hbm4b:s15+s0] =	stream.linear.scatter [tilespmem:s23], [sflag:$0x3], $0x6000, $0x38;
	[tilespmem:$0x1C000] =	vst v63  }
0x64a: {  	s1 =	simm.s32 $0x0;
	_ =	swait.ge [sflag:s24], $0x6000  }
0x64b: {  	s1 =	smul.u32 $0x3000, s1;
	[sflag:s24] =	ssyncset.done $0x0  }
0x64c: {  	[sflag:s24] =	ssyncadd.s32 $0xFFFFA000  }
0x64d: {  	s3 =	simm.s32 $0x80;
	s1 =	sshra.s32 s1, $0x2;
	_ =	swait.ge [sflag:s28], $0x6000  }
0x64e: {  	s6 =	sand.u32 $0x380, s3;
	s4 =	sadd.s32 $0x12800, s1;
	[sflag:s28] =	ssyncset.done $0x0  }
0x64f: {  	s3 =	sor.u32 s6, s4;
	[sflag:s28] =	ssyncadd.s32 $0xFFFFA000  }
0x650: {  	[tilespmem:s3+$0x0] =	vst v0  }
0x651: {  	[tilespmem:s3+$0x10] =	vst v0  }
0x652: {  	[tilespmem:s3+$0x20] =	vst v0  }
0x653: {  	s7 =	simm.s32 $0x1A080;
	[tilespmem:s3+$0x30] =	vst v0  }
0x654: {  	v1 =	vld [tilespmem:s7+$0x0]  }
0x655: {  	v2 =	vld [tilespmem:s7+$0x10]  }
0x656: {  	v3 =	vld [tilespmem:s7+$0x20]  }
0x657: {  	s18 =	simm.s32 $0x18080;
	v4 =	vld [tilespmem:s7+$0x30]  }
0x658: {  	s5 =	simm.s32 $0x1;
	v5 =	vld [tilespmem:s18+$0x0]  }
0x659: {  	v6 =	vmov s5;
	v7 =	vld [tilespmem:s18+$0x10]  }
0x65a: {  	v58 =	vshrl.u32 v6, $0x3;
	v59 =	vld [tilespmem:s18+$0x20]  }
0x65b: {  	v60 =	vmul.u32 $0xC00, v58;
	v61 =	vld [tilespmem:s18+$0x30]  }
0x65c: {  	v6 =	vshll.u32 v6, $0x7  }
0x65d: {  	v6 =	vand.u32 $0x380, v6;
	v62 =	vadd.s32 $0x800, v60  }
0x65e: {  	s20 =	sand.u32 $0x300, s0;
	v12 =	vand.u32 $0x7F, v5;
	v13 =	vshll.u32 v1, $0x3;
	v14 =	vand.u32 $0x7F, v7  }
0x65f: {  	s4 =	sor.u32 s20, s4;
	v15 =	vshll.u32 v2, $0x3;
	v17 =	vand.u32 $0x7F, v59;
	v16 =	vshll.u32 v3, $0x3  }
0x660: {  	[tilespmem:s4+$0x0] =	vst v0;
	v1 =	vand.u32 $0x7F, v1;
	v21 =	vand.u32 $0x7F, v61;
	v18 =	vshll.u32 v4, $0x3  }
0x661: {  	[tilespmem:s4+$0x10] =	vst v0;
	v2 =	vand.u32 $0x7F, v2;
	v3 =	vand.u32 $0x7F, v3;
	v4 =	vand.u32 $0x7F, v4  }
0x662: {  	[tilespmem:s4+$0x20] =	vst v0;
	v5 =	vshll.u32 v5, $0x3;
	v7 =	vshll.u32 v7, $0x3;
	v9 =	vshll.u32 v59, $0x3  }
0x663: {  	[tilespmem:s4+$0x30] =	vst v0;
	v20 =	vshll.u32 v61, $0x3;
	v13 =	vand.u32 $0xFFFFFC00, v13;
	v15 =	vand.u32 $0xFFFFFC00, v15  }
0x664: {  	v23 =	vld [tilespmem:s18+$0xFFFFFF80];
	v1 =	vor.u32 v1, v62;
	v2 =	vor.u32 v2, v62;
	v16 =	vand.u32 $0xFFFFFC00, v16  }
0x665: {  	v24 =	vld [tilespmem:s18+$0xFFFFFF90];
	v3 =	vor.u32 v3, v62;
	v22 =	vand.u32 $0xFFFFFC00, v18;
	v4 =	vor.u32 v4, v62  }
0x666: {  	v63 =	vld [tilespmem:s18+$0xFFFFFFA0];
	v5 =	vand.u32 $0xFFFFFC00, v5;
	v7 =	vand.u32 $0xFFFFFC00, v7;
	v1 =	vor.u32 v6, v1  }
0x667: {  	v25 =	vld [tilespmem:s18+$0xFFFFFFB0];
	v5 =	vadd.s32 v60, v5;
	v8 =	vadd.s32 v13, v1;
	v1 =	vor.u32 v6, v2  }
0x668: {  	v7 =	vadd.s32 v60, v7;
	v13 =	vld [tilespmem:s7+$0xFFFFFF80];
	v5 =	vor.u32 v12, v5;
	v19 =	vadd.s32 v15, v1  }
0x669: {  	v2 =	vand.u32 $0xFFFFFC00, v9;
	v1 =	vor.u32 v6, v3;
	v15 =	vld [tilespmem:s7+$0xFFFFFF90];
	v9 =	vor.u32 v6, v5  }
0x66a: {  	v3 =	vand.u32 $0xFFFFFC00, v20;
	v18 =	vadd.s32 v16, v1;
	v1 =	vor.u32 v6, v4;
	v4 =	vld [tilespmem:s7+$0xFFFFFFA0]  }
0x66b: {  	v5 =	vor.u32 v14, v7;
	v2 =	vadd.s32 v60, v2;
	v16 =	vadd.s32 v22, v1;
	v1 =	vld [tilespmem:s7+$0xFFFFFFB0]  }
0x66c: {  	v2 =	vor.u32 v17, v2;
	v3 =	vadd.s32 v60, v3;
	v22 =	vor.u32 v6, v5;
	v7 =	vld.idx.msk [tilespmem:v8+s21+$0x0], $0xffff  }
0x66d: {  	v20 =	vor.u32 v6, v2;
	v2 =	vor.u32 v21, v3;
	v5 =	vld.idx.msk [tilespmem:v19+s21+$0x0], $0xffff  }
0x66e: {  	v17 =	vor.u32 v6, v2;
	v12 =	vld.idx.msk [tilespmem:v9+s21+$0x0], $0xffff  }
0x66f: {  	v27 =	vshll.u32 v23, $0x3;
	v3 =	vld.idx.msk [tilespmem:v18+s21+$0x0], $0xffff  }
0x670: {  	v28 =	vshll.u32 v24, $0x3;
	v30 =	vshll.u32 v63, $0x3;
	v31 =	vshll.u32 v25, $0x3;
	v6 =	vld.idx.msk [tilespmem:v16+s21+$0x0], $0xffff  }
0x671: {  	v23 =	vand.u32 $0x7F, v23;
	v24 =	vand.u32 $0x7F, v24;
	v11 =	vand.u32 $0x7F, v63;
	v41 =	vld.idx.msk [tilespmem:v22+s21+$0x0], $0xffff  }
0x672: {  	v25 =	vand.u32 $0x7F, v25;
	v27 =	vand.u32 $0xFFFFFC00, v27;
	v2 =	vmov s0;
	v21 =	vld.idx.msk [tilespmem:v20+s21+$0x0], $0xffff  }
0x673: {  	s5 =	simm.s32 $0x0;
	v28 =	vand.u32 $0xFFFFFC00, v28;
	v30 =	vand.u32 $0xFFFFFC00, v30;
	v40 =	vshrl.u32 v2, $0x3;
	v29 =	vld.idx.msk [tilespmem:v17+s21+$0x0], $0xffff  }
0x674: {  	v31 =	vand.u32 $0xFFFFFC00, v31;
	s0 =	smul.u32 $0x3000, s5;
	v2 =	vshll.u32 v2, $0x7;
	v14 =	vmul.u32 $0xC00, v40  }
0x675: {  	v42 =	vand.u32 $0x7F, v13;
	v13 =	vshll.u32 v13, $0x3;
	v2 =	vand.u32 $0x300, v2  }
0x676: {  	s6 =	simm.s32 $0x180;
	v43 =	vand.u32 $0x7F, v15;
	s0 =	sshra.s32 s0, $0x2;
	v44 =	vand.u32 $0x7F, v4;
	v26 =	vadd.s32 $0x800, v14  }
0x677: {  	s7 =	sand.u32 $0x380, s6;
	s1 =	sadd.s32 $0x12800, s0;
	v45 =	vand.u32 $0x7F, v1;
	v12 =	vadd.f32 v7, v12;
	v46 =	vadd.f32 v5, v41  }
0x678: {  	s0 =	sor.u32 s7, s1;
	v7 =	vadd.s32 v14, v30;
	v3 =	vadd.f32 v3, v21;
	v10 =	vadd.f32 v6, v29  }
0x679: {  	[tilespmem:s0+$0x0] =	vst v0;
	v5 =	vadd.s32 v14, v27;
	v21 =	vor.u32 v42, v26;
	v27 =	vor.u32 v43, v26  }
0x67a: {  	[tilespmem:s0+$0x10] =	vst v0;
	v6 =	vadd.s32 v14, v28;
	v28 =	vmax.f32 v12, v46;
	v29 =	vmax.f32 v3, v10  }
0x67b: {  	[tilespmem:s0+$0x20] =	vst v0;
	v5 =	vor.u32 v23, v5;
	v28 =	vmax.f32 v28, v29;
	v29 =	vor.u32 v44, v26  }
0x67c: {  	s18 =	simm.s32 $0x1A180;
	[tilespmem:s0+$0x30] =	vst v0;
	v26 =	vor.u32 v45, v26;
	v23 =	vor.u32 v2, v29;
	v29 =	vor.u32 v2, v5  }
0x67d: {  	v14 =	vadd.s32 v14, v31;
	v6 =	vor.u32 v24, v6;
	v24 =	vor.u32 v2, v26;
	v26 =	vld [tilespmem:s18+$0x0];
	[tilespmem:$0x1FD80] =	vst v29  }
0x67e: {  	v47 =	vor.u32 v25, v14;
	v14 =	vor.u32 v2, v21;
	v21 =	vor.u32 v2, v27;
	v27 =	vld [tilespmem:s18+$0x10]  }
0x67f: {  	s20 =	simm.s32 $0x18180;
	v15 =	vshll.u32 v15, $0x3;
	v13 =	vand.u32 $0xFFFFFC00, v13;
	v4 =	vshll.u32 v4, $0x3;
	(xrf0) =	vmax.scan.msk.f32 $0xffff, v28;
	v28 =	vld [tilespmem:s18+$0x20]  }
0x680: {  	v15 =	vand.u32 $0xFFFFFC00, v15;
	v1 =	vshll.u32 v1, $0x3;
	v4 =	vand.u32 $0xFFFFFC00, v4;
	v50 =	vld [tilespmem:s20+$0x0]  }
0x681: {  	v1 =	vand.u32 $0xFFFFFC00, v1;
	v7 =	vor.u32 v11, v7;
	v48 =	vadd.s32 v13, v14;
	v13 =	vld [tilespmem:s20+$0x10]  }
0x682: {  	s5 =	simm.s32 $0x2;
	v7 =	vor.u32 v2, v7;
	v25 =	vor.u32 v2, v6;
	v49 =	vadd.s32 v15, v21;
	v21 =	vld [tilespmem:s20+$0x20]  }
0x683: {  	v6 =	vadd.s32 v4, v23;
	v53 =	vadd.s32 v1, v24;
	v1 =	vmov s5;
	v23 =	vld [tilespmem:s20+$0x30]  }
0x684: {  	v52 =	vshrl.u32 v1, $0x3;
	v1 =	vshll.u32 v1, $0x7;
	v24 =	vshll.u32 v26, $0x3  }
0x685: {  	v1 =	vand.u32 $0x300, v1;
	v26 =	vand.u32 $0x7F, v26;
	v5, _, _ =	vpop (xrf0);
	v24 =	vand.u32 $0xFFFFFC00, v24  }
0x686: {  	v54 =	vld.idx.msk [tilespmem:v29+s21+$0x0], $0xffff;
	v31 =	vbroadcast v5, $0xF;
	v5 =	vor.u32 v2, v47;
	v29 =	vand.u32 $0x7F, v50  }
0x687: {  	v55 =	vand.u32 $0x7F, v13;
	v30 =	vshll.u32 v27, $0x3;
	v57 =	vand.u32 $0x7F, v21  }
0x688: {  	v58 =	vshll.u32 v28, $0x3;
	v60 =	vand.u32 $0x7F, v23;
	v27 =	vand.u32 $0x7F, v27  }
0x689: {  	s7 =	simm.s32 $0x100;
	v28 =	vand.u32 $0x7F, v28;
	v11 =	vshll.u32 v50, $0x3;
	v13 =	vshll.u32 v13, $0x3  }
0x68a: {  	s4 =	sand.u32 $0x300, s7;
	v2 =	vld [tilespmem:s18+$0x30];
	[tilespmem:$0x1FCB0] =	vst v25;
	v21 =	vshll.u32 v21, $0x3;
	v23 =	vshll.u32 v23, $0x3;
	v30 =	vand.u32 $0xFFFFFC00, v30  }
0x68b: {  	s6 =	simm.s32 $0x3;
	s1 =	sor.u32 s4, s1;
	v56 =	vld.idx.msk [tilespmem:v25+s21+$0x0], $0xffff;
	[tilespmem:$0x1FCC0] =	vst v7;
	v37 =	vand.u32 $0xFFFFFC00, v58;
	v11 =	vand.u32 $0xFFFFFC00, v11;
	v13 =	vand.u32 $0xFFFFFC00, v13  }
0x68c: {  	v4 =	vsub.f32 v12, v31;
	v12 =	vmov s6;
	v14 =	vsub.f32 v46, v31;
	[tilespmem:s1+$0x0] =	vst v0  }
0x68d: {  	v3 =	vsub.f32 v3, v31;
	v59 =	vld.idx.msk [tilespmem:v7+s21+$0x0], $0xffff;
	v10 =	vsub.f32 v10, v31;
	v15 =	vshrl.u32 v12, $0x3;
	[tilespmem:$0x1FCD0] =	vst v48  }
0x68e: {  	v12 =	vshll.u32 v12, $0x7;
	v4 =	vmul.f32 $1.442695020e+00, v4;
	v14 =	vmul.f32 $1.442695020e+00, v14;
	[tilespmem:s1+$0x10] =	vst v0  }
0x68f: {  	v15 =	vmul.u32 $0xC00, v15;
	v41 =	vld.idx.msk [tilespmem:v48+s21+$0x0], $0xffff;
	v3 =	vmul.f32 $1.442695020e+00, v3;
	v10 =	vmul.f32 $1.442695020e+00, v10;
	[tilespmem:$0x1FCE0] =	vst v49  }
0x690: {  	v61 =	vshll.u32 v2, $0x3;
	v2 =	vand.u32 $0x7F, v2;
	(erf) = vpow2.f32 v4;
	[tilespmem:s1+$0x20] =	vst v0  }
0x691: {  	v4 =	vand.u32 $0x380, v12;
	v12 =	vadd.s32 $0x800, v15;
	v42 =	vld.idx.msk [tilespmem:v49+s21+$0x0], $0xffff;
	v11 =	vadd.s32 v15, v11;
	[tilespmem:$0x1FCF0] =	vst v6  }
0x692: {  	v40 =	vand.u32 $0xFFFFFC00, v61;
	v13 =	vadd.s32 v15, v13;
	v26 =	vor.u32 v26, v12;
	v62 =	vld.idx.msk [tilespmem:v6+s21+$0x0], $0xffff;
	[tilespmem:s1+$0x30] =	vst v0  }
0x693: {  	v27 =	vor.u32 v27, v12;
	v63 =	vor.u32 v28, v12;
	v2 =	vor.u32 v2, v12;
	v44 =	vld [tilespmem:s20+$0xFFFFFF80]  }
0x694: {  	v11 =	vor.u32 v29, v11;
	v50 =	vor.u32 v55, v13;
	(erf) = vpow2.f32 v14;
	v45 =	vld [tilespmem:s20+$0xFFFFFF90]  }
0x695: {  	v26 =	vor.u32 v4, v26;
	v2 =	vor.u32 v4, v2;
	v29 =	vor.u32 v4, v50;
	v12 =	vld [tilespmem:s20+$0xFFFFFFA0]  }
0x696: {  	(erf) = vpow2.f32 v3;
	v47 =	vld [tilespmem:s20+$0xFFFFFFB0];
	v28 =	vadd.s32 v24, v26;
	v24 =	vor.u32 v4, v27  }
0x697: {  	v26 =	vand.u32 $0xFFFFFC00, v21;
	v48 =	vld [tilespmem:s18+$0xFFFFFF80];
	v21 =	vor.u32 v4, v63;
	v27 =	vand.u32 $0xFFFFFC00, v23  }
0x698: {  	v46 =	vld [tilespmem:s18+$0xFFFFFF90];
	v32 =	vadd.f32 v41, v54;
	v24 =	vadd.s32 v30, v24;
	v23 =	vadd.s32 v37, v21  }
0x699: {  	v49 =	vld [tilespmem:s18+$0xFFFFFFA0];
	v21 =	vadd.s32 v40, v2;
	v30 =	vor.u32 v4, v11;
	v13 =	vadd.s32 v15, v26  }
0x69a: {  	v2 =	vld [tilespmem:s18+$0xFFFFFFB0];
	v51 =	vor.u32 v57, v13;
	v13 =	vadd.s32 v15, v27;
	v15 =	vmul.u32 $0xC00, v52  }
0x69b: {  	v33 =	vadd.f32 v42, v56;
	v27 =	vor.u32 v4, v51;
	v52 =	vor.u32 v60, v13;
	v31 =	vld.idx.msk [tilespmem:v29+s21+$0x0], $0xffff  }
0x69c: {  	(erf) = vpow2.f32 v10;
	v26 =	vor.u32 v4, v52;
	v11 =	vadd.s32 $0x800, v15;
	v37 =	vld.idx.msk [tilespmem:v28+s21+$0x0], $0xffff  }
0x69d: {  	v34 =	vadd.f32 v62, v59;
	v3 =	vmax.f32 v32, v33;
	v54 =	vshll.u32 v44, $0x3;
	v36 =	vld.idx.msk [tilespmem:v24+s21+$0x0], $0xffff  }
0x69e: {  	v55 =	vshll.u32 v45, $0x3;
	v57 =	vshll.u32 v12, $0x3;
	v59 =	vshll.u32 v47, $0x3;
	v13 =	vld.idx.msk [tilespmem:v23+s21+$0x0], $0xffff  }
0x69f: {  	v60 =	vand.u32 $0x7F, v48;
	v61 =	vand.u32 $0x7F, v46;
	v62 =	vand.u32 $0x7F, v49;
	v14 =	vld.idx.msk [tilespmem:v30+s21+$0x0], $0xffff  }
0x6a0: {  	v12 =	vand.u32 $0x7F, v12;
	v10 =	vand.u32 $0xFFFFFC00, v54;
	v35 =	vand.u32 $0xFFFFFC00, v55;
	v56 =	vld.idx.msk [tilespmem:v27+s21+$0x0], $0xffff  }
0x6a1: {  	s18 =	simm.s32 $0x0;
	v4 =	vld.idx.msk [tilespmem:v21+s21+$0x0], $0xffff;
	v39 =	vand.u32 $0xFFFFFC00, v57;
	v41 =	vand.u32 $0xFFFFFC00, v59;
	v63 =	vand.u32 $0x7F, v2  }
0x6a2: {  	s0 =	smul.u32 $0x3000, s18;
	v6 =	vpop (erf);
	v55 =	vor.u32 v60, v11;
	v57 =	vor.u32 v62, v11;
	v10 =	vadd.s32 v15, v10;
	v58 =	vld.idx.msk [tilespmem:v26+s21+$0x0], $0xffff  }
0x6a3: {  	v62 =	vand.u32 $0x7F, v45;
	v35 =	vadd.s32 v15, v35;
	v39 =	vadd.s32 v15, v39;
	[tilespmem:v9+s25+$0x0] =	vst.idx.msk $0xffff, v6  }
0x6a4: {  	s20 =	simm.s32 $0x280;
	s0 =	sshra.s32 s0, $0x2;
	v40 =	vor.u32 v1, v57;
	v12 =	vor.u32 v12, v39;
	[tilespmem:$0x1FD00] =	vst v5;
	v52 =	vadd.f32 v37, v14  }
0x6a5: {  	s4 =	sand.u32 $0x380, s20;
	s1 =	sadd.s32 $0x12800, s0;
	v2 =	vshll.u32 v2, $0x3;
	v38 =	vadd.f32 v13, v56;
	v56 =	vadd.s32 v15, v41;
	v15 =	vld.idx.msk [tilespmem:v5+s21+$0x0], $0xffff;
	[tilespmem:$0x1FD10] =	vst v53  }
0x6a6: {  	s0 =	sor.u32 s4, s1;
	v2 =	vand.u32 $0xFFFFFC00, v2;
	v31 =	vadd.f32 v36, v31;
	v36 =	vor.u32 v1, v55;
	[tilespmem:v8+s25+$0x0] =	vst.idx.add.f32.msk $0xffff, v6  }
0x6a7: {  	v13 =	vand.u32 $0x7F, v44;
	v5 =	vand.u32 $0x7F, v47;
	v37 =	vadd.f32 v4, v58;
	[tilespmem:s0+$0x0] =	vst v0  }
0x6a8: {  	v4 =	vor.u32 v61, v11;
	v58 =	vmax.f32 v52, v31;
	v11 =	vor.u32 v63, v11;
	[tilespmem:s0+$0x10] =	vst v0  }
0x6a9: {  	v60 =	vld.idx.msk [tilespmem:v53+s21+$0x0], $0xffff;
	v61 =	vshll.u32 v48, $0x3;
	v63 =	vshll.u32 v46, $0x3;
	v48 =	vshll.u32 v49, $0x3;
	[tilespmem:s0+$0x20] =	vst v0  }
0x6aa: {  	s5 =	simm.s32 $0x1A280;
	v10 =	vor.u32 v13, v10;
	v13 =	vor.u32 v62, v35;
	v49 =	vor.u32 v5, v56;
	[tilespmem:s0+$0x30] =	vst v0  }
0x6ab: {  	v8 =	vor.u32 v1, v12;
	v4 =	vor.u32 v1, v4;
	v50 =	vor.u32 v1, v11;
	v44 =	vld [tilespmem:s5+$0x10]  }
0x6ac: {  	s7 =	simm.s32 $0x18280;
	v14 =	vor.u32 v1, v10;
	v6 =	vor.u32 v1, v13;
	v5 =	vor.u32 v1, v49;
	v1 =	vld [tilespmem:s5+$0x20]  }
0x6ad: {  	s6 =	simm.s32 $0x4;
	v51 =	vand.u32 $0xFFFFFC00, v63;
	v53 =	vand.u32 $0xFFFFFC00, v48;
	v45 =	vld [tilespmem:s7+$0x20];
	v59 =	vmax.f32 v38, v37  }
0x6ae: {  	v56 =	vld [tilespmem:s5+$0x0];
	v7 =	vadd.s32 v2, v50;
	v2 =	vmov s6;
	v41 =	vmax.f32 v58, v59  }
0x6af: {  	s18 =	simm.s32 $0x5;
	v11 =	vadd.s32 v51, v4;
	v10 =	vadd.s32 v53, v40;
	v4 =	vld [tilespmem:s5+$0x30];
	v57 =	vshrl.u32 v2, $0x3;
	(xrf0) =	vmax.scan.msk.f32 $0xffff, v41  }
0x6b0: {  	v58 =	vmov s18;
	v39 =	vadd.f32 v60, v15;
	v15 =	vand.u32 $0xFFFFFC00, v61  }
0x6b1: {  	v35 =	vld [tilespmem:s7+$0x0];
	v2 =	vshll.u32 v2, $0x7;
	v42 =	vmul.u32 $0xC00, v57;
	v59 =	vpop (erf);
	v9 =	vadd.s32 v15, v36  }
0x6b2: {  	v41 =	vld [tilespmem:s7+$0x10];
	[tilespmem:v22+s25+$0x0] =	vst.idx.msk $0xffff, v59;
	v61 =	vshll.u32 v44, $0x3;
	v50 =	vand.u32 $0x7F, v45;
	v62 =	vshll.u32 v1, $0x3  }
0x6b3: {  	v22 =	vpop (erf);
	v43 =	vand.u32 $0x7F, v56;
	v44 =	vand.u32 $0x7F, v44;
	v1 =	vand.u32 $0x7F, v1;
	[tilespmem:v19+s25+$0x0] =	vst.idx.add.f32.msk $0xffff, v59  }
0x6b4: {  	v60 =	vld [tilespmem:s7+$0x30];
	v45 =	vshll.u32 v45, $0x3;
	v54 =	vmax.f32 v34, v39;
	v63 =	vshll.u32 v4, $0x3;
	[tilespmem:v20+s25+$0x0] =	vst.idx.msk $0xffff, v22  }
0x6b5: {  	v4 =	vand.u32 $0x7F, v4;
	v36 =	vand.u32 $0xFFFFFC00, v61;
	v3 =	vmax.f32 v3, v54;
	[tilespmem:v18+s25+$0x0] =	vst.idx.add.f32.msk $0xffff, v22;
	v55, _, _ =	vpop (xrf0)  }
0x6b6: {  	s20 =	simm.s32 $0x200;
	v51 =	vand.u32 $0xFFFFFC00, v62;
	(xrf0) =	vmax.scan.msk.f32 $0xffff, v3;
	[tilespmem:$0x1FD20] =	vst v14;
	v46 =	vbroadcast v55, $0xF  }
0x6b7: {  	s4 =	sand.u32 $0x300, s20;
	v54 =	vand.u32 $0xFFFFFC00, v63;
	v18 =	vand.u32 $0x7F, v35;
	v22 =	vshll.u32 v56, $0x3;
	v49 =	vld.idx.msk [tilespmem:v14+s21+$0x0], $0xffff;
	[tilespmem:$0x1FD30] =	vst v6  }
0x6b8: {  	s1 =	sor.u32 s4, s1;
	v40 =	vand.u32 $0x7F, v41;
	v35 =	vshll.u32 v35, $0x3;
	v3 =	vsub.f32 v52, v46;
	v52 =	vld.idx.msk [tilespmem:v6+s21+$0x0], $0xffff;
	[tilespmem:$0x1FD40] =	vst v8  }
0x6b9: {  	v41 =	vshll.u32 v41, $0x3;
	v53 =	vand.u32 $0x7F, v60;
	v31 =	vsub.f32 v31, v46;
	[tilespmem:s1+$0x0] =	vst v0  }
0x6ba: {  	v22 =	vand.u32 $0xFFFFFC00, v22;
	v48 =	vshll.u32 v60, $0x3;
	v55 =	vld.idx.msk [tilespmem:v8+s21+$0x0], $0xffff;
	v3 =	vmul.f32 $1.442695020e+00, v3;
	[tilespmem:$0x1FD50] =	vst v9  }
0x6bb: {  	v38 =	vsub.f32 v38, v46;
	v47 =	vmul.f32 $1.442695020e+00, v31;
	v31 =	vshrl.u32 v58, $0x3;
	[tilespmem:s1+$0x10] =	vst v0  }
0x6bc: {  	v19, _, _ =	vpop (xrf0);
	v56 =	vld.idx.msk [tilespmem:v9+s21+$0x0], $0xffff;
	v9 =	vand.u32 $0xFFFFFC00, v41;
	(erf) = vpow2.f32 v3;
	v3 =	vmul.u32 $0xC00, v31;
	[tilespmem:$0x1FD60] =	vst v11  }
0x6bd: {  	v31 =	vand.u32 $0x300, v2;
	v2 =	vshll.u32 v58, $0x7;
	v19 =	vbroadcast v19, $0xF;
	[tilespmem:s1+$0x20] =	vst v0  }
0x6be: {  	v2 =	vand.u32 $0x380, v2;
	v57 =	vld.idx.msk [tilespmem:v11+s21+$0x0], $0xffff;
	v20 =	vadd.s32 $0x800, v3;
	[tilespmem:$0x1FD70] =	vst v10;
	v11 =	vadd.s32 v3, v9  }
0x6bf: {  	(erf) = vpow2.f32 v47;
	v58 =	vld.idx.msk [tilespmem:v10+s21+$0x0], $0xffff;
	[tilespmem:s1+$0x30] =	vst v0;
	v43 =	vor.u32 v43, v20;
	v44 =	vor.u32 v44, v20  }
0x6c0: {  	v1 =	vor.u32 v1, v20;
	v4 =	vor.u32 v4, v20;
	v59 =	vld [tilespmem:s7+$0xFFFFFF80];
	v8 =	vor.u32 v2, v43  }
0x6c1: {  	v20 =	vand.u32 $0xFFFFFC00, v35;
	v60 =	vld [tilespmem:s7+$0xFFFFFF90];
	v1 =	vor.u32 v2, v1;
	v35 =	vadd.s32 v22, v8  }
0x6c2: {  	v10 =	vand.u32 $0xFFFFFC00, v45;
	v62 =	vld [tilespmem:s7+$0xFFFFFFA0];
	v22 =	vor.u32 v2, v44;
	v41 =	vadd.s32 v51, v1  }
0x6c3: {  	v63 =	vld [tilespmem:s7+$0xFFFFFFB0];
	v20 =	vadd.s32 v3, v20;
	v1 =	vor.u32 v2, v4;
	v43 =	vadd.s32 v36, v22  }
0x6c4: {  	v4 =	vld [tilespmem:s5+$0xFFFFFF90];
	v18 =	vor.u32 v18, v20;
	v22 =	vand.u32 $0xFFFFFC00, v48;
	v20 =	vadd.s32 v54, v1  }
0x6c5: {  	v48 =	vld [tilespmem:s5+$0xFFFFFF80];
	v36 =	vor.u32 v2, v18;
	v1 =	vor.u32 v40, v11;
	v18 =	vadd.s32 v3, v10  }
0x6c6: {  	v45 =	vor.u32 v2, v1;
	v1 =	vor.u32 v50, v18;
	v3 =	vadd.s32 v3, v22;
	v40 =	vld.idx.msk [tilespmem:v35+s21+$0x0], $0xffff  }
0x6c7: {  	v32 =	vsub.f32 v32, v19;
	v44 =	vor.u32 v2, v1;
	v1 =	vor.u32 v53, v3;
	v47 =	vld.idx.msk [tilespmem:v41+s21+$0x0], $0xffff  }
0x6c8: {  	v18 =	vmul.f32 $1.442695020e+00, v38;
	v3 =	vsub.f32 v37, v46;
	v6 =	vor.u32 v2, v1;
	v22 =	vld.idx.msk [tilespmem:v43+s21+$0x0], $0xffff  }
0x6c9: {  	v33 =	vsub.f32 v33, v19;
	v37 =	vadd.f32 v56, v49;
	v49 =	vld.idx.msk [tilespmem:v20+s21+$0x0], $0xffff  }
0x6ca: {  	v38 =	vadd.f32 v57, v52;
	(erf) = vpow2.f32 v18;
	v3 =	vmul.f32 $1.442695020e+00, v3;
	v18 =	vld.idx.msk [tilespmem:v36+s21+$0x0], $0xffff  }
0x6cb: {  	v46 =	vadd.f32 v58, v55;
	v2 =	vadd.s32 $0x800, v42;
	v8 =	vshll.u32 v59, $0x3;
	v52 =	vld.idx.msk [tilespmem:v45+s21+$0x0], $0xffff  }
0x6cc: {  	v61 =	vpop (erf);
	(erf) = vpow2.f32 v3;
	v3 =	vsub.f32 v34, v19;
	v34 =	vsub.f32 v39, v19;
	v19 =	vld.idx.msk [tilespmem:v44+s21+$0x0], $0xffff  }
0x6cd: {  	[tilespmem:v17+s25+$0x0] =	vst.idx.msk $0xffff, v61;
	v9 =	vshll.u32 v60, $0x3;
	v10 =	vshll.u32 v62, $0x3;
	v58 =	vshll.u32 v63, $0x3;
	v11 =	vld.idx.msk [tilespmem:v6+s21+$0x0], $0xffff  }
0x6ce: {  	[tilespmem:v16+s25+$0x0] =	vst.idx.add.f32.msk $0xffff, v61;
	v16 =	vpop (erf);
	v50 =	vmax.f32 v37, v38;
	v17 =	vand.u32 $0xFFFFFC00, v8;
	v57 =	vand.u32 $0xFFFFFC00, v9  }
0x6cf: {  	v55 =	vand.u32 $0xFFFFFC00, v10;
	v54 =	vand.u32 $0xFFFFFC00, v58;
	[tilespmem:v30+s25+$0x0] =	vst.idx.msk $0xffff, v16;
	v30 =	vand.u32 $0x7F, v4  }
0x6d0: {  	v4 =	vshll.u32 v4, $0x3;
	v58 =	vand.u32 $0x7F, v62;
	v61 =	vand.u32 $0x7F, v48  }
0x6d1: {  	v17 =	vadd.s32 v42, v17;
	v40 =	vadd.f32 v40, v18;
	v52 =	vadd.f32 v22, v52  }
0x6d2: {  	v51 =	vld [tilespmem:s5+$0xFFFFFFA0];
	v53 =	vadd.s32 v42, v57;
	v47 =	vadd.f32 v47, v19;
	v49 =	vadd.f32 v49, v11  }
0x6d3: {  	v30 =	vor.u32 v30, v2;
	v8 =	vadd.s32 v42, v54;
	[tilespmem:v28+s25+$0x0] =	vst.idx.add.f32.msk $0xffff, v16;
	v28 =	vand.u32 $0x7F, v59  }
0x6d4: {  	v57 =	vand.u32 $0x7F, v60;
	v9 =	vmax.f32 v40, v52;
	v10 =	vmax.f32 v47, v49  }
0x6d5: {  	v16 =	vpop (erf);
	v4 =	vand.u32 $0xFFFFFC00, v4;
	v22 =	vadd.s32 v42, v55;
	v42 =	vmax.f32 v9, v10  }
0x6d6: {  	[tilespmem:v29+s25+$0x0] =	vst.idx.msk $0xffff, v16;
	v29 =	vshll.u32 v48, $0x3;
	v17 =	vor.u32 v28, v17;
	(xrf0) =	vmax.scan.msk.f32 $0xffff, v42  }
0x6d7: {  	v59 =	vor.u32 v57, v53;
	v30 =	vor.u32 v31, v30;
	[tilespmem:v24+s25+$0x0] =	vst.idx.add.f32.msk $0xffff, v16;
	v24 =	vand.u32 $0x7F, v63  }
0x6d8: {  	v28 =	vld.idx.msk [tilespmem:v7+s21+$0x0], $0xffff;
	v16 =	vshll.u32 v51, $0x3;
	v17 =	vor.u32 v31, v17;
	v24 =	vor.u32 v24, v8  }
0x6d9: {  	v62 =	vand.u32 $0xFFFFFC00, v16;
	v3 =	vmul.f32 $1.442695020e+00, v3;
	v16 =	vor.u32 v31, v24;
	v11 =	vld.idx.msk [tilespmem:v5+s21+$0x0], $0xffff  }
0x6da: {  	v18 =	vand.u32 $0x7F, v51;
	v19 =	vor.u32 v61, v2;
	v60 =	vor.u32 v58, v22;
	v22 =	vpop (erf)  }
0x6db: {  	v18 =	vor.u32 v18, v2;
	v19 =	vor.u32 v31, v19;
	[tilespmem:v27+s25+$0x0] =	vst.idx.msk $0xffff, v22;
	v27 =	vand.u32 $0xFFFFFC00, v29;
	v29 =	vpop (erf)  }
0x6dc: {  	s4 =	simm.s32 $0x0;
	v61 =	vor.u32 v31, v18;
	[tilespmem:v23+s25+$0x0] =	vst.idx.add.f32.msk $0xffff, v22;
	v23 =	vadd.s32 v27, v19;
	v19 =	vmul.f32 $1.442695020e+00, v32;
	v24, _, _ =	vpop (xrf0)  }
0x6dd: {  	s1 =	smul.u32 $0x3000, s4;
	v22 =	vor.u32 v31, v59;
	[tilespmem:v26+s25+$0x0] =	vst.idx.msk $0xffff, v29;
	v26 =	vmul.f32 $1.442695020e+00, v33;
	v27 =	vbroadcast v24, $0xF  }
0x6de: {  	v18 =	vor.u32 v31, v60;
	[tilespmem:v21+s25+$0x0] =	vst.idx.add.f32.msk $0xffff, v29;
	v42 =	vadd.f32 v28, v11;
	(erf) = vpow2.f32 v19  }
0x6df: {  	s6 =	simm.s32 $0x380;
	v21 =	vadd.s32 v4, v30;
	(erf) = vpow2.f32 v26;
	v24 =	vld [tilespmem:s5+$0xFFFFFFB0];
	s5 =	sshra.s32 s1, $0x2;
	v26 =	vsub.f32 v40, v27  }
0x6e0: {  	v19 =	vadd.s32 v62, v61;
	v30 =	vmul.f32 $1.442695020e+00, v34;
	v28 =	vmax.f32 v46, v42;
	s1 =	sand.u32 $0x380, s6;
	s0 =	sadd.s32 $0x12800, s5  }
0x6e1: {  	v4 =	vld.idx.msk [tilespmem:v17+s21+$0x0], $0xffff;
	(erf) = vpow2.f32 v3;
	s1 =	sor.u32 s1, s0;
	v3 =	vmul.f32 $1.442695020e+00, v26;
	v26 =	vsub.f32 v52, v27  }
0x6e2: {  	v48 =	vld.idx.msk [tilespmem:v22+s21+$0x0], $0xffff;
	v28 =	vmax.f32 v50, v28;
	(erf) = vpow2.f32 v30;
	[tilespmem:s1+$0x0] =	vst v0  }
0x6e3: {  	v50 =	vld.idx.msk [tilespmem:v18+s21+$0x0], $0xffff;
	v30 =	vsub.f32 v47, v27;
	[tilespmem:s1+$0x10] =	vst v0;
	v26 =	vmul.f32 $1.442695020e+00, v26;
	(erf) = vpow2.f32 v3  }
0x6e4: {  	(xrf0) =	vmax.scan.msk.f32 $0xffff, v28;
	v28 =	vld.idx.msk [tilespmem:v23+s21+$0x0], $0xffff;
	[tilespmem:s1+$0x20] =	vst v0  }
0x6e5: {  	s30 =	simm.s32 $0x1A380;
	s7 =	simm.s32 $0x6;
	v8 =	vld.idx.msk [tilespmem:v19+s21+$0x0], $0xffff;
	[tilespmem:s1+$0x30] =	vst v0;
	v30 =	vmul.f32 $1.442695020e+00, v30;
	v63 =	vand.u32 $0x7F, v24;
	(erf) = vpow2.f32 v26  }
0x6e6: {  	s1 =	simm.s32 $0x300;
	v9 =	vld [tilespmem:s30+$0x0];
	v2 =	vor.u32 v63, v2;
	v26 =	vmov s7  }
0x6e7: {  	v34 =	vpop (erf);
	s18 =	sand.u32 $0x300, s1;
	v3 =	vld.idx.msk [tilespmem:v21+s21+$0x0], $0xffff;
	v2 =	vor.u32 v31, v2;
	v31 =	vshrl.u32 v26, $0x3;
	(erf) = vpow2.f32 v30  }
0x6e8: {  	v52 =	vld [tilespmem:s30+$0x10];
	s0 =	sor.u32 s18, s0  }
0x6e9: {  	v32 =	vpop (erf);
	v53 =	vld [tilespmem:s30+$0x20];
	[tilespmem:s0+$0x0] =	vst v0  }
0x6ea: {  	s31 =	simm.s32 $0x18380;
	v55 =	vld [tilespmem:s30+$0x30];
	[tilespmem:s0+$0x10] =	vst v0;
	v26 =	vshll.u32 v26, $0x7;
	v39 =	vmul.u32 $0xC00, v31;
	v31 =	vpop (erf)  }
0x6eb: {  	v61 =	vld [tilespmem:s31+$0x0];
	[tilespmem:s0+$0x20] =	vst v0;
	v33 =	vand.u32 $0x300, v26;
	v26 =	vsub.f32 v49, v27;
	v30 =	vpop (erf)  }
0x6ec: {  	s20 =	simm.s32 $0x7;
	v62 =	vld [tilespmem:s31+$0x20];
	[tilespmem:s0+$0x30] =	vst v0;
	v27 =	vadd.f32 v28, v4;
	v28 =	vadd.f32 v3, v48;
	v3 =	vpop (erf)  }
0x6ed: {  	v10 =	vmov s20;
	v4 =	vld [tilespmem:s31+$0x10];
	[tilespmem:v36+s25+$0x0] =	vst.idx.msk $0xffff, v3  }
0x6ee: {  	v59 =	vshrl.u32 v10, $0x3;
	v24 =	vshll.u32 v24, $0x3;
	v11 =	vmul.f32 $1.442695020e+00, v26;
	[tilespmem:v35+s25+$0x0] =	vst.idx.add.f32.msk $0xffff, v3;
	v3 =	vpop (erf)  }
0x6ef: {  	v60 =	vshll.u32 v10, $0x7;
	v54 =	vmul.u32 $0xC00, v59;
	v24 =	vand.u32 $0xFFFFFC00, v24;
	v63 =	vld [tilespmem:s31+$0x30];
	[tilespmem:v45+s25+$0x0] =	vst.idx.msk $0xffff, v3  }
0x6f0: {  	v56 =	vand.u32 $0x380, v60;
	v24 =	vadd.s32 v24, v2;
	(erf) = vpow2.f32 v11;
	[tilespmem:v43+s25+$0x0] =	vst.idx.add.f32.msk $0xffff, v3;
	v3 =	vpop (erf)  }
0x6f1: {  	v57 =	vand.u32 $0x7F, v61;
	v25 =	vshll.u32 v9, $0x3;
	v60 =	vand.u32 $0x7F, v62;
	[tilespmem:v44+s25+$0x0] =	vst.idx.msk $0xffff, v3  }
0x6f2: {  	v1 =	vshll.u32 v53, $0x3;
	v10 =	vand.u32 $0x7F, v52;
	v47 =	vshll.u32 v61, $0x3;
	[tilespmem:v41+s25+$0x0] =	vst.idx.add.f32.msk $0xffff, v3  }
0x6f3: {  	v2, _, _ =	vpop (xrf0);
	v1 =	vand.u32 $0xFFFFFC00, v1;
	v58 =	vand.u32 $0x7F, v4;
	v43 =	vshll.u32 v4, $0x3;
	v4 =	vld [tilespmem:$0x1FD80]  }
0x6f4: {  	v29 =	vld.idx.msk [tilespmem:v16+s21+$0x0], $0xffff;
	v2 =	vbroadcast v2, $0xF;
	v59 =	vand.u32 $0x7F, v63;
	v40 =	vadd.s32 $0x800, v39  }
0x6f5: {  	v51 =	vld [tilespmem:s31+$0xFFFFFFB0];
	v26 =	vadd.f32 v8, v50;
	v8 =	vand.u32 $0x7F, v9;
	v9 =	vshll.u32 v55, $0x3  }
0x6f6: {  	v49 =	vld [tilespmem:s31+$0xFFFFFF90];
	v55 =	vand.u32 $0x7F, v55;
	v37 =	vsub.f32 v37, v2;
	v38 =	vsub.f32 v38, v2  }
0x6f7: {  	v48 =	vld [tilespmem:s31+$0xFFFFFF80];
	v11 =	vand.u32 $0x7F, v53;
	v36 =	vsub.f32 v46, v2;
	v46 =	vadd.s32 $0x800, v54  }
0x6f8: {  	v50 =	vld [tilespmem:s31+$0xFFFFFFA0];
	v35 =	vsub.f32 v42, v2;
	v2 =	vshll.u32 v52, $0x3;
	v42 =	vor.u32 v10, v46  }
0x6f9: {  	v53 =	vld [tilespmem:s30+$0xFFFFFF90];
	v45 =	vor.u32 v55, v46;
	v2 =	vand.u32 $0xFFFFFC00, v2;
	v3 =	vor.u32 v8, v46;
	v61 =	vpop (erf)  }
0x6fa: {  	v15 =	vmovc v5;
	v52 =	vld [tilespmem:s30+$0xFFFFFF80];
	v41 =	vor.u32 v11, v46;
	v46 =	vshll.u32 v62, $0x3;
	v62 =	vshll.u32 v63, $0x3;
	[tilespmem:v6+s25+$0x0] =	vst.idx.msk $0xffff, v61  }
0x6fb: {  	v14 =	vmovc v7;
	s0 =	simm.s32 $0x8;
	v55 =	vld [tilespmem:s30+$0xFFFFFFA0];
	v63 =	vand.u32 $0xFFFFFC00, v9;
	[tilespmem:v4+s25+$0x0] =	vst.idx.msk $0xffff, v34;
	v4 =	vand.u32 $0xFFFFFC00, v25;
	v25 =	vmax.f32 v27, v28  }
.LBB2_12:
0x6fc: {  	v3 =	vor.u32 v56, v3  }
0x6fd: {  	v44 =	vand.u32 $0xFFFFFC00, v47;
	v9 =	vand.u32 $0xFFFFFC00, v43;
	v43 =	vadd.s32 v4, v3  }
0x6fe: {  	[tilespmem:v20+s25+$0x0] =	vst.idx.add.f32.msk $0xffff, v61;
	v3 =	vor.u32 v56, v42;
	v4 =	vand.u32 $0xFFFFFC00, v46;
	v20 =	vadd.s32 v54, v44  }
0x6ff: {  	v61 =	vld [tilespmem:s30+$0xFFFFFFB0];
	v10 =	vadd.s32 v54, v9;
	v42 =	vadd.s32 v2, v3;
	v2 =	vor.u32 v56, v41  }
0x700: {  	v41 =	vadd.s32 v1, v2;
	v1 =	vor.u32 v56, v45;
	v2 =	vor.u32 v57, v20  }
0x701: {  	v3 =	vand.u32 $0xFFFFFC00, v62;
	v20 =	vadd.s32 v63, v1;
	v47 =	vor.u32 v56, v2  }
0x702: {  	v1 =	vor.u32 v58, v10;
	v2 =	vadd.s32 v54, v4;
	v63 =	vand.u32 $0x7F, v53  }
0x703: {  	v5 =	vand.u32 $0x7F, v55;
	v46 =	vor.u32 v56, v1;
	v1 =	vor.u32 v60, v2  }
0x704: {  	v2 =	vadd.s32 v54, v3;
	v6 =	vand.u32 $0x7F, v61;
	v63 =	vor.u32 v63, v40  }
0x705: {  	v5 =	vor.u32 v5, v40;
	v45 =	vor.u32 v56, v1;
	v1 =	vor.u32 v59, v2  }
0x706: {  	v9 =	vld [tilespmem:$0x1FCD0];
	v2 =	vshll.u32 v49, $0x3;
	v59 =	vand.u32 $0x7F, v52;
	v6 =	vor.u32 v6, v40  }
0x707: {  	v59 =	vor.u32 v59, v40;
	v40 =	vand.u32 $0x7F, v49;
	v49 =	vshll.u32 v53, $0x3;
	v53 =	vld [tilespmem:$0x1FCB0]  }
0x708: {  	v62 =	vld.idx.msk [tilespmem:v24+s21+$0x0], $0xffff  }
0x709: {  	v10 =	vld [tilespmem:$0x1FD30]  }
0x70a: {  	v4 =	vld.idx.msk [tilespmem:v43+s21+$0x0], $0xffff  }
0x70b: {  	v54 =	vld.idx.msk [tilespmem:v42+s21+$0x0], $0xffff  }
0x70c: {  	v58 =	vld.idx.msk [tilespmem:v41+s21+$0x0], $0xffff  }
0x70d: {  	v44 =	vor.u32 v56, v1;
	v56 =	vld.idx.msk [tilespmem:v20+s21+$0x0], $0xffff  }
0x70e: {  	v3 =	vshll.u32 v48, $0x3;
	[tilespmem:v9+s25+$0x0] =	vst.idx.add.f32.msk $0xffff, v34  }
0x70f: {  	v1 =	vand.u32 $0xFFFFFC00, v3;
	[tilespmem:v53+s25+$0x0] =	vst.idx.msk $0xffff, v32;
	v53 =	vld [tilespmem:$0x1FCE0]  }
0x710: {  	v11 =	vshll.u32 v50, $0x3;
	v48 =	vand.u32 $0x7F, v48;
	v1 =	vadd.s32 v39, v1;
	v60 =	vld.idx.msk [tilespmem:v47+s21+$0x0], $0xffff  }
0x711: {  	v34 =	vshll.u32 v52, $0x3;
	v52 =	vmovc v22;
	v22 =	vand.u32 $0x7F, v50;
	v50 =	vshll.u32 v55, $0x3;
	v55 =	vld [tilespmem:$0x1FD50]  }
0x712: {  	s3 =	sshrl.u32 s0, $0x3;
	v1 =	vor.u32 v48, v1;
	v48 =	vld [tilespmem:$0x1FCC0]  }
0x713: {  	s3 =	smul.u32 $0x3000, s3;
	v57 =	vand.u32 $0xFFFFFC00, v11;
	v3 =	vshll.u32 v51, $0x3;
	v7 =	vld.idx.msk [tilespmem:v46+s21+$0x0], $0xffff  }
0x714: {  	s1 =	sadd.s32 $0x100, s1;
	v57 =	vadd.s32 v39, v57;
	v2 =	vand.u32 $0xFFFFFC00, v2;
	v3 =	vand.u32 $0xFFFFFC00, v3;
	v10 =	vmovc v10;
	v8 =	vld.idx.msk [tilespmem:v45+s21+$0x0], $0xffff  }
0x715: {  	s5 =	sadd.s32 $0x80, s1;
	s3 =	sshra.s32 s3, $0x2;
	v2 =	vadd.s32 v39, v2;
	v3 =	vadd.s32 v39, v3;
	[tilespmem:$0x1FCB0] =	vst v10;
	v39 =	vld.idx.msk [tilespmem:v44+s21+$0x0], $0xffff  }
0x716: {  	s4 =	sand.u32 $0x300, s1;
	s5 =	sand.u32 $0x380, s5;
	s3 =	sadd.s32 $0x12800, s3;
	[tilespmem:$0x1FD30] =	vst v52;
	v4 =	vadd.f32 v4, v60;
	v60 =	vld [tilespmem:$0x1FCF0]  }
0x717: {  	s4 =	sor.u32 s4, s3;
	s3 =	sor.u32 s5, s3;
	[tilespmem:v53+s25+$0x0] =	vst.idx.add.f32.msk $0xffff, v32  }
0x718: {  	v5 =	vor.u32 v33, v5;
	[tilespmem:s3+$0x0] =	vst v0;
	v53 =	vld [tilespmem:$0x1FD40]  }
0x719: {  	v51 =	vand.u32 $0x7F, v51;
	v11 =	vmovc v18;
	v6 =	vor.u32 v33, v6;
	[tilespmem:s3+$0x10] =	vst v0;
	v7 =	vadd.f32 v54, v7  }
0x71a: {  	v2 =	vor.u32 v40, v2;
	[tilespmem:s3+$0x20] =	vst v0;
	v8 =	vadd.f32 v58, v8;
	v40 =	vadd.f32 v56, v39  }
0x71b: {  	v52 =	vor.u32 v22, v57;
	v3 =	vor.u32 v51, v3;
	v1 =	vor.u32 v33, v1;
	[tilespmem:s3+$0x30] =	vst v0  }
0x71c: {  	v57 =	vld [tilespmem:$0x1FD60];
	v10 =	vmovc v55;
	v55 =	vor.u32 v33, v59;
	v18 =	vmax.f32 v4, v7;
	v22 =	vmax.f32 v8, v40  }
0x71d: {  	v56 =	vor.u32 v33, v63;
	v18 =	vmax.f32 v18, v22;
	v22 =	vor.u32 v33, v2;
	v54 =	vmovc v53;
	v53 =	vld [tilespmem:$0x1FD00]  }
0x71e: {  	v58 =	vmovc v21;
	(xrf0) =	vmax.scan.msk.f32 $0xffff, v18;
	v18 =	vor.u32 v33, v52;
	v52 =	vmul.f32 $1.442695020e+00, v37;
	[tilespmem:$0x1FCC0] =	vst v54;
	v54 =	vld [tilespmem:$0x1FD10]  }
0x71f: {  	v21 =	vand.u32 $0xFFFFFC00, v34;
	v2 =	vor.u32 v33, v3;
	v32 =	vmovc v23;
	v23 =	vshll.u32 v61, $0x3;
	v61 =	vld [tilespmem:$0x1FD70];
	[tilespmem:v48+s25+$0x0] =	vst.idx.msk $0xffff, v31  }
0x720: {  	s30 =	sadd.s32 $0x100, s30;
	v51 =	vmovc v19;
	(erf) = vpow2.f32 v52;
	v63 =	vand.u32 $0xFFFFFC00, v23;
	[tilespmem:v60+s25+$0x0] =	vst.idx.add.f32.msk $0xffff, v31;
	v31 =	vand.u32 $0xFFFFFC00, v50  }
0x721: {  	s31 =	sadd.s32 $0x100, s31;
	[tilespmem:$0x1FCD0] =	vst v10;
	v10 =	vmovc v57;
	v52 =	vld [tilespmem:s30+$0x0];
	v19 =	vadd.s32 v31, v5;
	v5 =	vadd.f32 v62, v29;
	v29 =	vmul.f32 $1.442695020e+00, v38  }
0x722: {  	[tilespmem:$0x1FD60] =	vst v58;
	v23 =	vadd.s32 v21, v55;
	v55 =	vmovc v15;
	v3 =	vadd.s32 v63, v6;
	v63 =	vld [tilespmem:s31+$0x20];
	v31 =	vmul.f32 $1.442695020e+00, v36  }
0x723: {  	v59 =	vand.u32 $0xFFFFFC00, v49;
	v57 =	vmul.f32 $1.442695020e+00, v35;
	[tilespmem:$0x1FD00] =	vst v55;
	(erf) = vpow2.f32 v29;
	v55 =	vld [tilespmem:s30+$0x20]  }
0x724: {  	[tilespmem:$0x1FCE0] =	vst v10;
	v21 =	vadd.s32 v59, v56;
	v58, _, _ =	vpop (xrf0);
	v10 =	vmov v61;
	v61 =	vld [tilespmem:s30+$0x30];
	(erf) = vpow2.f32 v31  }
0x725: {  	v56 =	vmax.f32 v26, v5;
	v59 =	vbroadcast v58, $0xF;
	(erf) = vpow2.f32 v57;
	v57 =	vld [tilespmem:$0x1FD20];
	[tilespmem:v53+s25+$0x0] =	vst.idx.msk $0xffff, v30  }
0x726: {  	v25 =	vmax.f32 v25, v56;
	[tilespmem:v54+s25+$0x0] =	vst.idx.add.f32.msk $0xffff, v30  }
0x727: {  	s20 =	sadd.s32 $0x1, s0;
	v6 =	vmov v14;
	(xrf0) =	vmax.scan.msk.f32 $0xffff, v25;
	v4 =	vsub.f32 v4, v59;
	v30 =	vld.idx.msk [tilespmem:v1+s21+$0x0], $0xffff  }
0x728: {  	v58 =	vmov s20;
	[tilespmem:$0x1FD10] =	vst v6;
	v6 =	vld.idx.msk [tilespmem:v22+s21+$0x0], $0xffff  }
0x729: {  	v14 =	vmovc v24;
	v24 =	vmovc v3;
	v31 =	vmov s0;
	v7 =	vsub.f32 v7, v59;
	v49 =	vmul.f32 $1.442695020e+00, v4;
	v3 =	vld.idx.msk [tilespmem:v18+s21+$0x0], $0xffff  }
0x72a: {  	[tilespmem:$0x1FD50] =	vst v32;
	v15 =	vmovc v16;
	v16 =	vmovc v2;
	v9 =	vand.u32 $0x7F, v52;
	v50 =	vshrl.u32 v31, $0x3;
	v31 =	vshll.u32 v31, $0x7;
	v29 =	vld.idx.msk [tilespmem:v2+s21+$0x0], $0xffff  }
0x72b: {  	v60 =	vmovc v17;
	[tilespmem:$0x1FCF0] =	vst v10;
	v8 =	vsub.f32 v8, v59;
	v7 =	vmul.f32 $1.442695020e+00, v7;
	(erf) = vpow2.f32 v49;
	v48 =	vld.idx.msk [tilespmem:v19+s21+$0x0], $0xffff  }
0x72c: {  	v56 =	vsub.f32 v40, v59;
	v59 =	vshrl.u32 v58, $0x3;
	[tilespmem:$0x1FD20] =	vst v60;
	v39 =	vmul.u32 $0xC00, v50;
	v34 =	vpop (erf);
	v2 =	vld.idx.msk [tilespmem:v23+s21+$0x0], $0xffff  }
0x72d: {  	v60 =	vand.u32 $0x7F, v63;
	v8 =	vmul.f32 $1.442695020e+00, v8;
	(erf) = vpow2.f32 v7;
	v4, _, _ =	vpop (xrf0);
	v25 =	vld.idx.msk [tilespmem:v21+s21+$0x0], $0xffff;
	[tilespmem:s4+$0x0] =	vst v0  }
0x72e: {  	v33 =	vand.u32 $0x300, v31;
	v36 =	vmul.f32 $1.442695020e+00, v56;
	v40 =	vadd.s32 $0x800, v39;
	v7 =	vld [tilespmem:s31+$0x0];
	v32 =	vpop (erf);
	[tilespmem:s4+$0x10] =	vst v0  }
0x72f: {  	v10 =	vshll.u32 v61, $0x3;
	v12 =	vand.u32 $0x7F, v55;
	v53 =	vld [tilespmem:s30+$0x10];
	[tilespmem:s4+$0x20] =	vst v0;
	v31 =	vpop (erf);
	(erf) = vpow2.f32 v8  }
0x730: {  	v17 =	vmovc v1;
	v13 =	vand.u32 $0x7F, v61;
	v4 =	vbroadcast v4, $0xF;
	[tilespmem:s4+$0x30] =	vst v0;
	v1 =	vld [tilespmem:s31+$0x30];
	v3 =	vadd.f32 v48, v3  }
0x731: {  	v62 =	vld [tilespmem:s31+$0x10];
	v54 =	vmul.u32 $0xC00, v59;
	[tilespmem:v57+s25+$0x0] =	vst.idx.msk $0xffff, v34;
	v2 =	vadd.f32 v2, v30;
	v30 =	vpop (erf);
	(erf) = vpow2.f32 v36  }
0x732: {  	v8 =	vshll.u32 v55, $0x3;
	v37 =	vsub.f32 v27, v4;
	v38 =	vsub.f32 v28, v4;
	v49 =	vld [tilespmem:s31+$0xFFFFFF90]  }
0x733: {  	[tilespmem:$0x1FD40] =	vst v11;
	v35 =	vsub.f32 v5, v4;
	v50 =	vld [tilespmem:s31+$0xFFFFFFA0];
	v57 =	vand.u32 $0x7F, v7;
	v6 =	vadd.f32 v25, v6  }
0x734: {  	[tilespmem:$0x1FD70] =	vst v51;
	v51 =	vld [tilespmem:s31+$0xFFFFFFB0];
	v5 =	vshll.u32 v53, $0x3;
	v36 =	vsub.f32 v26, v4;
	v26 =	vmov v3;
	v3 =	vpop (erf)  }
0x735: {  	v55 =	vld [tilespmem:s30+$0xFFFFFFA0];
	v11 =	vand.u32 $0x7F, v53;
	v59 =	vand.u32 $0x7F, v1;
	v25 =	vmax.f32 v2, v6;
	v27 =	vmovc v2;
	[tilespmem:v47+s25+$0x0] =	vst.idx.msk $0xffff, v3  }
0x736: {  	p0 =	slt.u32 s0, $0x3E;
	v2 =	vshll.u32 v58, $0x7;
	v28 =	vmov v6;
	v6 =	vadd.s32 $0x800, v54;
	[tilespmem:v43+s25+$0x0] =	vst.idx.add.f32.msk $0xffff, v3;
	v3 =	vpop (erf)  }
.Ltmp5:
0x737: {  	v53 =	vld [tilespmem:s30+$0xFFFFFF90];
	v58 =	vand.u32 $0x7F, v62;
	v56 =	vand.u32 $0x380, v2;
	v2 =	vshll.u32 v52, $0x3;
	[tilespmem:v46+s25+$0x0] =	vst.idx.msk $0xffff, v3;
	(pc) =	sbr.rel @p0 .LBB2_12-.Ltmp5, $4  }
0x738: {  	v4 =	vand.u32 $0xFFFFFC00, v2;
	v2 =	vand.u32 $0xFFFFFC00, v5;
	v47 =	vshll.u32 v7, $0x3;
	v7 =	vpop (erf);
	[tilespmem:v42+s25+$0x0] =	vst.idx.add.f32.msk $0xffff, v3  }
0x739: {  	v48 =	vld [tilespmem:s31+$0xFFFFFF80];
	v43 =	vshll.u32 v62, $0x3;
	v62 =	vshll.u32 v1, $0x3;
	v1 =	vand.u32 $0xFFFFFC00, v8;
	[tilespmem:v45+s25+$0x0] =	vst.idx.msk $0xffff, v7  }
0x73a: {  	v46 =	vshll.u32 v63, $0x3;
	v3 =	vor.u32 v9, v6;
	v42 =	vor.u32 v11, v6;
	v61 =	vpop (erf);
	[tilespmem:v41+s25+$0x0] =	vst.idx.add.f32.msk $0xffff, v7  }
0x73b: {  	s0 =	sadd.s32 $0x2, s0;
	v52 =	vld [tilespmem:s30+$0xFFFFFF80];
	v63 =	vand.u32 $0xFFFFFC00, v10;
	v45 =	vor.u32 v13, v6;
	v41 =	vor.u32 v12, v6;
	[tilespmem:v44+s25+$0x0] =	vst.idx.msk $0xffff, v61  }
0x73c: {  	v3 =	vor.u32 v56, v3  }
0x73d: {  	v44 =	vadd.s32 v4, v3;
	v3 =	vor.u32 v56, v42  }
0x73e: {  	v5 =	vor.u32 v56, v41;
	v6 =	vand.u32 $0xFFFFFC00, v62;
	v7 =	vadd.s32 v2, v3  }
0x73f: {  	v2 =	vand.u32 $0xFFFFFC00, v47;
	v3 =	vand.u32 $0xFFFFFC00, v43;
	v47 =	vand.u32 $0xFFFFFC00, v46  }
0x740: {  	v43 =	vadd.s32 v1, v5;
	v1 =	vor.u32 v56, v45;
	v2 =	vadd.s32 v54, v2  }
0x741: {  	v3 =	vadd.s32 v54, v3;
	v42 =	vadd.s32 v63, v1;
	v2 =	vor.u32 v57, v2  }
0x742: {  	v13 =	vld [tilespmem:s30+$0xFFFFFFB0];
	v1 =	vor.u32 v58, v3;
	v57 =	vor.u32 v56, v2;
	v2 =	vadd.s32 v54, v47  }
0x743: {  	v47 =	vor.u32 v56, v1;
	v3 =	vld.idx.msk [tilespmem:v44+s21+$0x0], $0xffff;
	v1 =	vor.u32 v60, v2;
	v2 =	vadd.s32 v54, v6  }
0x744: {  	v60 =	vld.idx.msk [tilespmem:v7+s21+$0x0], $0xffff;
	v46 =	vor.u32 v56, v1;
	v1 =	vor.u32 v59, v2  }
0x745: {  	v2 =	vld.idx.msk [tilespmem:v43+s21+$0x0], $0xffff;
	v45 =	vor.u32 v56, v1  }
0x746: {  	v1 =	vld.idx.msk [tilespmem:v42+s21+$0x0], $0xffff  }
0x747: {  	v62 =	vld.idx.msk [tilespmem:v57+s21+$0x0], $0xffff  }
0x748: {  	v63 =	vld.idx.msk [tilespmem:v47+s21+$0x0], $0xffff  }
0x749: {  	v10 =	vshll.u32 v49, $0x3;
	v8 =	vld.idx.msk [tilespmem:v46+s21+$0x0], $0xffff  }
0x74a: {  	v11 =	vshll.u32 v50, $0x3;
	v12 =	vshll.u32 v51, $0x3;
	v10 =	vand.u32 $0xFFFFFC00, v10;
	v9 =	vld.idx.msk [tilespmem:v45+s21+$0x0], $0xffff  }
0x74b: {  	v11 =	vand.u32 $0xFFFFFC00, v11;
	v12 =	vand.u32 $0xFFFFFC00, v12;
	v41 =	vshll.u32 v48, $0x3  }
0x74c: {  	v10 =	vadd.s32 v39, v10;
	v11 =	vadd.s32 v39, v11;
	v58 =	vand.u32 $0x7F, v53  }
0x74d: {  	v12 =	vadd.s32 v39, v12;
	v54 =	vmovc v7;
	v6 =	vor.u32 v58, v40;
	v7 =	vand.u32 $0xFFFFFC00, v41  }
0x74e: {  	v56 =	vand.u32 $0x7F, v52;
	v3 =	vadd.f32 v3, v62;
	v4 =	vadd.f32 v60, v63  }
0x74f: {  	v62 =	vand.u32 $0x7F, v13;
	v2 =	vadd.f32 v2, v8;
	v1 =	vadd.f32 v1, v9  }
0x750: {  	v7 =	vadd.s32 v39, v7;
	v5 =	vor.u32 v56, v40;
	v39 =	vor.u32 v62, v40  }
0x751: {  	v62 =	vand.u32 $0x7F, v51;
	v63 =	vmax.f32 v3, v4;
	v56 =	vmax.f32 v2, v1  }
0x752: {  	v12 =	vor.u32 v62, v12;
	v62 =	vmul.f32 $1.442695020e+00, v37;
	v58 =	vmax.f32 v63, v56  }
0x753: {  	[tilespmem:v20+s25+$0x0] =	vst.idx.add.f32.msk $0xffff, v61;
	(xrf0) =	vmax.scan.msk.f32 $0xffff, v58  }
0x754: {  	(erf) = vpow2.f32 v62;
	v62 =	vld [tilespmem:$0x1FCD0];
	_ =	sdelay $0x1  }
0x755: {  	v63 =	vshll.u32 v52, $0x3  }
0x756: {  	v59 =	vand.u32 $0x7F, v55  }
0x757: {  	v8 =	vor.u32 v59, v40;
	v59 =	vand.u32 $0x7F, v49  }
0x758: {  	v10 =	vor.u32 v59, v10;
	v9 =	vand.u32 $0xFFFFFC00, v63;
	v63, _, _ =	vpop (xrf0)  }
0x759: {  	v40 =	vor.u32 v33, v10;
	v10 =	vbroadcast v63, $0xF;
	_ =	sdelay $0x1  }
0x75a: {  	[tilespmem:v62+s25+$0x0] =	vst.idx.add.f32.msk $0xffff, v34;
	v3 =	vsub.f32 v3, v10;
	v4 =	vsub.f32 v4, v10  }
0x75b: {  	v2 =	vsub.f32 v2, v10;
	v1 =	vsub.f32 v1, v10;
	v10 =	vld [tilespmem:$0x1FCB0];
	_ =	sdelay $0x7  }
0x75c: {  	[tilespmem:v10+s25+$0x0] =	vst.idx.msk $0xffff, v32  }
0x75d: {  	v10 =	vld [tilespmem:$0x1FCE0];
	_ =	sdelay $0x7  }
0x75e: {  	[tilespmem:v10+s25+$0x0] =	vst.idx.add.f32.msk $0xffff, v32  }
0x75f: {  	v32 =	vld [tilespmem:$0x1FCC0];
	_ =	sdelay $0x7  }
0x760: {  	[tilespmem:v32+s25+$0x0] =	vst.idx.msk $0xffff, v31  }
0x761: {  	v34 =	vld [tilespmem:$0x1FCF0];
	_ =	sdelay $0x2  }
0x762: {  	v60 =	vand.u32 $0x7F, v48;
	v49 =	vmul.f32 $1.442695020e+00, v38  }
0x763: {  	v7 =	vor.u32 v60, v7;
	v60 =	vand.u32 $0x7F, v50;
	v50 =	vmul.f32 $1.442695020e+00, v36  }
0x764: {  	(erf) = vpow2.f32 v49;
	v56 =	vshll.u32 v53, $0x3;
	v53 =	vmul.f32 $1.442695020e+00, v35  }
0x765: {  	(erf) = vpow2.f32 v50;
	v3 =	vmul.f32 $1.442695020e+00, v3  }
0x766: {  	v6 =	vor.u32 v33, v6;
	v11 =	vor.u32 v60, v11;
	v52 =	vld.idx.msk [tilespmem:v24+s21+$0x0], $0xffff;
	(erf) = vpow2.f32 v53  }
0x767: {  	v59 =	vand.u32 $0xFFFFFC00, v56;
	v4 =	vmul.f32 $1.442695020e+00, v4;
	(erf) = vpow2.f32 v3;
	[tilespmem:v34+s25+$0x0] =	vst.idx.add.f32.msk $0xffff, v31  }
0x768: {  	v41 =	vor.u32 v33, v39;
	v6 =	vadd.s32 v59, v6;
	v2 =	vmul.f32 $1.442695020e+00, v2;
	v38 =	vld [tilespmem:$0x1FD00]  }
0x769: {  	v8 =	vor.u32 v33, v8;
	v58 =	vshll.u32 v55, $0x3;
	(erf) = vpow2.f32 v4  }
0x76a: {  	v39 =	vor.u32 v33, v11;
	v60 =	vand.u32 $0xFFFFFC00, v58;
	v1 =	vmul.f32 $1.442695020e+00, v1  }
0x76b: {  	v8 =	vadd.s32 v60, v8;
	(erf) = vpow2.f32 v2  }
0x76c: {  	v48 =	vor.u32 v33, v7;
	v7 =	vadd.f32 v52, v29;
	v52 =	vld.idx.msk [tilespmem:v40+s21+$0x0], $0xffff;
	v2 =	vpop (erf)  }
0x76d: {  	v37 =	vshll.u32 v13, $0x3;
	v3 =	vld.idx.msk [tilespmem:v6+s21+$0x0], $0xffff;
	v63 =	vpop (erf);
	(erf) = vpow2.f32 v1  }
0x76e: {  	v5 =	vor.u32 v33, v5;
	v11 =	vand.u32 $0xFFFFFC00, v37;
	v33 =	vor.u32 v33, v12;
	v1 =	vpop (erf)  }
0x76f: {  	v11 =	vadd.s32 v11, v41;
	v55 =	vld.idx.msk [tilespmem:v39+s21+$0x0], $0xffff;
	v41 =	vpop (erf)  }
0x770: {  	v56 =	vmax.f32 v26, v7;
	v60 =	vld.idx.msk [tilespmem:v8+s21+$0x0], $0xffff;
	v50 =	vpop (erf);
	[tilespmem:v38+s25+$0x0] =	vst.idx.msk $0xffff, v30  }
0x771: {  	v13 =	vmax.f32 v25, v56;
	v25 =	vld [tilespmem:$0x1FD10];
	[tilespmem:v57+s25+$0x0] =	vst.idx.msk $0xffff, v50  }
0x772: {  	v3 =	vadd.f32 v3, v52;
	v52 =	vpop (erf);
	[tilespmem:v44+s25+$0x0] =	vst.idx.add.f32.msk $0xffff, v50  }
0x773: {  	v58 =	vld.idx.msk [tilespmem:v33+s21+$0x0], $0xffff;
	[tilespmem:v47+s25+$0x0] =	vst.idx.msk $0xffff, v52  }
0x774: {  	[tilespmem:v54+s25+$0x0] =	vst.idx.add.f32.msk $0xffff, v52;
	v54 =	vpop (erf)  }
0x775: {  	v61 =	vld.idx.msk [tilespmem:v11+s21+$0x0], $0xffff;
	[tilespmem:v46+s25+$0x0] =	vst.idx.msk $0xffff, v54  }
0x776: {  	v36 =	vadd.f32 v60, v55;
	v55 =	vpop (erf);
	[tilespmem:v43+s25+$0x0] =	vst.idx.add.f32.msk $0xffff, v54  }
0x777: {  	[tilespmem:v45+s25+$0x0] =	vst.idx.msk $0xffff, v55  }
0x778: {  	[tilespmem:v42+s25+$0x0] =	vst.idx.add.f32.msk $0xffff, v55  }
0x779: {  	[tilespmem:v25+s25+$0x0] =	vst.idx.add.f32.msk $0xffff, v30  }
0x77a: {  	v4 =	vadd.f32 v61, v58;
	v58 =	vld [tilespmem:$0x1FD20];
	_ =	sdelay $0x7  }
0x77b: {  	[tilespmem:v58+s25+$0x0] =	vst.idx.msk $0xffff, v2  }
0x77c: {  	v60 =	vld [tilespmem:$0x1FD50];
	_ =	sdelay $0x1  }
0x77d: {  	v5 =	vadd.s32 v9, v5;
	_ =	sdelay $0x3  }
0x77e: {  	v51 =	vld.idx.msk [tilespmem:v48+s21+$0x0], $0xffff  }
0x77f: {  	v59 =	vld.idx.msk [tilespmem:v5+s21+$0x0], $0xffff  }
0x780: {  	[tilespmem:v60+s25+$0x0] =	vst.idx.add.f32.msk $0xffff, v2  }
0x781: {  	v2 =	vld [tilespmem:$0x1FD30];
	_ =	sdelay $0x1  }
0x782: {  	(xrf0) =	vmax.scan.msk.f32 $0xffff, v13;
	_ =	sdelay $0x2  }
0x783: {  	v9 =	vadd.f32 v59, v51;
	_ =	sdelay $0x1  }
0x784: {  	v51 =	vmax.f32 v36, v4;
	v49 =	vmax.f32 v9, v3  }
0x785: {  	v37, _, _ =	vpop (xrf0);
	v25 =	vmax.f32 v49, v51;
	[tilespmem:v2+s25+$0x0] =	vst.idx.msk $0xffff, v63  }
0x786: {  	v13 =	vbroadcast v37, $0xF;
	(xrf0) =	vmax.scan.msk.f32 $0xffff, v25;
	v62 =	vld [tilespmem:$0x1FD60];
	_ =	sdelay $0x1  }
0x787: {  	v27 =	vsub.f32 v27, v13  }
0x788: {  	v53 =	vsub.f32 v28, v13  }
0x789: {  	v27 =	vmul.f32 $1.442695020e+00, v27  }
0x78a: {  	v25 =	vmul.f32 $1.442695020e+00, v53  }
0x78b: {  	(erf) = vpow2.f32 v27;
	v57, _, _ =	vpop (xrf0)  }
0x78c: {  	(erf) = vpow2.f32 v25;
	v25 =	vbroadcast v57, $0xF  }
0x78d: {  	[tilespmem:v62+s25+$0x0] =	vst.idx.add.f32.msk $0xffff, v63  }
0x78e: {  	v61 =	vsub.f32 v9, v25;
	v9 =	vld [tilespmem:$0x1FD40];
	_ =	sdelay $0x7  }
0x78f: {  	v56 =	vsub.f32 v26, v13;
	[tilespmem:v9+s25+$0x0] =	vst.idx.msk $0xffff, v1  }
0x790: {  	v7 =	vsub.f32 v7, v13;
	v63 =	vld [tilespmem:$0x1FD70]  }
0x791: {  	v59 =	vmul.f32 $1.442695020e+00, v56  }
0x792: {  	v2 =	vmul.f32 $1.442695020e+00, v7  }
0x793: {  	(erf) = vpow2.f32 v59  }
0x794: {  	(erf) = vpow2.f32 v2;
	v2 =	vsub.f32 v3, v25;
	v3 =	vmul.f32 $1.442695020e+00, v61;
	_ =	sdelay $0x1  }
0x795: {  	v2 =	vmul.f32 $1.442695020e+00, v2;
	_ =	sdelay $0x1  }
0x796: {  	(erf) = vpow2.f32 v3;
	v3 =	vpop (erf);
	[tilespmem:v63+s25+$0x0] =	vst.idx.add.f32.msk $0xffff, v1;
	v1 =	vsub.f32 v36, v25  }
0x797: {  	[tilespmem:v17+s25+$0x0] =	vst.idx.msk $0xffff, v3  }
0x798: {  	v4 =	vsub.f32 v4, v25;
	(erf) = vpow2.f32 v2;
	v2 =	vpop (erf);
	[tilespmem:v23+s25+$0x0] =	vst.idx.add.f32.msk $0xffff, v3;
	v1 =	vmul.f32 $1.442695020e+00, v1  }
0x799: {  	[tilespmem:v22+s25+$0x0] =	vst.idx.msk $0xffff, v2  }
0x79a: {  	[tilespmem:v21+s25+$0x0] =	vst.idx.add.f32.msk $0xffff, v2;
	v2 =	vpop (erf);
	(erf) = vpow2.f32 v1;
	v1 =	vmul.f32 $1.442695020e+00, v4  }
0x79b: {  	[tilespmem:v18+s25+$0x0] =	vst.idx.msk $0xffff, v2  }
0x79c: {  	[tilespmem:v19+s25+$0x0] =	vst.idx.add.f32.msk $0xffff, v2  }
0x79d: {  	[tilespmem:v15+s25+$0x0] =	vst.idx.msk $0xffff, v41;
	(erf) = vpow2.f32 v1  }
0x79e: {  	[tilespmem:v14+s25+$0x0] =	vst.idx.add.f32.msk $0xffff, v41;
	v1 =	vpop (erf)  }
0x79f: {  	[tilespmem:v16+s25+$0x0] =	vst.idx.msk $0xffff, v1  }
0x7a0: {  	[tilespmem:v24+s25+$0x0] =	vst.idx.add.f32.msk $0xffff, v1;
	v1 =	vpop (erf)  }
0x7a1: {  	[tilespmem:v48+s25+$0x0] =	vst.idx.msk $0xffff, v1  }
0x7a2: {  	[tilespmem:v5+s25+$0x0] =	vst.idx.add.f32.msk $0xffff, v1;
	v1 =	vpop (erf)  }
0x7a3: {  	[tilespmem:v40+s25+$0x0] =	vst.idx.msk $0xffff, v1  }
0x7a4: {  	[tilespmem:v6+s25+$0x0] =	vst.idx.add.f32.msk $0xffff, v1;
	v1 =	vpop (erf)  }
0x7a5: {  	[tilespmem:v39+s25+$0x0] =	vst.idx.msk $0xffff, v1  }
0x7a6: {  	[tilespmem:v8+s25+$0x0] =	vst.idx.add.f32.msk $0xffff, v1;
	v1 =	vpop (erf)  }
0x7a7: {  	[tilespmem:v33+s25+$0x0] =	vst.idx.msk $0xffff, v1  }
0x7a8: {  	s29 =	sadd.s32 $0x1, s29;
	[tilespmem:v11+s25+$0x0] =	vst.idx.add.f32.msk $0xffff, v1  }
0x7a9: {  	[hbm4b:s16+s2] =	stream.linear.scatter [tilespmem:s25], [sflag:$0x4], $0x6000, $0x38;
	[tilespmem:$0x1C000] =	vst v63  }
0x7aa: {  	p0 =	sne.s32 s29, s17;
	_ =	swait.ge [sflag:s26], $0x6000  }
.Ltmp6:
0x7ab: {  	[sflag:s26] =	ssyncset.done $0x0;
	(pc) =	sbr.rel @p0 .LBB2_1-.Ltmp6, $4  }
0x7ac: {  	[sflag:s26] =	ssyncadd.s32 $0xFFFFA000  }
0x7ad: {  	_ =	swait.ge [sflag:s28], $0x6000  }
0x7ae: {  	[sflag:s28] =	ssyncset.done $0x0  }
0x7af: {  	[sflag:s28] =	ssyncadd.s32 $0xFFFFA000  }
0x7b0: {  	_ =	sfence.sel $0x180000  }
0x7b1: {  	[bflag:$0x0] =	sbarrier.arrive $0xFFFF  }
0x7b2: {  	_ =	strace $0x90000047  }
0x7b3: {  	s0 =	stileid.u32;
	[bflag:$0x2] =	sbarrier.arrive $0xFFFF  }
0x7b4: {  	p0 =	sne.s32 s0, $0x0;
	s0 =	rddreg [dreg:$0x2]  }
0x7b5: {  	s0 =	sadd.s32 @!p0 $0x100000, s0  }
0x7b6: {  	[sflag:s0] =	ssyncadd.tile.s32 @!p0 $0x1;
	_ =	shalt  }
.Lfunc_end2:
_tile_overlayer_lowered:
.L_overlay_start_2:
0x7b7: {  	(tag) =	ssettag $0x2  }
0x7b8: {  	s0 =	rddreg [dreg:$0x0];
	s2 =	stileid.u32  }
0x7b9: {  	s1 =	rddreg [dreg:$0x1];
	p0 =	sne.s32 s2, $0x0  }
0x7ba: {  	s3 =	rddreg [dreg:$0x2];
	[bflag:$0x3] =	sbarrier.arrive $0xFFFF;
	s2 =	simm.s32 @!p0 $0x1C05  }
0x7bb: {  	[timem:s3], [sflag:s2] =	dma.local @!p0 [hbm:s0], s1  }
0x7bc: {  	s0 =	simm.s32 @!p0 $0x5  }
0x7bd: {  	_ =	swait.ge @!p0 [sflag:s0], s1  }
0x7be: {  	s1 =	ssub.s32 @!p0 $0x0, s1;
	[sflag:s0] =	ssyncset.done @!p0 $0x0  }
0x7bf: {  	[sflag:s0] =	ssyncadd.s32 @!p0 s1  }
0x7c0: {  	[bflag:$0x3] =	sbarrier.arrive $0xFFFF  }
0x7c1: {  	_ =	shalt  }

</sc_bundles>
